<compile_context>
chip_gen: v7x
topology: tpu7x:2x2x1
jax: 0.10.2.dev20260603
libtpu: 0.0.44.dev20260713+nightly
codegen_flags: <defaults>
</compile_context>

<pallas_src>
import functools

import jax
import jax.numpy as jnp
from jax import lax
from jax.experimental import pallas as pl
from jax.experimental.pallas import tpu as pltpu
from jax.experimental.pallas import tpu_sc as plsc

MAX_LEN = 200
DIM = 64
BATCH = 16384
NUM_CORES = 2
NUM_SUBCORES = 16
NUM_WORKERS = NUM_CORES * NUM_SUBCORES
LANES = 16

SB = 5
DQ = 16
BW = 512
UNITS = (MAX_LEN // SB) * (DIM // DQ)
UNITS_PER_W = UNITS // NUM_WORKERS
NCHUNKS = BATCH // BW
FIRE = 16


@jax.jit
def _sc_pos_broadcast(w):
    mesh = plsc.VectorSubcoreMesh(
        core_axis_name="c", subcore_axis_name="s",
        num_cores=NUM_CORES, num_subcores=NUM_SUBCORES)

    @functools.partial(
        pl.kernel,
        mesh=mesh,
        out_type=jax.ShapeDtypeStruct((MAX_LEN, DIM, BATCH), jnp.float32),
        scratch_types=[
            pltpu.VMEM((MAX_LEN, DIM), jnp.float32),
            pltpu.VMEM((SB, DQ, BW), jnp.float32),
            pltpu.SemaphoreType.DMA,
        ],
        compiler_params=pltpu.CompilerParams(use_tc_tiling_on_sc=True),
    )
    def k(w_hbm, out_hbm, w_v, src, sem):
        wid = lax.axis_index("s") * NUM_CORES + lax.axis_index("c")
        pltpu.sync_copy(w_hbm, w_v)

        def do_unit(i, carry):
            u = wid * UNITS_PER_W + i
            s0 = (u // (DIM // DQ)) * SB
            d0 = (u % (DIM // DQ)) * DQ

            def build_row(si, c2):
                vec = jnp.maximum(w_v[s0 + si, pl.ds(d0, DQ)], 0.0)
                for di in range(DQ):
                    splat = jnp.full((LANES,), vec[di], dtype=jnp.float32)
                    for c in range(BW // LANES):
                        src[si, di, pl.ds(c * LANES, LANES)] = splat
                return c2

            lax.fori_loop(0, SB, build_row, 0)

            def ring(j, c2):
                jj = lax.rem(j + wid, NCHUNKS)
                pltpu.async_copy(
                    src,
                    out_hbm.at[pl.ds(s0, SB), pl.ds(d0, DQ),
                               pl.ds(jj * BW, BW)],
                    sem)

                @pl.when(j >= FIRE)
                def _():
                    pltpu.make_async_copy(
                        src,
                        out_hbm.at[pl.ds(s0, SB), pl.ds(d0, DQ),
                                   pl.ds(0, BW)],
                        sem).wait()

                return c2

            lax.fori_loop(0, NCHUNKS, ring, 0)

            def drain(j, c2):
                pltpu.make_async_copy(
                    src,
                    out_hbm.at[pl.ds(s0, SB), pl.ds(d0, DQ), pl.ds(0, BW)],
                    sem).wait()
                return c2

            lax.fori_loop(0, FIRE, drain, 0)
            return carry

        lax.fori_loop(0, UNITS_PER_W, do_unit, 0)

    return k(w)


def kernel(x, embed_weight):
    seq = x.shape[1]
    out = _sc_pos_broadcast(embed_weight[:seq])
    return jnp.transpose(out, (2, 0, 1))

# --- scband reference (transcript-rebuilt; emitter-appended) ---
"""Pipeline reference for scband-position-encoding-9706626089858 (READ-ONLY COPY).

The authoritative reference and input builder live on the scoring server;
editing this copy changes nothing except your own understanding.
"""

import jax, jax.numpy as jnp
import numpy as np

MAX_LEN = 200
DIM = 64
BATCH = 16384
SEQ = 200


def setup_inputs(seed: int = 0) -> dict:
    key = jax.random.key(seed)
    k_x, k_w = jax.random.split(key)
    x = jax.random.normal(k_x, (BATCH, SEQ, DIM), dtype=jnp.float32)
    embed_weight = jax.random.normal(k_w, (MAX_LEN, DIM), dtype=jnp.float32)
    return {"x": x, "embed_weight": embed_weight}


def reference(x, embed_weight):
    batch_size, seq_len = x.shape[0], x.shape[1]
    # pos_ids: [B, S] = arange(S) repeated over batch (faithful to torch .repeat)
    pos_ids = jnp.broadcast_to(jnp.arange(seq_len, dtype=jnp.int32)[None, :], (batch_size, seq_len))
    # embedding lookup -> gather rows of the table
    pos_emb = jnp.take(embed_weight, pos_ids, axis=0)  # [B, S, DIM]
    pos_emb = jax.nn.relu(pos_emb)
    # dropout p=0.0 -> identity (and eval-mode semantics)
    return pos_emb

if __name__ == "__main__":
    import jax
    _d = setup_inputs()
    print(jax.jit(kernel)(*tuple(_d.values())))

</pallas_src>

<mosaic_0001>
#map = affine_map<(d0, d1) -> (0, 0)>
#map1 = affine_map<(d0, d1) -> (0, 0, 0)>
module attributes {stable_mosaic.version = 14 : i64} {
  func.func @k(%arg0: i32, %arg1: i32, %arg2: memref<200x64xf32, #tpu.memory_space<hbm>>, %arg3: memref<200x64x16384xf32, #tpu.memory_space<hbm>>, %arg4: memref<200x64xf32, #tpu.memory_space<vmem>>, %arg5: memref<5x16x512xf32, #tpu.memory_space<vmem>>, %arg6: memref<!tpu.dma_semaphore, #tpu.memory_space<semaphore_mem>>) attributes {dimension_semantics = [#tpu.dimension_semantics<core_parallel>, #tpu.dimension_semantics<subcore_parallel>], iteration_bounds = array<i64: 2, 16>, scalar_prefetch = 0 : i64, scratch_operands = 3 : i64, tpu.core_type = #tpu.core_type<sc_vector_subcore>, window_params = [{transform_indices = #map}, {transform_indices = #map1}]} {
    %mul3A = arith.constant 2 : i32
    %mul3A_0 = arith.muli %arg1, %mul3A : i32
    %add3A = arith.addi %mul3A_0, %arg0 : i32
    "tpu.region"() ({
      %run_scoped3A = tpu.sem_alloc : memref<!tpu.dma_semaphore, #tpu.memory_space<semaphore_mem>>
      tpu.enqueue_dma source(%arg2 : memref<200x64xf32, #tpu.memory_space<hbm>>) target(%arg4 : memref<200x64xf32, #tpu.memory_space<vmem>>) target_semaphore(%run_scoped3A : memref<!tpu.dma_semaphore, #tpu.memory_space<semaphore_mem>>)
      tpu.wait_dma2 semaphore(%run_scoped3A : memref<!tpu.dma_semaphore, #tpu.memory_space<semaphore_mem>>) src(%arg2 : memref<200x64xf32, #tpu.memory_space<hbm>>) dst(%arg4 : memref<200x64xf32, #tpu.memory_space<vmem>>)
      tpu.yield
    }) : () -> ()
    %scan3A = arith.constant 0 : i32
    %scan3A_1 = arith.constant 0 : i32
    %scan3A_2 = arith.constant 5 : i32
    %scan3A_3 = arith.addi %scan3A_1, %scan3A_2 : i32
    %scan3A_4 = arith.constant 1 : i32
    scf.for %scan3A_6 = %scan3A_1 to %scan3A_3 step %scan3A_4  : i32 {
      %mul3A_7 = arith.constant 5 : i32
      %mul3A_8 = arith.muli %add3A, %mul3A_7 : i32
      %add3A_9 = arith.addi %mul3A_8, %scan3A_6 : i32
      %jit3A = arith.constant 4 : i32
      %div3A = arith.divsi %add3A_9, %jit3A : i32
      %sign3A = arith.constant 0 : i32
      %sign3A_10 = arith.cmpi sgt, %add3A_9, %sign3A : i32
      %sign3A_11 = arith.extui %sign3A_10 : i1 to i32
      %sign3A_12 = arith.constant 0 : i32
      %sign3A_13 = arith.cmpi slt, %add3A_9, %sign3A_12 : i32
      %sign3A_14 = arith.extui %sign3A_13 : i1 to i32
      %sign3A_15 = arith.subi %sign3A_11, %sign3A_14 : i32
      %sign3A_16 = arith.constant 0 : i32
      %sign3A_17 = arith.cmpi sgt, %jit3A, %sign3A_16 : i32
      %sign3A_18 = arith.extui %sign3A_17 : i1 to i32
      %sign3A_19 = arith.constant 0 : i32
      %sign3A_20 = arith.cmpi slt, %jit3A, %sign3A_19 : i32
      %sign3A_21 = arith.extui %sign3A_20 : i1 to i32
      %sign3A_22 = arith.subi %sign3A_18, %sign3A_21 : i32
      %ne3A = arith.cmpi ne, %sign3A_15, %sign3A_22 : i32
      %rem3A = arith.remsi %add3A_9, %jit3A : i32
      %ne3A_23 = arith.constant 0 : i32
      %ne3A_24 = arith.cmpi ne, %rem3A, %ne3A_23 : i32
      %and3A = arith.andi %ne3A, %ne3A_24 : i1
      %sub3A = arith.constant 1 : i32
      %sub3A_25 = arith.subi %div3A, %sub3A : i32
      %select_n3A = arith.select %and3A, %sub3A_25, %div3A : i32
      %mul3A_26 = arith.constant 5 : i32
      %mul3A_27 = arith.muli %select_n3A, %mul3A_26 : i32
      %jit3A_28 = arith.constant 4 : i32
      %eq3A = arith.constant 0 : i32
      %eq3A_29 = arith.cmpi eq, %jit3A_28, %eq3A : i32
      %jit3A_30 = arith.constant 1 : i32
      %select_n3A_31 = arith.select %eq3A_29, %jit3A_30, %jit3A_28 : i32
      %rem3A_32 = arith.remsi %add3A_9, %select_n3A_31 : i32
      %ne3A_33 = arith.constant 0 : i32
      %ne3A_34 = arith.cmpi ne, %rem3A_32, %ne3A_33 : i32
      %lt3A = arith.constant 0 : i32
      %lt3A_35 = arith.cmpi slt, %rem3A_32, %lt3A : i32
      %lt3A_36 = arith.constant 0 : i32
      %lt3A_37 = arith.cmpi slt, %select_n3A_31, %lt3A_36 : i32
      %ne3A_38 = arith.xori %lt3A_35, %lt3A_37 : i1
      %and3A_39 = arith.andi %ne3A_38, %ne3A_34 : i1
      %add3A_40 = arith.addi %rem3A_32, %select_n3A_31 : i32
      %select_n3A_41 = arith.select %and3A_39, %add3A_40, %rem3A_32 : i32
      %mul3A_42 = arith.constant 16 : i32
      %mul3A_43 = arith.muli %select_n3A_41, %mul3A_42 : i32
      %scan3A_44 = arith.constant 0 : i32
      %scan3A_45 = arith.constant 0 : i32
      %scan3A_46 = arith.constant 5 : i32
      %scan3A_47 = arith.addi %scan3A_45, %scan3A_46 : i32
      %scan3A_48 = arith.constant 1 : i32
      scf.for %scan3A_62 = %scan3A_45 to %scan3A_47 step %scan3A_48  : i32 {
        %add3A_63 = arith.addi %mul3A_27, %scan3A_62 : i32
        %get3A = arith.index_cast %add3A_63 : i32 to index
        %get3A_64 = arith.index_cast %mul3A_43 : i32 to index
        %get3A_65 = tpu.vector_load %arg4[%get3A, %get3A_64] {strides = array<i32>} : memref<200x64xf32, #tpu.memory_space<vmem>>, vector<1x16xf32>,
        %get3A_66 = vector.shape_cast %get3A_65 : vector<1x16xf32> to vector<16xf32>
        %max3A = arith.constant 0.000000e+00 : f32
        %max3A_67 = vector.broadcast %max3A : f32 to vector<16xf32>
        %max3A_68 = arith.maximumf %get3A_66, %max3A_67 : vector<16xf32>
        %slice3A = vector.extract_strided_slice %max3A_68 {offsets = [0], sizes = [1], strides = [1]} : vector<16xf32> to vector<1xf32>
        %squeeze3A = vector.extract %slice3A[0] : f32 from vector<1xf32>
        %broadcast_in_dim3A = vector.broadcast %squeeze3A : f32 to vector<16xf32>
        %swap3A = arith.constant 0 : i32
        %swap3A_69 = arith.index_cast %scan3A_62 : i32 to index
        %swap3A_70 = arith.index_cast %swap3A : i32 to index
        %swap3A_71 = arith.constant 0 : index
        %swap3A_72 = tpu.vector_load %arg5[%swap3A_69, %swap3A_70, %swap3A_71] {strides = array<i32>} : memref<5x16x512xf32, #tpu.memory_space<vmem>>, vector<1x1x16xf32>,
        %swap3A_73 = vector.shape_cast %swap3A_72 : vector<1x1x16xf32> to vector<16xf32>
        %swap3A_74 = vector.shape_cast %broadcast_in_dim3A : vector<16xf32> to vector<1x1x16xf32>
        tpu.vector_store %arg5[%swap3A_69, %swap3A_70, %swap3A_71], %swap3A_74 {strides = array<i32>} : memref<5x16x512xf32, #tpu.memory_space<vmem>>, vector<1x1x16xf32>,
        %swap3A_75 = arith.constant 0 : i32
        %swap3A_76 = arith.index_cast %scan3A_62 : i32 to index
        %swap3A_77 = arith.index_cast %swap3A_75 : i32 to index
        %swap3A_78 = arith.constant 16 : index
        %swap3A_79 = tpu.vector_load %arg5[%swap3A_76, %swap3A_77, %swap3A_78] {strides = array<i32>} : memref<5x16x512xf32, #tpu.memory_space<vmem>>, vector<1x1x16xf32>,
        %swap3A_80 = vector.shape_cast %swap3A_79 : vector<1x1x16xf32> to vector<16xf32>
        %swap3A_81 = vector.shape_cast %broadcast_in_dim3A : vector<16xf32> to vector<1x1x16xf32>
        tpu.vector_store %arg5[%swap3A_76, %swap3A_77, %swap3A_78], %swap3A_81 {strides = array<i32>} : memref<5x16x512xf32, #tpu.memory_space<vmem>>, vector<1x1x16xf32>,
        %swap3A_82 = arith.constant 0 : i32
        %swap3A_83 = arith.index_cast %scan3A_62 : i32 to index
        %swap3A_84 = arith.index_cast %swap3A_82 : i32 to index
        %swap3A_85 = arith.constant 32 : index
        %swap3A_86 = tpu.vector_load %arg5[%swap3A_83, %swap3A_84, %swap3A_85] {strides = array<i32>} : memref<5x16x512xf32, #tpu.memory_space<vmem>>, vector<1x1x16xf32>,
        %swap3A_87 = vector.shape_cast %swap3A_86 : vector<1x1x16xf32> to vector<16xf32>
        %swap3A_88 = vector.shape_cast %broadcast_in_dim3A : vector<16xf32> to vector<1x1x16xf32>
        tpu.vector_store %arg5[%swap3A_83, %swap3A_84, %swap3A_85], %swap3A_88 {strides = array<i32>} : memref<5x16x512xf32, #tpu.memory_space<vmem>>, vector<1x1x16xf32>,
        %swap3A_89 = arith.constant 0 : i32
        %swap3A_90 = arith.index_cast %scan3A_62 : i32 to index
        %swap3A_91 = arith.index_cast %swap3A_89 : i32 to index
        %swap3A_92 = arith.constant 48 : index
        %swap3A_93 = tpu.vector_load %arg5[%swap3A_90, %swap3A_91, %swap3A_92] {strides = array<i32>} : memref<5x16x512xf32, #tpu.memory_space<vmem>>, vector<1x1x16xf32>,
        %swap3A_94 = vector.shape_cast %swap3A_93 : vector<1x1x16xf32> to vector<16xf32>
        %swap3A_95 = vector.shape_cast %broadcast_in_dim3A : vector<16xf32> to vector<1x1x16xf32>
        tpu.vector_store %arg5[%swap3A_90, %swap3A_91, %swap3A_92], %swap3A_95 {strides = array<i32>} : memref<5x16x512xf32, #tpu.memory_space<vmem>>, vector<1x1x16xf32>,
        %swap3A_96 = arith.constant 0 : i32
        %swap3A_97 = arith.index_cast %scan3A_62 : i32 to index
        %swap3A_98 = arith.index_cast %swap3A_96 : i32 to index
        %swap3A_99 = arith.constant 64 : index
        %swap3A_100 = tpu.vector_load %arg5[%swap3A_97, %swap3A_98, %swap3A_99] {strides = array<i32>} : memref<5x16x512xf32, #tpu.memory_space<vmem>>, vector<1x1x16xf32>,
        %swap3A_101 = vector.shape_cast %swap3A_100 : vector<1x1x16xf32> to vector<16xf32>
        %swap3A_102 = vector.shape_cast %broadcast_in_dim3A : vector<16xf32> to vector<1x1x16xf32>
        tpu.vector_store %arg5[%swap3A_97, %swap3A_98, %swap3A_99], %swap3A_102 {strides = array<i32>} : memref<5x16x512xf32, #tpu.memory_space<vmem>>, vector<1x1x16xf32>,
        %swap3A_103 = arith.constant 0 : i32
        %swap3A_104 = arith.index_cast %scan3A_62 : i32 to index
        %swap3A_105 = arith.index_cast %swap3A_103 : i32 to index
        %swap3A_106 = arith.constant 80 : index
        %swap3A_107 = tpu.vector_load %arg5[%swap3A_104, %swap3A_105, %swap3A_106] {strides = array<i32>} : memref<5x16x512xf32, #tpu.memory_space<vmem>>, vector<1x1x16xf32>,
        %swap3A_108 = vector.shape_cast %swap3A_107 : vector<1x1x16xf32> to vector<16xf32>
        %swap3A_109 = vector.shape_cast %broadcast_in_dim3A : vector<16xf32> to vector<1x1x16xf32>
        tpu.vector_store %arg5[%swap3A_104, %swap3A_105, %swap3A_106], %swap3A_109 {strides = array<i32>} : memref<5x16x512xf32, #tpu.memory_space<vmem>>, vector<1x1x16xf32>,
        %swap3A_110 = arith.constant 0 : i32
        %swap3A_111 = arith.index_cast %scan3A_62 : i32 to index
        %swap3A_112 = arith.index_cast %swap3A_110 : i32 to index
        %swap3A_113 = arith.constant 96 : index
        %swap3A_114 = tpu.vector_load %arg5[%swap3A_111, %swap3A_112, %swap3A_113] {strides = array<i32>} : memref<5x16x512xf32, #tpu.memory_space<vmem>>, vector<1x1x16xf32>,
        %swap3A_115 = vector.shape_cast %swap3A_114 : vector<1x1x16xf32> to vector<16xf32>
        %swap3A_116 = vector.shape_cast %broadcast_in_dim3A : vector<16xf32> to vector<1x1x16xf32>
        tpu.vector_store %arg5[%swap3A_111, %swap3A_112, %swap3A_113], %swap3A_116 {strides = array<i32>} : memref<5x16x512xf32, #tpu.memory_space<vmem>>, vector<1x1x16xf32>,
        %swap3A_117 = arith.constant 0 : i32
        %swap3A_118 = arith.index_cast %scan3A_62 : i32 to index
        %swap3A_119 = arith.index_cast %swap3A_117 : i32 to index
        %swap3A_120 = arith.constant 112 : index
        %swap3A_121 = tpu.vector_load %arg5[%swap3A_118, %swap3A_119, %swap3A_120] {strides = array<i32>} : memref<5x16x512xf32, #tpu.memory_space<vmem>>, vector<1x1x16xf32>,
        %swap3A_122 = vector.shape_cast %swap3A_121 : vector<1x1x16xf32> to vector<16xf32>
        %swap3A_123 = vector.shape_cast %broadcast_in_dim3A : vector<16xf32> to vector<1x1x16xf32>
        tpu.vector_store %arg5[%swap3A_118, %swap3A_119, %swap3A_120], %swap3A_123 {strides = array<i32>} : memref<5x16x512xf32, #tpu.memory_space<vmem>>, vector<1x1x16xf32>,
        %swap3A_124 = arith.constant 0 : i32
        %swap3A_125 = arith.index_cast %scan3A_62 : i32 to index
        %swap3A_126 = arith.index_cast %swap3A_124 : i32 to index
        %swap3A_127 = arith.constant 128 : index
        %swap3A_128 = tpu.vector_load %arg5[%swap3A_125, %swap3A_126, %swap3A_127] {strides = array<i32>} : memref<5x16x512xf32, #tpu.memory_space<vmem>>, vector<1x1x16xf32>,
        %swap3A_129 = vector.shape_cast %swap3A_128 : vector<1x1x16xf32> to vector<16xf32>
        %swap3A_130 = vector.shape_cast %broadcast_in_dim3A : vector<16xf32> to vector<1x1x16xf32>
        tpu.vector_store %arg5[%swap3A_125, %swap3A_126, %swap3A_127], %swap3A_130 {strides = array<i32>} : memref<5x16x512xf32, #tpu.memory_space<vmem>>, vector<1x1x16xf32>,
        %swap3A_131 = arith.constant 0 : i32
        %swap3A_132 = arith.index_cast %scan3A_62 : i32 to index
        %swap3A_133 = arith.index_cast %swap3A_131 : i32 to index
        %swap3A_134 = arith.constant 144 : index
        %swap3A_135 = tpu.vector_load %arg5[%swap3A_132, %swap3A_133, %swap3A_134] {strides = array<i32>} : memref<5x16x512xf32, #tpu.memory_space<vmem>>, vector<1x1x16xf32>,
        %swap3A_136 = vector.shape_cast %swap3A_135 : vector<1x1x16xf32> to vector<16xf32>
        %swap3A_137 = vector.shape_cast %broadcast_in_dim3A : vector<16xf32> to vector<1x1x16xf32>
        tpu.vector_store %arg5[%swap3A_132, %swap3A_133, %swap3A_134], %swap3A_137 {strides = array<i32>} : memref<5x16x512xf32, #tpu.memory_space<vmem>>, vector<1x1x16xf32>,
        %swap3A_138 = arith.constant 0 : i32
        %swap3A_139 = arith.index_cast %scan3A_62 : i32 to index
        %swap3A_140 = arith.index_cast %swap3A_138 : i32 to index
        %swap3A_141 = arith.constant 160 : index
        %swap3A_142 = tpu.vector_load %arg5[%swap3A_139, %swap3A_140, %swap3A_141] {strides = array<i32>} : memref<5x16x512xf32, #tpu.memory_space<vmem>>, vector<1x1x16xf32>,
        %swap3A_143 = vector.shape_cast %swap3A_142 : vector<1x1x16xf32> to vector<16xf32>
        %swap3A_144 = vector.shape_cast %broadcast_in_dim3A : vector<16xf32> to vector<1x1x16xf32>
        tpu.vector_store %arg5[%swap3A_139, %swap3A_140, %swap3A_141], %swap3A_144 {strides = array<i32>} : memref<5x16x512xf32, #tpu.memory_space<vmem>>, vector<1x1x16xf32>,
        %swap3A_145 = arith.constant 0 : i32
        %swap3A_146 = arith.index_cast %scan3A_62 : i32 to index
        %swap3A_147 = arith.index_cast %swap3A_145 : i32 to index
        %swap3A_148 = arith.constant 176 : index
        %swap3A_149 = tpu.vector_load %arg5[%swap3A_146, %swap3A_147, %swap3A_148] {strides = array<i32>} : memref<5x16x512xf32, #tpu.memory_space<vmem>>, vector<1x1x16xf32>,
        %swap3A_150 = vector.shape_cast %swap3A_149 : vector<1x1x16xf32> to vector<16xf32>
        %swap3A_151 = vector.shape_cast %broadcast_in_dim3A : vector<16xf32> to vector<1x1x16xf32>
        tpu.vector_store %arg5[%swap3A_146, %swap3A_147, %swap3A_148], %swap3A_151 {strides = array<i32>} : memref<5x16x512xf32, #tpu.memory_space<vmem>>, vector<1x1x16xf32>,
        %swap3A_152 = arith.constant 0 : i32
        %swap3A_153 = arith.index_cast %scan3A_62 : i32 to index
        %swap3A_154 = arith.index_cast %swap3A_152 : i32 to index
        %swap3A_155 = arith.constant 192 : index
        %swap3A_156 = tpu.vector_load %arg5[%swap3A_153, %swap3A_154, %swap3A_155] {strides = array<i32>} : memref<5x16x512xf32, #tpu.memory_space<vmem>>, vector<1x1x16xf32>,
        %swap3A_157 = vector.shape_cast %swap3A_156 : vector<1x1x16xf32> to vector<16xf32>
        %swap3A_158 = vector.shape_cast %broadcast_in_dim3A : vector<16xf32> to vector<1x1x16xf32>
        tpu.vector_store %arg5[%swap3A_153, %swap3A_154, %swap3A_155], %swap3A_158 {strides = array<i32>} : memref<5x16x512xf32, #tpu.memory_space<vmem>>, vector<1x1x16xf32>,
        %swap3A_159 = arith.constant 0 : i32
        %swap3A_160 = arith.index_cast %scan3A_62 : i32 to index
        %swap3A_161 = arith.index_cast %swap3A_159 : i32 to index
        %swap3A_162 = arith.constant 208 : index
        %swap3A_163 = tpu.vector_load %arg5[%swap3A_160, %swap3A_161, %swap3A_162] {strides = array<i32>} : memref<5x16x512xf32, #tpu.memory_space<vmem>>, vector<1x1x16xf32>,
        %swap3A_164 = vector.shape_cast %swap3A_163 : vector<1x1x16xf32> to vector<16xf32>
        %swap3A_165 = vector.shape_cast %broadcast_in_dim3A : vector<16xf32> to vector<1x1x16xf32>
        tpu.vector_store %arg5[%swap3A_160, %swap3A_161, %swap3A_162], %swap3A_165 {strides = array<i32>} : memref<5x16x512xf32, #tpu.memory_space<vmem>>, vector<1x1x16xf32>,
        %swap3A_166 = arith.constant 0 : i32
        %swap3A_167 = arith.index_cast %scan3A_62 : i32 to index
        %swap3A_168 = arith.index_cast %swap3A_166 : i32 to index
        %swap3A_169 = arith.constant 224 : index
        %swap3A_170 = tpu.vector_load %arg5[%swap3A_167, %swap3A_168, %swap3A_169] {strides = array<i32>} : memref<5x16x512xf32, #tpu.memory_space<vmem>>, vector<1x1x16xf32>,
        %swap3A_171 = vector.shape_cast %swap3A_170 : vector<1x1x16xf32> to vector<16xf32>
        %swap3A_172 = vector.shape_cast %broadcast_in_dim3A : vector<16xf32> to vector<1x1x16xf32>
        tpu.vector_store %arg5[%swap3A_167, %swap3A_168, %swap3A_169], %swap3A_172 {strides = array<i32>} : memref<5x16x512xf32, #tpu.memory_space<vmem>>, vector<1x1x16xf32>,
        %swap3A_173 = arith.constant 0 : i32
        %swap3A_174 = arith.index_cast %scan3A_62 : i32 to index
        %swap3A_175 = arith.index_cast %swap3A_173 : i32 to index
        %swap3A_176 = arith.constant 240 : index
        %swap3A_177 = tpu.vector_load %arg5[%swap3A_174, %swap3A_175, %swap3A_176] {strides = array<i32>} : memref<5x16x512xf32, #tpu.memory_space<vmem>>, vector<1x1x16xf32>,
        %swap3A_178 = vector.shape_cast %swap3A_177 : vector<1x1x16xf32> to vector<16xf32>
        %swap3A_179 = vector.shape_cast %broadcast_in_dim3A : vector<16xf32> to vector<1x1x16xf32>
        tpu.vector_store %arg5[%swap3A_174, %swap3A_175, %swap3A_176], %swap3A_179 {strides = array<i32>} : memref<5x16x512xf32, #tpu.memory_space<vmem>>, vector<1x1x16xf32>,
        %swap3A_180 = arith.constant 0 : i32
        %swap3A_181 = arith.index_cast %scan3A_62 : i32 to index
        %swap3A_182 = arith.index_cast %swap3A_180 : i32 to index
        %swap3A_183 = arith.constant 256 : index
        %swap3A_184 = tpu.vector_load %arg5[%swap3A_181, %swap3A_182, %swap3A_183] {strides = array<i32>} : memref<5x16x512xf32, #tpu.memory_space<vmem>>, vector<1x1x16xf32>,
        %swap3A_185 = vector.shape_cast %swap3A_184 : vector<1x1x16xf32> to vector<16xf32>
        %swap3A_186 = vector.shape_cast %broadcast_in_dim3A : vector<16xf32> to vector<1x1x16xf32>
        tpu.vector_store %arg5[%swap3A_181, %swap3A_182, %swap3A_183], %swap3A_186 {strides = array<i32>} : memref<5x16x512xf32, #tpu.memory_space<vmem>>, vector<1x1x16xf32>,
        %swap3A_187 = arith.constant 0 : i32
        %swap3A_188 = arith.index_cast %scan3A_62 : i32 to index
        %swap3A_189 = arith.index_cast %swap3A_187 : i32 to index
        %swap3A_190 = arith.constant 272 : index
        %swap3A_191 = tpu.vector_load %arg5[%swap3A_188, %swap3A_189, %swap3A_190] {strides = array<i32>} : memref<5x16x512xf32, #tpu.memory_space<vmem>>, vector<1x1x16xf32>,
        %swap3A_192 = vector.shape_cast %swap3A_191 : vector<1x1x16xf32> to vector<16xf32>
        %swap3A_193 = vector.shape_cast %broadcast_in_dim3A : vector<16xf32> to vector<1x1x16xf32>
        tpu.vector_store %arg5[%swap3A_188, %swap3A_189, %swap3A_190], %swap3A_193 {strides = array<i32>} : memref<5x16x512xf32, #tpu.memory_space<vmem>>, vector<1x1x16xf32>,
        %swap3A_194 = arith.constant 0 : i32
        %swap3A_195 = arith.index_cast %scan3A_62 : i32 to index
        %swap3A_196 = arith.index_cast %swap3A_194 : i32 to index
        %swap3A_197 = arith.constant 288 : index
        %swap3A_198 = tpu.vector_load %arg5[%swap3A_195, %swap3A_196, %swap3A_197] {strides = array<i32>} : memref<5x16x512xf32, #tpu.memory_space<vmem>>, vector<1x1x16xf32>,
        %swap3A_199 = vector.shape_cast %swap3A_198 : vector<1x1x16xf32> to vector<16xf32>
        %swap3A_200 = vector.shape_cast %broadcast_in_dim3A : vector<16xf32> to vector<1x1x16xf32>
        tpu.vector_store %arg5[%swap3A_195, %swap3A_196, %swap3A_197], %swap3A_200 {strides = array<i32>} : memref<5x16x512xf32, #tpu.memory_space<vmem>>, vector<1x1x16xf32>,
        %swap3A_201 = arith.constant 0 : i32
        %swap3A_202 = arith.index_cast %scan3A_62 : i32 to index
        %swap3A_203 = arith.index_cast %swap3A_201 : i32 to index
        %swap3A_204 = arith.constant 304 : index
        %swap3A_205 = tpu.vector_load %arg5[%swap3A_202, %swap3A_203, %swap3A_204] {strides = array<i32>} : memref<5x16x512xf32, #tpu.memory_space<vmem>>, vector<1x1x16xf32>,
        %swap3A_206 = vector.shape_cast %swap3A_205 : vector<1x1x16xf32> to vector<16xf32>
        %swap3A_207 = vector.shape_cast %broadcast_in_dim3A : vector<16xf32> to vector<1x1x16xf32>
        tpu.vector_store %arg5[%swap3A_202, %swap3A_203, %swap3A_204], %swap3A_207 {strides = array<i32>} : memref<5x16x512xf32, #tpu.memory_space<vmem>>, vector<1x1x16xf32>,
        %swap3A_208 = arith.constant 0 : i32
        %swap3A_209 = arith.index_cast %scan3A_62 : i32 to index
        %swap3A_210 = arith.index_cast %swap3A_208 : i32 to index
        %swap3A_211 = arith.constant 320 : index
        %swap3A_212 = tpu.vector_load %arg5[%swap3A_209, %swap3A_210, %swap3A_211] {strides = array<i32>} : memref<5x16x512xf32, #tpu.memory_space<vmem>>, vector<1x1x16xf32>,
        %swap3A_213 = vector.shape_cast %swap3A_212 : vector<1x1x16xf32> to vector<16xf32>
        %swap3A_214 = vector.shape_cast %broadcast_in_dim3A : vector<16xf32> to vector<1x1x16xf32>
        tpu.vector_store %arg5[%swap3A_209, %swap3A_210, %swap3A_211], %swap3A_214 {strides = array<i32>} : memref<5x16x512xf32, #tpu.memory_space<vmem>>, vector<1x1x16xf32>,
        %swap3A_215 = arith.constant 0 : i32
        %swap3A_216 = arith.index_cast %scan3A_62 : i32 to index
        %swap3A_217 = arith.index_cast %swap3A_215 : i32 to index
        %swap3A_218 = arith.constant 336 : index
        %swap3A_219 = tpu.vector_load %arg5[%swap3A_216, %swap3A_217, %swap3A_218] {strides = array<i32>} : memref<5x16x512xf32, #tpu.memory_space<vmem>>, vector<1x1x16xf32>,
        %swap3A_220 = vector.shape_cast %swap3A_219 : vector<1x1x16xf32> to vector<16xf32>
        %swap3A_221 = vector.shape_cast %broadcast_in_dim3A : vector<16xf32> to vector<1x1x16xf32>
        tpu.vector_store %arg5[%swap3A_216, %swap3A_217, %swap3A_218], %swap3A_221 {strides = array<i32>} : memref<5x16x512xf32, #tpu.memory_space<vmem>>, vector<1x1x16xf32>,
        %swap3A_222 = arith.constant 0 : i32
        %swap3A_223 = arith.index_cast %scan3A_62 : i32 to index
        %swap3A_224 = arith.index_cast %swap3A_222 : i32 to index
        %swap3A_225 = arith.constant 352 : index
        %swap3A_226 = tpu.vector_load %arg5[%swap3A_223, %swap3A_224, %swap3A_225] {strides = array<i32>} : memref<5x16x512xf32, #tpu.memory_space<vmem>>, vector<1x1x16xf32>,
        %swap3A_227 = vector.shape_cast %swap3A_226 : vector<1x1x16xf32> to vector<16xf32>
        %swap3A_228 = vector.shape_cast %broadcast_in_dim3A : vector<16xf32> to vector<1x1x16xf32>
        tpu.vector_store %arg5[%swap3A_223, %swap3A_224, %swap3A_225], %swap3A_228 {strides = array<i32>} : memref<5x16x512xf32, #tpu.memory_space<vmem>>, vector<1x1x16xf32>,
        %swap3A_229 = arith.constant 0 : i32
        %swap3A_230 = arith.index_cast %scan3A_62 : i32 to index
        %swap3A_231 = arith.index_cast %swap3A_229 : i32 to index
        %swap3A_232 = arith.constant 368 : index
        %swap3A_233 = tpu.vector_load %arg5[%swap3A_230, %swap3A_231, %swap3A_232] {strides = array<i32>} : memref<5x16x512xf32, #tpu.memory_space<vmem>>, vector<1x1x16xf32>,
        %swap3A_234 = vector.shape_cast %swap3A_233 : vector<1x1x16xf32> to vector<16xf32>
        %swap3A_235 = vector.shape_cast %broadcast_in_dim3A : vector<16xf32> to vector<1x1x16xf32>
        tpu.vector_store %arg5[%swap3A_230, %swap3A_231, %swap3A_232], %swap3A_235 {strides = array<i32>} : memref<5x16x512xf32, #tpu.memory_space<vmem>>, vector<1x1x16xf32>,
        %swap3A_236 = arith.constant 0 : i32
        %swap3A_237 = arith.index_cast %scan3A_62 : i32 to index
        %swap3A_238 = arith.index_cast %swap3A_236 : i32 to index
        %swap3A_239 = arith.constant 384 : index
        %swap3A_240 = tpu.vector_load %arg5[%swap3A_237, %swap3A_238, %swap3A_239] {strides = array<i32>} : memref<5x16x512xf32, #tpu.memory_space<vmem>>, vector<1x1x16xf32>,
        %swap3A_241 = vector.shape_cast %swap3A_240 : vector<1x1x16xf32> to vector<16xf32>
        %swap3A_242 = vector.shape_cast %broadcast_in_dim3A : vector<16xf32> to vector<1x1x16xf32>
        tpu.vector_store %arg5[%swap3A_237, %swap3A_238, %swap3A_239], %swap3A_242 {strides = array<i32>} : memref<5x16x512xf32, #tpu.memory_space<vmem>>, vector<1x1x16xf32>,
        %swap3A_243 = arith.constant 0 : i32
        %swap3A_244 = arith.index_cast %scan3A_62 : i32 to index
        %swap3A_245 = arith.index_cast %swap3A_243 : i32 to index
        %swap3A_246 = arith.constant 400 : index
        %swap3A_247 = tpu.vector_load %arg5[%swap3A_244, %swap3A_245, %swap3A_246] {strides = array<i32>} : memref<5x16x512xf32, #tpu.memory_space<vmem>>, vector<1x1x16xf32>,
        %swap3A_248 = vector.shape_cast %swap3A_247 : vector<1x1x16xf32> to vector<16xf32>
        %swap3A_249 = vector.shape_cast %broadcast_in_dim3A : vector<16xf32> to vector<1x1x16xf32>
        tpu.vector_store %arg5[%swap3A_244, %swap3A_245, %swap3A_246], %swap3A_249 {strides = array<i32>} : memref<5x16x512xf32, #tpu.memory_space<vmem>>, vector<1x1x16xf32>,
        %swap3A_250 = arith.constant 0 : i32
        %swap3A_251 = arith.index_cast %scan3A_62 : i32 to index
        %swap3A_252 = arith.index_cast %swap3A_250 : i32 to index
        %swap3A_253 = arith.constant 416 : index
        %swap3A_254 = tpu.vector_load %arg5[%swap3A_251, %swap3A_252, %swap3A_253] {strides = array<i32>} : memref<5x16x512xf32, #tpu.memory_space<vmem>>, vector<1x1x16xf32>,
        %swap3A_255 = vector.shape_cast %swap3A_254 : vector<1x1x16xf32> to vector<16xf32>
        %swap3A_256 = vector.shape_cast %broadcast_in_dim3A : vector<16xf32> to vector<1x1x16xf32>
        tpu.vector_store %arg5[%swap3A_251, %swap3A_252, %swap3A_253], %swap3A_256 {strides = array<i32>} : memref<5x16x512xf32, #tpu.memory_space<vmem>>, vector<1x1x16xf32>,
        %swap3A_257 = arith.constant 0 : i32
        %swap3A_258 = arith.index_cast %scan3A_62 : i32 to index
        %swap3A_259 = arith.index_cast %swap3A_257 : i32 to index
        %swap3A_260 = arith.constant 432 : index
        %swap3A_261 = tpu.vector_load %arg5[%swap3A_258, %swap3A_259, %swap3A_260] {strides = array<i32>} : memref<5x16x512xf32, #tpu.memory_space<vmem>>, vector<1x1x16xf32>,
        %swap3A_262 = vector.shape_cast %swap3A_261 : vector<1x1x16xf32> to vector<16xf32>
        %swap3A_263 = vector.shape_cast %broadcast_in_dim3A : vector<16xf32> to vector<1x1x16xf32>
        tpu.vector_store %arg5[%swap3A_258, %swap3A_259, %swap3A_260], %swap3A_263 {strides = array<i32>} : memref<5x16x512xf32, #tpu.memory_space<vmem>>, vector<1x1x16xf32>,
        %swap3A_264 = arith.constant 0 : i32
        %swap3A_265 = arith.index_cast %scan3A_62 : i32 to index
        %swap3A_266 = arith.index_cast %swap3A_264 : i32 to index
        %swap3A_267 = arith.constant 448 : index
        %swap3A_268 = tpu.vector_load %arg5[%swap3A_265, %swap3A_266, %swap3A_267] {strides = array<i32>} : memref<5x16x512xf32, #tpu.memory_space<vmem>>, vector<1x1x16xf32>,
        %swap3A_269 = vector.shape_cast %swap3A_268 : vector<1x1x16xf32> to vector<16xf32>
        %swap3A_270 = vector.shape_cast %broadcast_in_dim3A : vector<16xf32> to vector<1x1x16xf32>
        tpu.vector_store %arg5[%swap3A_265, %swap3A_266, %swap3A_267], %swap3A_270 {strides = array<i32>} : memref<5x16x512xf32, #tpu.memory_space<vmem>>, vector<1x1x16xf32>,
        %swap3A_271 = arith.constant 0 : i32
        %swap3A_272 = arith.index_cast %scan3A_62 : i32 to index
        %swap3A_273 = arith.index_cast %swap3A_271 : i32 to index
        %swap3A_274 = arith.constant 464 : index
        %swap3A_275 = tpu.vector_load %arg5[%swap3A_272, %swap3A_273, %swap3A_274] {strides = array<i32>} : memref<5x16x512xf32, #tpu.memory_space<vmem>>, vector<1x1x16xf32>,
        %swap3A_276 = vector.shape_cast %swap3A_275 : vector<1x1x16xf32> to vector<16xf32>
        %swap3A_277 = vector.shape_cast %broadcast_in_dim3A : vector<16xf32> to vector<1x1x16xf32>
        tpu.vector_store %arg5[%swap3A_272, %swap3A_273, %swap3A_274], %swap3A_277 {strides = array<i32>} : memref<5x16x512xf32, #tpu.memory_space<vmem>>, vector<1x1x16xf32>,
        %swap3A_278 = arith.constant 0 : i32
        %swap3A_279 = arith.index_cast %scan3A_62 : i32 to index
        %swap3A_280 = arith.index_cast %swap3A_278 : i32 to index
        %swap3A_281 = arith.constant 480 : index
        %swap3A_282 = tpu.vector_load %arg5[%swap3A_279, %swap3A_280, %swap3A_281] {strides = array<i32>} : memref<5x16x512xf32, #tpu.memory_space<vmem>>, vector<1x1x16xf32>,
        %swap3A_283 = vector.shape_cast %swap3A_282 : vector<1x1x16xf32> to vector<16xf32>
        %swap3A_284 = vector.shape_cast %broadcast_in_dim3A : vector<16xf32> to vector<1x1x16xf32>
        tpu.vector_store %arg5[%swap3A_279, %swap3A_280, %swap3A_281], %swap3A_284 {strides = array<i32>} : memref<5x16x512xf32, #tpu.memory_space<vmem>>, vector<1x1x16xf32>,
        %swap3A_285 = arith.constant 0 : i32
        %swap3A_286 = arith.index_cast %scan3A_62 : i32 to index
        %swap3A_287 = arith.index_cast %swap3A_285 : i32 to index
        %swap3A_288 = arith.constant 496 : index
        %swap3A_289 = tpu.vector_load %arg5[%swap3A_286, %swap3A_287, %swap3A_288] {strides = array<i32>} : memref<5x16x512xf32, #tpu.memory_space<vmem>>, vector<1x1x16xf32>,
        %swap3A_290 = vector.shape_cast %swap3A_289 : vector<1x1x16xf32> to vector<16xf32>
        %swap3A_291 = vector.shape_cast %broadcast_in_dim3A : vector<16xf32> to vector<1x1x16xf32>
        tpu.vector_store %arg5[%swap3A_286, %swap3A_287, %swap3A_288], %swap3A_291 {strides = array<i32>} : memref<5x16x512xf32, #tpu.memory_space<vmem>>, vector<1x1x16xf32>,
        %slice3A_292 = vector.extract_strided_slice %max3A_68 {offsets = [1], sizes = [1], strides = [1]} : vector<16xf32> to vector<1xf32>
        %squeeze3A_293 = vector.extract %slice3A_292[0] : f32 from vector<1xf32>
        %broadcast_in_dim3A_294 = vector.broadcast %squeeze3A_293 : f32 to vector<16xf32>
        %swap3A_295 = arith.constant 1 : i32
        %swap3A_296 = arith.index_cast %scan3A_62 : i32 to index
        %swap3A_297 = arith.index_cast %swap3A_295 : i32 to index
        %swap3A_298 = arith.constant 0 : index
        %swap3A_299 = tpu.vector_load %arg5[%swap3A_296, %swap3A_297, %swap3A_298] {strides = array<i32>} : memref<5x16x512xf32, #tpu.memory_space<vmem>>, vector<1x1x16xf32>,
        %swap3A_300 = vector.shape_cast %swap3A_299 : vector<1x1x16xf32> to vector<16xf32>
        %swap3A_301 = vector.shape_cast %broadcast_in_dim3A_294 : vector<16xf32> to vector<1x1x16xf32>
        tpu.vector_store %arg5[%swap3A_296, %swap3A_297, %swap3A_298], %swap3A_301 {strides = array<i32>} : memref<5x16x512xf32, #tpu.memory_space<vmem>>, vector<1x1x16xf32>,
        %swap3A_302 = arith.constant 1 : i32
        %swap3A_303 = arith.index_cast %scan3A_62 : i32 to index
        %swap3A_304 = arith.index_cast %swap3A_302 : i32 to index
        %swap3A_305 = arith.constant 16 : index
        %swap3A_306 = tpu.vector_load %arg5[%swap3A_303, %swap3A_304, %swap3A_305] {strides = array<i32>} : memref<5x16x512xf32, #tpu.memory_space<vmem>>, vector<1x1x16xf32>,
        %swap3A_307 = vector.shape_cast %swap3A_306 : vector<1x1x16xf32> to vector<16xf32>
        %swap3A_308 = vector.shape_cast %broadcast_in_dim3A_294 : vector<16xf32> to vector<1x1x16xf32>
        tpu.vector_store %arg5[%swap3A_303, %swap3A_304, %swap3A_305], %swap3A_308 {strides = array<i32>} : memref<5x16x512xf32, #tpu.memory_space<vmem>>, vector<1x1x16xf32>,
        %swap3A_309 = arith.constant 1 : i32
        %swap3A_310 = arith.index_cast %scan3A_62 : i32 to index
        %swap3A_311 = arith.index_cast %swap3A_309 : i32 to index
        %swap3A_312 = arith.constant 32 : index
        %swap3A_313 = tpu.vector_load %arg5[%swap3A_310, %swap3A_311, %swap3A_312] {strides = array<i32>} : memref<5x16x512xf32, #tpu.memory_space<vmem>>, vector<1x1x16xf32>,
        %swap3A_314 = vector.shape_cast %swap3A_313 : vector<1x1x16xf32> to vector<16xf32>
        %swap3A_315 = vector.shape_cast %broadcast_in_dim3A_294 : vector<16xf32> to vector<1x1x16xf32>
        tpu.vector_store %arg5[%swap3A_310, %swap3A_311, %swap3A_312], %swap3A_315 {strides = array<i32>} : memref<5x16x512xf32, #tpu.memory_space<vmem>>, vector<1x1x16xf32>,
        %swap3A_316 = arith.constant 1 : i32
        %swap3A_317 = arith.index_cast %scan3A_62 : i32 to index
        %swap3A_318 = arith.index_cast %swap3A_316 : i32 to index
        %swap3A_319 = arith.constant 48 : index
        %swap3A_320 = tpu.vector_load %arg5[%swap3A_317, %swap3A_318, %swap3A_319] {strides = array<i32>} : memref<5x16x512xf32, #tpu.memory_space<vmem>>, vector<1x1x16xf32>,
        %swap3A_321 = vector.shape_cast %swap3A_320 : vector<1x1x16xf32> to vector<16xf32>
        %swap3A_322 = vector.shape_cast %broadcast_in_dim3A_294 : vector<16xf32> to vector<1x1x16xf32>
        tpu.vector_store %arg5[%swap3A_317, %swap3A_318, %swap3A_319], %swap3A_322 {strides = array<i32>} : memref<5x16x512xf32, #tpu.memory_space<vmem>>, vector<1x1x16xf32>,
        %swap3A_323 = arith.constant 1 : i32
        %swap3A_324 = arith.index_cast %scan3A_62 : i32 to index
        %swap3A_325 = arith.index_cast %swap3A_323 : i32 to index
        %swap3A_326 = arith.constant 64 : index
        %swap3A_327 = tpu.vector_load %arg5[%swap3A_324, %swap3A_325, %swap3A_326] {strides = array<i32>} : memref<5x16x512xf32, #tpu.memory_space<vmem>>, vector<1x1x16xf32>,
        %swap3A_328 = vector.shape_cast %swap3A_327 : vector<1x1x16xf32> to vector<16xf32>
        %swap3A_329 = vector.shape_cast %broadcast_in_dim3A_294 : vector<16xf32> to vector<1x1x16xf32>
        tpu.vector_store %arg5[%swap3A_324, %swap3A_325, %swap3A_326], %swap3A_329 {strides = array<i32>} : memref<5x16x512xf32, #tpu.memory_space<vmem>>, vector<1x1x16xf32>,
        %swap3A_330 = arith.constant 1 : i32
        %swap3A_331 = arith.index_cast %scan3A_62 : i32 to index
        %swap3A_332 = arith.index_cast %swap3A_330 : i32 to index
        %swap3A_333 = arith.constant 80 : index
        %swap3A_334 = tpu.vector_load %arg5[%swap3A_331, %swap3A_332, %swap3A_333] {strides = array<i32>} : memref<5x16x512xf32, #tpu.memory_space<vmem>>, vector<1x1x16xf32>,
        %swap3A_335 = vector.shape_cast %swap3A_334 : vector<1x1x16xf32> to vector<16xf32>
        %swap3A_336 = vector.shape_cast %broadcast_in_dim3A_294 : vector<16xf32> to vector<1x1x16xf32>
        tpu.vector_store %arg5[%swap3A_331, %swap3A_332, %swap3A_333], %swap3A_336 {strides = array<i32>} : memref<5x16x512xf32, #tpu.memory_space<vmem>>, vector<1x1x16xf32>,
        %swap3A_337 = arith.constant 1 : i32
        %swap3A_338 = arith.index_cast %scan3A_62 : i32 to index
        %swap3A_339 = arith.index_cast %swap3A_337 : i32 to index
        %swap3A_340 = arith.constant 96 : index
        %swap3A_341 = tpu.vector_load %arg5[%swap3A_338, %swap3A_339, %swap3A_340] {strides = array<i32>} : memref<5x16x512xf32, #tpu.memory_space<vmem>>, vector<1x1x16xf32>,
        %swap3A_342 = vector.shape_cast %swap3A_341 : vector<1x1x16xf32> to vector<16xf32>
        %swap3A_343 = vector.shape_cast %broadcast_in_dim3A_294 : vector<16xf32> to vector<1x1x16xf32>
        tpu.vector_store %arg5[%swap3A_338, %swap3A_339, %swap3A_340], %swap3A_343 {strides = array<i32>} : memref<5x16x512xf32, #tpu.memory_space<vmem>>, vector<1x1x16xf32>,
        %swap3A_344 = arith.constant 1 : i32
        %swap3A_345 = arith.index_cast %scan3A_62 : i32 to index
        %swap3A_346 = arith.index_cast %swap3A_344 : i32 to index
        %swap3A_347 = arith.constant 112 : index
        %swap3A_348 = tpu.vector_load %arg5[%swap3A_345, %swap3A_346, %swap3A_347] {strides = array<i32>} : memref<5x16x512xf32, #tpu.memory_space<vmem>>, vector<1x1x16xf32>,
        %swap3A_349 = vector.shape_cast %swap3A_348 : vector<1x1x16xf32> to vector<16xf32>
        %swap3A_350 = vector.shape_cast %broadcast_in_dim3A_294 : vector<16xf32> to vector<1x1x16xf32>
        tpu.vector_store %arg5[%swap3A_345, %swap3A_346, %swap3A_347], %swap3A_350 {strides = array<i32>} : memref<5x16x512xf32, #tpu.memory_space<vmem>>, vector<1x1x16xf32>,
        %swap3A_351 = arith.constant 1 : i32
        %swap3A_352 = arith.index_cast %scan3A_62 : i32 to index
        %swap3A_353 = arith.index_cast %swap3A_351 : i32 to index
        %swap3A_354 = arith.constant 128 : index
        %swap3A_355 = tpu.vector_load %arg5[%swap3A_352, %swap3A_353, %swap3A_354] {strides = array<i32>} : memref<5x16x512xf32, #tpu.memory_space<vmem>>, vector<1x1x16xf32>,
        %swap3A_356 = vector.shape_cast %swap3A_355 : vector<1x1x16xf32> to vector<16xf32>
        %swap3A_357 = vector.shape_cast %broadcast_in_dim3A_294 : vector<16xf32> to vector<1x1x16xf32>
        tpu.vector_store %arg5[%swap3A_352, %swap3A_353, %swap3A_354], %swap3A_357 {strides = array<i32>} : memref<5x16x512xf32, #tpu.memory_space<vmem>>, vector<1x1x16xf32>,
        %swap3A_358 = arith.constant 1 : i32
        %swap3A_359 = arith.index_cast %scan3A_62 : i32 to index
        %swap3A_360 = arith.index_cast %swap3A_358 : i32 to index
        %swap3A_361 = arith.constant 144 : index
        %swap3A_362 = tpu.vector_load %arg5[%swap3A_359, %swap3A_360, %swap3A_361] {strides = array<i32>} : memref<5x16x512xf32, #tpu.memory_space<vmem>>, vector<1x1x16xf32>,
        %swap3A_363 = vector.shape_cast %swap3A_362 : vector<1x1x16xf32> to vector<16xf32>
        %swap3A_364 = vector.shape_cast %broadcast_in_dim3A_294 : vector<16xf32> to vector<1x1x16xf32>
        tpu.vector_store %arg5[%swap3A_359, %swap3A_360, %swap3A_361], %swap3A_364 {strides = array<i32>} : memref<5x16x512xf32, #tpu.memory_space<vmem>>, vector<1x1x16xf32>,
        %swap3A_365 = arith.constant 1 : i32
        %swap3A_366 = arith.index_cast %scan3A_62 : i32 to index
        %swap3A_367 = arith.index_cast %swap3A_365 : i32 to index
        %swap3A_368 = arith.constant 160 : index
        %swap3A_369 = tpu.vector_load %arg5[%swap3A_366, %swap3A_367, %swap3A_368] {strides = array<i32>} : memref<5x16x512xf32, #tpu.memory_space<vmem>>, vector<1x1x16xf32>,
        %swap3A_370 = vector.shape_cast %swap3A_369 : vector<1x1x16xf32> to vector<16xf32>
        %swap3A_371 = vector.shape_cast %broadcast_in_dim3A_294 : vector<16xf32> to vector<1x1x16xf32>
        tpu.vector_store %arg5[%swap3A_366, %swap3A_367, %swap3A_368], %swap3A_371 {strides = array<i32>} : memref<5x16x512xf32, #tpu.memory_space<vmem>>, vector<1x1x16xf32>,
        %swap3A_372 = arith.constant 1 : i32
        %swap3A_373 = arith.index_cast %scan3A_62 : i32 to index
        %swap3A_374 = arith.index_cast %swap3A_372 : i32 to index
        %swap3A_375 = arith.constant 176 : index
        %swap3A_376 = tpu.vector_load %arg5[%swap3A_373, %swap3A_374, %swap3A_375] {strides = array<i32>} : memref<5x16x512xf32, #tpu.memory_space<vmem>>, vector<1x1x16xf32>,
        %swap3A_377 = vector.shape_cast %swap3A_376 : vector<1x1x16xf32> to vector<16xf32>
        %swap3A_378 = vector.shape_cast %broadcast_in_dim3A_294 : vector<16xf32> to vector<1x1x16xf32>
        tpu.vector_store %arg5[%swap3A_373, %swap3A_374, %swap3A_375], %swap3A_378 {strides = array<i32>} : memref<5x16x512xf32, #tpu.memory_space<vmem>>, vector<1x1x16xf32>,
        %swap3A_379 = arith.constant 1 : i32
        %swap3A_380 = arith.index_cast %scan3A_62 : i32 to index
        %swap3A_381 = arith.index_cast %swap3A_379 : i32 to index
        %swap3A_382 = arith.constant 192 : index
        %swap3A_383 = tpu.vector_load %arg5[%swap3A_380, %swap3A_381, %swap3A_382] {strides = array<i32>} : memref<5x16x512xf32, #tpu.memory_space<vmem>>, vector<1x1x16xf32>,
        %swap3A_384 = vector.shape_cast %swap3A_383 : vector<1x1x16xf32> to vector<16xf32>
        %swap3A_385 = vector.shape_cast %broadcast_in_dim3A_294 : vector<16xf32> to vector<1x1x16xf32>
        tpu.vector_store %arg5[%swap3A_380, %swap3A_381, %swap3A_382], %swap3A_385 {strides = array<i32>} : memref<5x16x512xf32, #tpu.memory_space<vmem>>, vector<1x1x16xf32>,
        %swap3A_386 = arith.constant 1 : i32
        %swap3A_387 = arith.index_cast %scan3A_62 : i32 to index
        %swap3A_388 = arith.index_cast %swap3A_386 : i32 to index
        %swap3A_389 = arith.constant 208 : index
        %swap3A_390 = tpu.vector_load %arg5[%swap3A_387, %swap3A_388, %swap3A_389] {strides = array<i32>} : memref<5x16x512xf32, #tpu.memory_space<vmem>>, vector<1x1x16xf32>,
        %swap3A_391 = vector.shape_cast %swap3A_390 : vector<1x1x16xf32> to vector<16xf32>
        %swap3A_392 = vector.shape_cast %broadcast_in_dim3A_294 : vector<16xf32> to vector<1x1x16xf32>
        tpu.vector_store %arg5[%swap3A_387, %swap3A_388, %swap3A_389], %swap3A_392 {strides = array<i32>} : memref<5x16x512xf32, #tpu.memory_space<vmem>>, vector<1x1x16xf32>,
        %swap3A_393 = arith.constant 1 : i32
        %swap3A_394 = arith.index_cast %scan3A_62 : i32 to index
        %swap3A_395 = arith.index_cast %swap3A_393 : i32 to index
        %swap3A_396 = arith.constant 224 : index
        %swap3A_397 = tpu.vector_load %arg5[%swap3A_394, %swap3A_395, %swap3A_396] {strides = array<i32>} : memref<5x16x512xf32, #tpu.memory_space<vmem>>, vector<1x1x16xf32>,
        %swap3A_398 = vector.shape_cast %swap3A_397 : vector<1x1x16xf32> to vector<16xf32>
        %swap3A_399 = vector.shape_cast %broadcast_in_dim3A_294 : vector<16xf32> to vector<1x1x16xf32>
        tpu.vector_store %arg5[%swap3A_394, %swap3A_395, %swap3A_396], %swap3A_399 {strides = array<i32>} : memref<5x16x512xf32, #tpu.memory_space<vmem>>, vector<1x1x16xf32>,
        %swap3A_400 = arith.constant 1 : i32
        %swap3A_401 = arith.index_cast %scan3A_62 : i32 to index
        %swap3A_402 = arith.index_cast %swap3A_400 : i32 to index
        %swap3A_403 = arith.constant 240 : index
        %swap3A_404 = tpu.vector_load %arg5[%swap3A_401, %swap3A_402, %swap3A_403] {strides = array<i32>} : memref<5x16x512xf32, #tpu.memory_space<vmem>>, vector<1x1x16xf32>,
        %swap3A_405 = vector.shape_cast %swap3A_404 : vector<1x1x16xf32> to vector<16xf32>
        %swap3A_406 = vector.shape_cast %broadcast_in_dim3A_294 : vector<16xf32> to vector<1x1x16xf32>
        tpu.vector_store %arg5[%swap3A_401, %swap3A_402, %swap3A_403], %swap3A_406 {strides = array<i32>} : memref<5x16x512xf32, #tpu.memory_space<vmem>>, vector<1x1x16xf32>,
        %swap3A_407 = arith.constant 1 : i32
        %swap3A_408 = arith.index_cast %scan3A_62 : i32 to index
        %swap3A_409 = arith.index_cast %swap3A_407 : i32 to index
        %swap3A_410 = arith.constant 256 : index
        %swap3A_411 = tpu.vector_load %arg5[%swap3A_408, %swap3A_409, %swap3A_410] {strides = array<i32>} : memref<5x16x512xf32, #tpu.memory_space<vmem>>, vector<1x1x16xf32>,
        %swap3A_412 = vector.shape_cast %swap3A_411 : vector<1x1x16xf32> to vector<16xf32>
        %swap3A_413 = vector.shape_cast %broadcast_in_dim3A_294 : vector<16xf32> to vector<1x1x16xf32>
        tpu.vector_store %arg5[%swap3A_408, %swap3A_409, %swap3A_410], %swap3A_413 {strides = array<i32>} : memref<5x16x512xf32, #tpu.memory_space<vmem>>, vector<1x1x16xf32>,
        %swap3A_414 = arith.constant 1 : i32
        %swap3A_415 = arith.index_cast %scan3A_62 : i32 to index
        %swap3A_416 = arith.index_cast %swap3A_414 : i32 to index
        %swap3A_417 = arith.constant 272 : index
        %swap3A_418 = tpu.vector_load %arg5[%swap3A_415, %swap3A_416, %swap3A_417] {strides = array<i32>} : memref<5x16x512xf32, #tpu.memory_space<vmem>>, vector<1x1x16xf32>,
        %swap3A_419 = vector.shape_cast %swap3A_418 : vector<1x1x16xf32> to vector<16xf32>
        %swap3A_420 = vector.shape_cast %broadcast_in_dim3A_294 : vector<16xf32> to vector<1x1x16xf32>
        tpu.vector_store %arg5[%swap3A_415, %swap3A_416, %swap3A_417], %swap3A_420 {strides = array<i32>} : memref<5x16x512xf32, #tpu.memory_space<vmem>>, vector<1x1x16xf32>,
        %swap3A_421 = arith.constant 1 : i32
        %swap3A_422 = arith.index_cast %scan3A_62 : i32 to index
        %swap3A_423 = arith.index_cast %swap3A_421 : i32 to index
        %swap3A_424 = arith.constant 288 : index
        %swap3A_425 = tpu.vector_load %arg5[%swap3A_422, %swap3A_423, %swap3A_424] {strides = array<i32>} : memref<5x16x512xf32, #tpu.memory_space<vmem>>, vector<1x1x16xf32>,
        %swap3A_426 = vector.shape_cast %swap3A_425 : vector<1x1x16xf32> to vector<16xf32>
        %swap3A_427 = vector.shape_cast %broadcast_in_dim3A_294 : vector<16xf32> to vector<1x1x16xf32>
        tpu.vector_store %arg5[%swap3A_422, %swap3A_423, %swap3A_424], %swap3A_427 {strides = array<i32>} : memref<5x16x512xf32, #tpu.memory_space<vmem>>, vector<1x1x16xf32>,
        %swap3A_428 = arith.constant 1 : i32
        %swap3A_429 = arith.index_cast %scan3A_62 : i32 to index
        %swap3A_430 = arith.index_cast %swap3A_428 : i32 to index
        %swap3A_431 = arith.constant 304 : index
        %swap3A_432 = tpu.vector_load %arg5[%swap3A_429, %swap3A_430, %swap3A_431] {strides = array<i32>} : memref<5x16x512xf32, #tpu.memory_space<vmem>>, vector<1x1x16xf32>,
        %swap3A_433 = vector.shape_cast %swap3A_432 : vector<1x1x16xf32> to vector<16xf32>
        %swap3A_434 = vector.shape_cast %broadcast_in_dim3A_294 : vector<16xf32> to vector<1x1x16xf32>
        tpu.vector_store %arg5[%swap3A_429, %swap3A_430, %swap3A_431], %swap3A_434 {strides = array<i32>} : memref<5x16x512xf32, #tpu.memory_space<vmem>>, vector<1x1x16xf32>,
        %swap3A_435 = arith.constant 1 : i32
        %swap3A_436 = arith.index_cast %scan3A_62 : i32 to index
        %swap3A_437 = arith.index_cast %swap3A_435 : i32 to index
        %swap3A_438 = arith.constant 320 : index
        %swap3A_439 = tpu.vector_load %arg5[%swap3A_436, %swap3A_437, %swap3A_438] {strides = array<i32>} : memref<5x16x512xf32, #tpu.memory_space<vmem>>, vector<1x1x16xf32>,
        %swap3A_440 = vector.shape_cast %swap3A_439 : vector<1x1x16xf32> to vector<16xf32>
        %swap3A_441 = vector.shape_cast %broadcast_in_dim3A_294 : vector<16xf32> to vector<1x1x16xf32>
        tpu.vector_store %arg5[%swap3A_436, %swap3A_437, %swap3A_438], %swap3A_441 {strides = array<i32>} : memref<5x16x512xf32, #tpu.memory_space<vmem>>, vector<1x1x16xf32>,
        %swap3A_442 = arith.constant 1 : i32
        %swap3A_443 = arith.index_cast %scan3A_62 : i32 to index
        %swap3A_444 = arith.index_cast %swap3A_442 : i32 to index
        %swap3A_445 = arith.constant 336 : index
        %swap3A_446 = tpu.vector_load %arg5[%swap3A_443, %swap3A_444, %swap3A_445] {strides = array<i32>} : memref<5x16x512xf32, #tpu.memory_space<vmem>>, vector<1x1x16xf32>,
        %swap3A_447 = vector.shape_cast %swap3A_446 : vector<1x1x16xf32> to vector<16xf32>
        %swap3A_448 = vector.shape_cast %broadcast_in_dim3A_294 : vector<16xf32> to vector<1x1x16xf32>
        tpu.vector_store %arg5[%swap3A_443, %swap3A_444, %swap3A_445], %swap3A_448 {strides = array<i32>} : memref<5x16x512xf32, #tpu.memory_space<vmem>>, vector<1x1x16xf32>,
        %swap3A_449 = arith.constant 1 : i32
        %swap3A_450 = arith.index_cast %scan3A_62 : i32 to index
        %swap3A_451 = arith.index_cast %swap3A_449 : i32 to index
        %swap3A_452 = arith.constant 352 : index
        %swap3A_453 = tpu.vector_load %arg5[%swap3A_450, %swap3A_451, %swap3A_452] {strides = array<i32>} : memref<5x16x512xf32, #tpu.memory_space<vmem>>, vector<1x1x16xf32>,
        %swap3A_454 = vector.shape_cast %swap3A_453 : vector<1x1x16xf32> to vector<16xf32>
        %swap3A_455 = vector.shape_cast %broadcast_in_dim3A_294 : vector<16xf32> to vector<1x1x16xf32>
        tpu.vector_store %arg5[%swap3A_450, %swap3A_451, %swap3A_452], %swap3A_455 {strides = array<i32>} : memref<5x16x512xf32, #tpu.memory_space<vmem>>, vector<1x1x16xf32>,
        %swap3A_456 = arith.constant 1 : i32
        %swap3A_457 = arith.index_cast %scan3A_62 : i32 to index
        %swap3A_458 = arith.index_cast %swap3A_456 : i32 to index
        %swap3A_459 = arith.constant 368 : index
        %swap3A_460 = tpu.vector_load %arg5[%swap3A_457, %swap3A_458, %swap3A_459] {strides = array<i32>} : memref<5x16x512xf32, #tpu.memory_space<vmem>>, vector<1x1x16xf32>,
        %swap3A_461 = vector.shape_cast %swap3A_460 : vector<1x1x16xf32> to vector<16xf32>
        %swap3A_462 = vector.shape_cast %broadcast_in_dim3A_294 : vector<16xf32> to vector<1x1x16xf32>
        tpu.vector_store %arg5[%swap3A_457, %swap3A_458, %swap3A_459], %swap3A_462 {strides = array<i32>} : memref<5x16x512xf32, #tpu.memory_space<vmem>>, vector<1x1x16xf32>,
        %swap3A_463 = arith.constant 1 : i32
        %swap3A_464 = arith.index_cast %scan3A_62 : i32 to index
        %swap3A_465 = arith.index_cast %swap3A_463 : i32 to index
        %swap3A_466 = arith.constant 384 : index
        %swap3A_467 = tpu.vector_load %arg5[%swap3A_464, %swap3A_465, %swap3A_466] {strides = array<i32>} : memref<5x16x512xf32, #tpu.memory_space<vmem>>, vector<1x1x16xf32>,
        %swap3A_468 = vector.shape_cast %swap3A_467 : vector<1x1x16xf32> to vector<16xf32>
        %swap3A_469 = vector.shape_cast %broadcast_in_dim3A_294 : vector<16xf32> to vector<1x1x16xf32>
        tpu.vector_store %arg5[%swap3A_464, %swap3A_465, %swap3A_466], %swap3A_469 {strides = array<i32>} : memref<5x16x512xf32, #tpu.memory_space<vmem>>, vector<1x1x16xf32>,
        %swap3A_470 = arith.constant 1 : i32
        %swap3A_471 = arith.index_cast %scan3A_62 : i32 to index
        %swap3A_472 = arith.index_cast %swap3A_470 : i32 to index
        %swap3A_473 = arith.constant 400 : index
        %swap3A_474 = tpu.vector_load %arg5[%swap3A_471, %swap3A_472, %swap3A_473] {strides = array<i32>} : memref<5x16x512xf32, #tpu.memory_space<vmem>>, vector<1x1x16xf32>,
        %swap3A_475 = vector.shape_cast %swap3A_474 : vector<1x1x16xf32> to vector<16xf32>
        %swap3A_476 = vector.shape_cast %broadcast_in_dim3A_294 : vector<16xf32> to vector<1x1x16xf32>
        tpu.vector_store %arg5[%swap3A_471, %swap3A_472, %swap3A_473], %swap3A_476 {strides = array<i32>} : memref<5x16x512xf32, #tpu.memory_space<vmem>>, vector<1x1x16xf32>,
        %swap3A_477 = arith.constant 1 : i32
        %swap3A_478 = arith.index_cast %scan3A_62 : i32 to index
        %swap3A_479 = arith.index_cast %swap3A_477 : i32 to index
        %swap3A_480 = arith.constant 416 : index
        %swap3A_481 = tpu.vector_load %arg5[%swap3A_478, %swap3A_479, %swap3A_480] {strides = array<i32>} : memref<5x16x512xf32, #tpu.memory_space<vmem>>, vector<1x1x16xf32>,
        %swap3A_482 = vector.shape_cast %swap3A_481 : vector<1x1x16xf32> to vector<16xf32>
        %swap3A_483 = vector.shape_cast %broadcast_in_dim3A_294 : vector<16xf32> to vector<1x1x16xf32>
        tpu.vector_store %arg5[%swap3A_478, %swap3A_479, %swap3A_480], %swap3A_483 {strides = array<i32>} : memref<5x16x512xf32, #tpu.memory_space<vmem>>, vector<1x1x16xf32>,
        %swap3A_484 = arith.constant 1 : i32
        %swap3A_485 = arith.index_cast %scan3A_62 : i32 to index
        %swap3A_486 = arith.index_cast %swap3A_484 : i32 to index
        %swap3A_487 = arith.constant 432 : index
        %swap3A_488 = tpu.vector_load %arg5[%swap3A_485, %swap3A_486, %swap3A_487] {strides = array<i32>} : memref<5x16x512xf32, #tpu.memory_space<vmem>>, vector<1x1x16xf32>,
        %swap3A_489 = vector.shape_cast %swap3A_488 : vector<1x1x16xf32> to vector<16xf32>
        %swap3A_490 = vector.shape_cast %broadcast_in_dim3A_294 : vector<16xf32> to vector<1x1x16xf32>
        tpu.vector_store %arg5[%swap3A_485, %swap3A_486, %swap3A_487], %swap3A_490 {strides = array<i32>} : memref<5x16x512xf32, #tpu.memory_space<vmem>>, vector<1x1x16xf32>,
        %swap3A_491 = arith.constant 1 : i32
        %swap3A_492 = arith.index_cast %scan3A_62 : i32 to index
        %swap3A_493 = arith.index_cast %swap3A_491 : i32 to index
        %swap3A_494 = arith.constant 448 : index
        %swap3A_495 = tpu.vector_load %arg5[%swap3A_492, %swap3A_493, %swap3A_494] {strides = array<i32>} : memref<5x16x512xf32, #tpu.memory_space<vmem>>, vector<1x1x16xf32>,
        %swap3A_496 = vector.shape_cast %swap3A_495 : vector<1x1x16xf32> to vector<16xf32>
        %swap3A_497 = vector.shape_cast %broadcast_in_dim3A_294 : vector<16xf32> to vector<1x1x16xf32>
        tpu.vector_store %arg5[%swap3A_492, %swap3A_493, %swap3A_494], %swap3A_497 {strides = array<i32>} : memref<5x16x512xf32, #tpu.memory_space<vmem>>, vector<1x1x16xf32>,
        %swap3A_498 = arith.constant 1 : i32
        %swap3A_499 = arith.index_cast %scan3A_62 : i32 to index
        %swap3A_500 = arith.index_cast %swap3A_498 : i32 to index
        %swap3A_501 = arith.constant 464 : index
        %swap3A_502 = tpu.vector_load %arg5[%swap3A_499, %swap3A_500, %swap3A_501] {strides = array<i32>} : memref<5x16x512xf32, #tpu.memory_space<vmem>>, vector<1x1x16xf32>,
        %swap3A_503 = vector.shape_cast %swap3A_502 : vector<1x1x16xf32> to vector<16xf32>
        %swap3A_504 = vector.shape_cast %broadcast_in_dim3A_294 : vector<16xf32> to vector<1x1x16xf32>
        tpu.vector_store %arg5[%swap3A_499, %swap3A_500, %swap3A_501], %swap3A_504 {strides = array<i32>} : memref<5x16x512xf32, #tpu.memory_space<vmem>>, vector<1x1x16xf32>,
        %swap3A_505 = arith.constant 1 : i32
        %swap3A_506 = arith.index_cast %scan3A_62 : i32 to index
        %swap3A_507 = arith.index_cast %swap3A_505 : i32 to index
        %swap3A_508 = arith.constant 480 : index
        %swap3A_509 = tpu.vector_load %arg5[%swap3A_506, %swap3A_507, %swap3A_508] {strides = array<i32>} : memref<5x16x512xf32, #tpu.memory_space<vmem>>, vector<1x1x16xf32>,
        %swap3A_510 = vector.shape_cast %swap3A_509 : vector<1x1x16xf32> to vector<16xf32>
        %swap3A_511 = vector.shape_cast %broadcast_in_dim3A_294 : vector<16xf32> to vector<1x1x16xf32>
        tpu.vector_store %arg5[%swap3A_506, %swap3A_507, %swap3A_508], %swap3A_511 {strides = array<i32>} : memref<5x16x512xf32, #tpu.memory_space<vmem>>, vector<1x1x16xf32>,
        %swap3A_512 = arith.constant 1 : i32
        %swap3A_513 = arith.index_cast %scan3A_62 : i32 to index
        %swap3A_514 = arith.index_cast %swap3A_512 : i32 to index
        %swap3A_515 = arith.constant 496 : index
        %swap3A_516 = tpu.vector_load %arg5[%swap3A_513, %swap3A_514, %swap3A_515] {strides = array<i32>} : memref<5x16x512xf32, #tpu.memory_space<vmem>>, vector<1x1x16xf32>,
        %swap3A_517 = vector.shape_cast %swap3A_516 : vector<1x1x16xf32> to vector<16xf32>
        %swap3A_518 = vector.shape_cast %broadcast_in_dim3A_294 : vector<16xf32> to vector<1x1x16xf32>
        tpu.vector_store %arg5[%swap3A_513, %swap3A_514, %swap3A_515], %swap3A_518 {strides = array<i32>} : memref<5x16x512xf32, #tpu.memory_space<vmem>>, vector<1x1x16xf32>,
        %slice3A_519 = vector.extract_strided_slice %max3A_68 {offsets = [2], sizes = [1], strides = [1]} : vector<16xf32> to vector<1xf32>
        %squeeze3A_520 = vector.extract %slice3A_519[0] : f32 from vector<1xf32>
        %broadcast_in_dim3A_521 = vector.broadcast %squeeze3A_520 : f32 to vector<16xf32>
        %swap3A_522 = arith.constant 2 : i32
        %swap3A_523 = arith.index_cast %scan3A_62 : i32 to index
        %swap3A_524 = arith.index_cast %swap3A_522 : i32 to index
        %swap3A_525 = arith.constant 0 : index
        %swap3A_526 = tpu.vector_load %arg5[%swap3A_523, %swap3A_524, %swap3A_525] {strides = array<i32>} : memref<5x16x512xf32, #tpu.memory_space<vmem>>, vector<1x1x16xf32>,
        %swap3A_527 = vector.shape_cast %swap3A_526 : vector<1x1x16xf32> to vector<16xf32>
        %swap3A_528 = vector.shape_cast %broadcast_in_dim3A_521 : vector<16xf32> to vector<1x1x16xf32>
        tpu.vector_store %arg5[%swap3A_523, %swap3A_524, %swap3A_525], %swap3A_528 {strides = array<i32>} : memref<5x16x512xf32, #tpu.memory_space<vmem>>, vector<1x1x16xf32>,
        %swap3A_529 = arith.constant 2 : i32
        %swap3A_530 = arith.index_cast %scan3A_62 : i32 to index
        %swap3A_531 = arith.index_cast %swap3A_529 : i32 to index
        %swap3A_532 = arith.constant 16 : index
        %swap3A_533 = tpu.vector_load %arg5[%swap3A_530, %swap3A_531, %swap3A_532] {strides = array<i32>} : memref<5x16x512xf32, #tpu.memory_space<vmem>>, vector<1x1x16xf32>,
        %swap3A_534 = vector.shape_cast %swap3A_533 : vector<1x1x16xf32> to vector<16xf32>
        %swap3A_535 = vector.shape_cast %broadcast_in_dim3A_521 : vector<16xf32> to vector<1x1x16xf32>
        tpu.vector_store %arg5[%swap3A_530, %swap3A_531, %swap3A_532], %swap3A_535 {strides = array<i32>} : memref<5x16x512xf32, #tpu.memory_space<vmem>>, vector<1x1x16xf32>,
        %swap3A_536 = arith.constant 2 : i32
        %swap3A_537 = arith.index_cast %scan3A_62 : i32 to index
        %swap3A_538 = arith.index_cast %swap3A_536 : i32 to index
        %swap3A_539 = arith.constant 32 : index
        %swap3A_540 = tpu.vector_load %arg5[%swap3A_537, %swap3A_538, %swap3A_539] {strides = array<i32>} : memref<5x16x512xf32, #tpu.memory_space<vmem>>, vector<1x1x16xf32>,
        %swap3A_541 = vector.shape_cast %swap3A_540 : vector<1x1x16xf32> to vector<16xf32>
        %swap3A_542 = vector.shape_cast %broadcast_in_dim3A_521 : vector<16xf32> to vector<1x1x16xf32>
        tpu.vector_store %arg5[%swap3A_537, %swap3A_538, %swap3A_539], %swap3A_542 {strides = array<i32>} : memref<5x16x512xf32, #tpu.memory_space<vmem>>, vector<1x1x16xf32>,
        %swap3A_543 = arith.constant 2 : i32
        %swap3A_544 = arith.index_cast %scan3A_62 : i32 to index
        %swap3A_545 = arith.index_cast %swap3A_543 : i32 to index
        %swap3A_546 = arith.constant 48 : index
        %swap3A_547 = tpu.vector_load %arg5[%swap3A_544, %swap3A_545, %swap3A_546] {strides = array<i32>} : memref<5x16x512xf32, #tpu.memory_space<vmem>>, vector<1x1x16xf32>,
        %swap3A_548 = vector.shape_cast %swap3A_547 : vector<1x1x16xf32> to vector<16xf32>
        %swap3A_549 = vector.shape_cast %broadcast_in_dim3A_521 : vector<16xf32> to vector<1x1x16xf32>
        tpu.vector_store %arg5[%swap3A_544, %swap3A_545, %swap3A_546], %swap3A_549 {strides = array<i32>} : memref<5x16x512xf32, #tpu.memory_space<vmem>>, vector<1x1x16xf32>,
        %swap3A_550 = arith.constant 2 : i32
        %swap3A_551 = arith.index_cast %scan3A_62 : i32 to index
        %swap3A_552 = arith.index_cast %swap3A_550 : i32 to index
        %swap3A_553 = arith.constant 64 : index
        %swap3A_554 = tpu.vector_load %arg5[%swap3A_551, %swap3A_552, %swap3A_553] {strides = array<i32>} : memref<5x16x512xf32, #tpu.memory_space<vmem>>, vector<1x1x16xf32>,
        %swap3A_555 = vector.shape_cast %swap3A_554 : vector<1x1x16xf32> to vector<16xf32>
        %swap3A_556 = vector.shape_cast %broadcast_in_dim3A_521 : vector<16xf32> to vector<1x1x16xf32>
        tpu.vector_store %arg5[%swap3A_551, %swap3A_552, %swap3A_553], %swap3A_556 {strides = array<i32>} : memref<5x16x512xf32, #tpu.memory_space<vmem>>, vector<1x1x16xf32>,
        %swap3A_557 = arith.constant 2 : i32
        %swap3A_558 = arith.index_cast %scan3A_62 : i32 to index
        %swap3A_559 = arith.index_cast %swap3A_557 : i32 to index
        %swap3A_560 = arith.constant 80 : index
        %swap3A_561 = tpu.vector_load %arg5[%swap3A_558, %swap3A_559, %swap3A_560] {strides = array<i32>} : memref<5x16x512xf32, #tpu.memory_space<vmem>>, vector<1x1x16xf32>,
        %swap3A_562 = vector.shape_cast %swap3A_561 : vector<1x1x16xf32> to vector<16xf32>
        %swap3A_563 = vector.shape_cast %broadcast_in_dim3A_521 : vector<16xf32> to vector<1x1x16xf32>
        tpu.vector_store %arg5[%swap3A_558, %swap3A_559, %swap3A_560], %swap3A_563 {strides = array<i32>} : memref<5x16x512xf32, #tpu.memory_space<vmem>>, vector<1x1x16xf32>,
        %swap3A_564 = arith.constant 2 : i32
        %swap3A_565 = arith.index_cast %scan3A_62 : i32 to index
        %swap3A_566 = arith.index_cast %swap3A_564 : i32 to index
        %swap3A_567 = arith.constant 96 : index
        %swap3A_568 = tpu.vector_load %arg5[%swap3A_565, %swap3A_566, %swap3A_567] {strides = array<i32>} : memref<5x16x512xf32, #tpu.memory_space<vmem>>, vector<1x1x16xf32>,
        %swap3A_569 = vector.shape_cast %swap3A_568 : vector<1x1x16xf32> to vector<16xf32>
        %swap3A_570 = vector.shape_cast %broadcast_in_dim3A_521 : vector<16xf32> to vector<1x1x16xf32>
        tpu.vector_store %arg5[%swap3A_565, %swap3A_566, %swap3A_567], %swap3A_570 {strides = array<i32>} : memref<5x16x512xf32, #tpu.memory_space<vmem>>, vector<1x1x16xf32>,
        %swap3A_571 = arith.constant 2 : i32
        %swap3A_572 = arith.index_cast %scan3A_62 : i32 to index
        %swap3A_573 = arith.index_cast %swap3A_571 : i32 to index
        %swap3A_574 = arith.constant 112 : index
        %swap3A_575 = tpu.vector_load %arg5[%swap3A_572, %swap3A_573, %swap3A_574] {strides = array<i32>} : memref<5x16x512xf32, #tpu.memory_space<vmem>>, vector<1x1x16xf32>,
        %swap3A_576 = vector.shape_cast %swap3A_575 : vector<1x1x16xf32> to vector<16xf32>
        %swap3A_577 = vector.shape_cast %broadcast_in_dim3A_521 : vector<16xf32> to vector<1x1x16xf32>
        tpu.vector_store %arg5[%swap3A_572, %swap3A_573, %swap3A_574], %swap3A_577 {strides = array<i32>} : memref<5x16x512xf32, #tpu.memory_space<vmem>>, vector<1x1x16xf32>,
        %swap3A_578 = arith.constant 2 : i32
        %swap3A_579 = arith.index_cast %scan3A_62 : i32 to index
        %swap3A_580 = arith.index_cast %swap3A_578 : i32 to index
        %swap3A_581 = arith.constant 128 : index
        %swap3A_582 = tpu.vector_load %arg5[%swap3A_579, %swap3A_580, %swap3A_581] {strides = array<i32>} : memref<5x16x512xf32, #tpu.memory_space<vmem>>, vector<1x1x16xf32>,
        %swap3A_583 = vector.shape_cast %swap3A_582 : vector<1x1x16xf32> to vector<16xf32>
        %swap3A_584 = vector.shape_cast %broadcast_in_dim3A_521 : vector<16xf32> to vector<1x1x16xf32>
        tpu.vector_store %arg5[%swap3A_579, %swap3A_580, %swap3A_581], %swap3A_584 {strides = array<i32>} : memref<5x16x512xf32, #tpu.memory_space<vmem>>, vector<1x1x16xf32>,
        %swap3A_585 = arith.constant 2 : i32
        %swap3A_586 = arith.index_cast %scan3A_62 : i32 to index
        %swap3A_587 = arith.index_cast %swap3A_585 : i32 to index
        %swap3A_588 = arith.constant 144 : index
        %swap3A_589 = tpu.vector_load %arg5[%swap3A_586, %swap3A_587, %swap3A_588] {strides = array<i32>} : memref<5x16x512xf32, #tpu.memory_space<vmem>>, vector<1x1x16xf32>,
        %swap3A_590 = vector.shape_cast %swap3A_589 : vector<1x1x16xf32> to vector<16xf32>
        %swap3A_591 = vector.shape_cast %broadcast_in_dim3A_521 : vector<16xf32> to vector<1x1x16xf32>
        tpu.vector_store %arg5[%swap3A_586, %swap3A_587, %swap3A_588], %swap3A_591 {strides = array<i32>} : memref<5x16x512xf32, #tpu.memory_space<vmem>>, vector<1x1x16xf32>,
        %swap3A_592 = arith.constant 2 : i32
        %swap3A_593 = arith.index_cast %scan3A_62 : i32 to index
        %swap3A_594 = arith.index_cast %swap3A_592 : i32 to index
        %swap3A_595 = arith.constant 160 : index
        %swap3A_596 = tpu.vector_load %arg5[%swap3A_593, %swap3A_594, %swap3A_595] {strides = array<i32>} : memref<5x16x512xf32, #tpu.memory_space<vmem>>, vector<1x1x16xf32>,
        %swap3A_597 = vector.shape_cast %swap3A_596 : vector<1x1x16xf32> to vector<16xf32>
        %swap3A_598 = vector.shape_cast %broadcast_in_dim3A_521 : vector<16xf32> to vector<1x1x16xf32>
        tpu.vector_store %arg5[%swap3A_593, %swap3A_594, %swap3A_595], %swap3A_598 {strides = array<i32>} : memref<5x16x512xf32, #tpu.memory_space<vmem>>, vector<1x1x16xf32>,
        %swap3A_599 = arith.constant 2 : i32
        %swap3A_600 = arith.index_cast %scan3A_62 : i32 to index
        %swap3A_601 = arith.index_cast %swap3A_599 : i32 to index
        %swap3A_602 = arith.constant 176 : index
        %swap3A_603 = tpu.vector_load %arg5[%swap3A_600, %swap3A_601, %swap3A_602] {strides = array<i32>} : memref<5x16x512xf32, #tpu.memory_space<vmem>>, vector<1x1x16xf32>,
        %swap3A_604 = vector.shape_cast %swap3A_603 : vector<1x1x16xf32> to vector<16xf32>
        %swap3A_605 = vector.shape_cast %broadcast_in_dim3A_521 : vector<16xf32> to vector<1x1x16xf32>
        tpu.vector_store %arg5[%swap3A_600, %swap3A_601, %swap3A_602], %swap3A_605 {strides = array<i32>} : memref<5x16x512xf32, #tpu.memory_space<vmem>>, vector<1x1x16xf32>,
        %swap3A_606 = arith.constant 2 : i32
        %swap3A_607 = arith.index_cast %scan3A_62 : i32 to index
        %swap3A_608 = arith.index_cast %swap3A_606 : i32 to index
        %swap3A_609 = arith.constant 192 : index
        %swap3A_610 = tpu.vector_load %arg5[%swap3A_607, %swap3A_608, %swap3A_609] {strides = array<i32>} : memref<5x16x512xf32, #tpu.memory_space<vmem>>, vector<1x1x16xf32>,
        %swap3A_611 = vector.shape_cast %swap3A_610 : vector<1x1x16xf32> to vector<16xf32>
        %swap3A_612 = vector.shape_cast %broadcast_in_dim3A_521 : vector<16xf32> to vector<1x1x16xf32>
        tpu.vector_store %arg5[%swap3A_607, %swap3A_608, %swap3A_609], %swap3A_612 {strides = array<i32>} : memref<5x16x512xf32, #tpu.memory_space<vmem>>, vector<1x1x16xf32>,
        %swap3A_613 = arith.constant 2 : i32
        %swap3A_614 = arith.index_cast %scan3A_62 : i32 to index
        %swap3A_615 = arith.index_cast %swap3A_613 : i32 to index
        %swap3A_616 = arith.constant 208 : index
        %swap3A_617 = tpu.vector_load %arg5[%swap3A_614, %swap3A_615, %swap3A_616] {strides = array<i32>} : memref<5x16x512xf32, #tpu.memory_space<vmem>>, vector<1x1x16xf32>,
        %swap3A_618 = vector.shape_cast %swap3A_617 : vector<1x1x16xf32> to vector<16xf32>
        %swap3A_619 = vector.shape_cast %broadcast_in_dim3A_521 : vector<16xf32> to vector<1x1x16xf32>
        tpu.vector_store %arg5[%swap3A_614, %swap3A_615, %swap3A_616], %swap3A_619 {strides = array<i32>} : memref<5x16x512xf32, #tpu.memory_space<vmem>>, vector<1x1x16xf32>,
        %swap3A_620 = arith.constant 2 : i32
        %swap3A_621 = arith.index_cast %scan3A_62 : i32 to index
        %swap3A_622 = arith.index_cast %swap3A_620 : i32 to index
        %swap3A_623 = arith.constant 224 : index
        %swap3A_624 = tpu.vector_load %arg5[%swap3A_621, %swap3A_622, %swap3A_623] {strides = array<i32>} : memref<5x16x512xf32, #tpu.memory_space<vmem>>, vector<1x1x16xf32>,
        %swap3A_625 = vector.shape_cast %swap3A_624 : vector<1x1x16xf32> to vector<16xf32>
        %swap3A_626 = vector.shape_cast %broadcast_in_dim3A_521 : vector<16xf32> to vector<1x1x16xf32>
        tpu.vector_store %arg5[%swap3A_621, %swap3A_622, %swap3A_623], %swap3A_626 {strides = array<i32>} : memref<5x16x512xf32, #tpu.memory_space<vmem>>, vector<1x1x16xf32>,
        %swap3A_627 = arith.constant 2 : i32
        %swap3A_628 = arith.index_cast %scan3A_62 : i32 to index
        %swap3A_629 = arith.index_cast %swap3A_627 : i32 to index
        %swap3A_630 = arith.constant 240 : index
        %swap3A_631 = tpu.vector_load %arg5[%swap3A_628, %swap3A_629, %swap3A_630] {strides = array<i32>} : memref<5x16x512xf32, #tpu.memory_space<vmem>>, vector<1x1x16xf32>,
        %swap3A_632 = vector.shape_cast %swap3A_631 : vector<1x1x16xf32> to vector<16xf32>
        %swap3A_633 = vector.shape_cast %broadcast_in_dim3A_521 : vector<16xf32> to vector<1x1x16xf32>
        tpu.vector_store %arg5[%swap3A_628, %swap3A_629, %swap3A_630], %swap3A_633 {strides = array<i32>} : memref<5x16x512xf32, #tpu.memory_space<vmem>>, vector<1x1x16xf32>,
        %swap3A_634 = arith.constant 2 : i32
        %swap3A_635 = arith.index_cast %scan3A_62 : i32 to index
        %swap3A_636 = arith.index_cast %swap3A_634 : i32 to index
        %swap3A_637 = arith.constant 256 : index
        %swap3A_638 = tpu.vector_load %arg5[%swap3A_635, %swap3A_636, %swap3A_637] {strides = array<i32>} : memref<5x16x512xf32, #tpu.memory_space<vmem>>, vector<1x1x16xf32>,
        %swap3A_639 = vector.shape_cast %swap3A_638 : vector<1x1x16xf32> to vector<16xf32>
        %swap3A_640 = vector.shape_cast %broadcast_in_dim3A_521 : vector<16xf32> to vector<1x1x16xf32>
        tpu.vector_store %arg5[%swap3A_635, %swap3A_636, %swap3A_637], %swap3A_640 {strides = array<i32>} : memref<5x16x512xf32, #tpu.memory_space<vmem>>, vector<1x1x16xf32>,
        %swap3A_641 = arith.constant 2 : i32
        %swap3A_642 = arith.index_cast %scan3A_62 : i32 to index
        %swap3A_643 = arith.index_cast %swap3A_641 : i32 to index
        %swap3A_644 = arith.constant 272 : index
        %swap3A_645 = tpu.vector_load %arg5[%swap3A_642, %swap3A_643, %swap3A_644] {strides = array<i32>} : memref<5x16x512xf32, #tpu.memory_space<vmem>>, vector<1x1x16xf32>,
        %swap3A_646 = vector.shape_cast %swap3A_645 : vector<1x1x16xf32> to vector<16xf32>
        %swap3A_647 = vector.shape_cast %broadcast_in_dim3A_521 : vector<16xf32> to vector<1x1x16xf32>
        tpu.vector_store %arg5[%swap3A_642, %swap3A_643, %swap3A_644], %swap3A_647 {strides = array<i32>} : memref<5x16x512xf32, #tpu.memory_space<vmem>>, vector<1x1x16xf32>,
        %swap3A_648 = arith.constant 2 : i32
        %swap3A_649 = arith.index_cast %scan3A_62 : i32 to index
        %swap3A_650 = arith.index_cast %swap3A_648 : i32 to index
        %swap3A_651 = arith.constant 288 : index
        %swap3A_652 = tpu.vector_load %arg5[%swap3A_649, %swap3A_650, %swap3A_651] {strides = array<i32>} : memref<5x16x512xf32, #tpu.memory_space<vmem>>, vector<1x1x16xf32>,
        %swap3A_653 = vector.shape_cast %swap3A_652 : vector<1x1x16xf32> to vector<16xf32>
        %swap3A_654 = vector.shape_cast %broadcast_in_dim3A_521 : vector<16xf32> to vector<1x1x16xf32>
        tpu.vector_store %arg5[%swap3A_649, %swap3A_650, %swap3A_651], %swap3A_654 {strides = array<i32>} : memref<5x16x512xf32, #tpu.memory_space<vmem>>, vector<1x1x16xf32>,
        %swap3A_655 = arith.constant 2 : i32
        %swap3A_656 = arith.index_cast %scan3A_62 : i32 to index
        %swap3A_657 = arith.index_cast %swap3A_655 : i32 to index
        %swap3A_658 = arith.constant 304 : index
        %swap3A_659 = tpu.vector_load %arg5[%swap3A_656, %swap3A_657, %swap3A_658] {strides = array<i32>} : memref<5x16x512xf32, #tpu.memory_space<vmem>>, vector<1x1x16xf32>,
        %swap3A_660 = vector.shape_cast %swap3A_659 : vector<1x1x16xf32> to vector<16xf32>
        %swap3A_661 = vector.shape_cast %broadcast_in_dim3A_521 : vector<16xf32> to vector<1x1x16xf32>
        tpu.vector_store %arg5[%swap3A_656, %swap3A_657, %swap3A_658], %swap3A_661 {strides = array<i32>} : memref<5x16x512xf32, #tpu.memory_space<vmem>>, vector<1x1x16xf32>,
        %swap3A_662 = arith.constant 2 : i32
        %swap3A_663 = arith.index_cast %scan3A_62 : i32 to index
        %swap3A_664 = arith.index_cast %swap3A_662 : i32 to index
        %swap3A_665 = arith.constant 320 : index
        %swap3A_666 = tpu.vector_load %arg5[%swap3A_663, %swap3A_664, %swap3A_665] {strides = array<i32>} : memref<5x16x512xf32, #tpu.memory_space<vmem>>, vector<1x1x16xf32>,
        %swap3A_667 = vector.shape_cast %swap3A_666 : vector<1x1x16xf32> to vector<16xf32>
        %swap3A_668 = vector.shape_cast %broadcast_in_dim3A_521 : vector<16xf32> to vector<1x1x16xf32>
        tpu.vector_store %arg5[%swap3A_663, %swap3A_664, %swap3A_665], %swap3A_668 {strides = array<i32>} : memref<5x16x512xf32, #tpu.memory_space<vmem>>, vector<1x1x16xf32>,
        %swap3A_669 = arith.constant 2 : i32
        %swap3A_670 = arith.index_cast %scan3A_62 : i32 to index
        %swap3A_671 = arith.index_cast %swap3A_669 : i32 to index
        %swap3A_672 = arith.constant 336 : index
        %swap3A_673 = tpu.vector_load %arg5[%swap3A_670, %swap3A_671, %swap3A_672] {strides = array<i32>} : memref<5x16x512xf32, #tpu.memory_space<vmem>>, vector<1x1x16xf32>,
        %swap3A_674 = vector.shape_cast %swap3A_673 : vector<1x1x16xf32> to vector<16xf32>
        %swap3A_675 = vector.shape_cast %broadcast_in_dim3A_521 : vector<16xf32> to vector<1x1x16xf32>
        tpu.vector_store %arg5[%swap3A_670, %swap3A_671, %swap3A_672], %swap3A_675 {strides = array<i32>} : memref<5x16x512xf32, #tpu.memory_space<vmem>>, vector<1x1x16xf32>,
        %swap3A_676 = arith.constant 2 : i32
        %swap3A_677 = arith.index_cast %scan3A_62 : i32 to index
        %swap3A_678 = arith.index_cast %swap3A_676 : i32 to index
        %swap3A_679 = arith.constant 352 : index
        %swap3A_680 = tpu.vector_load %arg5[%swap3A_677, %swap3A_678, %swap3A_679] {strides = array<i32>} : memref<5x16x512xf32, #tpu.memory_space<vmem>>, vector<1x1x16xf32>,
        %swap3A_681 = vector.shape_cast %swap3A_680 : vector<1x1x16xf32> to vector<16xf32>
        %swap3A_682 = vector.shape_cast %broadcast_in_dim3A_521 : vector<16xf32> to vector<1x1x16xf32>
        tpu.vector_store %arg5[%swap3A_677, %swap3A_678, %swap3A_679], %swap3A_682 {strides = array<i32>} : memref<5x16x512xf32, #tpu.memory_space<vmem>>, vector<1x1x16xf32>,
        %swap3A_683 = arith.constant 2 : i32
        %swap3A_684 = arith.index_cast %scan3A_62 : i32 to index
        %swap3A_685 = arith.index_cast %swap3A_683 : i32 to index
        %swap3A_686 = arith.constant 368 : index
        %swap3A_687 = tpu.vector_load %arg5[%swap3A_684, %swap3A_685, %swap3A_686] {strides = array<i32>} : memref<5x16x512xf32, #tpu.memory_space<vmem>>, vector<1x1x16xf32>,
        %swap3A_688 = vector.shape_cast %swap3A_687 : vector<1x1x16xf32> to vector<16xf32>
        %swap3A_689 = vector.shape_cast %broadcast_in_dim3A_521 : vector<16xf32> to vector<1x1x16xf32>
        tpu.vector_store %arg5[%swap3A_684, %swap3A_685, %swap3A_686], %swap3A_689 {strides = array<i32>} : memref<5x16x512xf32, #tpu.memory_space<vmem>>, vector<1x1x16xf32>,
        %swap3A_690 = arith.constant 2 : i32
        %swap3A_691 = arith.index_cast %scan3A_62 : i32 to index
        %swap3A_692 = arith.index_cast %swap3A_690 : i32 to index
        %swap3A_693 = arith.constant 384 : index
        %swap3A_694 = tpu.vector_load %arg5[%swap3A_691, %swap3A_692, %swap3A_693] {strides = array<i32>} : memref<5x16x512xf32, #tpu.memory_space<vmem>>, vector<1x1x16xf32>,
        %swap3A_695 = vector.shape_cast %swap3A_694 : vector<1x1x16xf32> to vector<16xf32>
        %swap3A_696 = vector.shape_cast %broadcast_in_dim3A_521 : vector<16xf32> to vector<1x1x16xf32>
        tpu.vector_store %arg5[%swap3A_691, %swap3A_692, %swap3A_693], %swap3A_696 {strides = array<i32>} : memref<5x16x512xf32, #tpu.memory_space<vmem>>, vector<1x1x16xf32>,
        %swap3A_697 = arith.constant 2 : i32
        %swap3A_698 = arith.index_cast %scan3A_62 : i32 to index
        %swap3A_699 = arith.index_cast %swap3A_697 : i32 to index
        %swap3A_700 = arith.constant 400 : index
        %swap3A_701 = tpu.vector_load %arg5[%swap3A_698, %swap3A_699, %swap3A_700] {strides = array<i32>} : memref<5x16x512xf32, #tpu.memory_space<vmem>>, vector<1x1x16xf32>,
        %swap3A_702 = vector.shape_cast %swap3A_701 : vector<1x1x16xf32> to vector<16xf32>
        %swap3A_703 = vector.shape_cast %broadcast_in_dim3A_521 : vector<16xf32> to vector<1x1x16xf32>
        tpu.vector_store %arg5[%swap3A_698, %swap3A_699, %swap3A_700], %swap3A_703 {strides = array<i32>} : memref<5x16x512xf32, #tpu.memory_space<vmem>>, vector<1x1x16xf32>,
        %swap3A_704 = arith.constant 2 : i32
        %swap3A_705 = arith.index_cast %scan3A_62 : i32 to index
        %swap3A_706 = arith.index_cast %swap3A_704 : i32 to index
        %swap3A_707 = arith.constant 416 : index
        %swap3A_708 = tpu.vector_load %arg5[%swap3A_705, %swap3A_706, %swap3A_707] {strides = array<i32>} : memref<5x16x512xf32, #tpu.memory_space<vmem>>, vector<1x1x16xf32>,
        %swap3A_709 = vector.shape_cast %swap3A_708 : vector<1x1x16xf32> to vector<16xf32>
        %swap3A_710 = vector.shape_cast %broadcast_in_dim3A_521 : vector<16xf32> to vector<1x1x16xf32>
        tpu.vector_store %arg5[%swap3A_705, %swap3A_706, %swap3A_707], %swap3A_710 {strides = array<i32>} : memref<5x16x512xf32, #tpu.memory_space<vmem>>, vector<1x1x16xf32>,
        %swap3A_711 = arith.constant 2 : i32
        %swap3A_712 = arith.index_cast %scan3A_62 : i32 to index
        %swap3A_713 = arith.index_cast %swap3A_711 : i32 to index
        %swap3A_714 = arith.constant 432 : index
        %swap3A_715 = tpu.vector_load %arg5[%swap3A_712, %swap3A_713, %swap3A_714] {strides = array<i32>} : memref<5x16x512xf32, #tpu.memory_space<vmem>>, vector<1x1x16xf32>,
        %swap3A_716 = vector.shape_cast %swap3A_715 : vector<1x1x16xf32> to vector<16xf32>
        %swap3A_717 = vector.shape_cast %broadcast_in_dim3A_521 : vector<16xf32> to vector<1x1x16xf32>
        tpu.vector_store %arg5[%swap3A_712, %swap3A_713, %swap3A_714], %swap3A_717 {strides = array<i32>} : memref<5x16x512xf32, #tpu.memory_space<vmem>>, vector<1x1x16xf32>,
        %swap3A_718 = arith.constant 2 : i32
        %swap3A_719 = arith.index_cast %scan3A_62 : i32 to index
        %swap3A_720 = arith.index_cast %swap3A_718 : i32 to index
        %swap3A_721 = arith.constant 448 : index
        %swap3A_722 = tpu.vector_load %arg5[%swap3A_719, %swap3A_720, %swap3A_721] {strides = array<i32>} : memref<5x16x512xf32, #tpu.memory_space<vmem>>, vector<1x1x16xf32>,
        %swap3A_723 = vector.shape_cast %swap3A_722 : vector<1x1x16xf32> to vector<16xf32>
        %swap3A_724 = vector.shape_cast %broadcast_in_dim3A_521 : vector<16xf32> to vector<1x1x16xf32>
        tpu.vector_store %arg5[%swap3A_719, %swap3A_720, %swap3A_721], %swap3A_724 {strides = array<i32>} : memref<5x16x512xf32, #tpu.memory_space<vmem>>, vector<1x1x16xf32>,
        %swap3A_725 = arith.constant 2 : i32
        %swap3A_726 = arith.index_cast %scan3A_62 : i32 to index
        %swap3A_727 = arith.index_cast %swap3A_725 : i32 to index
        %swap3A_728 = arith.constant 464 : index
        %swap3A_729 = tpu.vector_load %arg5[%swap3A_726, %swap3A_727, %swap3A_728] {strides = array<i32>} : memref<5x16x512xf32, #tpu.memory_space<vmem>>, vector<1x1x16xf32>,
        %swap3A_730 = vector.shape_cast %swap3A_729 : vector<1x1x16xf32> to vector<16xf32>
        %swap3A_731 = vector.shape_cast %broadcast_in_dim3A_521 : vector<16xf32> to vector<1x1x16xf32>
        tpu.vector_store %arg5[%swap3A_726, %swap3A_727, %swap3A_728], %swap3A_731 {strides = array<i32>} : memref<5x16x512xf32, #tpu.memory_space<vmem>>, vector<1x1x16xf32>,
        %swap3A_732 = arith.constant 2 : i32
        %swap3A_733 = arith.index_cast %scan3A_62 : i32 to index
        %swap3A_734 = arith.index_cast %swap3A_732 : i32 to index
        %swap3A_735 = arith.constant 480 : index
        %swap3A_736 = tpu.vector_load %arg5[%swap3A_733, %swap3A_734, %swap3A_735] {strides = array<i32>} : memref<5x16x512xf32, #tpu.memory_space<vmem>>, vector<1x1x16xf32>,
        %swap3A_737 = vector.shape_cast %swap3A_736 : vector<1x1x16xf32> to vector<16xf32>
        %swap3A_738 = vector.shape_cast %broadcast_in_dim3A_521 : vector<16xf32> to vector<1x1x16xf32>
        tpu.vector_store %arg5[%swap3A_733, %swap3A_734, %swap3A_735], %swap3A_738 {strides = array<i32>} : memref<5x16x512xf32, #tpu.memory_space<vmem>>, vector<1x1x16xf32>,
        %swap3A_739 = arith.constant 2 : i32
        %swap3A_740 = arith.index_cast %scan3A_62 : i32 to index
        %swap3A_741 = arith.index_cast %swap3A_739 : i32 to index
        %swap3A_742 = arith.constant 496 : index
        %swap3A_743 = tpu.vector_load %arg5[%swap3A_740, %swap3A_741, %swap3A_742] {strides = array<i32>} : memref<5x16x512xf32, #tpu.memory_space<vmem>>, vector<1x1x16xf32>,
        %swap3A_744 = vector.shape_cast %swap3A_743 : vector<1x1x16xf32> to vector<16xf32>
        %swap3A_745 = vector.shape_cast %broadcast_in_dim3A_521 : vector<16xf32> to vector<1x1x16xf32>
        tpu.vector_store %arg5[%swap3A_740, %swap3A_741, %swap3A_742], %swap3A_745 {strides = array<i32>} : memref<5x16x512xf32, #tpu.memory_space<vmem>>, vector<1x1x16xf32>,
        %slice3A_746 = vector.extract_strided_slice %max3A_68 {offsets = [3], sizes = [1], strides = [1]} : vector<16xf32> to vector<1xf32>
        %squeeze3A_747 = vector.extract %slice3A_746[0] : f32 from vector<1xf32>
        %broadcast_in_dim3A_748 = vector.broadcast %squeeze3A_747 : f32 to vector<16xf32>
        %swap3A_749 = arith.constant 3 : i32
        %swap3A_750 = arith.index_cast %scan3A_62 : i32 to index
        %swap3A_751 = arith.index_cast %swap3A_749 : i32 to index
        %swap3A_752 = arith.constant 0 : index
        %swap3A_753 = tpu.vector_load %arg5[%swap3A_750, %swap3A_751, %swap3A_752] {strides = array<i32>} : memref<5x16x512xf32, #tpu.memory_space<vmem>>, vector<1x1x16xf32>,
        %swap3A_754 = vector.shape_cast %swap3A_753 : vector<1x1x16xf32> to vector<16xf32>
        %swap3A_755 = vector.shape_cast %broadcast_in_dim3A_748 : vector<16xf32> to vector<1x1x16xf32>
        tpu.vector_store %arg5[%swap3A_750, %swap3A_751, %swap3A_752], %swap3A_755 {strides = array<i32>} : memref<5x16x512xf32, #tpu.memory_space<vmem>>, vector<1x1x16xf32>,
        %swap3A_756 = arith.constant 3 : i32
        %swap3A_757 = arith.index_cast %scan3A_62 : i32 to index
        %swap3A_758 = arith.index_cast %swap3A_756 : i32 to index
        %swap3A_759 = arith.constant 16 : index
        %swap3A_760 = tpu.vector_load %arg5[%swap3A_757, %swap3A_758, %swap3A_759] {strides = array<i32>} : memref<5x16x512xf32, #tpu.memory_space<vmem>>, vector<1x1x16xf32>,
        %swap3A_761 = vector.shape_cast %swap3A_760 : vector<1x1x16xf32> to vector<16xf32>
        %swap3A_762 = vector.shape_cast %broadcast_in_dim3A_748 : vector<16xf32> to vector<1x1x16xf32>
        tpu.vector_store %arg5[%swap3A_757, %swap3A_758, %swap3A_759], %swap3A_762 {strides = array<i32>} : memref<5x16x512xf32, #tpu.memory_space<vmem>>, vector<1x1x16xf32>,
        %swap3A_763 = arith.constant 3 : i32
        %swap3A_764 = arith.index_cast %scan3A_62 : i32 to index
        %swap3A_765 = arith.index_cast %swap3A_763 : i32 to index
        %swap3A_766 = arith.constant 32 : index
        %swap3A_767 = tpu.vector_load %arg5[%swap3A_764, %swap3A_765, %swap3A_766] {strides = array<i32>} : memref<5x16x512xf32, #tpu.memory_space<vmem>>, vector<1x1x16xf32>,
        %swap3A_768 = vector.shape_cast %swap3A_767 : vector<1x1x16xf32> to vector<16xf32>
        %swap3A_769 = vector.shape_cast %broadcast_in_dim3A_748 : vector<16xf32> to vector<1x1x16xf32>
        tpu.vector_store %arg5[%swap3A_764, %swap3A_765, %swap3A_766], %swap3A_769 {strides = array<i32>} : memref<5x16x512xf32, #tpu.memory_space<vmem>>, vector<1x1x16xf32>,
        %swap3A_770 = arith.constant 3 : i32
        %swap3A_771 = arith.index_cast %scan3A_62 : i32 to index
        %swap3A_772 = arith.index_cast %swap3A_770 : i32 to index
        %swap3A_773 = arith.constant 48 : index
        %swap3A_774 = tpu.vector_load %arg5[%swap3A_771, %swap3A_772, %swap3A_773] {strides = array<i32>} : memref<5x16x512xf32, #tpu.memory_space<vmem>>, vector<1x1x16xf32>,
        %swap3A_775 = vector.shape_cast %swap3A_774 : vector<1x1x16xf32> to vector<16xf32>
        %swap3A_776 = vector.shape_cast %broadcast_in_dim3A_748 : vector<16xf32> to vector<1x1x16xf32>
        tpu.vector_store %arg5[%swap3A_771, %swap3A_772, %swap3A_773], %swap3A_776 {strides = array<i32>} : memref<5x16x512xf32, #tpu.memory_space<vmem>>, vector<1x1x16xf32>,
        %swap3A_777 = arith.constant 3 : i32
        %swap3A_778 = arith.index_cast %scan3A_62 : i32 to index
        %swap3A_779 = arith.index_cast %swap3A_777 : i32 to index
        %swap3A_780 = arith.constant 64 : index
        %swap3A_781 = tpu.vector_load %arg5[%swap3A_778, %swap3A_779, %swap3A_780] {strides = array<i32>} : memref<5x16x512xf32, #tpu.memory_space<vmem>>, vector<1x1x16xf32>,
        %swap3A_782 = vector.shape_cast %swap3A_781 : vector<1x1x16xf32> to vector<16xf32>
        %swap3A_783 = vector.shape_cast %broadcast_in_dim3A_748 : vector<16xf32> to vector<1x1x16xf32>
        tpu.vector_store %arg5[%swap3A_778, %swap3A_779, %swap3A_780], %swap3A_783 {strides = array<i32>} : memref<5x16x512xf32, #tpu.memory_space<vmem>>, vector<1x1x16xf32>,
        %swap3A_784 = arith.constant 3 : i32
        %swap3A_785 = arith.index_cast %scan3A_62 : i32 to index
        %swap3A_786 = arith.index_cast %swap3A_784 : i32 to index
        %swap3A_787 = arith.constant 80 : index
        %swap3A_788 = tpu.vector_load %arg5[%swap3A_785, %swap3A_786, %swap3A_787] {strides = array<i32>} : memref<5x16x512xf32, #tpu.memory_space<vmem>>, vector<1x1x16xf32>,
        %swap3A_789 = vector.shape_cast %swap3A_788 : vector<1x1x16xf32> to vector<16xf32>
        %swap3A_790 = vector.shape_cast %broadcast_in_dim3A_748 : vector<16xf32> to vector<1x1x16xf32>
        tpu.vector_store %arg5[%swap3A_785, %swap3A_786, %swap3A_787], %swap3A_790 {strides = array<i32>} : memref<5x16x512xf32, #tpu.memory_space<vmem>>, vector<1x1x16xf32>,
        %swap3A_791 = arith.constant 3 : i32
        %swap3A_792 = arith.index_cast %scan3A_62 : i32 to index
        %swap3A_793 = arith.index_cast %swap3A_791 : i32 to index
        %swap3A_794 = arith.constant 96 : index
        %swap3A_795 = tpu.vector_load %arg5[%swap3A_792, %swap3A_793, %swap3A_794] {strides = array<i32>} : memref<5x16x512xf32, #tpu.memory_space<vmem>>, vector<1x1x16xf32>,
        %swap3A_796 = vector.shape_cast %swap3A_795 : vector<1x1x16xf32> to vector<16xf32>
        %swap3A_797 = vector.shape_cast %broadcast_in_dim3A_748 : vector<16xf32> to vector<1x1x16xf32>
        tpu.vector_store %arg5[%swap3A_792, %swap3A_793, %swap3A_794], %swap3A_797 {strides = array<i32>} : memref<5x16x512xf32, #tpu.memory_space<vmem>>, vector<1x1x16xf32>,
        %swap3A_798 = arith.constant 3 : i32
        %swap3A_799 = arith.index_cast %scan3A_62 : i32 to index
        %swap3A_800 = arith.index_cast %swap3A_798 : i32 to index
        %swap3A_801 = arith.constant 112 : index
        %swap3A_802 = tpu.vector_load %arg5[%swap3A_799, %swap3A_800, %swap3A_801] {strides = array<i32>} : memref<5x16x512xf32, #tpu.memory_space<vmem>>, vector<1x1x16xf32>,
        %swap3A_803 = vector.shape_cast %swap3A_802 : vector<1x1x16xf32> to vector<16xf32>
        %swap3A_804 = vector.shape_cast %broadcast_in_dim3A_748 : vector<16xf32> to vector<1x1x16xf32>
        tpu.vector_store %arg5[%swap3A_799, %swap3A_800, %swap3A_801], %swap3A_804 {strides = array<i32>} : memref<5x16x512xf32, #tpu.memory_space<vmem>>, vector<1x1x16xf32>,
        %swap3A_805 = arith.constant 3 : i32
        %swap3A_806 = arith.index_cast %scan3A_62 : i32 to index
        %swap3A_807 = arith.index_cast %swap3A_805 : i32 to index
        %swap3A_808 = arith.constant 128 : index
        %swap3A_809 = tpu.vector_load %arg5[%swap3A_806, %swap3A_807, %swap3A_808] {strides = array<i32>} : memref<5x16x512xf32, #tpu.memory_space<vmem>>, vector<1x1x16xf32>,
        %swap3A_810 = vector.shape_cast %swap3A_809 : vector<1x1x16xf32> to vector<16xf32>
        %swap3A_811 = vector.shape_cast %broadcast_in_dim3A_748 : vector<16xf32> to vector<1x1x16xf32>
        tpu.vector_store %arg5[%swap3A_806, %swap3A_807, %swap3A_808], %swap3A_811 {strides = array<i32>} : memref<5x16x512xf32, #tpu.memory_space<vmem>>, vector<1x1x16xf32>,
        %swap3A_812 = arith.constant 3 : i32
        %swap3A_813 = arith.index_cast %scan3A_62 : i32 to index
        %swap3A_814 = arith.index_cast %swap3A_812 : i32 to index
        %swap3A_815 = arith.constant 144 : index
        %swap3A_816 = tpu.vector_load %arg5[%swap3A_813, %swap3A_814, %swap3A_815] {strides = array<i32>} : memref<5x16x512xf32, #tpu.memory_space<vmem>>, vector<1x1x16xf32>,
        %swap3A_817 = vector.shape_cast %swap3A_816 : vector<1x1x16xf32> to vector<16xf32>
        %swap3A_818 = vector.shape_cast %broadcast_in_dim3A_748 : vector<16xf32> to vector<1x1x16xf32>
        tpu.vector_store %arg5[%swap3A_813, %swap3A_814, %swap3A_815], %swap3A_818 {strides = array<i32>} : memref<5x16x512xf32, #tpu.memory_space<vmem>>, vector<1x1x16xf32>,
        %swap3A_819 = arith.constant 3 : i32
        %swap3A_820 = arith.index_cast %scan3A_62 : i32 to index
        %swap3A_821 = arith.index_cast %swap3A_819 : i32 to index
        %swap3A_822 = arith.constant 160 : index
        %swap3A_823 = tpu.vector_load %arg5[%swap3A_820, %swap3A_821, %swap3A_822] {strides = array<i32>} : memref<5x16x512xf32, #tpu.memory_space<vmem>>, vector<1x1x16xf32>,
        %swap3A_824 = vector.shape_cast %swap3A_823 : vector<1x1x16xf32> to vector<16xf32>
        %swap3A_825 = vector.shape_cast %broadcast_in_dim3A_748 : vector<16xf32> to vector<1x1x16xf32>
        tpu.vector_store %arg5[%swap3A_820, %swap3A_821, %swap3A_822], %swap3A_825 {strides = array<i32>} : memref<5x16x512xf32, #tpu.memory_space<vmem>>, vector<1x1x16xf32>,
        %swap3A_826 = arith.constant 3 : i32
        %swap3A_827 = arith.index_cast %scan3A_62 : i32 to index
        %swap3A_828 = arith.index_cast %swap3A_826 : i32 to index
        %swap3A_829 = arith.constant 176 : index
        %swap3A_830 = tpu.vector_load %arg5[%swap3A_827, %swap3A_828, %swap3A_829] {strides = array<i32>} : memref<5x16x512xf32, #tpu.memory_space<vmem>>, vector<1x1x16xf32>,
        %swap3A_831 = vector.shape_cast %swap3A_830 : vector<1x1x16xf32> to vector<16xf32>
        %swap3A_832 = vector.shape_cast %broadcast_in_dim3A_748 : vector<16xf32> to vector<1x1x16xf32>
        tpu.vector_store %arg5[%swap3A_827, %swap3A_828, %swap3A_829], %swap3A_832 {strides = array<i32>} : memref<5x16x512xf32, #tpu.memory_space<vmem>>, vector<1x1x16xf32>,
        %swap3A_833 = arith.constant 3 : i32
        %swap3A_834 = arith.index_cast %scan3A_62 : i32 to index
        %swap3A_835 = arith.index_cast %swap3A_833 : i32 to index
        %swap3A_836 = arith.constant 192 : index
        %swap3A_837 = tpu.vector_load %arg5[%swap3A_834, %swap3A_835, %swap3A_836] {strides = array<i32>} : memref<5x16x512xf32, #tpu.memory_space<vmem>>, vector<1x1x16xf32>,
        %swap3A_838 = vector.shape_cast %swap3A_837 : vector<1x1x16xf32> to vector<16xf32>
        %swap3A_839 = vector.shape_cast %broadcast_in_dim3A_748 : vector<16xf32> to vector<1x1x16xf32>
        tpu.vector_store %arg5[%swap3A_834, %swap3A_835, %swap3A_836], %swap3A_839 {strides = array<i32>} : memref<5x16x512xf32, #tpu.memory_space<vmem>>, vector<1x1x16xf32>,
        %swap3A_840 = arith.constant 3 : i32
        %swap3A_841 = arith.index_cast %scan3A_62 : i32 to index
        %swap3A_842 = arith.index_cast %swap3A_840 : i32 to index
        %swap3A_843 = arith.constant 208 : index
        %swap3A_844 = tpu.vector_load %arg5[%swap3A_841, %swap3A_842, %swap3A_843] {strides = array<i32>} : memref<5x16x512xf32, #tpu.memory_space<vmem>>, vector<1x1x16xf32>,
        %swap3A_845 = vector.shape_cast %swap3A_844 : vector<1x1x16xf32> to vector<16xf32>
        %swap3A_846 = vector.shape_cast %broadcast_in_dim3A_748 : vector<16xf32> to vector<1x1x16xf32>
        tpu.vector_store %arg5[%swap3A_841, %swap3A_842, %swap3A_843], %swap3A_846 {strides = array<i32>} : memref<5x16x512xf32, #tpu.memory_space<vmem>>, vector<1x1x16xf32>,
        %swap3A_847 = arith.constant 3 : i32
        %swap3A_848 = arith.index_cast %scan3A_62 : i32 to index
        %swap3A_849 = arith.index_cast %swap3A_847 : i32 to index
        %swap3A_850 = arith.constant 224 : index
        %swap3A_851 = tpu.vector_load %arg5[%swap3A_848, %swap3A_849, %swap3A_850] {strides = array<i32>} : memref<5x16x512xf32, #tpu.memory_space<vmem>>, vector<1x1x16xf32>,
        %swap3A_852 = vector.shape_cast %swap3A_851 : vector<1x1x16xf32> to vector<16xf32>
        %swap3A_853 = vector.shape_cast %broadcast_in_dim3A_748 : vector<16xf32> to vector<1x1x16xf32>
        tpu.vector_store %arg5[%swap3A_848, %swap3A_849, %swap3A_850], %swap3A_853 {strides = array<i32>} : memref<5x16x512xf32, #tpu.memory_space<vmem>>, vector<1x1x16xf32>,
        %swap3A_854 = arith.constant 3 : i32
        %swap3A_855 = arith.index_cast %scan3A_62 : i32 to index
        %swap3A_856 = arith.index_cast %swap3A_854 : i32 to index
        %swap3A_857 = arith.constant 240 : index
        %swap3A_858 = tpu.vector_load %arg5[%swap3A_855, %swap3A_856, %swap3A_857] {strides = array<i32>} : memref<5x16x512xf32, #tpu.memory_space<vmem>>, vector<1x1x16xf32>,
        %swap3A_859 = vector.shape_cast %swap3A_858 : vector<1x1x16xf32> to vector<16xf32>
        %swap3A_860 = vector.shape_cast %broadcast_in_dim3A_748 : vector<16xf32> to vector<1x1x16xf32>
        tpu.vector_store %arg5[%swap3A_855, %swap3A_856, %swap3A_857], %swap3A_860 {strides = array<i32>} : memref<5x16x512xf32, #tpu.memory_space<vmem>>, vector<1x1x16xf32>,
        %swap3A_861 = arith.constant 3 : i32
        %swap3A_862 = arith.index_cast %scan3A_62 : i32 to index
        %swap3A_863 = arith.index_cast %swap3A_861 : i32 to index
        %swap3A_864 = arith.constant 256 : index
        %swap3A_865 = tpu.vector_load %arg5[%swap3A_862, %swap3A_863, %swap3A_864] {strides = array<i32>} : memref<5x16x512xf32, #tpu.memory_space<vmem>>, vector<1x1x16xf32>,
        %swap3A_866 = vector.shape_cast %swap3A_865 : vector<1x1x16xf32> to vector<16xf32>
        %swap3A_867 = vector.shape_cast %broadcast_in_dim3A_748 : vector<16xf32> to vector<1x1x16xf32>
        tpu.vector_store %arg5[%swap3A_862, %swap3A_863, %swap3A_864], %swap3A_867 {strides = array<i32>} : memref<5x16x512xf32, #tpu.memory_space<vmem>>, vector<1x1x16xf32>,
        %swap3A_868 = arith.constant 3 : i32
        %swap3A_869 = arith.index_cast %scan3A_62 : i32 to index
        %swap3A_870 = arith.index_cast %swap3A_868 : i32 to index
        %swap3A_871 = arith.constant 272 : index
        %swap3A_872 = tpu.vector_load %arg5[%swap3A_869, %swap3A_870, %swap3A_871] {strides = array<i32>} : memref<5x16x512xf32, #tpu.memory_space<vmem>>, vector<1x1x16xf32>,
        %swap3A_873 = vector.shape_cast %swap3A_872 : vector<1x1x16xf32> to vector<16xf32>
        %swap3A_874 = vector.shape_cast %broadcast_in_dim3A_748 : vector<16xf32> to vector<1x1x16xf32>
        tpu.vector_store %arg5[%swap3A_869, %swap3A_870, %swap3A_871], %swap3A_874 {strides = array<i32>} : memref<5x16x512xf32, #tpu.memory_space<vmem>>, vector<1x1x16xf32>,
        %swap3A_875 = arith.constant 3 : i32
        %swap3A_876 = arith.index_cast %scan3A_62 : i32 to index
        %swap3A_877 = arith.index_cast %swap3A_875 : i32 to index
        %swap3A_878 = arith.constant 288 : index
        %swap3A_879 = tpu.vector_load %arg5[%swap3A_876, %swap3A_877, %swap3A_878] {strides = array<i32>} : memref<5x16x512xf32, #tpu.memory_space<vmem>>, vector<1x1x16xf32>,
        %swap3A_880 = vector.shape_cast %swap3A_879 : vector<1x1x16xf32> to vector<16xf32>
        %swap3A_881 = vector.shape_cast %broadcast_in_dim3A_748 : vector<16xf32> to vector<1x1x16xf32>
        tpu.vector_store %arg5[%swap3A_876, %swap3A_877, %swap3A_878], %swap3A_881 {strides = array<i32>} : memref<5x16x512xf32, #tpu.memory_space<vmem>>, vector<1x1x16xf32>,
        %swap3A_882 = arith.constant 3 : i32
        %swap3A_883 = arith.index_cast %scan3A_62 : i32 to index
        %swap3A_884 = arith.index_cast %swap3A_882 : i32 to index
        %swap3A_885 = arith.constant 304 : index
        %swap3A_886 = tpu.vector_load %arg5[%swap3A_883, %swap3A_884, %swap3A_885] {strides = array<i32>} : memref<5x16x512xf32, #tpu.memory_space<vmem>>, vector<1x1x16xf32>,
        %swap3A_887 = vector.shape_cast %swap3A_886 : vector<1x1x16xf32> to vector<16xf32>
        %swap3A_888 = vector.shape_cast %broadcast_in_dim3A_748 : vector<16xf32> to vector<1x1x16xf32>
        tpu.vector_store %arg5[%swap3A_883, %swap3A_884, %swap3A_885], %swap3A_888 {strides = array<i32>} : memref<5x16x512xf32, #tpu.memory_space<vmem>>, vector<1x1x16xf32>,
        %swap3A_889 = arith.constant 3 : i32
        %swap3A_890 = arith.index_cast %scan3A_62 : i32 to index
        %swap3A_891 = arith.index_cast %swap3A_889 : i32 to index
        %swap3A_892 = arith.constant 320 : index
        %swap3A_893 = tpu.vector_load %arg5[%swap3A_890, %swap3A_891, %swap3A_892] {strides = array<i32>} : memref<5x16x512xf32, #tpu.memory_space<vmem>>, vector<1x1x16xf32>,
        %swap3A_894 = vector.shape_cast %swap3A_893 : vector<1x1x16xf32> to vector<16xf32>
        %swap3A_895 = vector.shape_cast %broadcast_in_dim3A_748 : vector<16xf32> to vector<1x1x16xf32>
        tpu.vector_store %arg5[%swap3A_890, %swap3A_891, %swap3A_892], %swap3A_895 {strides = array<i32>} : memref<5x16x512xf32, #tpu.memory_space<vmem>>, vector<1x1x16xf32>,
        %swap3A_896 = arith.constant 3 : i32
        %swap3A_897 = arith.index_cast %scan3A_62 : i32 to index
        %swap3A_898 = arith.index_cast %swap3A_896 : i32 to index
        %swap3A_899 = arith.constant 336 : index
        %swap3A_900 = tpu.vector_load %arg5[%swap3A_897, %swap3A_898, %swap3A_899] {strides = array<i32>} : memref<5x16x512xf32, #tpu.memory_space<vmem>>, vector<1x1x16xf32>,
        %swap3A_901 = vector.shape_cast %swap3A_900 : vector<1x1x16xf32> to vector<16xf32>
        %swap3A_902 = vector.shape_cast %broadcast_in_dim3A_748 : vector<16xf32> to vector<1x1x16xf32>
        tpu.vector_store %arg5[%swap3A_897, %swap3A_898, %swap3A_899], %swap3A_902 {strides = array<i32>} : memref<5x16x512xf32, #tpu.memory_space<vmem>>, vector<1x1x16xf32>,
        %swap3A_903 = arith.constant 3 : i32
        %swap3A_904 = arith.index_cast %scan3A_62 : i32 to index
        %swap3A_905 = arith.index_cast %swap3A_903 : i32 to index
        %swap3A_906 = arith.constant 352 : index
        %swap3A_907 = tpu.vector_load %arg5[%swap3A_904, %swap3A_905, %swap3A_906] {strides = array<i32>} : memref<5x16x512xf32, #tpu.memory_space<vmem>>, vector<1x1x16xf32>,
        %swap3A_908 = vector.shape_cast %swap3A_907 : vector<1x1x16xf32> to vector<16xf32>
        %swap3A_909 = vector.shape_cast %broadcast_in_dim3A_748 : vector<16xf32> to vector<1x1x16xf32>
        tpu.vector_store %arg5[%swap3A_904, %swap3A_905, %swap3A_906], %swap3A_909 {strides = array<i32>} : memref<5x16x512xf32, #tpu.memory_space<vmem>>, vector<1x1x16xf32>,
        %swap3A_910 = arith.constant 3 : i32
        %swap3A_911 = arith.index_cast %scan3A_62 : i32 to index
        %swap3A_912 = arith.index_cast %swap3A_910 : i32 to index
        %swap3A_913 = arith.constant 368 : index
        %swap3A_914 = tpu.vector_load %arg5[%swap3A_911, %swap3A_912, %swap3A_913] {strides = array<i32>} : memref<5x16x512xf32, #tpu.memory_space<vmem>>, vector<1x1x16xf32>,
        %swap3A_915 = vector.shape_cast %swap3A_914 : vector<1x1x16xf32> to vector<16xf32>
        %swap3A_916 = vector.shape_cast %broadcast_in_dim3A_748 : vector<16xf32> to vector<1x1x16xf32>
        tpu.vector_store %arg5[%swap3A_911, %swap3A_912, %swap3A_913], %swap3A_916 {strides = array<i32>} : memref<5x16x512xf32, #tpu.memory_space<vmem>>, vector<1x1x16xf32>,
        %swap3A_917 = arith.constant 3 : i32
        %swap3A_918 = arith.index_cast %scan3A_62 : i32 to index
        %swap3A_919 = arith.index_cast %swap3A_917 : i32 to index
        %swap3A_920 = arith.constant 384 : index
        %swap3A_921 = tpu.vector_load %arg5[%swap3A_918, %swap3A_919, %swap3A_920] {strides = array<i32>} : memref<5x16x512xf32, #tpu.memory_space<vmem>>, vector<1x1x16xf32>,
        %swap3A_922 = vector.shape_cast %swap3A_921 : vector<1x1x16xf32> to vector<16xf32>
        %swap3A_923 = vector.shape_cast %broadcast_in_dim3A_748 : vector<16xf32> to vector<1x1x16xf32>
        tpu.vector_store %arg5[%swap3A_918, %swap3A_919, %swap3A_920], %swap3A_923 {strides = array<i32>} : memref<5x16x512xf32, #tpu.memory_space<vmem>>, vector<1x1x16xf32>,
        %swap3A_924 = arith.constant 3 : i32
        %swap3A_925 = arith.index_cast %scan3A_62 : i32 to index
        %swap3A_926 = arith.index_cast %swap3A_924 : i32 to index
        %swap3A_927 = arith.constant 400 : index
        %swap3A_928 = tpu.vector_load %arg5[%swap3A_925, %swap3A_926, %swap3A_927] {strides = array<i32>} : memref<5x16x512xf32, #tpu.memory_space<vmem>>, vector<1x1x16xf32>,
        %swap3A_929 = vector.shape_cast %swap3A_928 : vector<1x1x16xf32> to vector<16xf32>
        %swap3A_930 = vector.shape_cast %broadcast_in_dim3A_748 : vector<16xf32> to vector<1x1x16xf32>
        tpu.vector_store %arg5[%swap3A_925, %swap3A_926, %swap3A_927], %swap3A_930 {strides = array<i32>} : memref<5x16x512xf32, #tpu.memory_space<vmem>>, vector<1x1x16xf32>,
        %swap3A_931 = arith.constant 3 : i32
        %swap3A_932 = arith.index_cast %scan3A_62 : i32 to index
        %swap3A_933 = arith.index_cast %swap3A_931 : i32 to index
        %swap3A_934 = arith.constant 416 : index
        %swap3A_935 = tpu.vector_load %arg5[%swap3A_932, %swap3A_933, %swap3A_934] {strides = array<i32>} : memref<5x16x512xf32, #tpu.memory_space<vmem>>, vector<1x1x16xf32>,
        %swap3A_936 = vector.shape_cast %swap3A_935 : vector<1x1x16xf32> to vector<16xf32>
        %swap3A_937 = vector.shape_cast %broadcast_in_dim3A_748 : vector<16xf32> to vector<1x1x16xf32>
        tpu.vector_store %arg5[%swap3A_932, %swap3A_933, %swap3A_934], %swap3A_937 {strides = array<i32>} : memref<5x16x512xf32, #tpu.memory_space<vmem>>, vector<1x1x16xf32>,
        %swap3A_938 = arith.constant 3 : i32
        %swap3A_939 = arith.index_cast %scan3A_62 : i32 to index
        %swap3A_940 = arith.index_cast %swap3A_938 : i32 to index
        %swap3A_941 = arith.constant 432 : index
        %swap3A_942 = tpu.vector_load %arg5[%swap3A_939, %swap3A_940, %swap3A_941] {strides = array<i32>} : memref<5x16x512xf32, #tpu.memory_space<vmem>>, vector<1x1x16xf32>,
        %swap3A_943 = vector.shape_cast %swap3A_942 : vector<1x1x16xf32> to vector<16xf32>
        %swap3A_944 = vector.shape_cast %broadcast_in_dim3A_748 : vector<16xf32> to vector<1x1x16xf32>
        tpu.vector_store %arg5[%swap3A_939, %swap3A_940, %swap3A_941], %swap3A_944 {strides = array<i32>} : memref<5x16x512xf32, #tpu.memory_space<vmem>>, vector<1x1x16xf32>,
        %swap3A_945 = arith.constant 3 : i32
        %swap3A_946 = arith.index_cast %scan3A_62 : i32 to index
        %swap3A_947 = arith.index_cast %swap3A_945 : i32 to index
        %swap3A_948 = arith.constant 448 : index
        %swap3A_949 = tpu.vector_load %arg5[%swap3A_946, %swap3A_947, %swap3A_948] {strides = array<i32>} : memref<5x16x512xf32, #tpu.memory_space<vmem>>, vector<1x1x16xf32>,
        %swap3A_950 = vector.shape_cast %swap3A_949 : vector<1x1x16xf32> to vector<16xf32>
        %swap3A_951 = vector.shape_cast %broadcast_in_dim3A_748 : vector<16xf32> to vector<1x1x16xf32>
        tpu.vector_store %arg5[%swap3A_946, %swap3A_947, %swap3A_948], %swap3A_951 {strides = array<i32>} : memref<5x16x512xf32, #tpu.memory_space<vmem>>, vector<1x1x16xf32>,
        %swap3A_952 = arith.constant 3 : i32
        %swap3A_953 = arith.index_cast %scan3A_62 : i32 to index
        %swap3A_954 = arith.index_cast %swap3A_952 : i32 to index
        %swap3A_955 = arith.constant 464 : index
        %swap3A_956 = tpu.vector_load %arg5[%swap3A_953, %swap3A_954, %swap3A_955] {strides = array<i32>} : memref<5x16x512xf32, #tpu.memory_space<vmem>>, vector<1x1x16xf32>,
        %swap3A_957 = vector.shape_cast %swap3A_956 : vector<1x1x16xf32> to vector<16xf32>
        %swap3A_958 = vector.shape_cast %broadcast_in_dim3A_748 : vector<16xf32> to vector<1x1x16xf32>
        tpu.vector_store %arg5[%swap3A_953, %swap3A_954, %swap3A_955], %swap3A_958 {strides = array<i32>} : memref<5x16x512xf32, #tpu.memory_space<vmem>>, vector<1x1x16xf32>,
        %swap3A_959 = arith.constant 3 : i32
        %swap3A_960 = arith.index_cast %scan3A_62 : i32 to index
        %swap3A_961 = arith.index_cast %swap3A_959 : i32 to index
        %swap3A_962 = arith.constant 480 : index
        %swap3A_963 = tpu.vector_load %arg5[%swap3A_960, %swap3A_961, %swap3A_962] {strides = array<i32>} : memref<5x16x512xf32, #tpu.memory_space<vmem>>, vector<1x1x16xf32>,
        %swap3A_964 = vector.shape_cast %swap3A_963 : vector<1x1x16xf32> to vector<16xf32>
        %swap3A_965 = vector.shape_cast %broadcast_in_dim3A_748 : vector<16xf32> to vector<1x1x16xf32>
        tpu.vector_store %arg5[%swap3A_960, %swap3A_961, %swap3A_962], %swap3A_965 {strides = array<i32>} : memref<5x16x512xf32, #tpu.memory_space<vmem>>, vector<1x1x16xf32>,
        %swap3A_966 = arith.constant 3 : i32
        %swap3A_967 = arith.index_cast %scan3A_62 : i32 to index
        %swap3A_968 = arith.index_cast %swap3A_966 : i32 to index
        %swap3A_969 = arith.constant 496 : index
        %swap3A_970 = tpu.vector_load %arg5[%swap3A_967, %swap3A_968, %swap3A_969] {strides = array<i32>} : memref<5x16x512xf32, #tpu.memory_space<vmem>>, vector<1x1x16xf32>,
        %swap3A_971 = vector.shape_cast %swap3A_970 : vector<1x1x16xf32> to vector<16xf32>
        %swap3A_972 = vector.shape_cast %broadcast_in_dim3A_748 : vector<16xf32> to vector<1x1x16xf32>
        tpu.vector_store %arg5[%swap3A_967, %swap3A_968, %swap3A_969], %swap3A_972 {strides = array<i32>} : memref<5x16x512xf32, #tpu.memory_space<vmem>>, vector<1x1x16xf32>,
        %slice3A_973 = vector.extract_strided_slice %max3A_68 {offsets = [4], sizes = [1], strides = [1]} : vector<16xf32> to vector<1xf32>
        %squeeze3A_974 = vector.extract %slice3A_973[0] : f32 from vector<1xf32>
        %broadcast_in_dim3A_975 = vector.broadcast %squeeze3A_974 : f32 to vector<16xf32>
        %swap3A_976 = arith.constant 4 : i32
        %swap3A_977 = arith.index_cast %scan3A_62 : i32 to index
        %swap3A_978 = arith.index_cast %swap3A_976 : i32 to index
        %swap3A_979 = arith.constant 0 : index
        %swap3A_980 = tpu.vector_load %arg5[%swap3A_977, %swap3A_978, %swap3A_979] {strides = array<i32>} : memref<5x16x512xf32, #tpu.memory_space<vmem>>, vector<1x1x16xf32>,
        %swap3A_981 = vector.shape_cast %swap3A_980 : vector<1x1x16xf32> to vector<16xf32>
        %swap3A_982 = vector.shape_cast %broadcast_in_dim3A_975 : vector<16xf32> to vector<1x1x16xf32>
        tpu.vector_store %arg5[%swap3A_977, %swap3A_978, %swap3A_979], %swap3A_982 {strides = array<i32>} : memref<5x16x512xf32, #tpu.memory_space<vmem>>, vector<1x1x16xf32>,
        %swap3A_983 = arith.constant 4 : i32
        %swap3A_984 = arith.index_cast %scan3A_62 : i32 to index
        %swap3A_985 = arith.index_cast %swap3A_983 : i32 to index
        %swap3A_986 = arith.constant 16 : index
        %swap3A_987 = tpu.vector_load %arg5[%swap3A_984, %swap3A_985, %swap3A_986] {strides = array<i32>} : memref<5x16x512xf32, #tpu.memory_space<vmem>>, vector<1x1x16xf32>,
        %swap3A_988 = vector.shape_cast %swap3A_987 : vector<1x1x16xf32> to vector<16xf32>
        %swap3A_989 = vector.shape_cast %broadcast_in_dim3A_975 : vector<16xf32> to vector<1x1x16xf32>
        tpu.vector_store %arg5[%swap3A_984, %swap3A_985, %swap3A_986], %swap3A_989 {strides = array<i32>} : memref<5x16x512xf32, #tpu.memory_space<vmem>>, vector<1x1x16xf32>,
        %swap3A_990 = arith.constant 4 : i32
        %swap3A_991 = arith.index_cast %scan3A_62 : i32 to index
        %swap3A_992 = arith.index_cast %swap3A_990 : i32 to index
        %swap3A_993 = arith.constant 32 : index
        %swap3A_994 = tpu.vector_load %arg5[%swap3A_991, %swap3A_992, %swap3A_993] {strides = array<i32>} : memref<5x16x512xf32, #tpu.memory_space<vmem>>, vector<1x1x16xf32>,
        %swap3A_995 = vector.shape_cast %swap3A_994 : vector<1x1x16xf32> to vector<16xf32>
        %swap3A_996 = vector.shape_cast %broadcast_in_dim3A_975 : vector<16xf32> to vector<1x1x16xf32>
        tpu.vector_store %arg5[%swap3A_991, %swap3A_992, %swap3A_993], %swap3A_996 {strides = array<i32>} : memref<5x16x512xf32, #tpu.memory_space<vmem>>, vector<1x1x16xf32>,
        %swap3A_997 = arith.constant 4 : i32
        %swap3A_998 = arith.index_cast %scan3A_62 : i32 to index
        %swap3A_999 = arith.index_cast %swap3A_997 : i32 to index
        %swap3A_1000 = arith.constant 48 : index
        %swap3A_1001 = tpu.vector_load %arg5[%swap3A_998, %swap3A_999, %swap3A_1000] {strides = array<i32>} : memref<5x16x512xf32, #tpu.memory_space<vmem>>, vector<1x1x16xf32>,
        %swap3A_1002 = vector.shape_cast %swap3A_1001 : vector<1x1x16xf32> to vector<16xf32>
        %swap3A_1003 = vector.shape_cast %broadcast_in_dim3A_975 : vector<16xf32> to vector<1x1x16xf32>
        tpu.vector_store %arg5[%swap3A_998, %swap3A_999, %swap3A_1000], %swap3A_1003 {strides = array<i32>} : memref<5x16x512xf32, #tpu.memory_space<vmem>>, vector<1x1x16xf32>,
        %swap3A_1004 = arith.constant 4 : i32
        %swap3A_1005 = arith.index_cast %scan3A_62 : i32 to index
        %swap3A_1006 = arith.index_cast %swap3A_1004 : i32 to index
        %swap3A_1007 = arith.constant 64 : index
        %swap3A_1008 = tpu.vector_load %arg5[%swap3A_1005, %swap3A_1006, %swap3A_1007] {strides = array<i32>} : memref<5x16x512xf32, #tpu.memory_space<vmem>>, vector<1x1x16xf32>,
        %swap3A_1009 = vector.shape_cast %swap3A_1008 : vector<1x1x16xf32> to vector<16xf32>
        %swap3A_1010 = vector.shape_cast %broadcast_in_dim3A_975 : vector<16xf32> to vector<1x1x16xf32>
        tpu.vector_store %arg5[%swap3A_1005, %swap3A_1006, %swap3A_1007], %swap3A_1010 {strides = array<i32>} : memref<5x16x512xf32, #tpu.memory_space<vmem>>, vector<1x1x16xf32>,
        %swap3A_1011 = arith.constant 4 : i32
        %swap3A_1012 = arith.index_cast %scan3A_62 : i32 to index
        %swap3A_1013 = arith.index_cast %swap3A_1011 : i32 to index
        %swap3A_1014 = arith.constant 80 : index
        %swap3A_1015 = tpu.vector_load %arg5[%swap3A_1012, %swap3A_1013, %swap3A_1014] {strides = array<i32>} : memref<5x16x512xf32, #tpu.memory_space<vmem>>, vector<1x1x16xf32>,
        %swap3A_1016 = vector.shape_cast %swap3A_1015 : vector<1x1x16xf32> to vector<16xf32>
        %swap3A_1017 = vector.shape_cast %broadcast_in_dim3A_975 : vector<16xf32> to vector<1x1x16xf32>
        tpu.vector_store %arg5[%swap3A_1012, %swap3A_1013, %swap3A_1014], %swap3A_1017 {strides = array<i32>} : memref<5x16x512xf32, #tpu.memory_space<vmem>>, vector<1x1x16xf32>,
        %swap3A_1018 = arith.constant 4 : i32
        %swap3A_1019 = arith.index_cast %scan3A_62 : i32 to index
        %swap3A_1020 = arith.index_cast %swap3A_1018 : i32 to index
        %swap3A_1021 = arith.constant 96 : index
        %swap3A_1022 = tpu.vector_load %arg5[%swap3A_1019, %swap3A_1020, %swap3A_1021] {strides = array<i32>} : memref<5x16x512xf32, #tpu.memory_space<vmem>>, vector<1x1x16xf32>,
        %swap3A_1023 = vector.shape_cast %swap3A_1022 : vector<1x1x16xf32> to vector<16xf32>
        %swap3A_1024 = vector.shape_cast %broadcast_in_dim3A_975 : vector<16xf32> to vector<1x1x16xf32>
        tpu.vector_store %arg5[%swap3A_1019, %swap3A_1020, %swap3A_1021], %swap3A_1024 {strides = array<i32>} : memref<5x16x512xf32, #tpu.memory_space<vmem>>, vector<1x1x16xf32>,
        %swap3A_1025 = arith.constant 4 : i32
        %swap3A_1026 = arith.index_cast %scan3A_62 : i32 to index
        %swap3A_1027 = arith.index_cast %swap3A_1025 : i32 to index
        %swap3A_1028 = arith.constant 112 : index
        %swap3A_1029 = tpu.vector_load %arg5[%swap3A_1026, %swap3A_1027, %swap3A_1028] {strides = array<i32>} : memref<5x16x512xf32, #tpu.memory_space<vmem>>, vector<1x1x16xf32>,
        %swap3A_1030 = vector.shape_cast %swap3A_1029 : vector<1x1x16xf32> to vector<16xf32>
        %swap3A_1031 = vector.shape_cast %broadcast_in_dim3A_975 : vector<16xf32> to vector<1x1x16xf32>
        tpu.vector_store %arg5[%swap3A_1026, %swap3A_1027, %swap3A_1028], %swap3A_1031 {strides = array<i32>} : memref<5x16x512xf32, #tpu.memory_space<vmem>>, vector<1x1x16xf32>,
        %swap3A_1032 = arith.constant 4 : i32
        %swap3A_1033 = arith.index_cast %scan3A_62 : i32 to index
        %swap3A_1034 = arith.index_cast %swap3A_1032 : i32 to index
        %swap3A_1035 = arith.constant 128 : index
        %swap3A_1036 = tpu.vector_load %arg5[%swap3A_1033, %swap3A_1034, %swap3A_1035] {strides = array<i32>} : memref<5x16x512xf32, #tpu.memory_space<vmem>>, vector<1x1x16xf32>,
        %swap3A_1037 = vector.shape_cast %swap3A_1036 : vector<1x1x16xf32> to vector<16xf32>
        %swap3A_1038 = vector.shape_cast %broadcast_in_dim3A_975 : vector<16xf32> to vector<1x1x16xf32>
        tpu.vector_store %arg5[%swap3A_1033, %swap3A_1034, %swap3A_1035], %swap3A_1038 {strides = array<i32>} : memref<5x16x512xf32, #tpu.memory_space<vmem>>, vector<1x1x16xf32>,
        %swap3A_1039 = arith.constant 4 : i32
        %swap3A_1040 = arith.index_cast %scan3A_62 : i32 to index
        %swap3A_1041 = arith.index_cast %swap3A_1039 : i32 to index
        %swap3A_1042 = arith.constant 144 : index
        %swap3A_1043 = tpu.vector_load %arg5[%swap3A_1040, %swap3A_1041, %swap3A_1042] {strides = array<i32>} : memref<5x16x512xf32, #tpu.memory_space<vmem>>, vector<1x1x16xf32>,
        %swap3A_1044 = vector.shape_cast %swap3A_1043 : vector<1x1x16xf32> to vector<16xf32>
        %swap3A_1045 = vector.shape_cast %broadcast_in_dim3A_975 : vector<16xf32> to vector<1x1x16xf32>
        tpu.vector_store %arg5[%swap3A_1040, %swap3A_1041, %swap3A_1042], %swap3A_1045 {strides = array<i32>} : memref<5x16x512xf32, #tpu.memory_space<vmem>>, vector<1x1x16xf32>,
        %swap3A_1046 = arith.constant 4 : i32
        %swap3A_1047 = arith.index_cast %scan3A_62 : i32 to index
        %swap3A_1048 = arith.index_cast %swap3A_1046 : i32 to index
        %swap3A_1049 = arith.constant 160 : index
        %swap3A_1050 = tpu.vector_load %arg5[%swap3A_1047, %swap3A_1048, %swap3A_1049] {strides = array<i32>} : memref<5x16x512xf32, #tpu.memory_space<vmem>>, vector<1x1x16xf32>,
        %swap3A_1051 = vector.shape_cast %swap3A_1050 : vector<1x1x16xf32> to vector<16xf32>
        %swap3A_1052 = vector.shape_cast %broadcast_in_dim3A_975 : vector<16xf32> to vector<1x1x16xf32>
        tpu.vector_store %arg5[%swap3A_1047, %swap3A_1048, %swap3A_1049], %swap3A_1052 {strides = array<i32>} : memref<5x16x512xf32, #tpu.memory_space<vmem>>, vector<1x1x16xf32>,
        %swap3A_1053 = arith.constant 4 : i32
        %swap3A_1054 = arith.index_cast %scan3A_62 : i32 to index
        %swap3A_1055 = arith.index_cast %swap3A_1053 : i32 to index
        %swap3A_1056 = arith.constant 176 : index
        %swap3A_1057 = tpu.vector_load %arg5[%swap3A_1054, %swap3A_1055, %swap3A_1056] {strides = array<i32>} : memref<5x16x512xf32, #tpu.memory_space<vmem>>, vector<1x1x16xf32>,
        %swap3A_1058 = vector.shape_cast %swap3A_1057 : vector<1x1x16xf32> to vector<16xf32>
        %swap3A_1059 = vector.shape_cast %broadcast_in_dim3A_975 : vector<16xf32> to vector<1x1x16xf32>
        tpu.vector_store %arg5[%swap3A_1054, %swap3A_1055, %swap3A_1056], %swap3A_1059 {strides = array<i32>} : memref<5x16x512xf32, #tpu.memory_space<vmem>>, vector<1x1x16xf32>,
        %swap3A_1060 = arith.constant 4 : i32
        %swap3A_1061 = arith.index_cast %scan3A_62 : i32 to index
        %swap3A_1062 = arith.index_cast %swap3A_1060 : i32 to index
        %swap3A_1063 = arith.constant 192 : index
        %swap3A_1064 = tpu.vector_load %arg5[%swap3A_1061, %swap3A_1062, %swap3A_1063] {strides = array<i32>} : memref<5x16x512xf32, #tpu.memory_space<vmem>>, vector<1x1x16xf32>,
        %swap3A_1065 = vector.shape_cast %swap3A_1064 : vector<1x1x16xf32> to vector<16xf32>
        %swap3A_1066 = vector.shape_cast %broadcast_in_dim3A_975 : vector<16xf32> to vector<1x1x16xf32>
        tpu.vector_store %arg5[%swap3A_1061, %swap3A_1062, %swap3A_1063], %swap3A_1066 {strides = array<i32>} : memref<5x16x512xf32, #tpu.memory_space<vmem>>, vector<1x1x16xf32>,
        %swap3A_1067 = arith.constant 4 : i32
        %swap3A_1068 = arith.index_cast %scan3A_62 : i32 to index
        %swap3A_1069 = arith.index_cast %swap3A_1067 : i32 to index
        %swap3A_1070 = arith.constant 208 : index
        %swap3A_1071 = tpu.vector_load %arg5[%swap3A_1068, %swap3A_1069, %swap3A_1070] {strides = array<i32>} : memref<5x16x512xf32, #tpu.memory_space<vmem>>, vector<1x1x16xf32>,
        %swap3A_1072 = vector.shape_cast %swap3A_1071 : vector<1x1x16xf32> to vector<16xf32>
        %swap3A_1073 = vector.shape_cast %broadcast_in_dim3A_975 : vector<16xf32> to vector<1x1x16xf32>
        tpu.vector_store %arg5[%swap3A_1068, %swap3A_1069, %swap3A_1070], %swap3A_1073 {strides = array<i32>} : memref<5x16x512xf32, #tpu.memory_space<vmem>>, vector<1x1x16xf32>,
        %swap3A_1074 = arith.constant 4 : i32
        %swap3A_1075 = arith.index_cast %scan3A_62 : i32 to index
        %swap3A_1076 = arith.index_cast %swap3A_1074 : i32 to index
        %swap3A_1077 = arith.constant 224 : index
        %swap3A_1078 = tpu.vector_load %arg5[%swap3A_1075, %swap3A_1076, %swap3A_1077] {strides = array<i32>} : memref<5x16x512xf32, #tpu.memory_space<vmem>>, vector<1x1x16xf32>,
        %swap3A_1079 = vector.shape_cast %swap3A_1078 : vector<1x1x16xf32> to vector<16xf32>
        %swap3A_1080 = vector.shape_cast %broadcast_in_dim3A_975 : vector<16xf32> to vector<1x1x16xf32>
        tpu.vector_store %arg5[%swap3A_1075, %swap3A_1076, %swap3A_1077], %swap3A_1080 {strides = array<i32>} : memref<5x16x512xf32, #tpu.memory_space<vmem>>, vector<1x1x16xf32>,
        %swap3A_1081 = arith.constant 4 : i32
        %swap3A_1082 = arith.index_cast %scan3A_62 : i32 to index
        %swap3A_1083 = arith.index_cast %swap3A_1081 : i32 to index
        %swap3A_1084 = arith.constant 240 : index
        %swap3A_1085 = tpu.vector_load %arg5[%swap3A_1082, %swap3A_1083, %swap3A_1084] {strides = array<i32>} : memref<5x16x512xf32, #tpu.memory_space<vmem>>, vector<1x1x16xf32>,
        %swap3A_1086 = vector.shape_cast %swap3A_1085 : vector<1x1x16xf32> to vector<16xf32>
        %swap3A_1087 = vector.shape_cast %broadcast_in_dim3A_975 : vector<16xf32> to vector<1x1x16xf32>
        tpu.vector_store %arg5[%swap3A_1082, %swap3A_1083, %swap3A_1084], %swap3A_1087 {strides = array<i32>} : memref<5x16x512xf32, #tpu.memory_space<vmem>>, vector<1x1x16xf32>,
        %swap3A_1088 = arith.constant 4 : i32
        %swap3A_1089 = arith.index_cast %scan3A_62 : i32 to index
        %swap3A_1090 = arith.index_cast %swap3A_1088 : i32 to index
        %swap3A_1091 = arith.constant 256 : index
        %swap3A_1092 = tpu.vector_load %arg5[%swap3A_1089, %swap3A_1090, %swap3A_1091] {strides = array<i32>} : memref<5x16x512xf32, #tpu.memory_space<vmem>>, vector<1x1x16xf32>,
        %swap3A_1093 = vector.shape_cast %swap3A_1092 : vector<1x1x16xf32> to vector<16xf32>
        %swap3A_1094 = vector.shape_cast %broadcast_in_dim3A_975 : vector<16xf32> to vector<1x1x16xf32>
        tpu.vector_store %arg5[%swap3A_1089, %swap3A_1090, %swap3A_1091], %swap3A_1094 {strides = array<i32>} : memref<5x16x512xf32, #tpu.memory_space<vmem>>, vector<1x1x16xf32>,
        %swap3A_1095 = arith.constant 4 : i32
        %swap3A_1096 = arith.index_cast %scan3A_62 : i32 to index
        %swap3A_1097 = arith.index_cast %swap3A_1095 : i32 to index
        %swap3A_1098 = arith.constant 272 : index
        %swap3A_1099 = tpu.vector_load %arg5[%swap3A_1096, %swap3A_1097, %swap3A_1098] {strides = array<i32>} : memref<5x16x512xf32, #tpu.memory_space<vmem>>, vector<1x1x16xf32>,
        %swap3A_1100 = vector.shape_cast %swap3A_1099 : vector<1x1x16xf32> to vector<16xf32>
        %swap3A_1101 = vector.shape_cast %broadcast_in_dim3A_975 : vector<16xf32> to vector<1x1x16xf32>
        tpu.vector_store %arg5[%swap3A_1096, %swap3A_1097, %swap3A_1098], %swap3A_1101 {strides = array<i32>} : memref<5x16x512xf32, #tpu.memory_space<vmem>>, vector<1x1x16xf32>,
        %swap3A_1102 = arith.constant 4 : i32
        %swap3A_1103 = arith.index_cast %scan3A_62 : i32 to index
        %swap3A_1104 = arith.index_cast %swap3A_1102 : i32 to index
        %swap3A_1105 = arith.constant 288 : index
        %swap3A_1106 = tpu.vector_load %arg5[%swap3A_1103, %swap3A_1104, %swap3A_1105] {strides = array<i32>} : memref<5x16x512xf32, #tpu.memory_space<vmem>>, vector<1x1x16xf32>,
        %swap3A_1107 = vector.shape_cast %swap3A_1106 : vector<1x1x16xf32> to vector<16xf32>
        %swap3A_1108 = vector.shape_cast %broadcast_in_dim3A_975 : vector<16xf32> to vector<1x1x16xf32>
        tpu.vector_store %arg5[%swap3A_1103, %swap3A_1104, %swap3A_1105], %swap3A_1108 {strides = array<i32>} : memref<5x16x512xf32, #tpu.memory_space<vmem>>, vector<1x1x16xf32>,
        %swap3A_1109 = arith.constant 4 : i32
        %swap3A_1110 = arith.index_cast %scan3A_62 : i32 to index
        %swap3A_1111 = arith.index_cast %swap3A_1109 : i32 to index
        %swap3A_1112 = arith.constant 304 : index
        %swap3A_1113 = tpu.vector_load %arg5[%swap3A_1110, %swap3A_1111, %swap3A_1112] {strides = array<i32>} : memref<5x16x512xf32, #tpu.memory_space<vmem>>, vector<1x1x16xf32>,
        %swap3A_1114 = vector.shape_cast %swap3A_1113 : vector<1x1x16xf32> to vector<16xf32>
        %swap3A_1115 = vector.shape_cast %broadcast_in_dim3A_975 : vector<16xf32> to vector<1x1x16xf32>
        tpu.vector_store %arg5[%swap3A_1110, %swap3A_1111, %swap3A_1112], %swap3A_1115 {strides = array<i32>} : memref<5x16x512xf32, #tpu.memory_space<vmem>>, vector<1x1x16xf32>,
        %swap3A_1116 = arith.constant 4 : i32
        %swap3A_1117 = arith.index_cast %scan3A_62 : i32 to index
        %swap3A_1118 = arith.index_cast %swap3A_1116 : i32 to index
        %swap3A_1119 = arith.constant 320 : index
        %swap3A_1120 = tpu.vector_load %arg5[%swap3A_1117, %swap3A_1118, %swap3A_1119] {strides = array<i32>} : memref<5x16x512xf32, #tpu.memory_space<vmem>>, vector<1x1x16xf32>,
        %swap3A_1121 = vector.shape_cast %swap3A_1120 : vector<1x1x16xf32> to vector<16xf32>
        %swap3A_1122 = vector.shape_cast %broadcast_in_dim3A_975 : vector<16xf32> to vector<1x1x16xf32>
        tpu.vector_store %arg5[%swap3A_1117, %swap3A_1118, %swap3A_1119], %swap3A_1122 {strides = array<i32>} : memref<5x16x512xf32, #tpu.memory_space<vmem>>, vector<1x1x16xf32>,
        %swap3A_1123 = arith.constant 4 : i32
        %swap3A_1124 = arith.index_cast %scan3A_62 : i32 to index
        %swap3A_1125 = arith.index_cast %swap3A_1123 : i32 to index
        %swap3A_1126 = arith.constant 336 : index
        %swap3A_1127 = tpu.vector_load %arg5[%swap3A_1124, %swap3A_1125, %swap3A_1126] {strides = array<i32>} : memref<5x16x512xf32, #tpu.memory_space<vmem>>, vector<1x1x16xf32>,
        %swap3A_1128 = vector.shape_cast %swap3A_1127 : vector<1x1x16xf32> to vector<16xf32>
        %swap3A_1129 = vector.shape_cast %broadcast_in_dim3A_975 : vector<16xf32> to vector<1x1x16xf32>
        tpu.vector_store %arg5[%swap3A_1124, %swap3A_1125, %swap3A_1126], %swap3A_1129 {strides = array<i32>} : memref<5x16x512xf32, #tpu.memory_space<vmem>>, vector<1x1x16xf32>,
        %swap3A_1130 = arith.constant 4 : i32
        %swap3A_1131 = arith.index_cast %scan3A_62 : i32 to index
        %swap3A_1132 = arith.index_cast %swap3A_1130 : i32 to index
        %swap3A_1133 = arith.constant 352 : index
        %swap3A_1134 = tpu.vector_load %arg5[%swap3A_1131, %swap3A_1132, %swap3A_1133] {strides = array<i32>} : memref<5x16x512xf32, #tpu.memory_space<vmem>>, vector<1x1x16xf32>,
        %swap3A_1135 = vector.shape_cast %swap3A_1134 : vector<1x1x16xf32> to vector<16xf32>
        %swap3A_1136 = vector.shape_cast %broadcast_in_dim3A_975 : vector<16xf32> to vector<1x1x16xf32>
        tpu.vector_store %arg5[%swap3A_1131, %swap3A_1132, %swap3A_1133], %swap3A_1136 {strides = array<i32>} : memref<5x16x512xf32, #tpu.memory_space<vmem>>, vector<1x1x16xf32>,
        %swap3A_1137 = arith.constant 4 : i32
        %swap3A_1138 = arith.index_cast %scan3A_62 : i32 to index
        %swap3A_1139 = arith.index_cast %swap3A_1137 : i32 to index
        %swap3A_1140 = arith.constant 368 : index
        %swap3A_1141 = tpu.vector_load %arg5[%swap3A_1138, %swap3A_1139, %swap3A_1140] {strides = array<i32>} : memref<5x16x512xf32, #tpu.memory_space<vmem>>, vector<1x1x16xf32>,
        %swap3A_1142 = vector.shape_cast %swap3A_1141 : vector<1x1x16xf32> to vector<16xf32>
        %swap3A_1143 = vector.shape_cast %broadcast_in_dim3A_975 : vector<16xf32> to vector<1x1x16xf32>
        tpu.vector_store %arg5[%swap3A_1138, %swap3A_1139, %swap3A_1140], %swap3A_1143 {strides = array<i32>} : memref<5x16x512xf32, #tpu.memory_space<vmem>>, vector<1x1x16xf32>,
        %swap3A_1144 = arith.constant 4 : i32
        %swap3A_1145 = arith.index_cast %scan3A_62 : i32 to index
        %swap3A_1146 = arith.index_cast %swap3A_1144 : i32 to index
        %swap3A_1147 = arith.constant 384 : index
        %swap3A_1148 = tpu.vector_load %arg5[%swap3A_1145, %swap3A_1146, %swap3A_1147] {strides = array<i32>} : memref<5x16x512xf32, #tpu.memory_space<vmem>>, vector<1x1x16xf32>,
        %swap3A_1149 = vector.shape_cast %swap3A_1148 : vector<1x1x16xf32> to vector<16xf32>
        %swap3A_1150 = vector.shape_cast %broadcast_in_dim3A_975 : vector<16xf32> to vector<1x1x16xf32>
        tpu.vector_store %arg5[%swap3A_1145, %swap3A_1146, %swap3A_1147], %swap3A_1150 {strides = array<i32>} : memref<5x16x512xf32, #tpu.memory_space<vmem>>, vector<1x1x16xf32>,
        %swap3A_1151 = arith.constant 4 : i32
        %swap3A_1152 = arith.index_cast %scan3A_62 : i32 to index
        %swap3A_1153 = arith.index_cast %swap3A_1151 : i32 to index
        %swap3A_1154 = arith.constant 400 : index
        %swap3A_1155 = tpu.vector_load %arg5[%swap3A_1152, %swap3A_1153, %swap3A_1154] {strides = array<i32>} : memref<5x16x512xf32, #tpu.memory_space<vmem>>, vector<1x1x16xf32>,
        %swap3A_1156 = vector.shape_cast %swap3A_1155 : vector<1x1x16xf32> to vector<16xf32>
        %swap3A_1157 = vector.shape_cast %broadcast_in_dim3A_975 : vector<16xf32> to vector<1x1x16xf32>
        tpu.vector_store %arg5[%swap3A_1152, %swap3A_1153, %swap3A_1154], %swap3A_1157 {strides = array<i32>} : memref<5x16x512xf32, #tpu.memory_space<vmem>>, vector<1x1x16xf32>,
        %swap3A_1158 = arith.constant 4 : i32
        %swap3A_1159 = arith.index_cast %scan3A_62 : i32 to index
        %swap3A_1160 = arith.index_cast %swap3A_1158 : i32 to index
        %swap3A_1161 = arith.constant 416 : index
        %swap3A_1162 = tpu.vector_load %arg5[%swap3A_1159, %swap3A_1160, %swap3A_1161] {strides = array<i32>} : memref<5x16x512xf32, #tpu.memory_space<vmem>>, vector<1x1x16xf32>,
        %swap3A_1163 = vector.shape_cast %swap3A_1162 : vector<1x1x16xf32> to vector<16xf32>
        %swap3A_1164 = vector.shape_cast %broadcast_in_dim3A_975 : vector<16xf32> to vector<1x1x16xf32>
        tpu.vector_store %arg5[%swap3A_1159, %swap3A_1160, %swap3A_1161], %swap3A_1164 {strides = array<i32>} : memref<5x16x512xf32, #tpu.memory_space<vmem>>, vector<1x1x16xf32>,
        %swap3A_1165 = arith.constant 4 : i32
        %swap3A_1166 = arith.index_cast %scan3A_62 : i32 to index
        %swap3A_1167 = arith.index_cast %swap3A_1165 : i32 to index
        %swap3A_1168 = arith.constant 432 : index
        %swap3A_1169 = tpu.vector_load %arg5[%swap3A_1166, %swap3A_1167, %swap3A_1168] {strides = array<i32>} : memref<5x16x512xf32, #tpu.memory_space<vmem>>, vector<1x1x16xf32>,
        %swap3A_1170 = vector.shape_cast %swap3A_1169 : vector<1x1x16xf32> to vector<16xf32>
        %swap3A_1171 = vector.shape_cast %broadcast_in_dim3A_975 : vector<16xf32> to vector<1x1x16xf32>
        tpu.vector_store %arg5[%swap3A_1166, %swap3A_1167, %swap3A_1168], %swap3A_1171 {strides = array<i32>} : memref<5x16x512xf32, #tpu.memory_space<vmem>>, vector<1x1x16xf32>,
        %swap3A_1172 = arith.constant 4 : i32
        %swap3A_1173 = arith.index_cast %scan3A_62 : i32 to index
        %swap3A_1174 = arith.index_cast %swap3A_1172 : i32 to index
        %swap3A_1175 = arith.constant 448 : index
        %swap3A_1176 = tpu.vector_load %arg5[%swap3A_1173, %swap3A_1174, %swap3A_1175] {strides = array<i32>} : memref<5x16x512xf32, #tpu.memory_space<vmem>>, vector<1x1x16xf32>,
        %swap3A_1177 = vector.shape_cast %swap3A_1176 : vector<1x1x16xf32> to vector<16xf32>
        %swap3A_1178 = vector.shape_cast %broadcast_in_dim3A_975 : vector<16xf32> to vector<1x1x16xf32>
        tpu.vector_store %arg5[%swap3A_1173, %swap3A_1174, %swap3A_1175], %swap3A_1178 {strides = array<i32>} : memref<5x16x512xf32, #tpu.memory_space<vmem>>, vector<1x1x16xf32>,
        %swap3A_1179 = arith.constant 4 : i32
        %swap3A_1180 = arith.index_cast %scan3A_62 : i32 to index
        %swap3A_1181 = arith.index_cast %swap3A_1179 : i32 to index
        %swap3A_1182 = arith.constant 464 : index
        %swap3A_1183 = tpu.vector_load %arg5[%swap3A_1180, %swap3A_1181, %swap3A_1182] {strides = array<i32>} : memref<5x16x512xf32, #tpu.memory_space<vmem>>, vector<1x1x16xf32>,
        %swap3A_1184 = vector.shape_cast %swap3A_1183 : vector<1x1x16xf32> to vector<16xf32>
        %swap3A_1185 = vector.shape_cast %broadcast_in_dim3A_975 : vector<16xf32> to vector<1x1x16xf32>
        tpu.vector_store %arg5[%swap3A_1180, %swap3A_1181, %swap3A_1182], %swap3A_1185 {strides = array<i32>} : memref<5x16x512xf32, #tpu.memory_space<vmem>>, vector<1x1x16xf32>,
        %swap3A_1186 = arith.constant 4 : i32
        %swap3A_1187 = arith.index_cast %scan3A_62 : i32 to index
        %swap3A_1188 = arith.index_cast %swap3A_1186 : i32 to index
        %swap3A_1189 = arith.constant 480 : index
        %swap3A_1190 = tpu.vector_load %arg5[%swap3A_1187, %swap3A_1188, %swap3A_1189] {strides = array<i32>} : memref<5x16x512xf32, #tpu.memory_space<vmem>>, vector<1x1x16xf32>,
        %swap3A_1191 = vector.shape_cast %swap3A_1190 : vector<1x1x16xf32> to vector<16xf32>
        %swap3A_1192 = vector.shape_cast %broadcast_in_dim3A_975 : vector<16xf32> to vector<1x1x16xf32>
        tpu.vector_store %arg5[%swap3A_1187, %swap3A_1188, %swap3A_1189], %swap3A_1192 {strides = array<i32>} : memref<5x16x512xf32, #tpu.memory_space<vmem>>, vector<1x1x16xf32>,
        %swap3A_1193 = arith.constant 4 : i32
        %swap3A_1194 = arith.index_cast %scan3A_62 : i32 to index
        %swap3A_1195 = arith.index_cast %swap3A_1193 : i32 to index
        %swap3A_1196 = arith.constant 496 : index
        %swap3A_1197 = tpu.vector_load %arg5[%swap3A_1194, %swap3A_1195, %swap3A_1196] {strides = array<i32>} : memref<5x16x512xf32, #tpu.memory_space<vmem>>, vector<1x1x16xf32>,
        %swap3A_1198 = vector.shape_cast %swap3A_1197 : vector<1x1x16xf32> to vector<16xf32>
        %swap3A_1199 = vector.shape_cast %broadcast_in_dim3A_975 : vector<16xf32> to vector<1x1x16xf32>
        tpu.vector_store %arg5[%swap3A_1194, %swap3A_1195, %swap3A_1196], %swap3A_1199 {strides = array<i32>} : memref<5x16x512xf32, #tpu.memory_space<vmem>>, vector<1x1x16xf32>,
        %slice3A_1200 = vector.extract_strided_slice %max3A_68 {offsets = [5], sizes = [1], strides = [1]} : vector<16xf32> to vector<1xf32>
        %squeeze3A_1201 = vector.extract %slice3A_1200[0] : f32 from vector<1xf32>
        %broadcast_in_dim3A_1202 = vector.broadcast %squeeze3A_1201 : f32 to vector<16xf32>
        %swap3A_1203 = arith.constant 5 : i32
        %swap3A_1204 = arith.index_cast %scan3A_62 : i32 to index
        %swap3A_1205 = arith.index_cast %swap3A_1203 : i32 to index
        %swap3A_1206 = arith.constant 0 : index
        %swap3A_1207 = tpu.vector_load %arg5[%swap3A_1204, %swap3A_1205, %swap3A_1206] {strides = array<i32>} : memref<5x16x512xf32, #tpu.memory_space<vmem>>, vector<1x1x16xf32>,
        %swap3A_1208 = vector.shape_cast %swap3A_1207 : vector<1x1x16xf32> to vector<16xf32>
        %swap3A_1209 = vector.shape_cast %broadcast_in_dim3A_1202 : vector<16xf32> to vector<1x1x16xf32>
        tpu.vector_store %arg5[%swap3A_1204, %swap3A_1205, %swap3A_1206], %swap3A_1209 {strides = array<i32>} : memref<5x16x512xf32, #tpu.memory_space<vmem>>, vector<1x1x16xf32>,
        %swap3A_1210 = arith.constant 5 : i32
        %swap3A_1211 = arith.index_cast %scan3A_62 : i32 to index
        %swap3A_1212 = arith.index_cast %swap3A_1210 : i32 to index
        %swap3A_1213 = arith.constant 16 : index
        %swap3A_1214 = tpu.vector_load %arg5[%swap3A_1211, %swap3A_1212, %swap3A_1213] {strides = array<i32>} : memref<5x16x512xf32, #tpu.memory_space<vmem>>, vector<1x1x16xf32>,
        %swap3A_1215 = vector.shape_cast %swap3A_1214 : vector<1x1x16xf32> to vector<16xf32>
        %swap3A_1216 = vector.shape_cast %broadcast_in_dim3A_1202 : vector<16xf32> to vector<1x1x16xf32>
        tpu.vector_store %arg5[%swap3A_1211, %swap3A_1212, %swap3A_1213], %swap3A_1216 {strides = array<i32>} : memref<5x16x512xf32, #tpu.memory_space<vmem>>, vector<1x1x16xf32>,
        %swap3A_1217 = arith.constant 5 : i32
        %swap3A_1218 = arith.index_cast %scan3A_62 : i32 to index
        %swap3A_1219 = arith.index_cast %swap3A_1217 : i32 to index
        %swap3A_1220 = arith.constant 32 : index
        %swap3A_1221 = tpu.vector_load %arg5[%swap3A_1218, %swap3A_1219, %swap3A_1220] {strides = array<i32>} : memref<5x16x512xf32, #tpu.memory_space<vmem>>, vector<1x1x16xf32>,
        %swap3A_1222 = vector.shape_cast %swap3A_1221 : vector<1x1x16xf32> to vector<16xf32>
        %swap3A_1223 = vector.shape_cast %broadcast_in_dim3A_1202 : vector<16xf32> to vector<1x1x16xf32>
        tpu.vector_store %arg5[%swap3A_1218, %swap3A_1219, %swap3A_1220], %swap3A_1223 {strides = array<i32>} : memref<5x16x512xf32, #tpu.memory_space<vmem>>, vector<1x1x16xf32>,
        %swap3A_1224 = arith.constant 5 : i32
        %swap3A_1225 = arith.index_cast %scan3A_62 : i32 to index
        %swap3A_1226 = arith.index_cast %swap3A_1224 : i32 to index
        %swap3A_1227 = arith.constant 48 : index
        %swap3A_1228 = tpu.vector_load %arg5[%swap3A_1225, %swap3A_1226, %swap3A_1227] {strides = array<i32>} : memref<5x16x512xf32, #tpu.memory_space<vmem>>, vector<1x1x16xf32>,
        %swap3A_1229 = vector.shape_cast %swap3A_1228 : vector<1x1x16xf32> to vector<16xf32>
        %swap3A_1230 = vector.shape_cast %broadcast_in_dim3A_1202 : vector<16xf32> to vector<1x1x16xf32>
        tpu.vector_store %arg5[%swap3A_1225, %swap3A_1226, %swap3A_1227], %swap3A_1230 {strides = array<i32>} : memref<5x16x512xf32, #tpu.memory_space<vmem>>, vector<1x1x16xf32>,
        %swap3A_1231 = arith.constant 5 : i32
        %swap3A_1232 = arith.index_cast %scan3A_62 : i32 to index
        %swap3A_1233 = arith.index_cast %swap3A_1231 : i32 to index
        %swap3A_1234 = arith.constant 64 : index
        %swap3A_1235 = tpu.vector_load %arg5[%swap3A_1232, %swap3A_1233, %swap3A_1234] {strides = array<i32>} : memref<5x16x512xf32, #tpu.memory_space<vmem>>, vector<1x1x16xf32>,
        %swap3A_1236 = vector.shape_cast %swap3A_1235 : vector<1x1x16xf32> to vector<16xf32>
        %swap3A_1237 = vector.shape_cast %broadcast_in_dim3A_1202 : vector<16xf32> to vector<1x1x16xf32>
        tpu.vector_store %arg5[%swap3A_1232, %swap3A_1233, %swap3A_1234], %swap3A_1237 {strides = array<i32>} : memref<5x16x512xf32, #tpu.memory_space<vmem>>, vector<1x1x16xf32>,
        %swap3A_1238 = arith.constant 5 : i32
        %swap3A_1239 = arith.index_cast %scan3A_62 : i32 to index
        %swap3A_1240 = arith.index_cast %swap3A_1238 : i32 to index
        %swap3A_1241 = arith.constant 80 : index
        %swap3A_1242 = tpu.vector_load %arg5[%swap3A_1239, %swap3A_1240, %swap3A_1241] {strides = array<i32>} : memref<5x16x512xf32, #tpu.memory_space<vmem>>, vector<1x1x16xf32>,
        %swap3A_1243 = vector.shape_cast %swap3A_1242 : vector<1x1x16xf32> to vector<16xf32>
        %swap3A_1244 = vector.shape_cast %broadcast_in_dim3A_1202 : vector<16xf32> to vector<1x1x16xf32>
        tpu.vector_store %arg5[%swap3A_1239, %swap3A_1240, %swap3A_1241], %swap3A_1244 {strides = array<i32>} : memref<5x16x512xf32, #tpu.memory_space<vmem>>, vector<1x1x16xf32>,
        %swap3A_1245 = arith.constant 5 : i32
        %swap3A_1246 = arith.index_cast %scan3A_62 : i32 to index
        %swap3A_1247 = arith.index_cast %swap3A_1245 : i32 to index
        %swap3A_1248 = arith.constant 96 : index
        %swap3A_1249 = tpu.vector_load %arg5[%swap3A_1246, %swap3A_1247, %swap3A_1248] {strides = array<i32>} : memref<5x16x512xf32, #tpu.memory_space<vmem>>, vector<1x1x16xf32>,
        %swap3A_1250 = vector.shape_cast %swap3A_1249 : vector<1x1x16xf32> to vector<16xf32>
        %swap3A_1251 = vector.shape_cast %broadcast_in_dim3A_1202 : vector<16xf32> to vector<1x1x16xf32>
        tpu.vector_store %arg5[%swap3A_1246, %swap3A_1247, %swap3A_1248], %swap3A_1251 {strides = array<i32>} : memref<5x16x512xf32, #tpu.memory_space<vmem>>, vector<1x1x16xf32>,
        %swap3A_1252 = arith.constant 5 : i32
        %swap3A_1253 = arith.index_cast %scan3A_62 : i32 to index
        %swap3A_1254 = arith.index_cast %swap3A_1252 : i32 to index
        %swap3A_1255 = arith.constant 112 : index
        %swap3A_1256 = tpu.vector_load %arg5[%swap3A_1253, %swap3A_1254, %swap3A_1255] {strides = array<i32>} : memref<5x16x512xf32, #tpu.memory_space<vmem>>, vector<1x1x16xf32>,
        %swap3A_1257 = vector.shape_cast %swap3A_1256 : vector<1x1x16xf32> to vector<16xf32>
        %swap3A_1258 = vector.shape_cast %broadcast_in_dim3A_1202 : vector<16xf32> to vector<1x1x16xf32>
        tpu.vector_store %arg5[%swap3A_1253, %swap3A_1254, %swap3A_1255], %swap3A_1258 {strides = array<i32>} : memref<5x16x512xf32, #tpu.memory_space<vmem>>, vector<1x1x16xf32>,
        %swap3A_1259 = arith.constant 5 : i32
        %swap3A_1260 = arith.index_cast %scan3A_62 : i32 to index
        %swap3A_1261 = arith.index_cast %swap3A_1259 : i32 to index
        %swap3A_1262 = arith.constant 128 : index
        %swap3A_1263 = tpu.vector_load %arg5[%swap3A_1260, %swap3A_1261, %swap3A_1262] {strides = array<i32>} : memref<5x16x512xf32, #tpu.memory_space<vmem>>, vector<1x1x16xf32>,
        %swap3A_1264 = vector.shape_cast %swap3A_1263 : vector<1x1x16xf32> to vector<16xf32>
        %swap3A_1265 = vector.shape_cast %broadcast_in_dim3A_1202 : vector<16xf32> to vector<1x1x16xf32>
        tpu.vector_store %arg5[%swap3A_1260, %swap3A_1261, %swap3A_1262], %swap3A_1265 {strides = array<i32>} : memref<5x16x512xf32, #tpu.memory_space<vmem>>, vector<1x1x16xf32>,
        %swap3A_1266 = arith.constant 5 : i32
        %swap3A_1267 = arith.index_cast %scan3A_62 : i32 to index
        %swap3A_1268 = arith.index_cast %swap3A_1266 : i32 to index
        %swap3A_1269 = arith.constant 144 : index
        %swap3A_1270 = tpu.vector_load %arg5[%swap3A_1267, %swap3A_1268, %swap3A_1269] {strides = array<i32>} : memref<5x16x512xf32, #tpu.memory_space<vmem>>, vector<1x1x16xf32>,
        %swap3A_1271 = vector.shape_cast %swap3A_1270 : vector<1x1x16xf32> to vector<16xf32>
        %swap3A_1272 = vector.shape_cast %broadcast_in_dim3A_1202 : vector<16xf32> to vector<1x1x16xf32>
        tpu.vector_store %arg5[%swap3A_1267, %swap3A_1268, %swap3A_1269], %swap3A_1272 {strides = array<i32>} : memref<5x16x512xf32, #tpu.memory_space<vmem>>, vector<1x1x16xf32>,
        %swap3A_1273 = arith.constant 5 : i32
        %swap3A_1274 = arith.index_cast %scan3A_62 : i32 to index
        %swap3A_1275 = arith.index_cast %swap3A_1273 : i32 to index
        %swap3A_1276 = arith.constant 160 : index
        %swap3A_1277 = tpu.vector_load %arg5[%swap3A_1274, %swap3A_1275, %swap3A_1276] {strides = array<i32>} : memref<5x16x512xf32, #tpu.memory_space<vmem>>, vector<1x1x16xf32>,
        %swap3A_1278 = vector.shape_cast %swap3A_1277 : vector<1x1x16xf32> to vector<16xf32>
        %swap3A_1279 = vector.shape_cast %broadcast_in_dim3A_1202 : vector<16xf32> to vector<1x1x16xf32>
        tpu.vector_store %arg5[%swap3A_1274, %swap3A_1275, %swap3A_1276], %swap3A_1279 {strides = array<i32>} : memref<5x16x512xf32, #tpu.memory_space<vmem>>, vector<1x1x16xf32>,
        %swap3A_1280 = arith.constant 5 : i32
        %swap3A_1281 = arith.index_cast %scan3A_62 : i32 to index
        %swap3A_1282 = arith.index_cast %swap3A_1280 : i32 to index
        %swap3A_1283 = arith.constant 176 : index
        %swap3A_1284 = tpu.vector_load %arg5[%swap3A_1281, %swap3A_1282, %swap3A_1283] {strides = array<i32>} : memref<5x16x512xf32, #tpu.memory_space<vmem>>, vector<1x1x16xf32>,
        %swap3A_1285 = vector.shape_cast %swap3A_1284 : vector<1x1x16xf32> to vector<16xf32>
        %swap3A_1286 = vector.shape_cast %broadcast_in_dim3A_1202 : vector<16xf32> to vector<1x1x16xf32>
        tpu.vector_store %arg5[%swap3A_1281, %swap3A_1282, %swap3A_1283], %swap3A_1286 {strides = array<i32>} : memref<5x16x512xf32, #tpu.memory_space<vmem>>, vector<1x1x16xf32>,
        %swap3A_1287 = arith.constant 5 : i32
        %swap3A_1288 = arith.index_cast %scan3A_62 : i32 to index
        %swap3A_1289 = arith.index_cast %swap3A_1287 : i32 to index
        %swap3A_1290 = arith.constant 192 : index
        %swap3A_1291 = tpu.vector_load %arg5[%swap3A_1288, %swap3A_1289, %swap3A_1290] {strides = array<i32>} : memref<5x16x512xf32, #tpu.memory_space<vmem>>, vector<1x1x16xf32>,
        %swap3A_1292 = vector.shape_cast %swap3A_1291 : vector<1x1x16xf32> to vector<16xf32>
        %swap3A_1293 = vector.shape_cast %broadcast_in_dim3A_1202 : vector<16xf32> to vector<1x1x16xf32>
        tpu.vector_store %arg5[%swap3A_1288, %swap3A_1289, %swap3A_1290], %swap3A_1293 {strides = array<i32>} : memref<5x16x512xf32, #tpu.memory_space<vmem>>, vector<1x1x16xf32>,
        %swap3A_1294 = arith.constant 5 : i32
        %swap3A_1295 = arith.index_cast %scan3A_62 : i32 to index
        %swap3A_1296 = arith.index_cast %swap3A_1294 : i32 to index
        %swap3A_1297 = arith.constant 208 : index
        %swap3A_1298 = tpu.vector_load %arg5[%swap3A_1295, %swap3A_1296, %swap3A_1297] {strides = array<i32>} : memref<5x16x512xf32, #tpu.memory_space<vmem>>, vector<1x1x16xf32>,
        %swap3A_1299 = vector.shape_cast %swap3A_1298 : vector<1x1x16xf32> to vector<16xf32>
        %swap3A_1300 = vector.shape_cast %broadcast_in_dim3A_1202 : vector<16xf32> to vector<1x1x16xf32>
        tpu.vector_store %arg5[%swap3A_1295, %swap3A_1296, %swap3A_1297], %swap3A_1300 {strides = array<i32>} : memref<5x16x512xf32, #tpu.memory_space<vmem>>, vector<1x1x16xf32>,
        %swap3A_1301 = arith.constant 5 : i32
        %swap3A_1302 = arith.index_cast %scan3A_62 : i32 to index
        %swap3A_1303 = arith.index_cast %swap3A_1301 : i32 to index
        %swap3A_1304 = arith.constant 224 : index
        %swap3A_1305 = tpu.vector_load %arg5[%swap3A_1302, %swap3A_1303, %swap3A_1304] {strides = array<i32>} : memref<5x16x512xf32, #tpu.memory_space<vmem>>, vector<1x1x16xf32>,
        %swap3A_1306 = vector.shape_cast %swap3A_1305 : vector<1x1x16xf32> to vector<16xf32>
        %swap3A_1307 = vector.shape_cast %broadcast_in_dim3A_1202 : vector<16xf32> to vector<1x1x16xf32>
        tpu.vector_store %arg5[%swap3A_1302, %swap3A_1303, %swap3A_1304], %swap3A_1307 {strides = array<i32>} : memref<5x16x512xf32, #tpu.memory_space<vmem>>, vector<1x1x16xf32>,
        %swap3A_1308 = arith.constant 5 : i32
        %swap3A_1309 = arith.index_cast %scan3A_62 : i32 to index
        %swap3A_1310 = arith.index_cast %swap3A_1308 : i32 to index
        %swap3A_1311 = arith.constant 240 : index
        %swap3A_1312 = tpu.vector_load %arg5[%swap3A_1309, %swap3A_1310, %swap3A_1311] {strides = array<i32>} : memref<5x16x512xf32, #tpu.memory_space<vmem>>, vector<1x1x16xf32>,
        %swap3A_1313 = vector.shape_cast %swap3A_1312 : vector<1x1x16xf32> to vector<16xf32>
        %swap3A_1314 = vector.shape_cast %broadcast_in_dim3A_1202 : vector<16xf32> to vector<1x1x16xf32>
        tpu.vector_store %arg5[%swap3A_1309, %swap3A_1310, %swap3A_1311], %swap3A_1314 {strides = array<i32>} : memref<5x16x512xf32, #tpu.memory_space<vmem>>, vector<1x1x16xf32>,
        %swap3A_1315 = arith.constant 5 : i32
        %swap3A_1316 = arith.index_cast %scan3A_62 : i32 to index
        %swap3A_1317 = arith.index_cast %swap3A_1315 : i32 to index
        %swap3A_1318 = arith.constant 256 : index
        %swap3A_1319 = tpu.vector_load %arg5[%swap3A_1316, %swap3A_1317, %swap3A_1318] {strides = array<i32>} : memref<5x16x512xf32, #tpu.memory_space<vmem>>, vector<1x1x16xf32>,
        %swap3A_1320 = vector.shape_cast %swap3A_1319 : vector<1x1x16xf32> to vector<16xf32>
        %swap3A_1321 = vector.shape_cast %broadcast_in_dim3A_1202 : vector<16xf32> to vector<1x1x16xf32>
        tpu.vector_store %arg5[%swap3A_1316, %swap3A_1317, %swap3A_1318], %swap3A_1321 {strides = array<i32>} : memref<5x16x512xf32, #tpu.memory_space<vmem>>, vector<1x1x16xf32>,
        %swap3A_1322 = arith.constant 5 : i32
        %swap3A_1323 = arith.index_cast %scan3A_62 : i32 to index
        %swap3A_1324 = arith.index_cast %swap3A_1322 : i32 to index
        %swap3A_1325 = arith.constant 272 : index
        %swap3A_1326 = tpu.vector_load %arg5[%swap3A_1323, %swap3A_1324, %swap3A_1325] {strides = array<i32>} : memref<5x16x512xf32, #tpu.memory_space<vmem>>, vector<1x1x16xf32>,
        %swap3A_1327 = vector.shape_cast %swap3A_1326 : vector<1x1x16xf32> to vector<16xf32>
        %swap3A_1328 = vector.shape_cast %broadcast_in_dim3A_1202 : vector<16xf32> to vector<1x1x16xf32>
        tpu.vector_store %arg5[%swap3A_1323, %swap3A_1324, %swap3A_1325], %swap3A_1328 {strides = array<i32>} : memref<5x16x512xf32, #tpu.memory_space<vmem>>, vector<1x1x16xf32>,
        %swap3A_1329 = arith.constant 5 : i32
        %swap3A_1330 = arith.index_cast %scan3A_62 : i32 to index
        %swap3A_1331 = arith.index_cast %swap3A_1329 : i32 to index
        %swap3A_1332 = arith.constant 288 : index
        %swap3A_1333 = tpu.vector_load %arg5[%swap3A_1330, %swap3A_1331, %swap3A_1332] {strides = array<i32>} : memref<5x16x512xf32, #tpu.memory_space<vmem>>, vector<1x1x16xf32>,
        %swap3A_1334 = vector.shape_cast %swap3A_1333 : vector<1x1x16xf32> to vector<16xf32>
        %swap3A_1335 = vector.shape_cast %broadcast_in_dim3A_1202 : vector<16xf32> to vector<1x1x16xf32>
        tpu.vector_store %arg5[%swap3A_1330, %swap3A_1331, %swap3A_1332], %swap3A_1335 {strides = array<i32>} : memref<5x16x512xf32, #tpu.memory_space<vmem>>, vector<1x1x16xf32>,
        %swap3A_1336 = arith.constant 5 : i32
        %swap3A_1337 = arith.index_cast %scan3A_62 : i32 to index
        %swap3A_1338 = arith.index_cast %swap3A_1336 : i32 to index
        %swap3A_1339 = arith.constant 304 : index
        %swap3A_1340 = tpu.vector_load %arg5[%swap3A_1337, %swap3A_1338, %swap3A_1339] {strides = array<i32>} : memref<5x16x512xf32, #tpu.memory_space<vmem>>, vector<1x1x16xf32>,
        %swap3A_1341 = vector.shape_cast %swap3A_1340 : vector<1x1x16xf32> to vector<16xf32>
        %swap3A_1342 = vector.shape_cast %broadcast_in_dim3A_1202 : vector<16xf32> to vector<1x1x16xf32>
        tpu.vector_store %arg5[%swap3A_1337, %swap3A_1338, %swap3A_1339], %swap3A_1342 {strides = array<i32>} : memref<5x16x512xf32, #tpu.memory_space<vmem>>, vector<1x1x16xf32>,
        %swap3A_1343 = arith.constant 5 : i32
        %swap3A_1344 = arith.index_cast %scan3A_62 : i32 to index
        %swap3A_1345 = arith.index_cast %swap3A_1343 : i32 to index
        %swap3A_1346 = arith.constant 320 : index
        %swap3A_1347 = tpu.vector_load %arg5[%swap3A_1344, %swap3A_1345, %swap3A_1346] {strides = array<i32>} : memref<5x16x512xf32, #tpu.memory_space<vmem>>, vector<1x1x16xf32>,
        %swap3A_1348 = vector.shape_cast %swap3A_1347 : vector<1x1x16xf32> to vector<16xf32>
        %swap3A_1349 = vector.shape_cast %broadcast_in_dim3A_1202 : vector<16xf32> to vector<1x1x16xf32>
        tpu.vector_store %arg5[%swap3A_1344, %swap3A_1345, %swap3A_1346], %swap3A_1349 {strides = array<i32>} : memref<5x16x512xf32, #tpu.memory_space<vmem>>, vector<1x1x16xf32>,
        %swap3A_1350 = arith.constant 5 : i32
        %swap3A_1351 = arith.index_cast %scan3A_62 : i32 to index
        %swap3A_1352 = arith.index_cast %swap3A_1350 : i32 to index
        %swap3A_1353 = arith.constant 336 : index
        %swap3A_1354 = tpu.vector_load %arg5[%swap3A_1351, %swap3A_1352, %swap3A_1353] {strides = array<i32>} : memref<5x16x512xf32, #tpu.memory_space<vmem>>, vector<1x1x16xf32>,
        %swap3A_1355 = vector.shape_cast %swap3A_1354 : vector<1x1x16xf32> to vector<16xf32>
        %swap3A_1356 = vector.shape_cast %broadcast_in_dim3A_1202 : vector<16xf32> to vector<1x1x16xf32>
        tpu.vector_store %arg5[%swap3A_1351, %swap3A_1352, %swap3A_1353], %swap3A_1356 {strides = array<i32>} : memref<5x16x512xf32, #tpu.memory_space<vmem>>, vector<1x1x16xf32>,
        %swap3A_1357 = arith.constant 5 : i32
        %swap3A_1358 = arith.index_cast %scan3A_62 : i32 to index
        %swap3A_1359 = arith.index_cast %swap3A_1357 : i32 to index
        %swap3A_1360 = arith.constant 352 : index
        %swap3A_1361 = tpu.vector_load %arg5[%swap3A_1358, %swap3A_1359, %swap3A_1360] {strides = array<i32>} : memref<5x16x512xf32, #tpu.memory_space<vmem>>, vector<1x1x16xf32>,
        %swap3A_1362 = vector.shape_cast %swap3A_1361 : vector<1x1x16xf32> to vector<16xf32>
        %swap3A_1363 = vector.shape_cast %broadcast_in_dim3A_1202 : vector<16xf32> to vector<1x1x16xf32>
        tpu.vector_store %arg5[%swap3A_1358, %swap3A_1359, %swap3A_1360], %swap3A_1363 {strides = array<i32>} : memref<5x16x512xf32, #tpu.memory_space<vmem>>, vector<1x1x16xf32>,
        %swap3A_1364 = arith.constant 5 : i32
        %swap3A_1365 = arith.index_cast %scan3A_62 : i32 to index
        %swap3A_1366 = arith.index_cast %swap3A_1364 : i32 to index
        %swap3A_1367 = arith.constant 368 : index
        %swap3A_1368 = tpu.vector_load %arg5[%swap3A_1365, %swap3A_1366, %swap3A_1367] {strides = array<i32>} : memref<5x16x512xf32, #tpu.memory_space<vmem>>, vector<1x1x16xf32>,
        %swap3A_1369 = vector.shape_cast %swap3A_1368 : vector<1x1x16xf32> to vector<16xf32>
        %swap3A_1370 = vector.shape_cast %broadcast_in_dim3A_1202 : vector<16xf32> to vector<1x1x16xf32>
        tpu.vector_store %arg5[%swap3A_1365, %swap3A_1366, %swap3A_1367], %swap3A_1370 {strides = array<i32>} : memref<5x16x512xf32, #tpu.memory_space<vmem>>, vector<1x1x16xf32>,
        %swap3A_1371 = arith.constant 5 : i32
        %swap3A_1372 = arith.index_cast %scan3A_62 : i32 to index
        %swap3A_1373 = arith.index_cast %swap3A_1371 : i32 to index
        %swap3A_1374 = arith.constant 384 : index
        %swap3A_1375 = tpu.vector_load %arg5[%swap3A_1372, %swap3A_1373, %swap3A_1374] {strides = array<i32>} : memref<5x16x512xf32, #tpu.memory_space<vmem>>, vector<1x1x16xf32>,
        %swap3A_1376 = vector.shape_cast %swap3A_1375 : vector<1x1x16xf32> to vector<16xf32>
        %swap3A_1377 = vector.shape_cast %broadcast_in_dim3A_1202 : vector<16xf32> to vector<1x1x16xf32>
        tpu.vector_store %arg5[%swap3A_1372, %swap3A_1373, %swap3A_1374], %swap3A_1377 {strides = array<i32>} : memref<5x16x512xf32, #tpu.memory_space<vmem>>, vector<1x1x16xf32>,
        %swap3A_1378 = arith.constant 5 : i32
        %swap3A_1379 = arith.index_cast %scan3A_62 : i32 to index
        %swap3A_1380 = arith.index_cast %swap3A_1378 : i32 to index
        %swap3A_1381 = arith.constant 400 : index
        %swap3A_1382 = tpu.vector_load %arg5[%swap3A_1379, %swap3A_1380, %swap3A_1381] {strides = array<i32>} : memref<5x16x512xf32, #tpu.memory_space<vmem>>, vector<1x1x16xf32>,
        %swap3A_1383 = vector.shape_cast %swap3A_1382 : vector<1x1x16xf32> to vector<16xf32>
        %swap3A_1384 = vector.shape_cast %broadcast_in_dim3A_1202 : vector<16xf32> to vector<1x1x16xf32>
        tpu.vector_store %arg5[%swap3A_1379, %swap3A_1380, %swap3A_1381], %swap3A_1384 {strides = array<i32>} : memref<5x16x512xf32, #tpu.memory_space<vmem>>, vector<1x1x16xf32>,
        %swap3A_1385 = arith.constant 5 : i32
        %swap3A_1386 = arith.index_cast %scan3A_62 : i32 to index
        %swap3A_1387 = arith.index_cast %swap3A_1385 : i32 to index
        %swap3A_1388 = arith.constant 416 : index
        %swap3A_1389 = tpu.vector_load %arg5[%swap3A_1386, %swap3A_1387, %swap3A_1388] {strides = array<i32>} : memref<5x16x512xf32, #tpu.memory_space<vmem>>, vector<1x1x16xf32>,
        %swap3A_1390 = vector.shape_cast %swap3A_1389 : vector<1x1x16xf32> to vector<16xf32>
        %swap3A_1391 = vector.shape_cast %broadcast_in_dim3A_1202 : vector<16xf32> to vector<1x1x16xf32>
        tpu.vector_store %arg5[%swap3A_1386, %swap3A_1387, %swap3A_1388], %swap3A_1391 {strides = array<i32>} : memref<5x16x512xf32, #tpu.memory_space<vmem>>, vector<1x1x16xf32>,
        %swap3A_1392 = arith.constant 5 : i32
        %swap3A_1393 = arith.index_cast %scan3A_62 : i32 to index
        %swap3A_1394 = arith.index_cast %swap3A_1392 : i32 to index
        %swap3A_1395 = arith.constant 432 : index
        %swap3A_1396 = tpu.vector_load %arg5[%swap3A_1393, %swap3A_1394, %swap3A_1395] {strides = array<i32>} : memref<5x16x512xf32, #tpu.memory_space<vmem>>, vector<1x1x16xf32>,
        %swap3A_1397 = vector.shape_cast %swap3A_1396 : vector<1x1x16xf32> to vector<16xf32>
        %swap3A_1398 = vector.shape_cast %broadcast_in_dim3A_1202 : vector<16xf32> to vector<1x1x16xf32>
        tpu.vector_store %arg5[%swap3A_1393, %swap3A_1394, %swap3A_1395], %swap3A_1398 {strides = array<i32>} : memref<5x16x512xf32, #tpu.memory_space<vmem>>, vector<1x1x16xf32>,
        %swap3A_1399 = arith.constant 5 : i32
        %swap3A_1400 = arith.index_cast %scan3A_62 : i32 to index
        %swap3A_1401 = arith.index_cast %swap3A_1399 : i32 to index
        %swap3A_1402 = arith.constant 448 : index
        %swap3A_1403 = tpu.vector_load %arg5[%swap3A_1400, %swap3A_1401, %swap3A_1402] {strides = array<i32>} : memref<5x16x512xf32, #tpu.memory_space<vmem>>, vector<1x1x16xf32>,
        %swap3A_1404 = vector.shape_cast %swap3A_1403 : vector<1x1x16xf32> to vector<16xf32>
        %swap3A_1405 = vector.shape_cast %broadcast_in_dim3A_1202 : vector<16xf32> to vector<1x1x16xf32>
        tpu.vector_store %arg5[%swap3A_1400, %swap3A_1401, %swap3A_1402], %swap3A_1405 {strides = array<i32>} : memref<5x16x512xf32, #tpu.memory_space<vmem>>, vector<1x1x16xf32>,
        %swap3A_1406 = arith.constant 5 : i32
        %swap3A_1407 = arith.index_cast %scan3A_62 : i32 to index
        %swap3A_1408 = arith.index_cast %swap3A_1406 : i32 to index
        %swap3A_1409 = arith.constant 464 : index
        %swap3A_1410 = tpu.vector_load %arg5[%swap3A_1407, %swap3A_1408, %swap3A_1409] {strides = array<i32>} : memref<5x16x512xf32, #tpu.memory_space<vmem>>, vector<1x1x16xf32>,
        %swap3A_1411 = vector.shape_cast %swap3A_1410 : vector<1x1x16xf32> to vector<16xf32>
        %swap3A_1412 = vector.shape_cast %broadcast_in_dim3A_1202 : vector<16xf32> to vector<1x1x16xf32>
        tpu.vector_store %arg5[%swap3A_1407, %swap3A_1408, %swap3A_1409], %swap3A_1412 {strides = array<i32>} : memref<5x16x512xf32, #tpu.memory_space<vmem>>, vector<1x1x16xf32>,
        %swap3A_1413 = arith.constant 5 : i32
        %swap3A_1414 = arith.index_cast %scan3A_62 : i32 to index
        %swap3A_1415 = arith.index_cast %swap3A_1413 : i32 to index
        %swap3A_1416 = arith.constant 480 : index
        %swap3A_1417 = tpu.vector_load %arg5[%swap3A_1414, %swap3A_1415, %swap3A_1416] {strides = array<i32>} : memref<5x16x512xf32, #tpu.memory_space<vmem>>, vector<1x1x16xf32>,
        %swap3A_1418 = vector.shape_cast %swap3A_1417 : vector<1x1x16xf32> to vector<16xf32>
        %swap3A_1419 = vector.shape_cast %broadcast_in_dim3A_1202 : vector<16xf32> to vector<1x1x16xf32>
        tpu.vector_store %arg5[%swap3A_1414, %swap3A_1415, %swap3A_1416], %swap3A_1419 {strides = array<i32>} : memref<5x16x512xf32, #tpu.memory_space<vmem>>, vector<1x1x16xf32>,
        %swap3A_1420 = arith.constant 5 : i32
        %swap3A_1421 = arith.index_cast %scan3A_62 : i32 to index
        %swap3A_1422 = arith.index_cast %swap3A_1420 : i32 to index
        %swap3A_1423 = arith.constant 496 : index
        %swap3A_1424 = tpu.vector_load %arg5[%swap3A_1421, %swap3A_1422, %swap3A_1423] {strides = array<i32>} : memref<5x16x512xf32, #tpu.memory_space<vmem>>, vector<1x1x16xf32>,
        %swap3A_1425 = vector.shape_cast %swap3A_1424 : vector<1x1x16xf32> to vector<16xf32>
        %swap3A_1426 = vector.shape_cast %broadcast_in_dim3A_1202 : vector<16xf32> to vector<1x1x16xf32>
        tpu.vector_store %arg5[%swap3A_1421, %swap3A_1422, %swap3A_1423], %swap3A_1426 {strides = array<i32>} : memref<5x16x512xf32, #tpu.memory_space<vmem>>, vector<1x1x16xf32>,
        %slice3A_1427 = vector.extract_strided_slice %max3A_68 {offsets = [6], sizes = [1], strides = [1]} : vector<16xf32> to vector<1xf32>
        %squeeze3A_1428 = vector.extract %slice3A_1427[0] : f32 from vector<1xf32>
        %broadcast_in_dim3A_1429 = vector.broadcast %squeeze3A_1428 : f32 to vector<16xf32>
        %swap3A_1430 = arith.constant 6 : i32
        %swap3A_1431 = arith.index_cast %scan3A_62 : i32 to index
        %swap3A_1432 = arith.index_cast %swap3A_1430 : i32 to index
        %swap3A_1433 = arith.constant 0 : index
        %swap3A_1434 = tpu.vector_load %arg5[%swap3A_1431, %swap3A_1432, %swap3A_1433] {strides = array<i32>} : memref<5x16x512xf32, #tpu.memory_space<vmem>>, vector<1x1x16xf32>,
        %swap3A_1435 = vector.shape_cast %swap3A_1434 : vector<1x1x16xf32> to vector<16xf32>
        %swap3A_1436 = vector.shape_cast %broadcast_in_dim3A_1429 : vector<16xf32> to vector<1x1x16xf32>
        tpu.vector_store %arg5[%swap3A_1431, %swap3A_1432, %swap3A_1433], %swap3A_1436 {strides = array<i32>} : memref<5x16x512xf32, #tpu.memory_space<vmem>>, vector<1x1x16xf32>,
        %swap3A_1437 = arith.constant 6 : i32
        %swap3A_1438 = arith.index_cast %scan3A_62 : i32 to index
        %swap3A_1439 = arith.index_cast %swap3A_1437 : i32 to index
        %swap3A_1440 = arith.constant 16 : index
        %swap3A_1441 = tpu.vector_load %arg5[%swap3A_1438, %swap3A_1439, %swap3A_1440] {strides = array<i32>} : memref<5x16x512xf32, #tpu.memory_space<vmem>>, vector<1x1x16xf32>,
        %swap3A_1442 = vector.shape_cast %swap3A_1441 : vector<1x1x16xf32> to vector<16xf32>
        %swap3A_1443 = vector.shape_cast %broadcast_in_dim3A_1429 : vector<16xf32> to vector<1x1x16xf32>
        tpu.vector_store %arg5[%swap3A_1438, %swap3A_1439, %swap3A_1440], %swap3A_1443 {strides = array<i32>} : memref<5x16x512xf32, #tpu.memory_space<vmem>>, vector<1x1x16xf32>,
        %swap3A_1444 = arith.constant 6 : i32
        %swap3A_1445 = arith.index_cast %scan3A_62 : i32 to index
        %swap3A_1446 = arith.index_cast %swap3A_1444 : i32 to index
        %swap3A_1447 = arith.constant 32 : index
        %swap3A_1448 = tpu.vector_load %arg5[%swap3A_1445, %swap3A_1446, %swap3A_1447] {strides = array<i32>} : memref<5x16x512xf32, #tpu.memory_space<vmem>>, vector<1x1x16xf32>,
        %swap3A_1449 = vector.shape_cast %swap3A_1448 : vector<1x1x16xf32> to vector<16xf32>
        %swap3A_1450 = vector.shape_cast %broadcast_in_dim3A_1429 : vector<16xf32> to vector<1x1x16xf32>
        tpu.vector_store %arg5[%swap3A_1445, %swap3A_1446, %swap3A_1447], %swap3A_1450 {strides = array<i32>} : memref<5x16x512xf32, #tpu.memory_space<vmem>>, vector<1x1x16xf32>,
        %swap3A_1451 = arith.constant 6 : i32
        %swap3A_1452 = arith.index_cast %scan3A_62 : i32 to index
        %swap3A_1453 = arith.index_cast %swap3A_1451 : i32 to index
        %swap3A_1454 = arith.constant 48 : index
        %swap3A_1455 = tpu.vector_load %arg5[%swap3A_1452, %swap3A_1453, %swap3A_1454] {strides = array<i32>} : memref<5x16x512xf32, #tpu.memory_space<vmem>>, vector<1x1x16xf32>,
        %swap3A_1456 = vector.shape_cast %swap3A_1455 : vector<1x1x16xf32> to vector<16xf32>
        %swap3A_1457 = vector.shape_cast %broadcast_in_dim3A_1429 : vector<16xf32> to vector<1x1x16xf32>
        tpu.vector_store %arg5[%swap3A_1452, %swap3A_1453, %swap3A_1454], %swap3A_1457 {strides = array<i32>} : memref<5x16x512xf32, #tpu.memory_space<vmem>>, vector<1x1x16xf32>,
        %swap3A_1458 = arith.constant 6 : i32
        %swap3A_1459 = arith.index_cast %scan3A_62 : i32 to index
        %swap3A_1460 = arith.index_cast %swap3A_1458 : i32 to index
        %swap3A_1461 = arith.constant 64 : index
        %swap3A_1462 = tpu.vector_load %arg5[%swap3A_1459, %swap3A_1460, %swap3A_1461] {strides = array<i32>} : memref<5x16x512xf32, #tpu.memory_space<vmem>>, vector<1x1x16xf32>,
        %swap3A_1463 = vector.shape_cast %swap3A_1462 : vector<1x1x16xf32> to vector<16xf32>
        %swap3A_1464 = vector.shape_cast %broadcast_in_dim3A_1429 : vector<16xf32> to vector<1x1x16xf32>
        tpu.vector_store %arg5[%swap3A_1459, %swap3A_1460, %swap3A_1461], %swap3A_1464 {strides = array<i32>} : memref<5x16x512xf32, #tpu.memory_space<vmem>>, vector<1x1x16xf32>,
        %swap3A_1465 = arith.constant 6 : i32
        %swap3A_1466 = arith.index_cast %scan3A_62 : i32 to index
        %swap3A_1467 = arith.index_cast %swap3A_1465 : i32 to index
        %swap3A_1468 = arith.constant 80 : index
        %swap3A_1469 = tpu.vector_load %arg5[%swap3A_1466, %swap3A_1467, %swap3A_1468] {strides = array<i32>} : memref<5x16x512xf32, #tpu.memory_space<vmem>>, vector<1x1x16xf32>,
        %swap3A_1470 = vector.shape_cast %swap3A_1469 : vector<1x1x16xf32> to vector<16xf32>
        %swap3A_1471 = vector.shape_cast %broadcast_in_dim3A_1429 : vector<16xf32> to vector<1x1x16xf32>
        tpu.vector_store %arg5[%swap3A_1466, %swap3A_1467, %swap3A_1468], %swap3A_1471 {strides = array<i32>} : memref<5x16x512xf32, #tpu.memory_space<vmem>>, vector<1x1x16xf32>,
        %swap3A_1472 = arith.constant 6 : i32
        %swap3A_1473 = arith.index_cast %scan3A_62 : i32 to index
        %swap3A_1474 = arith.index_cast %swap3A_1472 : i32 to index
        %swap3A_1475 = arith.constant 96 : index
        %swap3A_1476 = tpu.vector_load %arg5[%swap3A_1473, %swap3A_1474, %swap3A_1475] {strides = array<i32>} : memref<5x16x512xf32, #tpu.memory_space<vmem>>, vector<1x1x16xf32>,
        %swap3A_1477 = vector.shape_cast %swap3A_1476 : vector<1x1x16xf32> to vector<16xf32>
        %swap3A_1478 = vector.shape_cast %broadcast_in_dim3A_1429 : vector<16xf32> to vector<1x1x16xf32>
        tpu.vector_store %arg5[%swap3A_1473, %swap3A_1474, %swap3A_1475], %swap3A_1478 {strides = array<i32>} : memref<5x16x512xf32, #tpu.memory_space<vmem>>, vector<1x1x16xf32>,
        %swap3A_1479 = arith.constant 6 : i32
        %swap3A_1480 = arith.index_cast %scan3A_62 : i32 to index
        %swap3A_1481 = arith.index_cast %swap3A_1479 : i32 to index
        %swap3A_1482 = arith.constant 112 : index
        %swap3A_1483 = tpu.vector_load %arg5[%swap3A_1480, %swap3A_1481, %swap3A_1482] {strides = array<i32>} : memref<5x16x512xf32, #tpu.memory_space<vmem>>, vector<1x1x16xf32>,
        %swap3A_1484 = vector.shape_cast %swap3A_1483 : vector<1x1x16xf32> to vector<16xf32>
        %swap3A_1485 = vector.shape_cast %broadcast_in_dim3A_1429 : vector<16xf32> to vector<1x1x16xf32>
        tpu.vector_store %arg5[%swap3A_1480, %swap3A_1481, %swap3A_1482], %swap3A_1485 {strides = array<i32>} : memref<5x16x512xf32, #tpu.memory_space<vmem>>, vector<1x1x16xf32>,
        %swap3A_1486 = arith.constant 6 : i32
        %swap3A_1487 = arith.index_cast %scan3A_62 : i32 to index
        %swap3A_1488 = arith.index_cast %swap3A_1486 : i32 to index
        %swap3A_1489 = arith.constant 128 : index
        %swap3A_1490 = tpu.vector_load %arg5[%swap3A_1487, %swap3A_1488, %swap3A_1489] {strides = array<i32>} : memref<5x16x512xf32, #tpu.memory_space<vmem>>, vector<1x1x16xf32>,
        %swap3A_1491 = vector.shape_cast %swap3A_1490 : vector<1x1x16xf32> to vector<16xf32>
        %swap3A_1492 = vector.shape_cast %broadcast_in_dim3A_1429 : vector<16xf32> to vector<1x1x16xf32>
        tpu.vector_store %arg5[%swap3A_1487, %swap3A_1488, %swap3A_1489], %swap3A_1492 {strides = array<i32>} : memref<5x16x512xf32, #tpu.memory_space<vmem>>, vector<1x1x16xf32>,
        %swap3A_1493 = arith.constant 6 : i32
        %swap3A_1494 = arith.index_cast %scan3A_62 : i32 to index
        %swap3A_1495 = arith.index_cast %swap3A_1493 : i32 to index
        %swap3A_1496 = arith.constant 144 : index
        %swap3A_1497 = tpu.vector_load %arg5[%swap3A_1494, %swap3A_1495, %swap3A_1496] {strides = array<i32>} : memref<5x16x512xf32, #tpu.memory_space<vmem>>, vector<1x1x16xf32>,
        %swap3A_1498 = vector.shape_cast %swap3A_1497 : vector<1x1x16xf32> to vector<16xf32>
        %swap3A_1499 = vector.shape_cast %broadcast_in_dim3A_1429 : vector<16xf32> to vector<1x1x16xf32>
        tpu.vector_store %arg5[%swap3A_1494, %swap3A_1495, %swap3A_1496], %swap3A_1499 {strides = array<i32>} : memref<5x16x512xf32, #tpu.memory_space<vmem>>, vector<1x1x16xf32>,
        %swap3A_1500 = arith.constant 6 : i32
        %swap3A_1501 = arith.index_cast %scan3A_62 : i32 to index
        %swap3A_1502 = arith.index_cast %swap3A_1500 : i32 to index
        %swap3A_1503 = arith.constant 160 : index
        %swap3A_1504 = tpu.vector_load %arg5[%swap3A_1501, %swap3A_1502, %swap3A_1503] {strides = array<i32>} : memref<5x16x512xf32, #tpu.memory_space<vmem>>, vector<1x1x16xf32>,
        %swap3A_1505 = vector.shape_cast %swap3A_1504 : vector<1x1x16xf32> to vector<16xf32>
        %swap3A_1506 = vector.shape_cast %broadcast_in_dim3A_1429 : vector<16xf32> to vector<1x1x16xf32>
        tpu.vector_store %arg5[%swap3A_1501, %swap3A_1502, %swap3A_1503], %swap3A_1506 {strides = array<i32>} : memref<5x16x512xf32, #tpu.memory_space<vmem>>, vector<1x1x16xf32>,
        %swap3A_1507 = arith.constant 6 : i32
        %swap3A_1508 = arith.index_cast %scan3A_62 : i32 to index
        %swap3A_1509 = arith.index_cast %swap3A_1507 : i32 to index
        %swap3A_1510 = arith.constant 176 : index
        %swap3A_1511 = tpu.vector_load %arg5[%swap3A_1508, %swap3A_1509, %swap3A_1510] {strides = array<i32>} : memref<5x16x512xf32, #tpu.memory_space<vmem>>, vector<1x1x16xf32>,
        %swap3A_1512 = vector.shape_cast %swap3A_1511 : vector<1x1x16xf32> to vector<16xf32>
        %swap3A_1513 = vector.shape_cast %broadcast_in_dim3A_1429 : vector<16xf32> to vector<1x1x16xf32>
        tpu.vector_store %arg5[%swap3A_1508, %swap3A_1509, %swap3A_1510], %swap3A_1513 {strides = array<i32>} : memref<5x16x512xf32, #tpu.memory_space<vmem>>, vector<1x1x16xf32>,
        %swap3A_1514 = arith.constant 6 : i32
        %swap3A_1515 = arith.index_cast %scan3A_62 : i32 to index
        %swap3A_1516 = arith.index_cast %swap3A_1514 : i32 to index
        %swap3A_1517 = arith.constant 192 : index
        %swap3A_1518 = tpu.vector_load %arg5[%swap3A_1515, %swap3A_1516, %swap3A_1517] {strides = array<i32>} : memref<5x16x512xf32, #tpu.memory_space<vmem>>, vector<1x1x16xf32>,
        %swap3A_1519 = vector.shape_cast %swap3A_1518 : vector<1x1x16xf32> to vector<16xf32>
        %swap3A_1520 = vector.shape_cast %broadcast_in_dim3A_1429 : vector<16xf32> to vector<1x1x16xf32>
        tpu.vector_store %arg5[%swap3A_1515, %swap3A_1516, %swap3A_1517], %swap3A_1520 {strides = array<i32>} : memref<5x16x512xf32, #tpu.memory_space<vmem>>, vector<1x1x16xf32>,
        %swap3A_1521 = arith.constant 6 : i32
        %swap3A_1522 = arith.index_cast %scan3A_62 : i32 to index
        %swap3A_1523 = arith.index_cast %swap3A_1521 : i32 to index
        %swap3A_1524 = arith.constant 208 : index
        %swap3A_1525 = tpu.vector_load %arg5[%swap3A_1522, %swap3A_1523, %swap3A_1524] {strides = array<i32>} : memref<5x16x512xf32, #tpu.memory_space<vmem>>, vector<1x1x16xf32>,
        %swap3A_1526 = vector.shape_cast %swap3A_1525 : vector<1x1x16xf32> to vector<16xf32>
        %swap3A_1527 = vector.shape_cast %broadcast_in_dim3A_1429 : vector<16xf32> to vector<1x1x16xf32>
        tpu.vector_store %arg5[%swap3A_1522, %swap3A_1523, %swap3A_1524], %swap3A_1527 {strides = array<i32>} : memref<5x16x512xf32, #tpu.memory_space<vmem>>, vector<1x1x16xf32>,
        %swap3A_1528 = arith.constant 6 : i32
        %swap3A_1529 = arith.index_cast %scan3A_62 : i32 to index
        %swap3A_1530 = arith.index_cast %swap3A_1528 : i32 to index
        %swap3A_1531 = arith.constant 224 : index
        %swap3A_1532 = tpu.vector_load %arg5[%swap3A_1529, %swap3A_1530, %swap3A_1531] {strides = array<i32>} : memref<5x16x512xf32, #tpu.memory_space<vmem>>, vector<1x1x16xf32>,
        %swap3A_1533 = vector.shape_cast %swap3A_1532 : vector<1x1x16xf32> to vector<16xf32>
        %swap3A_1534 = vector.shape_cast %broadcast_in_dim3A_1429 : vector<16xf32> to vector<1x1x16xf32>
        tpu.vector_store %arg5[%swap3A_1529, %swap3A_1530, %swap3A_1531], %swap3A_1534 {strides = array<i32>} : memref<5x16x512xf32, #tpu.memory_space<vmem>>, vector<1x1x16xf32>,
        %swap3A_1535 = arith.constant 6 : i32
        %swap3A_1536 = arith.index_cast %scan3A_62 : i32 to index
        %swap3A_1537 = arith.index_cast %swap3A_1535 : i32 to index
        %swap3A_1538 = arith.constant 240 : index
        %swap3A_1539 = tpu.vector_load %arg5[%swap3A_1536, %swap3A_1537, %swap3A_1538] {strides = array<i32>} : memref<5x16x512xf32, #tpu.memory_space<vmem>>, vector<1x1x16xf32>,
        %swap3A_1540 = vector.shape_cast %swap3A_1539 : vector<1x1x16xf32> to vector<16xf32>
        %swap3A_1541 = vector.shape_cast %broadcast_in_dim3A_1429 : vector<16xf32> to vector<1x1x16xf32>
        tpu.vector_store %arg5[%swap3A_1536, %swap3A_1537, %swap3A_1538], %swap3A_1541 {strides = array<i32>} : memref<5x16x512xf32, #tpu.memory_space<vmem>>, vector<1x1x16xf32>,
        %swap3A_1542 = arith.constant 6 : i32
        %swap3A_1543 = arith.index_cast %scan3A_62 : i32 to index
        %swap3A_1544 = arith.index_cast %swap3A_1542 : i32 to index
        %swap3A_1545 = arith.constant 256 : index
        %swap3A_1546 = tpu.vector_load %arg5[%swap3A_1543, %swap3A_1544, %swap3A_1545] {strides = array<i32>} : memref<5x16x512xf32, #tpu.memory_space<vmem>>, vector<1x1x16xf32>,
        %swap3A_1547 = vector.shape_cast %swap3A_1546 : vector<1x1x16xf32> to vector<16xf32>
        %swap3A_1548 = vector.shape_cast %broadcast_in_dim3A_1429 : vector<16xf32> to vector<1x1x16xf32>
        tpu.vector_store %arg5[%swap3A_1543, %swap3A_1544, %swap3A_1545], %swap3A_1548 {strides = array<i32>} : memref<5x16x512xf32, #tpu.memory_space<vmem>>, vector<1x1x16xf32>,
        %swap3A_1549 = arith.constant 6 : i32
        %swap3A_1550 = arith.index_cast %scan3A_62 : i32 to index
        %swap3A_1551 = arith.index_cast %swap3A_1549 : i32 to index
        %swap3A_1552 = arith.constant 272 : index
        %swap3A_1553 = tpu.vector_load %arg5[%swap3A_1550, %swap3A_1551, %swap3A_1552] {strides = array<i32>} : memref<5x16x512xf32, #tpu.memory_space<vmem>>, vector<1x1x16xf32>,
        %swap3A_1554 = vector.shape_cast %swap3A_1553 : vector<1x1x16xf32> to vector<16xf32>
        %swap3A_1555 = vector.shape_cast %broadcast_in_dim3A_1429 : vector<16xf32> to vector<1x1x16xf32>
        tpu.vector_store %arg5[%swap3A_1550, %swap3A_1551, %swap3A_1552], %swap3A_1555 {strides = array<i32>} : memref<5x16x512xf32, #tpu.memory_space<vmem>>, vector<1x1x16xf32>,
        %swap3A_1556 = arith.constant 6 : i32
        %swap3A_1557 = arith.index_cast %scan3A_62 : i32 to index
        %swap3A_1558 = arith.index_cast %swap3A_1556 : i32 to index
        %swap3A_1559 = arith.constant 288 : index
        %swap3A_1560 = tpu.vector_load %arg5[%swap3A_1557, %swap3A_1558, %swap3A_1559] {strides = array<i32>} : memref<5x16x512xf32, #tpu.memory_space<vmem>>, vector<1x1x16xf32>,
        %swap3A_1561 = vector.shape_cast %swap3A_1560 : vector<1x1x16xf32> to vector<16xf32>
        %swap3A_1562 = vector.shape_cast %broadcast_in_dim3A_1429 : vector<16xf32> to vector<1x1x16xf32>
        tpu.vector_store %arg5[%swap3A_1557, %swap3A_1558, %swap3A_1559], %swap3A_1562 {strides = array<i32>} : memref<5x16x512xf32, #tpu.memory_space<vmem>>, vector<1x1x16xf32>,
        %swap3A_1563 = arith.constant 6 : i32
        %swap3A_1564 = arith.index_cast %scan3A_62 : i32 to index
        %swap3A_1565 = arith.index_cast %swap3A_1563 : i32 to index
        %swap3A_1566 = arith.constant 304 : index
        %swap3A_1567 = tpu.vector_load %arg5[%swap3A_1564, %swap3A_1565, %swap3A_1566] {strides = array<i32>} : memref<5x16x512xf32, #tpu.memory_space<vmem>>, vector<1x1x16xf32>,
        %swap3A_1568 = vector.shape_cast %swap3A_1567 : vector<1x1x16xf32> to vector<16xf32>
        %swap3A_1569 = vector.shape_cast %broadcast_in_dim3A_1429 : vector<16xf32> to vector<1x1x16xf32>
        tpu.vector_store %arg5[%swap3A_1564, %swap3A_1565, %swap3A_1566], %swap3A_1569 {strides = array<i32>} : memref<5x16x512xf32, #tpu.memory_space<vmem>>, vector<1x1x16xf32>,
        %swap3A_1570 = arith.constant 6 : i32
        %swap3A_1571 = arith.index_cast %scan3A_62 : i32 to index
        %swap3A_1572 = arith.index_cast %swap3A_1570 : i32 to index
        %swap3A_1573 = arith.constant 320 : index
        %swap3A_1574 = tpu.vector_load %arg5[%swap3A_1571, %swap3A_1572, %swap3A_1573] {strides = array<i32>} : memref<5x16x512xf32, #tpu.memory_space<vmem>>, vector<1x1x16xf32>,
        %swap3A_1575 = vector.shape_cast %swap3A_1574 : vector<1x1x16xf32> to vector<16xf32>
        %swap3A_1576 = vector.shape_cast %broadcast_in_dim3A_1429 : vector<16xf32> to vector<1x1x16xf32>
        tpu.vector_store %arg5[%swap3A_1571, %swap3A_1572, %swap3A_1573], %swap3A_1576 {strides = array<i32>} : memref<5x16x512xf32, #tpu.memory_space<vmem>>, vector<1x1x16xf32>,
        %swap3A_1577 = arith.constant 6 : i32
        %swap3A_1578 = arith.index_cast %scan3A_62 : i32 to index
        %swap3A_1579 = arith.index_cast %swap3A_1577 : i32 to index
        %swap3A_1580 = arith.constant 336 : index
        %swap3A_1581 = tpu.vector_load %arg5[%swap3A_1578, %swap3A_1579, %swap3A_1580] {strides = array<i32>} : memref<5x16x512xf32, #tpu.memory_space<vmem>>, vector<1x1x16xf32>,
        %swap3A_1582 = vector.shape_cast %swap3A_1581 : vector<1x1x16xf32> to vector<16xf32>
        %swap3A_1583 = vector.shape_cast %broadcast_in_dim3A_1429 : vector<16xf32> to vector<1x1x16xf32>
        tpu.vector_store %arg5[%swap3A_1578, %swap3A_1579, %swap3A_1580], %swap3A_1583 {strides = array<i32>} : memref<5x16x512xf32, #tpu.memory_space<vmem>>, vector<1x1x16xf32>,
        %swap3A_1584 = arith.constant 6 : i32
        %swap3A_1585 = arith.index_cast %scan3A_62 : i32 to index
        %swap3A_1586 = arith.index_cast %swap3A_1584 : i32 to index
        %swap3A_1587 = arith.constant 352 : index
        %swap3A_1588 = tpu.vector_load %arg5[%swap3A_1585, %swap3A_1586, %swap3A_1587] {strides = array<i32>} : memref<5x16x512xf32, #tpu.memory_space<vmem>>, vector<1x1x16xf32>,
        %swap3A_1589 = vector.shape_cast %swap3A_1588 : vector<1x1x16xf32> to vector<16xf32>
        %swap3A_1590 = vector.shape_cast %broadcast_in_dim3A_1429 : vector<16xf32> to vector<1x1x16xf32>
        tpu.vector_store %arg5[%swap3A_1585, %swap3A_1586, %swap3A_1587], %swap3A_1590 {strides = array<i32>} : memref<5x16x512xf32, #tpu.memory_space<vmem>>, vector<1x1x16xf32>,
        %swap3A_1591 = arith.constant 6 : i32
        %swap3A_1592 = arith.index_cast %scan3A_62 : i32 to index
        %swap3A_1593 = arith.index_cast %swap3A_1591 : i32 to index
        %swap3A_1594 = arith.constant 368 : index
        %swap3A_1595 = tpu.vector_load %arg5[%swap3A_1592, %swap3A_1593, %swap3A_1594] {strides = array<i32>} : memref<5x16x512xf32, #tpu.memory_space<vmem>>, vector<1x1x16xf32>,
        %swap3A_1596 = vector.shape_cast %swap3A_1595 : vector<1x1x16xf32> to vector<16xf32>
        %swap3A_1597 = vector.shape_cast %broadcast_in_dim3A_1429 : vector<16xf32> to vector<1x1x16xf32>
        tpu.vector_store %arg5[%swap3A_1592, %swap3A_1593, %swap3A_1594], %swap3A_1597 {strides = array<i32>} : memref<5x16x512xf32, #tpu.memory_space<vmem>>, vector<1x1x16xf32>,
        %swap3A_1598 = arith.constant 6 : i32
        %swap3A_1599 = arith.index_cast %scan3A_62 : i32 to index
        %swap3A_1600 = arith.index_cast %swap3A_1598 : i32 to index
        %swap3A_1601 = arith.constant 384 : index
        %swap3A_1602 = tpu.vector_load %arg5[%swap3A_1599, %swap3A_1600, %swap3A_1601] {strides = array<i32>} : memref<5x16x512xf32, #tpu.memory_space<vmem>>, vector<1x1x16xf32>,
        %swap3A_1603 = vector.shape_cast %swap3A_1602 : vector<1x1x16xf32> to vector<16xf32>
        %swap3A_1604 = vector.shape_cast %broadcast_in_dim3A_1429 : vector<16xf32> to vector<1x1x16xf32>
        tpu.vector_store %arg5[%swap3A_1599, %swap3A_1600, %swap3A_1601], %swap3A_1604 {strides = array<i32>} : memref<5x16x512xf32, #tpu.memory_space<vmem>>, vector<1x1x16xf32>,
        %swap3A_1605 = arith.constant 6 : i32
        %swap3A_1606 = arith.index_cast %scan3A_62 : i32 to index
        %swap3A_1607 = arith.index_cast %swap3A_1605 : i32 to index
        %swap3A_1608 = arith.constant 400 : index
        %swap3A_1609 = tpu.vector_load %arg5[%swap3A_1606, %swap3A_1607, %swap3A_1608] {strides = array<i32>} : memref<5x16x512xf32, #tpu.memory_space<vmem>>, vector<1x1x16xf32>,
        %swap3A_1610 = vector.shape_cast %swap3A_1609 : vector<1x1x16xf32> to vector<16xf32>
        %swap3A_1611 = vector.shape_cast %broadcast_in_dim3A_1429 : vector<16xf32> to vector<1x1x16xf32>
        tpu.vector_store %arg5[%swap3A_1606, %swap3A_1607, %swap3A_1608], %swap3A_1611 {strides = array<i32>} : memref<5x16x512xf32, #tpu.memory_space<vmem>>, vector<1x1x16xf32>,
        %swap3A_1612 = arith.constant 6 : i32
        %swap3A_1613 = arith.index_cast %scan3A_62 : i32 to index
        %swap3A_1614 = arith.index_cast %swap3A_1612 : i32 to index
        %swap3A_1615 = arith.constant 416 : index
        %swap3A_1616 = tpu.vector_load %arg5[%swap3A_1613, %swap3A_1614, %swap3A_1615] {strides = array<i32>} : memref<5x16x512xf32, #tpu.memory_space<vmem>>, vector<1x1x16xf32>,
        %swap3A_1617 = vector.shape_cast %swap3A_1616 : vector<1x1x16xf32> to vector<16xf32>
        %swap3A_1618 = vector.shape_cast %broadcast_in_dim3A_1429 : vector<16xf32> to vector<1x1x16xf32>
        tpu.vector_store %arg5[%swap3A_1613, %swap3A_1614, %swap3A_1615], %swap3A_1618 {strides = array<i32>} : memref<5x16x512xf32, #tpu.memory_space<vmem>>, vector<1x1x16xf32>,
        %swap3A_1619 = arith.constant 6 : i32
        %swap3A_1620 = arith.index_cast %scan3A_62 : i32 to index
        %swap3A_1621 = arith.index_cast %swap3A_1619 : i32 to index
        %swap3A_1622 = arith.constant 432 : index
        %swap3A_1623 = tpu.vector_load %arg5[%swap3A_1620, %swap3A_1621, %swap3A_1622] {strides = array<i32>} : memref<5x16x512xf32, #tpu.memory_space<vmem>>, vector<1x1x16xf32>,
        %swap3A_1624 = vector.shape_cast %swap3A_1623 : vector<1x1x16xf32> to vector<16xf32>
        %swap3A_1625 = vector.shape_cast %broadcast_in_dim3A_1429 : vector<16xf32> to vector<1x1x16xf32>
        tpu.vector_store %arg5[%swap3A_1620, %swap3A_1621, %swap3A_1622], %swap3A_1625 {strides = array<i32>} : memref<5x16x512xf32, #tpu.memory_space<vmem>>, vector<1x1x16xf32>,
        %swap3A_1626 = arith.constant 6 : i32
        %swap3A_1627 = arith.index_cast %scan3A_62 : i32 to index
        %swap3A_1628 = arith.index_cast %swap3A_1626 : i32 to index
        %swap3A_1629 = arith.constant 448 : index
        %swap3A_1630 = tpu.vector_load %arg5[%swap3A_1627, %swap3A_1628, %swap3A_1629] {strides = array<i32>} : memref<5x16x512xf32, #tpu.memory_space<vmem>>, vector<1x1x16xf32>,
        %swap3A_1631 = vector.shape_cast %swap3A_1630 : vector<1x1x16xf32> to vector<16xf32>
        %swap3A_1632 = vector.shape_cast %broadcast_in_dim3A_1429 : vector<16xf32> to vector<1x1x16xf32>
        tpu.vector_store %arg5[%swap3A_1627, %swap3A_1628, %swap3A_1629], %swap3A_1632 {strides = array<i32>} : memref<5x16x512xf32, #tpu.memory_space<vmem>>, vector<1x1x16xf32>,
        %swap3A_1633 = arith.constant 6 : i32
        %swap3A_1634 = arith.index_cast %scan3A_62 : i32 to index
        %swap3A_1635 = arith.index_cast %swap3A_1633 : i32 to index
        %swap3A_1636 = arith.constant 464 : index
        %swap3A_1637 = tpu.vector_load %arg5[%swap3A_1634, %swap3A_1635, %swap3A_1636] {strides = array<i32>} : memref<5x16x512xf32, #tpu.memory_space<vmem>>, vector<1x1x16xf32>,
        %swap3A_1638 = vector.shape_cast %swap3A_1637 : vector<1x1x16xf32> to vector<16xf32>
        %swap3A_1639 = vector.shape_cast %broadcast_in_dim3A_1429 : vector<16xf32> to vector<1x1x16xf32>
        tpu.vector_store %arg5[%swap3A_1634, %swap3A_1635, %swap3A_1636], %swap3A_1639 {strides = array<i32>} : memref<5x16x512xf32, #tpu.memory_space<vmem>>, vector<1x1x16xf32>,
        %swap3A_1640 = arith.constant 6 : i32
        %swap3A_1641 = arith.index_cast %scan3A_62 : i32 to index
        %swap3A_1642 = arith.index_cast %swap3A_1640 : i32 to index
        %swap3A_1643 = arith.constant 480 : index
        %swap3A_1644 = tpu.vector_load %arg5[%swap3A_1641, %swap3A_1642, %swap3A_1643] {strides = array<i32>} : memref<5x16x512xf32, #tpu.memory_space<vmem>>, vector<1x1x16xf32>,
        %swap3A_1645 = vector.shape_cast %swap3A_1644 : vector<1x1x16xf32> to vector<16xf32>
        %swap3A_1646 = vector.shape_cast %broadcast_in_dim3A_1429 : vector<16xf32> to vector<1x1x16xf32>
        tpu.vector_store %arg5[%swap3A_1641, %swap3A_1642, %swap3A_1643], %swap3A_1646 {strides = array<i32>} : memref<5x16x512xf32, #tpu.memory_space<vmem>>, vector<1x1x16xf32>,
        %swap3A_1647 = arith.constant 6 : i32
        %swap3A_1648 = arith.index_cast %scan3A_62 : i32 to index
        %swap3A_1649 = arith.index_cast %swap3A_1647 : i32 to index
        %swap3A_1650 = arith.constant 496 : index
        %swap3A_1651 = tpu.vector_load %arg5[%swap3A_1648, %swap3A_1649, %swap3A_1650] {strides = array<i32>} : memref<5x16x512xf32, #tpu.memory_space<vmem>>, vector<1x1x16xf32>,
        %swap3A_1652 = vector.shape_cast %swap3A_1651 : vector<1x1x16xf32> to vector<16xf32>
        %swap3A_1653 = vector.shape_cast %broadcast_in_dim3A_1429 : vector<16xf32> to vector<1x1x16xf32>
        tpu.vector_store %arg5[%swap3A_1648, %swap3A_1649, %swap3A_1650], %swap3A_1653 {strides = array<i32>} : memref<5x16x512xf32, #tpu.memory_space<vmem>>, vector<1x1x16xf32>,
        %slice3A_1654 = vector.extract_strided_slice %max3A_68 {offsets = [7], sizes = [1], strides = [1]} : vector<16xf32> to vector<1xf32>
        %squeeze3A_1655 = vector.extract %slice3A_1654[0] : f32 from vector<1xf32>
        %broadcast_in_dim3A_1656 = vector.broadcast %squeeze3A_1655 : f32 to vector<16xf32>
        %swap3A_1657 = arith.constant 7 : i32
        %swap3A_1658 = arith.index_cast %scan3A_62 : i32 to index
        %swap3A_1659 = arith.index_cast %swap3A_1657 : i32 to index
        %swap3A_1660 = arith.constant 0 : index
        %swap3A_1661 = tpu.vector_load %arg5[%swap3A_1658, %swap3A_1659, %swap3A_1660] {strides = array<i32>} : memref<5x16x512xf32, #tpu.memory_space<vmem>>, vector<1x1x16xf32>,
        %swap3A_1662 = vector.shape_cast %swap3A_1661 : vector<1x1x16xf32> to vector<16xf32>
        %swap3A_1663 = vector.shape_cast %broadcast_in_dim3A_1656 : vector<16xf32> to vector<1x1x16xf32>
        tpu.vector_store %arg5[%swap3A_1658, %swap3A_1659, %swap3A_1660], %swap3A_1663 {strides = array<i32>} : memref<5x16x512xf32, #tpu.memory_space<vmem>>, vector<1x1x16xf32>,
        %swap3A_1664 = arith.constant 7 : i32
        %swap3A_1665 = arith.index_cast %scan3A_62 : i32 to index
        %swap3A_1666 = arith.index_cast %swap3A_1664 : i32 to index
        %swap3A_1667 = arith.constant 16 : index
        %swap3A_1668 = tpu.vector_load %arg5[%swap3A_1665, %swap3A_1666, %swap3A_1667] {strides = array<i32>} : memref<5x16x512xf32, #tpu.memory_space<vmem>>, vector<1x1x16xf32>,
        %swap3A_1669 = vector.shape_cast %swap3A_1668 : vector<1x1x16xf32> to vector<16xf32>
        %swap3A_1670 = vector.shape_cast %broadcast_in_dim3A_1656 : vector<16xf32> to vector<1x1x16xf32>
        tpu.vector_store %arg5[%swap3A_1665, %swap3A_1666, %swap3A_1667], %swap3A_1670 {strides = array<i32>} : memref<5x16x512xf32, #tpu.memory_space<vmem>>, vector<1x1x16xf32>,
        %swap3A_1671 = arith.constant 7 : i32
        %swap3A_1672 = arith.index_cast %scan3A_62 : i32 to index
        %swap3A_1673 = arith.index_cast %swap3A_1671 : i32 to index
        %swap3A_1674 = arith.constant 32 : index
        %swap3A_1675 = tpu.vector_load %arg5[%swap3A_1672, %swap3A_1673, %swap3A_1674] {strides = array<i32>} : memref<5x16x512xf32, #tpu.memory_space<vmem>>, vector<1x1x16xf32>,
        %swap3A_1676 = vector.shape_cast %swap3A_1675 : vector<1x1x16xf32> to vector<16xf32>
        %swap3A_1677 = vector.shape_cast %broadcast_in_dim3A_1656 : vector<16xf32> to vector<1x1x16xf32>
        tpu.vector_store %arg5[%swap3A_1672, %swap3A_1673, %swap3A_1674], %swap3A_1677 {strides = array<i32>} : memref<5x16x512xf32, #tpu.memory_space<vmem>>, vector<1x1x16xf32>,
        %swap3A_1678 = arith.constant 7 : i32
        %swap3A_1679 = arith.index_cast %scan3A_62 : i32 to index
        %swap3A_1680 = arith.index_cast %swap3A_1678 : i32 to index
        %swap3A_1681 = arith.constant 48 : index
        %swap3A_1682 = tpu.vector_load %arg5[%swap3A_1679, %swap3A_1680, %swap3A_1681] {strides = array<i32>} : memref<5x16x512xf32, #tpu.memory_space<vmem>>, vector<1x1x16xf32>,
        %swap3A_1683 = vector.shape_cast %swap3A_1682 : vector<1x1x16xf32> to vector<16xf32>
        %swap3A_1684 = vector.shape_cast %broadcast_in_dim3A_1656 : vector<16xf32> to vector<1x1x16xf32>
        tpu.vector_store %arg5[%swap3A_1679, %swap3A_1680, %swap3A_1681], %swap3A_1684 {strides = array<i32>} : memref<5x16x512xf32, #tpu.memory_space<vmem>>, vector<1x1x16xf32>,
        %swap3A_1685 = arith.constant 7 : i32
        %swap3A_1686 = arith.index_cast %scan3A_62 : i32 to index
        %swap3A_1687 = arith.index_cast %swap3A_1685 : i32 to index
        %swap3A_1688 = arith.constant 64 : index
        %swap3A_1689 = tpu.vector_load %arg5[%swap3A_1686, %swap3A_1687, %swap3A_1688] {strides = array<i32>} : memref<5x16x512xf32, #tpu.memory_space<vmem>>, vector<1x1x16xf32>,
        %swap3A_1690 = vector.shape_cast %swap3A_1689 : vector<1x1x16xf32> to vector<16xf32>
        %swap3A_1691 = vector.shape_cast %broadcast_in_dim3A_1656 : vector<16xf32> to vector<1x1x16xf32>
        tpu.vector_store %arg5[%swap3A_1686, %swap3A_1687, %swap3A_1688], %swap3A_1691 {strides = array<i32>} : memref<5x16x512xf32, #tpu.memory_space<vmem>>, vector<1x1x16xf32>,
        %swap3A_1692 = arith.constant 7 : i32
        %swap3A_1693 = arith.index_cast %scan3A_62 : i32 to index
        %swap3A_1694 = arith.index_cast %swap3A_1692 : i32 to index
        %swap3A_1695 = arith.constant 80 : index
        %swap3A_1696 = tpu.vector_load %arg5[%swap3A_1693, %swap3A_1694, %swap3A_1695] {strides = array<i32>} : memref<5x16x512xf32, #tpu.memory_space<vmem>>, vector<1x1x16xf32>,
        %swap3A_1697 = vector.shape_cast %swap3A_1696 : vector<1x1x16xf32> to vector<16xf32>
        %swap3A_1698 = vector.shape_cast %broadcast_in_dim3A_1656 : vector<16xf32> to vector<1x1x16xf32>
        tpu.vector_store %arg5[%swap3A_1693, %swap3A_1694, %swap3A_1695], %swap3A_1698 {strides = array<i32>} : memref<5x16x512xf32, #tpu.memory_space<vmem>>, vector<1x1x16xf32>,
        %swap3A_1699 = arith.constant 7 : i32
        %swap3A_1700 = arith.index_cast %scan3A_62 : i32 to index
        %swap3A_1701 = arith.index_cast %swap3A_1699 : i32 to index
        %swap3A_1702 = arith.constant 96 : index
        %swap3A_1703 = tpu.vector_load %arg5[%swap3A_1700, %swap3A_1701, %swap3A_1702] {strides = array<i32>} : memref<5x16x512xf32, #tpu.memory_space<vmem>>, vector<1x1x16xf32>,
        %swap3A_1704 = vector.shape_cast %swap3A_1703 : vector<1x1x16xf32> to vector<16xf32>
        %swap3A_1705 = vector.shape_cast %broadcast_in_dim3A_1656 : vector<16xf32> to vector<1x1x16xf32>
        tpu.vector_store %arg5[%swap3A_1700, %swap3A_1701, %swap3A_1702], %swap3A_1705 {strides = array<i32>} : memref<5x16x512xf32, #tpu.memory_space<vmem>>, vector<1x1x16xf32>,
        %swap3A_1706 = arith.constant 7 : i32
        %swap3A_1707 = arith.index_cast %scan3A_62 : i32 to index
        %swap3A_1708 = arith.index_cast %swap3A_1706 : i32 to index
        %swap3A_1709 = arith.constant 112 : index
        %swap3A_1710 = tpu.vector_load %arg5[%swap3A_1707, %swap3A_1708, %swap3A_1709] {strides = array<i32>} : memref<5x16x512xf32, #tpu.memory_space<vmem>>, vector<1x1x16xf32>,
        %swap3A_1711 = vector.shape_cast %swap3A_1710 : vector<1x1x16xf32> to vector<16xf32>
        %swap3A_1712 = vector.shape_cast %broadcast_in_dim3A_1656 : vector<16xf32> to vector<1x1x16xf32>
        tpu.vector_store %arg5[%swap3A_1707, %swap3A_1708, %swap3A_1709], %swap3A_1712 {strides = array<i32>} : memref<5x16x512xf32, #tpu.memory_space<vmem>>, vector<1x1x16xf32>,
        %swap3A_1713 = arith.constant 7 : i32
        %swap3A_1714 = arith.index_cast %scan3A_62 : i32 to index
        %swap3A_1715 = arith.index_cast %swap3A_1713 : i32 to index
        %swap3A_1716 = arith.constant 128 : index
        %swap3A_1717 = tpu.vector_load %arg5[%swap3A_1714, %swap3A_1715, %swap3A_1716] {strides = array<i32>} : memref<5x16x512xf32, #tpu.memory_space<vmem>>, vector<1x1x16xf32>,
        %swap3A_1718 = vector.shape_cast %swap3A_1717 : vector<1x1x16xf32> to vector<16xf32>
        %swap3A_1719 = vector.shape_cast %broadcast_in_dim3A_1656 : vector<16xf32> to vector<1x1x16xf32>
        tpu.vector_store %arg5[%swap3A_1714, %swap3A_1715, %swap3A_1716], %swap3A_1719 {strides = array<i32>} : memref<5x16x512xf32, #tpu.memory_space<vmem>>, vector<1x1x16xf32>,
        %swap3A_1720 = arith.constant 7 : i32
        %swap3A_1721 = arith.index_cast %scan3A_62 : i32 to index
        %swap3A_1722 = arith.index_cast %swap3A_1720 : i32 to index
        %swap3A_1723 = arith.constant 144 : index
        %swap3A_1724 = tpu.vector_load %arg5[%swap3A_1721, %swap3A_1722, %swap3A_1723] {strides = array<i32>} : memref<5x16x512xf32, #tpu.memory_space<vmem>>, vector<1x1x16xf32>,
        %swap3A_1725 = vector.shape_cast %swap3A_1724 : vector<1x1x16xf32> to vector<16xf32>
        %swap3A_1726 = vector.shape_cast %broadcast_in_dim3A_1656 : vector<16xf32> to vector<1x1x16xf32>
        tpu.vector_store %arg5[%swap3A_1721, %swap3A_1722, %swap3A_1723], %swap3A_1726 {strides = array<i32>} : memref<5x16x512xf32, #tpu.memory_space<vmem>>, vector<1x1x16xf32>,
        %swap3A_1727 = arith.constant 7 : i32
        %swap3A_1728 = arith.index_cast %scan3A_62 : i32 to index
        %swap3A_1729 = arith.index_cast %swap3A_1727 : i32 to index
        %swap3A_1730 = arith.constant 160 : index
        %swap3A_1731 = tpu.vector_load %arg5[%swap3A_1728, %swap3A_1729, %swap3A_1730] {strides = array<i32>} : memref<5x16x512xf32, #tpu.memory_space<vmem>>, vector<1x1x16xf32>,
        %swap3A_1732 = vector.shape_cast %swap3A_1731 : vector<1x1x16xf32> to vector<16xf32>
        %swap3A_1733 = vector.shape_cast %broadcast_in_dim3A_1656 : vector<16xf32> to vector<1x1x16xf32>
        tpu.vector_store %arg5[%swap3A_1728, %swap3A_1729, %swap3A_1730], %swap3A_1733 {strides = array<i32>} : memref<5x16x512xf32, #tpu.memory_space<vmem>>, vector<1x1x16xf32>,
        %swap3A_1734 = arith.constant 7 : i32
        %swap3A_1735 = arith.index_cast %scan3A_62 : i32 to index
        %swap3A_1736 = arith.index_cast %swap3A_1734 : i32 to index
        %swap3A_1737 = arith.constant 176 : index
        %swap3A_1738 = tpu.vector_load %arg5[%swap3A_1735, %swap3A_1736, %swap3A_1737] {strides = array<i32>} : memref<5x16x512xf32, #tpu.memory_space<vmem>>, vector<1x1x16xf32>,
        %swap3A_1739 = vector.shape_cast %swap3A_1738 : vector<1x1x16xf32> to vector<16xf32>
        %swap3A_1740 = vector.shape_cast %broadcast_in_dim3A_1656 : vector<16xf32> to vector<1x1x16xf32>
        tpu.vector_store %arg5[%swap3A_1735, %swap3A_1736, %swap3A_1737], %swap3A_1740 {strides = array<i32>} : memref<5x16x512xf32, #tpu.memory_space<vmem>>, vector<1x1x16xf32>,
        %swap3A_1741 = arith.constant 7 : i32
        %swap3A_1742 = arith.index_cast %scan3A_62 : i32 to index
        %swap3A_1743 = arith.index_cast %swap3A_1741 : i32 to index
        %swap3A_1744 = arith.constant 192 : index
        %swap3A_1745 = tpu.vector_load %arg5[%swap3A_1742, %swap3A_1743, %swap3A_1744] {strides = array<i32>} : memref<5x16x512xf32, #tpu.memory_space<vmem>>, vector<1x1x16xf32>,
        %swap3A_1746 = vector.shape_cast %swap3A_1745 : vector<1x1x16xf32> to vector<16xf32>
        %swap3A_1747 = vector.shape_cast %broadcast_in_dim3A_1656 : vector<16xf32> to vector<1x1x16xf32>
        tpu.vector_store %arg5[%swap3A_1742, %swap3A_1743, %swap3A_1744], %swap3A_1747 {strides = array<i32>} : memref<5x16x512xf32, #tpu.memory_space<vmem>>, vector<1x1x16xf32>,
        %swap3A_1748 = arith.constant 7 : i32
        %swap3A_1749 = arith.index_cast %scan3A_62 : i32 to index
        %swap3A_1750 = arith.index_cast %swap3A_1748 : i32 to index
        %swap3A_1751 = arith.constant 208 : index
        %swap3A_1752 = tpu.vector_load %arg5[%swap3A_1749, %swap3A_1750, %swap3A_1751] {strides = array<i32>} : memref<5x16x512xf32, #tpu.memory_space<vmem>>, vector<1x1x16xf32>,
        %swap3A_1753 = vector.shape_cast %swap3A_1752 : vector<1x1x16xf32> to vector<16xf32>
        %swap3A_1754 = vector.shape_cast %broadcast_in_dim3A_1656 : vector<16xf32> to vector<1x1x16xf32>
        tpu.vector_store %arg5[%swap3A_1749, %swap3A_1750, %swap3A_1751], %swap3A_1754 {strides = array<i32>} : memref<5x16x512xf32, #tpu.memory_space<vmem>>, vector<1x1x16xf32>,
        %swap3A_1755 = arith.constant 7 : i32
        %swap3A_1756 = arith.index_cast %scan3A_62 : i32 to index
        %swap3A_1757 = arith.index_cast %swap3A_1755 : i32 to index
        %swap3A_1758 = arith.constant 224 : index
        %swap3A_1759 = tpu.vector_load %arg5[%swap3A_1756, %swap3A_1757, %swap3A_1758] {strides = array<i32>} : memref<5x16x512xf32, #tpu.memory_space<vmem>>, vector<1x1x16xf32>,
        %swap3A_1760 = vector.shape_cast %swap3A_1759 : vector<1x1x16xf32> to vector<16xf32>
        %swap3A_1761 = vector.shape_cast %broadcast_in_dim3A_1656 : vector<16xf32> to vector<1x1x16xf32>
        tpu.vector_store %arg5[%swap3A_1756, %swap3A_1757, %swap3A_1758], %swap3A_1761 {strides = array<i32>} : memref<5x16x512xf32, #tpu.memory_space<vmem>>, vector<1x1x16xf32>,
        %swap3A_1762 = arith.constant 7 : i32
        %swap3A_1763 = arith.index_cast %scan3A_62 : i32 to index
        %swap3A_1764 = arith.index_cast %swap3A_1762 : i32 to index
        %swap3A_1765 = arith.constant 240 : index
        %swap3A_1766 = tpu.vector_load %arg5[%swap3A_1763, %swap3A_1764, %swap3A_1765] {strides = array<i32>} : memref<5x16x512xf32, #tpu.memory_space<vmem>>, vector<1x1x16xf32>,
        %swap3A_1767 = vector.shape_cast %swap3A_1766 : vector<1x1x16xf32> to vector<16xf32>
        %swap3A_1768 = vector.shape_cast %broadcast_in_dim3A_1656 : vector<16xf32> to vector<1x1x16xf32>
        tpu.vector_store %arg5[%swap3A_1763, %swap3A_1764, %swap3A_1765], %swap3A_1768 {strides = array<i32>} : memref<5x16x512xf32, #tpu.memory_space<vmem>>, vector<1x1x16xf32>,
        %swap3A_1769 = arith.constant 7 : i32
        %swap3A_1770 = arith.index_cast %scan3A_62 : i32 to index
        %swap3A_1771 = arith.index_cast %swap3A_1769 : i32 to index
        %swap3A_1772 = arith.constant 256 : index
        %swap3A_1773 = tpu.vector_load %arg5[%swap3A_1770, %swap3A_1771, %swap3A_1772] {strides = array<i32>} : memref<5x16x512xf32, #tpu.memory_space<vmem>>, vector<1x1x16xf32>,
        %swap3A_1774 = vector.shape_cast %swap3A_1773 : vector<1x1x16xf32> to vector<16xf32>
        %swap3A_1775 = vector.shape_cast %broadcast_in_dim3A_1656 : vector<16xf32> to vector<1x1x16xf32>
        tpu.vector_store %arg5[%swap3A_1770, %swap3A_1771, %swap3A_1772], %swap3A_1775 {strides = array<i32>} : memref<5x16x512xf32, #tpu.memory_space<vmem>>, vector<1x1x16xf32>,
        %swap3A_1776 = arith.constant 7 : i32
        %swap3A_1777 = arith.index_cast %scan3A_62 : i32 to index
        %swap3A_1778 = arith.index_cast %swap3A_1776 : i32 to index
        %swap3A_1779 = arith.constant 272 : index
        %swap3A_1780 = tpu.vector_load %arg5[%swap3A_1777, %swap3A_1778, %swap3A_1779] {strides = array<i32>} : memref<5x16x512xf32, #tpu.memory_space<vmem>>, vector<1x1x16xf32>,
        %swap3A_1781 = vector.shape_cast %swap3A_1780 : vector<1x1x16xf32> to vector<16xf32>
        %swap3A_1782 = vector.shape_cast %broadcast_in_dim3A_1656 : vector<16xf32> to vector<1x1x16xf32>
        tpu.vector_store %arg5[%swap3A_1777, %swap3A_1778, %swap3A_1779], %swap3A_1782 {strides = array<i32>} : memref<5x16x512xf32, #tpu.memory_space<vmem>>, vector<1x1x16xf32>,
        %swap3A_1783 = arith.constant 7 : i32
        %swap3A_1784 = arith.index_cast %scan3A_62 : i32 to index
        %swap3A_1785 = arith.index_cast %swap3A_1783 : i32 to index
        %swap3A_1786 = arith.constant 288 : index
        %swap3A_1787 = tpu.vector_load %arg5[%swap3A_1784, %swap3A_1785, %swap3A_1786] {strides = array<i32>} : memref<5x16x512xf32, #tpu.memory_space<vmem>>, vector<1x1x16xf32>,
        %swap3A_1788 = vector.shape_cast %swap3A_1787 : vector<1x1x16xf32> to vector<16xf32>
        %swap3A_1789 = vector.shape_cast %broadcast_in_dim3A_1656 : vector<16xf32> to vector<1x1x16xf32>
        tpu.vector_store %arg5[%swap3A_1784, %swap3A_1785, %swap3A_1786], %swap3A_1789 {strides = array<i32>} : memref<5x16x512xf32, #tpu.memory_space<vmem>>, vector<1x1x16xf32>,
        %swap3A_1790 = arith.constant 7 : i32
        %swap3A_1791 = arith.index_cast %scan3A_62 : i32 to index
        %swap3A_1792 = arith.index_cast %swap3A_1790 : i32 to index
        %swap3A_1793 = arith.constant 304 : index
        %swap3A_1794 = tpu.vector_load %arg5[%swap3A_1791, %swap3A_1792, %swap3A_1793] {strides = array<i32>} : memref<5x16x512xf32, #tpu.memory_space<vmem>>, vector<1x1x16xf32>,
        %swap3A_1795 = vector.shape_cast %swap3A_1794 : vector<1x1x16xf32> to vector<16xf32>
        %swap3A_1796 = vector.shape_cast %broadcast_in_dim3A_1656 : vector<16xf32> to vector<1x1x16xf32>
        tpu.vector_store %arg5[%swap3A_1791, %swap3A_1792, %swap3A_1793], %swap3A_1796 {strides = array<i32>} : memref<5x16x512xf32, #tpu.memory_space<vmem>>, vector<1x1x16xf32>,
        %swap3A_1797 = arith.constant 7 : i32
        %swap3A_1798 = arith.index_cast %scan3A_62 : i32 to index
        %swap3A_1799 = arith.index_cast %swap3A_1797 : i32 to index
        %swap3A_1800 = arith.constant 320 : index
        %swap3A_1801 = tpu.vector_load %arg5[%swap3A_1798, %swap3A_1799, %swap3A_1800] {strides = array<i32>} : memref<5x16x512xf32, #tpu.memory_space<vmem>>, vector<1x1x16xf32>,
        %swap3A_1802 = vector.shape_cast %swap3A_1801 : vector<1x1x16xf32> to vector<16xf32>
        %swap3A_1803 = vector.shape_cast %broadcast_in_dim3A_1656 : vector<16xf32> to vector<1x1x16xf32>
        tpu.vector_store %arg5[%swap3A_1798, %swap3A_1799, %swap3A_1800], %swap3A_1803 {strides = array<i32>} : memref<5x16x512xf32, #tpu.memory_space<vmem>>, vector<1x1x16xf32>,
        %swap3A_1804 = arith.constant 7 : i32
        %swap3A_1805 = arith.index_cast %scan3A_62 : i32 to index
        %swap3A_1806 = arith.index_cast %swap3A_1804 : i32 to index
        %swap3A_1807 = arith.constant 336 : index
        %swap3A_1808 = tpu.vector_load %arg5[%swap3A_1805, %swap3A_1806, %swap3A_1807] {strides = array<i32>} : memref<5x16x512xf32, #tpu.memory_space<vmem>>, vector<1x1x16xf32>,
        %swap3A_1809 = vector.shape_cast %swap3A_1808 : vector<1x1x16xf32> to vector<16xf32>
        %swap3A_1810 = vector.shape_cast %broadcast_in_dim3A_1656 : vector<16xf32> to vector<1x1x16xf32>
        tpu.vector_store %arg5[%swap3A_1805, %swap3A_1806, %swap3A_1807], %swap3A_1810 {strides = array<i32>} : memref<5x16x512xf32, #tpu.memory_space<vmem>>, vector<1x1x16xf32>,
        %swap3A_1811 = arith.constant 7 : i32
        %swap3A_1812 = arith.index_cast %scan3A_62 : i32 to index
        %swap3A_1813 = arith.index_cast %swap3A_1811 : i32 to index
        %swap3A_1814 = arith.constant 352 : index
        %swap3A_1815 = tpu.vector_load %arg5[%swap3A_1812, %swap3A_1813, %swap3A_1814] {strides = array<i32>} : memref<5x16x512xf32, #tpu.memory_space<vmem>>, vector<1x1x16xf32>,
        %swap3A_1816 = vector.shape_cast %swap3A_1815 : vector<1x1x16xf32> to vector<16xf32>
        %swap3A_1817 = vector.shape_cast %broadcast_in_dim3A_1656 : vector<16xf32> to vector<1x1x16xf32>
        tpu.vector_store %arg5[%swap3A_1812, %swap3A_1813, %swap3A_1814], %swap3A_1817 {strides = array<i32>} : memref<5x16x512xf32, #tpu.memory_space<vmem>>, vector<1x1x16xf32>,
        %swap3A_1818 = arith.constant 7 : i32
        %swap3A_1819 = arith.index_cast %scan3A_62 : i32 to index
        %swap3A_1820 = arith.index_cast %swap3A_1818 : i32 to index
        %swap3A_1821 = arith.constant 368 : index
        %swap3A_1822 = tpu.vector_load %arg5[%swap3A_1819, %swap3A_1820, %swap3A_1821] {strides = array<i32>} : memref<5x16x512xf32, #tpu.memory_space<vmem>>, vector<1x1x16xf32>,
        %swap3A_1823 = vector.shape_cast %swap3A_1822 : vector<1x1x16xf32> to vector<16xf32>
        %swap3A_1824 = vector.shape_cast %broadcast_in_dim3A_1656 : vector<16xf32> to vector<1x1x16xf32>
        tpu.vector_store %arg5[%swap3A_1819, %swap3A_1820, %swap3A_1821], %swap3A_1824 {strides = array<i32>} : memref<5x16x512xf32, #tpu.memory_space<vmem>>, vector<1x1x16xf32>,
        %swap3A_1825 = arith.constant 7 : i32
        %swap3A_1826 = arith.index_cast %scan3A_62 : i32 to index
        %swap3A_1827 = arith.index_cast %swap3A_1825 : i32 to index
        %swap3A_1828 = arith.constant 384 : index
        %swap3A_1829 = tpu.vector_load %arg5[%swap3A_1826, %swap3A_1827, %swap3A_1828] {strides = array<i32>} : memref<5x16x512xf32, #tpu.memory_space<vmem>>, vector<1x1x16xf32>,
        %swap3A_1830 = vector.shape_cast %swap3A_1829 : vector<1x1x16xf32> to vector<16xf32>
        %swap3A_1831 = vector.shape_cast %broadcast_in_dim3A_1656 : vector<16xf32> to vector<1x1x16xf32>
        tpu.vector_store %arg5[%swap3A_1826, %swap3A_1827, %swap3A_1828], %swap3A_1831 {strides = array<i32>} : memref<5x16x512xf32, #tpu.memory_space<vmem>>, vector<1x1x16xf32>,
        %swap3A_1832 = arith.constant 7 : i32
        %swap3A_1833 = arith.index_cast %scan3A_62 : i32 to index
        %swap3A_1834 = arith.index_cast %swap3A_1832 : i32 to index
        %swap3A_1835 = arith.constant 400 : index
        %swap3A_1836 = tpu.vector_load %arg5[%swap3A_1833, %swap3A_1834, %swap3A_1835] {strides = array<i32>} : memref<5x16x512xf32, #tpu.memory_space<vmem>>, vector<1x1x16xf32>,
        %swap3A_1837 = vector.shape_cast %swap3A_1836 : vector<1x1x16xf32> to vector<16xf32>
        %swap3A_1838 = vector.shape_cast %broadcast_in_dim3A_1656 : vector<16xf32> to vector<1x1x16xf32>
        tpu.vector_store %arg5[%swap3A_1833, %swap3A_1834, %swap3A_1835], %swap3A_1838 {strides = array<i32>} : memref<5x16x512xf32, #tpu.memory_space<vmem>>, vector<1x1x16xf32>,
        %swap3A_1839 = arith.constant 7 : i32
        %swap3A_1840 = arith.index_cast %scan3A_62 : i32 to index
        %swap3A_1841 = arith.index_cast %swap3A_1839 : i32 to index
        %swap3A_1842 = arith.constant 416 : index
        %swap3A_1843 = tpu.vector_load %arg5[%swap3A_1840, %swap3A_1841, %swap3A_1842] {strides = array<i32>} : memref<5x16x512xf32, #tpu.memory_space<vmem>>, vector<1x1x16xf32>,
        %swap3A_1844 = vector.shape_cast %swap3A_1843 : vector<1x1x16xf32> to vector<16xf32>
        %swap3A_1845 = vector.shape_cast %broadcast_in_dim3A_1656 : vector<16xf32> to vector<1x1x16xf32>
        tpu.vector_store %arg5[%swap3A_1840, %swap3A_1841, %swap3A_1842], %swap3A_1845 {strides = array<i32>} : memref<5x16x512xf32, #tpu.memory_space<vmem>>, vector<1x1x16xf32>,
        %swap3A_1846 = arith.constant 7 : i32
        %swap3A_1847 = arith.index_cast %scan3A_62 : i32 to index
        %swap3A_1848 = arith.index_cast %swap3A_1846 : i32 to index
        %swap3A_1849 = arith.constant 432 : index
        %swap3A_1850 = tpu.vector_load %arg5[%swap3A_1847, %swap3A_1848, %swap3A_1849] {strides = array<i32>} : memref<5x16x512xf32, #tpu.memory_space<vmem>>, vector<1x1x16xf32>,
        %swap3A_1851 = vector.shape_cast %swap3A_1850 : vector<1x1x16xf32> to vector<16xf32>
        %swap3A_1852 = vector.shape_cast %broadcast_in_dim3A_1656 : vector<16xf32> to vector<1x1x16xf32>
        tpu.vector_store %arg5[%swap3A_1847, %swap3A_1848, %swap3A_1849], %swap3A_1852 {strides = array<i32>} : memref<5x16x512xf32, #tpu.memory_space<vmem>>, vector<1x1x16xf32>,
        %swap3A_1853 = arith.constant 7 : i32
        %swap3A_1854 = arith.index_cast %scan3A_62 : i32 to index
        %swap3A_1855 = arith.index_cast %swap3A_1853 : i32 to index
        %swap3A_1856 = arith.constant 448 : index
        %swap3A_1857 = tpu.vector_load %arg5[%swap3A_1854, %swap3A_1855, %swap3A_1856] {strides = array<i32>} : memref<5x16x512xf32, #tpu.memory_space<vmem>>, vector<1x1x16xf32>,
        %swap3A_1858 = vector.shape_cast %swap3A_1857 : vector<1x1x16xf32> to vector<16xf32>
        %swap3A_1859 = vector.shape_cast %broadcast_in_dim3A_1656 : vector<16xf32> to vector<1x1x16xf32>
        tpu.vector_store %arg5[%swap3A_1854, %swap3A_1855, %swap3A_1856], %swap3A_1859 {strides = array<i32>} : memref<5x16x512xf32, #tpu.memory_space<vmem>>, vector<1x1x16xf32>,
        %swap3A_1860 = arith.constant 7 : i32
        %swap3A_1861 = arith.index_cast %scan3A_62 : i32 to index
        %swap3A_1862 = arith.index_cast %swap3A_1860 : i32 to index
        %swap3A_1863 = arith.constant 464 : index
        %swap3A_1864 = tpu.vector_load %arg5[%swap3A_1861, %swap3A_1862, %swap3A_1863] {strides = array<i32>} : memref<5x16x512xf32, #tpu.memory_space<vmem>>, vector<1x1x16xf32>,
        %swap3A_1865 = vector.shape_cast %swap3A_1864 : vector<1x1x16xf32> to vector<16xf32>
        %swap3A_1866 = vector.shape_cast %broadcast_in_dim3A_1656 : vector<16xf32> to vector<1x1x16xf32>
        tpu.vector_store %arg5[%swap3A_1861, %swap3A_1862, %swap3A_1863], %swap3A_1866 {strides = array<i32>} : memref<5x16x512xf32, #tpu.memory_space<vmem>>, vector<1x1x16xf32>,
        %swap3A_1867 = arith.constant 7 : i32
        %swap3A_1868 = arith.index_cast %scan3A_62 : i32 to index
        %swap3A_1869 = arith.index_cast %swap3A_1867 : i32 to index
        %swap3A_1870 = arith.constant 480 : index
        %swap3A_1871 = tpu.vector_load %arg5[%swap3A_1868, %swap3A_1869, %swap3A_1870] {strides = array<i32>} : memref<5x16x512xf32, #tpu.memory_space<vmem>>, vector<1x1x16xf32>,
        %swap3A_1872 = vector.shape_cast %swap3A_1871 : vector<1x1x16xf32> to vector<16xf32>
        %swap3A_1873 = vector.shape_cast %broadcast_in_dim3A_1656 : vector<16xf32> to vector<1x1x16xf32>
        tpu.vector_store %arg5[%swap3A_1868, %swap3A_1869, %swap3A_1870], %swap3A_1873 {strides = array<i32>} : memref<5x16x512xf32, #tpu.memory_space<vmem>>, vector<1x1x16xf32>,
        %swap3A_1874 = arith.constant 7 : i32
        %swap3A_1875 = arith.index_cast %scan3A_62 : i32 to index
        %swap3A_1876 = arith.index_cast %swap3A_1874 : i32 to index
        %swap3A_1877 = arith.constant 496 : index
        %swap3A_1878 = tpu.vector_load %arg5[%swap3A_1875, %swap3A_1876, %swap3A_1877] {strides = array<i32>} : memref<5x16x512xf32, #tpu.memory_space<vmem>>, vector<1x1x16xf32>,
        %swap3A_1879 = vector.shape_cast %swap3A_1878 : vector<1x1x16xf32> to vector<16xf32>
        %swap3A_1880 = vector.shape_cast %broadcast_in_dim3A_1656 : vector<16xf32> to vector<1x1x16xf32>
        tpu.vector_store %arg5[%swap3A_1875, %swap3A_1876, %swap3A_1877], %swap3A_1880 {strides = array<i32>} : memref<5x16x512xf32, #tpu.memory_space<vmem>>, vector<1x1x16xf32>,
        %slice3A_1881 = vector.extract_strided_slice %max3A_68 {offsets = [8], sizes = [1], strides = [1]} : vector<16xf32> to vector<1xf32>
        %squeeze3A_1882 = vector.extract %slice3A_1881[0] : f32 from vector<1xf32>
        %broadcast_in_dim3A_1883 = vector.broadcast %squeeze3A_1882 : f32 to vector<16xf32>
        %swap3A_1884 = arith.constant 8 : i32
        %swap3A_1885 = arith.index_cast %scan3A_62 : i32 to index
        %swap3A_1886 = arith.index_cast %swap3A_1884 : i32 to index
        %swap3A_1887 = arith.constant 0 : index
        %swap3A_1888 = tpu.vector_load %arg5[%swap3A_1885, %swap3A_1886, %swap3A_1887] {strides = array<i32>} : memref<5x16x512xf32, #tpu.memory_space<vmem>>, vector<1x1x16xf32>,
        %swap3A_1889 = vector.shape_cast %swap3A_1888 : vector<1x1x16xf32> to vector<16xf32>
        %swap3A_1890 = vector.shape_cast %broadcast_in_dim3A_1883 : vector<16xf32> to vector<1x1x16xf32>
        tpu.vector_store %arg5[%swap3A_1885, %swap3A_1886, %swap3A_1887], %swap3A_1890 {strides = array<i32>} : memref<5x16x512xf32, #tpu.memory_space<vmem>>, vector<1x1x16xf32>,
        %swap3A_1891 = arith.constant 8 : i32
        %swap3A_1892 = arith.index_cast %scan3A_62 : i32 to index
        %swap3A_1893 = arith.index_cast %swap3A_1891 : i32 to index
        %swap3A_1894 = arith.constant 16 : index
        %swap3A_1895 = tpu.vector_load %arg5[%swap3A_1892, %swap3A_1893, %swap3A_1894] {strides = array<i32>} : memref<5x16x512xf32, #tpu.memory_space<vmem>>, vector<1x1x16xf32>,
        %swap3A_1896 = vector.shape_cast %swap3A_1895 : vector<1x1x16xf32> to vector<16xf32>
        %swap3A_1897 = vector.shape_cast %broadcast_in_dim3A_1883 : vector<16xf32> to vector<1x1x16xf32>
        tpu.vector_store %arg5[%swap3A_1892, %swap3A_1893, %swap3A_1894], %swap3A_1897 {strides = array<i32>} : memref<5x16x512xf32, #tpu.memory_space<vmem>>, vector<1x1x16xf32>,
        %swap3A_1898 = arith.constant 8 : i32
        %swap3A_1899 = arith.index_cast %scan3A_62 : i32 to index
        %swap3A_1900 = arith.index_cast %swap3A_1898 : i32 to index
        %swap3A_1901 = arith.constant 32 : index
        %swap3A_1902 = tpu.vector_load %arg5[%swap3A_1899, %swap3A_1900, %swap3A_1901] {strides = array<i32>} : memref<5x16x512xf32, #tpu.memory_space<vmem>>, vector<1x1x16xf32>,
        %swap3A_1903 = vector.shape_cast %swap3A_1902 : vector<1x1x16xf32> to vector<16xf32>
        %swap3A_1904 = vector.shape_cast %broadcast_in_dim3A_1883 : vector<16xf32> to vector<1x1x16xf32>
        tpu.vector_store %arg5[%swap3A_1899, %swap3A_1900, %swap3A_1901], %swap3A_1904 {strides = array<i32>} : memref<5x16x512xf32, #tpu.memory_space<vmem>>, vector<1x1x16xf32>,
        %swap3A_1905 = arith.constant 8 : i32
        %swap3A_1906 = arith.index_cast %scan3A_62 : i32 to index
        %swap3A_1907 = arith.index_cast %swap3A_1905 : i32 to index
        %swap3A_1908 = arith.constant 48 : index
        %swap3A_1909 = tpu.vector_load %arg5[%swap3A_1906, %swap3A_1907, %swap3A_1908] {strides = array<i32>} : memref<5x16x512xf32, #tpu.memory_space<vmem>>, vector<1x1x16xf32>,
        %swap3A_1910 = vector.shape_cast %swap3A_1909 : vector<1x1x16xf32> to vector<16xf32>
        %swap3A_1911 = vector.shape_cast %broadcast_in_dim3A_1883 : vector<16xf32> to vector<1x1x16xf32>
        tpu.vector_store %arg5[%swap3A_1906, %swap3A_1907, %swap3A_1908], %swap3A_1911 {strides = array<i32>} : memref<5x16x512xf32, #tpu.memory_space<vmem>>, vector<1x1x16xf32>,
        %swap3A_1912 = arith.constant 8 : i32
        %swap3A_1913 = arith.index_cast %scan3A_62 : i32 to index
        %swap3A_1914 = arith.index_cast %swap3A_1912 : i32 to index
        %swap3A_1915 = arith.constant 64 : index
        %swap3A_1916 = tpu.vector_load %arg5[%swap3A_1913, %swap3A_1914, %swap3A_1915] {strides = array<i32>} : memref<5x16x512xf32, #tpu.memory_space<vmem>>, vector<1x1x16xf32>,
        %swap3A_1917 = vector.shape_cast %swap3A_1916 : vector<1x1x16xf32> to vector<16xf32>
        %swap3A_1918 = vector.shape_cast %broadcast_in_dim3A_1883 : vector<16xf32> to vector<1x1x16xf32>
        tpu.vector_store %arg5[%swap3A_1913, %swap3A_1914, %swap3A_1915], %swap3A_1918 {strides = array<i32>} : memref<5x16x512xf32, #tpu.memory_space<vmem>>, vector<1x1x16xf32>,
        %swap3A_1919 = arith.constant 8 : i32
        %swap3A_1920 = arith.index_cast %scan3A_62 : i32 to index
        %swap3A_1921 = arith.index_cast %swap3A_1919 : i32 to index
        %swap3A_1922 = arith.constant 80 : index
        %swap3A_1923 = tpu.vector_load %arg5[%swap3A_1920, %swap3A_1921, %swap3A_1922] {strides = array<i32>} : memref<5x16x512xf32, #tpu.memory_space<vmem>>, vector<1x1x16xf32>,
        %swap3A_1924 = vector.shape_cast %swap3A_1923 : vector<1x1x16xf32> to vector<16xf32>
        %swap3A_1925 = vector.shape_cast %broadcast_in_dim3A_1883 : vector<16xf32> to vector<1x1x16xf32>
        tpu.vector_store %arg5[%swap3A_1920, %swap3A_1921, %swap3A_1922], %swap3A_1925 {strides = array<i32>} : memref<5x16x512xf32, #tpu.memory_space<vmem>>, vector<1x1x16xf32>,
        %swap3A_1926 = arith.constant 8 : i32
        %swap3A_1927 = arith.index_cast %scan3A_62 : i32 to index
        %swap3A_1928 = arith.index_cast %swap3A_1926 : i32 to index
        %swap3A_1929 = arith.constant 96 : index
        %swap3A_1930 = tpu.vector_load %arg5[%swap3A_1927, %swap3A_1928, %swap3A_1929] {strides = array<i32>} : memref<5x16x512xf32, #tpu.memory_space<vmem>>, vector<1x1x16xf32>,
        %swap3A_1931 = vector.shape_cast %swap3A_1930 : vector<1x1x16xf32> to vector<16xf32>
        %swap3A_1932 = vector.shape_cast %broadcast_in_dim3A_1883 : vector<16xf32> to vector<1x1x16xf32>
        tpu.vector_store %arg5[%swap3A_1927, %swap3A_1928, %swap3A_1929], %swap3A_1932 {strides = array<i32>} : memref<5x16x512xf32, #tpu.memory_space<vmem>>, vector<1x1x16xf32>,
        %swap3A_1933 = arith.constant 8 : i32
        %swap3A_1934 = arith.index_cast %scan3A_62 : i32 to index
        %swap3A_1935 = arith.index_cast %swap3A_1933 : i32 to index
        %swap3A_1936 = arith.constant 112 : index
        %swap3A_1937 = tpu.vector_load %arg5[%swap3A_1934, %swap3A_1935, %swap3A_1936] {strides = array<i32>} : memref<5x16x512xf32, #tpu.memory_space<vmem>>, vector<1x1x16xf32>,
        %swap3A_1938 = vector.shape_cast %swap3A_1937 : vector<1x1x16xf32> to vector<16xf32>
        %swap3A_1939 = vector.shape_cast %broadcast_in_dim3A_1883 : vector<16xf32> to vector<1x1x16xf32>
        tpu.vector_store %arg5[%swap3A_1934, %swap3A_1935, %swap3A_1936], %swap3A_1939 {strides = array<i32>} : memref<5x16x512xf32, #tpu.memory_space<vmem>>, vector<1x1x16xf32>,
        %swap3A_1940 = arith.constant 8 : i32
        %swap3A_1941 = arith.index_cast %scan3A_62 : i32 to index
        %swap3A_1942 = arith.index_cast %swap3A_1940 : i32 to index
        %swap3A_1943 = arith.constant 128 : index
        %swap3A_1944 = tpu.vector_load %arg5[%swap3A_1941, %swap3A_1942, %swap3A_1943] {strides = array<i32>} : memref<5x16x512xf32, #tpu.memory_space<vmem>>, vector<1x1x16xf32>,
        %swap3A_1945 = vector.shape_cast %swap3A_1944 : vector<1x1x16xf32> to vector<16xf32>
        %swap3A_1946 = vector.shape_cast %broadcast_in_dim3A_1883 : vector<16xf32> to vector<1x1x16xf32>
        tpu.vector_store %arg5[%swap3A_1941, %swap3A_1942, %swap3A_1943], %swap3A_1946 {strides = array<i32>} : memref<5x16x512xf32, #tpu.memory_space<vmem>>, vector<1x1x16xf32>,
        %swap3A_1947 = arith.constant 8 : i32
        %swap3A_1948 = arith.index_cast %scan3A_62 : i32 to index
        %swap3A_1949 = arith.index_cast %swap3A_1947 : i32 to index
        %swap3A_1950 = arith.constant 144 : index
        %swap3A_1951 = tpu.vector_load %arg5[%swap3A_1948, %swap3A_1949, %swap3A_1950] {strides = array<i32>} : memref<5x16x512xf32, #tpu.memory_space<vmem>>, vector<1x1x16xf32>,
        %swap3A_1952 = vector.shape_cast %swap3A_1951 : vector<1x1x16xf32> to vector<16xf32>
        %swap3A_1953 = vector.shape_cast %broadcast_in_dim3A_1883 : vector<16xf32> to vector<1x1x16xf32>
        tpu.vector_store %arg5[%swap3A_1948, %swap3A_1949, %swap3A_1950], %swap3A_1953 {strides = array<i32>} : memref<5x16x512xf32, #tpu.memory_space<vmem>>, vector<1x1x16xf32>,
        %swap3A_1954 = arith.constant 8 : i32
        %swap3A_1955 = arith.index_cast %scan3A_62 : i32 to index
        %swap3A_1956 = arith.index_cast %swap3A_1954 : i32 to index
        %swap3A_1957 = arith.constant 160 : index
        %swap3A_1958 = tpu.vector_load %arg5[%swap3A_1955, %swap3A_1956, %swap3A_1957] {strides = array<i32>} : memref<5x16x512xf32, #tpu.memory_space<vmem>>, vector<1x1x16xf32>,
        %swap3A_1959 = vector.shape_cast %swap3A_1958 : vector<1x1x16xf32> to vector<16xf32>
        %swap3A_1960 = vector.shape_cast %broadcast_in_dim3A_1883 : vector<16xf32> to vector<1x1x16xf32>
        tpu.vector_store %arg5[%swap3A_1955, %swap3A_1956, %swap3A_1957], %swap3A_1960 {strides = array<i32>} : memref<5x16x512xf32, #tpu.memory_space<vmem>>, vector<1x1x16xf32>,
        %swap3A_1961 = arith.constant 8 : i32
        %swap3A_1962 = arith.index_cast %scan3A_62 : i32 to index
        %swap3A_1963 = arith.index_cast %swap3A_1961 : i32 to index
        %swap3A_1964 = arith.constant 176 : index
        %swap3A_1965 = tpu.vector_load %arg5[%swap3A_1962, %swap3A_1963, %swap3A_1964] {strides = array<i32>} : memref<5x16x512xf32, #tpu.memory_space<vmem>>, vector<1x1x16xf32>,
        %swap3A_1966 = vector.shape_cast %swap3A_1965 : vector<1x1x16xf32> to vector<16xf32>
        %swap3A_1967 = vector.shape_cast %broadcast_in_dim3A_1883 : vector<16xf32> to vector<1x1x16xf32>
        tpu.vector_store %arg5[%swap3A_1962, %swap3A_1963, %swap3A_1964], %swap3A_1967 {strides = array<i32>} : memref<5x16x512xf32, #tpu.memory_space<vmem>>, vector<1x1x16xf32>,
        %swap3A_1968 = arith.constant 8 : i32
        %swap3A_1969 = arith.index_cast %scan3A_62 : i32 to index
        %swap3A_1970 = arith.index_cast %swap3A_1968 : i32 to index
        %swap3A_1971 = arith.constant 192 : index
        %swap3A_1972 = tpu.vector_load %arg5[%swap3A_1969, %swap3A_1970, %swap3A_1971] {strides = array<i32>} : memref<5x16x512xf32, #tpu.memory_space<vmem>>, vector<1x1x16xf32>,
        %swap3A_1973 = vector.shape_cast %swap3A_1972 : vector<1x1x16xf32> to vector<16xf32>
        %swap3A_1974 = vector.shape_cast %broadcast_in_dim3A_1883 : vector<16xf32> to vector<1x1x16xf32>
        tpu.vector_store %arg5[%swap3A_1969, %swap3A_1970, %swap3A_1971], %swap3A_1974 {strides = array<i32>} : memref<5x16x512xf32, #tpu.memory_space<vmem>>, vector<1x1x16xf32>,
        %swap3A_1975 = arith.constant 8 : i32
        %swap3A_1976 = arith.index_cast %scan3A_62 : i32 to index
        %swap3A_1977 = arith.index_cast %swap3A_1975 : i32 to index
        %swap3A_1978 = arith.constant 208 : index
        %swap3A_1979 = tpu.vector_load %arg5[%swap3A_1976, %swap3A_1977, %swap3A_1978] {strides = array<i32>} : memref<5x16x512xf32, #tpu.memory_space<vmem>>, vector<1x1x16xf32>,
        %swap3A_1980 = vector.shape_cast %swap3A_1979 : vector<1x1x16xf32> to vector<16xf32>
        %swap3A_1981 = vector.shape_cast %broadcast_in_dim3A_1883 : vector<16xf32> to vector<1x1x16xf32>
        tpu.vector_store %arg5[%swap3A_1976, %swap3A_1977, %swap3A_1978], %swap3A_1981 {strides = array<i32>} : memref<5x16x512xf32, #tpu.memory_space<vmem>>, vector<1x1x16xf32>,
        %swap3A_1982 = arith.constant 8 : i32
        %swap3A_1983 = arith.index_cast %scan3A_62 : i32 to index
        %swap3A_1984 = arith.index_cast %swap3A_1982 : i32 to index
        %swap3A_1985 = arith.constant 224 : index
        %swap3A_1986 = tpu.vector_load %arg5[%swap3A_1983, %swap3A_1984, %swap3A_1985] {strides = array<i32>} : memref<5x16x512xf32, #tpu.memory_space<vmem>>, vector<1x1x16xf32>,
        %swap3A_1987 = vector.shape_cast %swap3A_1986 : vector<1x1x16xf32> to vector<16xf32>
        %swap3A_1988 = vector.shape_cast %broadcast_in_dim3A_1883 : vector<16xf32> to vector<1x1x16xf32>
        tpu.vector_store %arg5[%swap3A_1983, %swap3A_1984, %swap3A_1985], %swap3A_1988 {strides = array<i32>} : memref<5x16x512xf32, #tpu.memory_space<vmem>>, vector<1x1x16xf32>,
        %swap3A_1989 = arith.constant 8 : i32
        %swap3A_1990 = arith.index_cast %scan3A_62 : i32 to index
        %swap3A_1991 = arith.index_cast %swap3A_1989 : i32 to index
        %swap3A_1992 = arith.constant 240 : index
        %swap3A_1993 = tpu.vector_load %arg5[%swap3A_1990, %swap3A_1991, %swap3A_1992] {strides = array<i32>} : memref<5x16x512xf32, #tpu.memory_space<vmem>>, vector<1x1x16xf32>,
        %swap3A_1994 = vector.shape_cast %swap3A_1993 : vector<1x1x16xf32> to vector<16xf32>
        %swap3A_1995 = vector.shape_cast %broadcast_in_dim3A_1883 : vector<16xf32> to vector<1x1x16xf32>
        tpu.vector_store %arg5[%swap3A_1990, %swap3A_1991, %swap3A_1992], %swap3A_1995 {strides = array<i32>} : memref<5x16x512xf32, #tpu.memory_space<vmem>>, vector<1x1x16xf32>,
        %swap3A_1996 = arith.constant 8 : i32
        %swap3A_1997 = arith.index_cast %scan3A_62 : i32 to index
        %swap3A_1998 = arith.index_cast %swap3A_1996 : i32 to index
        %swap3A_1999 = arith.constant 256 : index
        %swap3A_2000 = tpu.vector_load %arg5[%swap3A_1997, %swap3A_1998, %swap3A_1999] {strides = array<i32>} : memref<5x16x512xf32, #tpu.memory_space<vmem>>, vector<1x1x16xf32>,
        %swap3A_2001 = vector.shape_cast %swap3A_2000 : vector<1x1x16xf32> to vector<16xf32>
        %swap3A_2002 = vector.shape_cast %broadcast_in_dim3A_1883 : vector<16xf32> to vector<1x1x16xf32>
        tpu.vector_store %arg5[%swap3A_1997, %swap3A_1998, %swap3A_1999], %swap3A_2002 {strides = array<i32>} : memref<5x16x512xf32, #tpu.memory_space<vmem>>, vector<1x1x16xf32>,
        %swap3A_2003 = arith.constant 8 : i32
        %swap3A_2004 = arith.index_cast %scan3A_62 : i32 to index
        %swap3A_2005 = arith.index_cast %swap3A_2003 : i32 to index
        %swap3A_2006 = arith.constant 272 : index
        %swap3A_2007 = tpu.vector_load %arg5[%swap3A_2004, %swap3A_2005, %swap3A_2006] {strides = array<i32>} : memref<5x16x512xf32, #tpu.memory_space<vmem>>, vector<1x1x16xf32>,
        %swap3A_2008 = vector.shape_cast %swap3A_2007 : vector<1x1x16xf32> to vector<16xf32>
        %swap3A_2009 = vector.shape_cast %broadcast_in_dim3A_1883 : vector<16xf32> to vector<1x1x16xf32>
        tpu.vector_store %arg5[%swap3A_2004, %swap3A_2005, %swap3A_2006], %swap3A_2009 {strides = array<i32>} : memref<5x16x512xf32, #tpu.memory_space<vmem>>, vector<1x1x16xf32>,
        %swap3A_2010 = arith.constant 8 : i32
        %swap3A_2011 = arith.index_cast %scan3A_62 : i32 to index
        %swap3A_2012 = arith.index_cast %swap3A_2010 : i32 to index
        %swap3A_2013 = arith.constant 288 : index
        %swap3A_2014 = tpu.vector_load %arg5[%swap3A_2011, %swap3A_2012, %swap3A_2013] {strides = array<i32>} : memref<5x16x512xf32, #tpu.memory_space<vmem>>, vector<1x1x16xf32>,
        %swap3A_2015 = vector.shape_cast %swap3A_2014 : vector<1x1x16xf32> to vector<16xf32>
        %swap3A_2016 = vector.shape_cast %broadcast_in_dim3A_1883 : vector<16xf32> to vector<1x1x16xf32>
        tpu.vector_store %arg5[%swap3A_2011, %swap3A_2012, %swap3A_2013], %swap3A_2016 {strides = array<i32>} : memref<5x16x512xf32, #tpu.memory_space<vmem>>, vector<1x1x16xf32>,
        %swap3A_2017 = arith.constant 8 : i32
        %swap3A_2018 = arith.index_cast %scan3A_62 : i32 to index
        %swap3A_2019 = arith.index_cast %swap3A_2017 : i32 to index
        %swap3A_2020 = arith.constant 304 : index
        %swap3A_2021 = tpu.vector_load %arg5[%swap3A_2018, %swap3A_2019, %swap3A_2020] {strides = array<i32>} : memref<5x16x512xf32, #tpu.memory_space<vmem>>, vector<1x1x16xf32>,
        %swap3A_2022 = vector.shape_cast %swap3A_2021 : vector<1x1x16xf32> to vector<16xf32>
        %swap3A_2023 = vector.shape_cast %broadcast_in_dim3A_1883 : vector<16xf32> to vector<1x1x16xf32>
        tpu.vector_store %arg5[%swap3A_2018, %swap3A_2019, %swap3A_2020], %swap3A_2023 {strides = array<i32>} : memref<5x16x512xf32, #tpu.memory_space<vmem>>, vector<1x1x16xf32>,
        %swap3A_2024 = arith.constant 8 : i32
        %swap3A_2025 = arith.index_cast %scan3A_62 : i32 to index
        %swap3A_2026 = arith.index_cast %swap3A_2024 : i32 to index
        %swap3A_2027 = arith.constant 320 : index
        %swap3A_2028 = tpu.vector_load %arg5[%swap3A_2025, %swap3A_2026, %swap3A_2027] {strides = array<i32>} : memref<5x16x512xf32, #tpu.memory_space<vmem>>, vector<1x1x16xf32>,
        %swap3A_2029 = vector.shape_cast %swap3A_2028 : vector<1x1x16xf32> to vector<16xf32>
        %swap3A_2030 = vector.shape_cast %broadcast_in_dim3A_1883 : vector<16xf32> to vector<1x1x16xf32>
        tpu.vector_store %arg5[%swap3A_2025, %swap3A_2026, %swap3A_2027], %swap3A_2030 {strides = array<i32>} : memref<5x16x512xf32, #tpu.memory_space<vmem>>, vector<1x1x16xf32>,
        %swap3A_2031 = arith.constant 8 : i32
        %swap3A_2032 = arith.index_cast %scan3A_62 : i32 to index
        %swap3A_2033 = arith.index_cast %swap3A_2031 : i32 to index
        %swap3A_2034 = arith.constant 336 : index
        %swap3A_2035 = tpu.vector_load %arg5[%swap3A_2032, %swap3A_2033, %swap3A_2034] {strides = array<i32>} : memref<5x16x512xf32, #tpu.memory_space<vmem>>, vector<1x1x16xf32>,
        %swap3A_2036 = vector.shape_cast %swap3A_2035 : vector<1x1x16xf32> to vector<16xf32>
        %swap3A_2037 = vector.shape_cast %broadcast_in_dim3A_1883 : vector<16xf32> to vector<1x1x16xf32>
        tpu.vector_store %arg5[%swap3A_2032, %swap3A_2033, %swap3A_2034], %swap3A_2037 {strides = array<i32>} : memref<5x16x512xf32, #tpu.memory_space<vmem>>, vector<1x1x16xf32>,
        %swap3A_2038 = arith.constant 8 : i32
        %swap3A_2039 = arith.index_cast %scan3A_62 : i32 to index
        %swap3A_2040 = arith.index_cast %swap3A_2038 : i32 to index
        %swap3A_2041 = arith.constant 352 : index
        %swap3A_2042 = tpu.vector_load %arg5[%swap3A_2039, %swap3A_2040, %swap3A_2041] {strides = array<i32>} : memref<5x16x512xf32, #tpu.memory_space<vmem>>, vector<1x1x16xf32>,
        %swap3A_2043 = vector.shape_cast %swap3A_2042 : vector<1x1x16xf32> to vector<16xf32>
        %swap3A_2044 = vector.shape_cast %broadcast_in_dim3A_1883 : vector<16xf32> to vector<1x1x16xf32>
        tpu.vector_store %arg5[%swap3A_2039, %swap3A_2040, %swap3A_2041], %swap3A_2044 {strides = array<i32>} : memref<5x16x512xf32, #tpu.memory_space<vmem>>, vector<1x1x16xf32>,
        %swap3A_2045 = arith.constant 8 : i32
        %swap3A_2046 = arith.index_cast %scan3A_62 : i32 to index
        %swap3A_2047 = arith.index_cast %swap3A_2045 : i32 to index
        %swap3A_2048 = arith.constant 368 : index
        %swap3A_2049 = tpu.vector_load %arg5[%swap3A_2046, %swap3A_2047, %swap3A_2048] {strides = array<i32>} : memref<5x16x512xf32, #tpu.memory_space<vmem>>, vector<1x1x16xf32>,
        %swap3A_2050 = vector.shape_cast %swap3A_2049 : vector<1x1x16xf32> to vector<16xf32>
        %swap3A_2051 = vector.shape_cast %broadcast_in_dim3A_1883 : vector<16xf32> to vector<1x1x16xf32>
        tpu.vector_store %arg5[%swap3A_2046, %swap3A_2047, %swap3A_2048], %swap3A_2051 {strides = array<i32>} : memref<5x16x512xf32, #tpu.memory_space<vmem>>, vector<1x1x16xf32>,
        %swap3A_2052 = arith.constant 8 : i32
        %swap3A_2053 = arith.index_cast %scan3A_62 : i32 to index
        %swap3A_2054 = arith.index_cast %swap3A_2052 : i32 to index
        %swap3A_2055 = arith.constant 384 : index
        %swap3A_2056 = tpu.vector_load %arg5[%swap3A_2053, %swap3A_2054, %swap3A_2055] {strides = array<i32>} : memref<5x16x512xf32, #tpu.memory_space<vmem>>, vector<1x1x16xf32>,
        %swap3A_2057 = vector.shape_cast %swap3A_2056 : vector<1x1x16xf32> to vector<16xf32>
        %swap3A_2058 = vector.shape_cast %broadcast_in_dim3A_1883 : vector<16xf32> to vector<1x1x16xf32>
        tpu.vector_store %arg5[%swap3A_2053, %swap3A_2054, %swap3A_2055], %swap3A_2058 {strides = array<i32>} : memref<5x16x512xf32, #tpu.memory_space<vmem>>, vector<1x1x16xf32>,
        %swap3A_2059 = arith.constant 8 : i32
        %swap3A_2060 = arith.index_cast %scan3A_62 : i32 to index
        %swap3A_2061 = arith.index_cast %swap3A_2059 : i32 to index
        %swap3A_2062 = arith.constant 400 : index
        %swap3A_2063 = tpu.vector_load %arg5[%swap3A_2060, %swap3A_2061, %swap3A_2062] {strides = array<i32>} : memref<5x16x512xf32, #tpu.memory_space<vmem>>, vector<1x1x16xf32>,
        %swap3A_2064 = vector.shape_cast %swap3A_2063 : vector<1x1x16xf32> to vector<16xf32>
        %swap3A_2065 = vector.shape_cast %broadcast_in_dim3A_1883 : vector<16xf32> to vector<1x1x16xf32>
        tpu.vector_store %arg5[%swap3A_2060, %swap3A_2061, %swap3A_2062], %swap3A_2065 {strides = array<i32>} : memref<5x16x512xf32, #tpu.memory_space<vmem>>, vector<1x1x16xf32>,
        %swap3A_2066 = arith.constant 8 : i32
        %swap3A_2067 = arith.index_cast %scan3A_62 : i32 to index
        %swap3A_2068 = arith.index_cast %swap3A_2066 : i32 to index
        %swap3A_2069 = arith.constant 416 : index
        %swap3A_2070 = tpu.vector_load %arg5[%swap3A_2067, %swap3A_2068, %swap3A_2069] {strides = array<i32>} : memref<5x16x512xf32, #tpu.memory_space<vmem>>, vector<1x1x16xf32>,
        %swap3A_2071 = vector.shape_cast %swap3A_2070 : vector<1x1x16xf32> to vector<16xf32>
        %swap3A_2072 = vector.shape_cast %broadcast_in_dim3A_1883 : vector<16xf32> to vector<1x1x16xf32>
        tpu.vector_store %arg5[%swap3A_2067, %swap3A_2068, %swap3A_2069], %swap3A_2072 {strides = array<i32>} : memref<5x16x512xf32, #tpu.memory_space<vmem>>, vector<1x1x16xf32>,
        %swap3A_2073 = arith.constant 8 : i32
        %swap3A_2074 = arith.index_cast %scan3A_62 : i32 to index
        %swap3A_2075 = arith.index_cast %swap3A_2073 : i32 to index
        %swap3A_2076 = arith.constant 432 : index
        %swap3A_2077 = tpu.vector_load %arg5[%swap3A_2074, %swap3A_2075, %swap3A_2076] {strides = array<i32>} : memref<5x16x512xf32, #tpu.memory_space<vmem>>, vector<1x1x16xf32>,
        %swap3A_2078 = vector.shape_cast %swap3A_2077 : vector<1x1x16xf32> to vector<16xf32>
        %swap3A_2079 = vector.shape_cast %broadcast_in_dim3A_1883 : vector<16xf32> to vector<1x1x16xf32>
        tpu.vector_store %arg5[%swap3A_2074, %swap3A_2075, %swap3A_2076], %swap3A_2079 {strides = array<i32>} : memref<5x16x512xf32, #tpu.memory_space<vmem>>, vector<1x1x16xf32>,
        %swap3A_2080 = arith.constant 8 : i32
        %swap3A_2081 = arith.index_cast %scan3A_62 : i32 to index
        %swap3A_2082 = arith.index_cast %swap3A_2080 : i32 to index
        %swap3A_2083 = arith.constant 448 : index
        %swap3A_2084 = tpu.vector_load %arg5[%swap3A_2081, %swap3A_2082, %swap3A_2083] {strides = array<i32>} : memref<5x16x512xf32, #tpu.memory_space<vmem>>, vector<1x1x16xf32>,
        %swap3A_2085 = vector.shape_cast %swap3A_2084 : vector<1x1x16xf32> to vector<16xf32>
        %swap3A_2086 = vector.shape_cast %broadcast_in_dim3A_1883 : vector<16xf32> to vector<1x1x16xf32>
        tpu.vector_store %arg5[%swap3A_2081, %swap3A_2082, %swap3A_2083], %swap3A_2086 {strides = array<i32>} : memref<5x16x512xf32, #tpu.memory_space<vmem>>, vector<1x1x16xf32>,
        %swap3A_2087 = arith.constant 8 : i32
        %swap3A_2088 = arith.index_cast %scan3A_62 : i32 to index
        %swap3A_2089 = arith.index_cast %swap3A_2087 : i32 to index
        %swap3A_2090 = arith.constant 464 : index
        %swap3A_2091 = tpu.vector_load %arg5[%swap3A_2088, %swap3A_2089, %swap3A_2090] {strides = array<i32>} : memref<5x16x512xf32, #tpu.memory_space<vmem>>, vector<1x1x16xf32>,
        %swap3A_2092 = vector.shape_cast %swap3A_2091 : vector<1x1x16xf32> to vector<16xf32>
        %swap3A_2093 = vector.shape_cast %broadcast_in_dim3A_1883 : vector<16xf32> to vector<1x1x16xf32>
        tpu.vector_store %arg5[%swap3A_2088, %swap3A_2089, %swap3A_2090], %swap3A_2093 {strides = array<i32>} : memref<5x16x512xf32, #tpu.memory_space<vmem>>, vector<1x1x16xf32>,
        %swap3A_2094 = arith.constant 8 : i32
        %swap3A_2095 = arith.index_cast %scan3A_62 : i32 to index
        %swap3A_2096 = arith.index_cast %swap3A_2094 : i32 to index
        %swap3A_2097 = arith.constant 480 : index
        %swap3A_2098 = tpu.vector_load %arg5[%swap3A_2095, %swap3A_2096, %swap3A_2097] {strides = array<i32>} : memref<5x16x512xf32, #tpu.memory_space<vmem>>, vector<1x1x16xf32>,
        %swap3A_2099 = vector.shape_cast %swap3A_2098 : vector<1x1x16xf32> to vector<16xf32>
        %swap3A_2100 = vector.shape_cast %broadcast_in_dim3A_1883 : vector<16xf32> to vector<1x1x16xf32>
        tpu.vector_store %arg5[%swap3A_2095, %swap3A_2096, %swap3A_2097], %swap3A_2100 {strides = array<i32>} : memref<5x16x512xf32, #tpu.memory_space<vmem>>, vector<1x1x16xf32>,
        %swap3A_2101 = arith.constant 8 : i32
        %swap3A_2102 = arith.index_cast %scan3A_62 : i32 to index
        %swap3A_2103 = arith.index_cast %swap3A_2101 : i32 to index
        %swap3A_2104 = arith.constant 496 : index
        %swap3A_2105 = tpu.vector_load %arg5[%swap3A_2102, %swap3A_2103, %swap3A_2104] {strides = array<i32>} : memref<5x16x512xf32, #tpu.memory_space<vmem>>, vector<1x1x16xf32>,
        %swap3A_2106 = vector.shape_cast %swap3A_2105 : vector<1x1x16xf32> to vector<16xf32>
        %swap3A_2107 = vector.shape_cast %broadcast_in_dim3A_1883 : vector<16xf32> to vector<1x1x16xf32>
        tpu.vector_store %arg5[%swap3A_2102, %swap3A_2103, %swap3A_2104], %swap3A_2107 {strides = array<i32>} : memref<5x16x512xf32, #tpu.memory_space<vmem>>, vector<1x1x16xf32>,
        %slice3A_2108 = vector.extract_strided_slice %max3A_68 {offsets = [9], sizes = [1], strides = [1]} : vector<16xf32> to vector<1xf32>
        %squeeze3A_2109 = vector.extract %slice3A_2108[0] : f32 from vector<1xf32>
        %broadcast_in_dim3A_2110 = vector.broadcast %squeeze3A_2109 : f32 to vector<16xf32>
        %swap3A_2111 = arith.constant 9 : i32
        %swap3A_2112 = arith.index_cast %scan3A_62 : i32 to index
        %swap3A_2113 = arith.index_cast %swap3A_2111 : i32 to index
        %swap3A_2114 = arith.constant 0 : index
        %swap3A_2115 = tpu.vector_load %arg5[%swap3A_2112, %swap3A_2113, %swap3A_2114] {strides = array<i32>} : memref<5x16x512xf32, #tpu.memory_space<vmem>>, vector<1x1x16xf32>,
        %swap3A_2116 = vector.shape_cast %swap3A_2115 : vector<1x1x16xf32> to vector<16xf32>
        %swap3A_2117 = vector.shape_cast %broadcast_in_dim3A_2110 : vector<16xf32> to vector<1x1x16xf32>
        tpu.vector_store %arg5[%swap3A_2112, %swap3A_2113, %swap3A_2114], %swap3A_2117 {strides = array<i32>} : memref<5x16x512xf32, #tpu.memory_space<vmem>>, vector<1x1x16xf32>,
        %swap3A_2118 = arith.constant 9 : i32
        %swap3A_2119 = arith.index_cast %scan3A_62 : i32 to index
        %swap3A_2120 = arith.index_cast %swap3A_2118 : i32 to index
        %swap3A_2121 = arith.constant 16 : index
        %swap3A_2122 = tpu.vector_load %arg5[%swap3A_2119, %swap3A_2120, %swap3A_2121] {strides = array<i32>} : memref<5x16x512xf32, #tpu.memory_space<vmem>>, vector<1x1x16xf32>,
        %swap3A_2123 = vector.shape_cast %swap3A_2122 : vector<1x1x16xf32> to vector<16xf32>
        %swap3A_2124 = vector.shape_cast %broadcast_in_dim3A_2110 : vector<16xf32> to vector<1x1x16xf32>
        tpu.vector_store %arg5[%swap3A_2119, %swap3A_2120, %swap3A_2121], %swap3A_2124 {strides = array<i32>} : memref<5x16x512xf32, #tpu.memory_space<vmem>>, vector<1x1x16xf32>,
        %swap3A_2125 = arith.constant 9 : i32
        %swap3A_2126 = arith.index_cast %scan3A_62 : i32 to index
        %swap3A_2127 = arith.index_cast %swap3A_2125 : i32 to index
        %swap3A_2128 = arith.constant 32 : index
        %swap3A_2129 = tpu.vector_load %arg5[%swap3A_2126, %swap3A_2127, %swap3A_2128] {strides = array<i32>} : memref<5x16x512xf32, #tpu.memory_space<vmem>>, vector<1x1x16xf32>,
        %swap3A_2130 = vector.shape_cast %swap3A_2129 : vector<1x1x16xf32> to vector<16xf32>
        %swap3A_2131 = vector.shape_cast %broadcast_in_dim3A_2110 : vector<16xf32> to vector<1x1x16xf32>
        tpu.vector_store %arg5[%swap3A_2126, %swap3A_2127, %swap3A_2128], %swap3A_2131 {strides = array<i32>} : memref<5x16x512xf32, #tpu.memory_space<vmem>>, vector<1x1x16xf32>,
        %swap3A_2132 = arith.constant 9 : i32
        %swap3A_2133 = arith.index_cast %scan3A_62 : i32 to index
        %swap3A_2134 = arith.index_cast %swap3A_2132 : i32 to index
        %swap3A_2135 = arith.constant 48 : index
        %swap3A_2136 = tpu.vector_load %arg5[%swap3A_2133, %swap3A_2134, %swap3A_2135] {strides = array<i32>} : memref<5x16x512xf32, #tpu.memory_space<vmem>>, vector<1x1x16xf32>,
        %swap3A_2137 = vector.shape_cast %swap3A_2136 : vector<1x1x16xf32> to vector<16xf32>
        %swap3A_2138 = vector.shape_cast %broadcast_in_dim3A_2110 : vector<16xf32> to vector<1x1x16xf32>
        tpu.vector_store %arg5[%swap3A_2133, %swap3A_2134, %swap3A_2135], %swap3A_2138 {strides = array<i32>} : memref<5x16x512xf32, #tpu.memory_space<vmem>>, vector<1x1x16xf32>,
        %swap3A_2139 = arith.constant 9 : i32
        %swap3A_2140 = arith.index_cast %scan3A_62 : i32 to index
        %swap3A_2141 = arith.index_cast %swap3A_2139 : i32 to index
        %swap3A_2142 = arith.constant 64 : index
        %swap3A_2143 = tpu.vector_load %arg5[%swap3A_2140, %swap3A_2141, %swap3A_2142] {strides = array<i32>} : memref<5x16x512xf32, #tpu.memory_space<vmem>>, vector<1x1x16xf32>,
        %swap3A_2144 = vector.shape_cast %swap3A_2143 : vector<1x1x16xf32> to vector<16xf32>
        %swap3A_2145 = vector.shape_cast %broadcast_in_dim3A_2110 : vector<16xf32> to vector<1x1x16xf32>
        tpu.vector_store %arg5[%swap3A_2140, %swap3A_2141, %swap3A_2142], %swap3A_2145 {strides = array<i32>} : memref<5x16x512xf32, #tpu.memory_space<vmem>>, vector<1x1x16xf32>,
        %swap3A_2146 = arith.constant 9 : i32
        %swap3A_2147 = arith.index_cast %scan3A_62 : i32 to index
        %swap3A_2148 = arith.index_cast %swap3A_2146 : i32 to index
        %swap3A_2149 = arith.constant 80 : index
        %swap3A_2150 = tpu.vector_load %arg5[%swap3A_2147, %swap3A_2148, %swap3A_2149] {strides = array<i32>} : memref<5x16x512xf32, #tpu.memory_space<vmem>>, vector<1x1x16xf32>,
        %swap3A_2151 = vector.shape_cast %swap3A_2150 : vector<1x1x16xf32> to vector<16xf32>
        %swap3A_2152 = vector.shape_cast %broadcast_in_dim3A_2110 : vector<16xf32> to vector<1x1x16xf32>
        tpu.vector_store %arg5[%swap3A_2147, %swap3A_2148, %swap3A_2149], %swap3A_2152 {strides = array<i32>} : memref<5x16x512xf32, #tpu.memory_space<vmem>>, vector<1x1x16xf32>,
        %swap3A_2153 = arith.constant 9 : i32
        %swap3A_2154 = arith.index_cast %scan3A_62 : i32 to index
        %swap3A_2155 = arith.index_cast %swap3A_2153 : i32 to index
        %swap3A_2156 = arith.constant 96 : index
        %swap3A_2157 = tpu.vector_load %arg5[%swap3A_2154, %swap3A_2155, %swap3A_2156] {strides = array<i32>} : memref<5x16x512xf32, #tpu.memory_space<vmem>>, vector<1x1x16xf32>,
        %swap3A_2158 = vector.shape_cast %swap3A_2157 : vector<1x1x16xf32> to vector<16xf32>
        %swap3A_2159 = vector.shape_cast %broadcast_in_dim3A_2110 : vector<16xf32> to vector<1x1x16xf32>
        tpu.vector_store %arg5[%swap3A_2154, %swap3A_2155, %swap3A_2156], %swap3A_2159 {strides = array<i32>} : memref<5x16x512xf32, #tpu.memory_space<vmem>>, vector<1x1x16xf32>,
        %swap3A_2160 = arith.constant 9 : i32
        %swap3A_2161 = arith.index_cast %scan3A_62 : i32 to index
        %swap3A_2162 = arith.index_cast %swap3A_2160 : i32 to index
        %swap3A_2163 = arith.constant 112 : index
        %swap3A_2164 = tpu.vector_load %arg5[%swap3A_2161, %swap3A_2162, %swap3A_2163] {strides = array<i32>} : memref<5x16x512xf32, #tpu.memory_space<vmem>>, vector<1x1x16xf32>,
        %swap3A_2165 = vector.shape_cast %swap3A_2164 : vector<1x1x16xf32> to vector<16xf32>
        %swap3A_2166 = vector.shape_cast %broadcast_in_dim3A_2110 : vector<16xf32> to vector<1x1x16xf32>
        tpu.vector_store %arg5[%swap3A_2161, %swap3A_2162, %swap3A_2163], %swap3A_2166 {strides = array<i32>} : memref<5x16x512xf32, #tpu.memory_space<vmem>>, vector<1x1x16xf32>,
        %swap3A_2167 = arith.constant 9 : i32
        %swap3A_2168 = arith.index_cast %scan3A_62 : i32 to index
        %swap3A_2169 = arith.index_cast %swap3A_2167 : i32 to index
        %swap3A_2170 = arith.constant 128 : index
        %swap3A_2171 = tpu.vector_load %arg5[%swap3A_2168, %swap3A_2169, %swap3A_2170] {strides = array<i32>} : memref<5x16x512xf32, #tpu.memory_space<vmem>>, vector<1x1x16xf32>,
        %swap3A_2172 = vector.shape_cast %swap3A_2171 : vector<1x1x16xf32> to vector<16xf32>
        %swap3A_2173 = vector.shape_cast %broadcast_in_dim3A_2110 : vector<16xf32> to vector<1x1x16xf32>
        tpu.vector_store %arg5[%swap3A_2168, %swap3A_2169, %swap3A_2170], %swap3A_2173 {strides = array<i32>} : memref<5x16x512xf32, #tpu.memory_space<vmem>>, vector<1x1x16xf32>,
        %swap3A_2174 = arith.constant 9 : i32
        %swap3A_2175 = arith.index_cast %scan3A_62 : i32 to index
        %swap3A_2176 = arith.index_cast %swap3A_2174 : i32 to index
        %swap3A_2177 = arith.constant 144 : index
        %swap3A_2178 = tpu.vector_load %arg5[%swap3A_2175, %swap3A_2176, %swap3A_2177] {strides = array<i32>} : memref<5x16x512xf32, #tpu.memory_space<vmem>>, vector<1x1x16xf32>,
        %swap3A_2179 = vector.shape_cast %swap3A_2178 : vector<1x1x16xf32> to vector<16xf32>
        %swap3A_2180 = vector.shape_cast %broadcast_in_dim3A_2110 : vector<16xf32> to vector<1x1x16xf32>
        tpu.vector_store %arg5[%swap3A_2175, %swap3A_2176, %swap3A_2177], %swap3A_2180 {strides = array<i32>} : memref<5x16x512xf32, #tpu.memory_space<vmem>>, vector<1x1x16xf32>,
        %swap3A_2181 = arith.constant 9 : i32
        %swap3A_2182 = arith.index_cast %scan3A_62 : i32 to index
        %swap3A_2183 = arith.index_cast %swap3A_2181 : i32 to index
        %swap3A_2184 = arith.constant 160 : index
        %swap3A_2185 = tpu.vector_load %arg5[%swap3A_2182, %swap3A_2183, %swap3A_2184] {strides = array<i32>} : memref<5x16x512xf32, #tpu.memory_space<vmem>>, vector<1x1x16xf32>,
        %swap3A_2186 = vector.shape_cast %swap3A_2185 : vector<1x1x16xf32> to vector<16xf32>
        %swap3A_2187 = vector.shape_cast %broadcast_in_dim3A_2110 : vector<16xf32> to vector<1x1x16xf32>
        tpu.vector_store %arg5[%swap3A_2182, %swap3A_2183, %swap3A_2184], %swap3A_2187 {strides = array<i32>} : memref<5x16x512xf32, #tpu.memory_space<vmem>>, vector<1x1x16xf32>,
        %swap3A_2188 = arith.constant 9 : i32
        %swap3A_2189 = arith.index_cast %scan3A_62 : i32 to index
        %swap3A_2190 = arith.index_cast %swap3A_2188 : i32 to index
        %swap3A_2191 = arith.constant 176 : index
        %swap3A_2192 = tpu.vector_load %arg5[%swap3A_2189, %swap3A_2190, %swap3A_2191] {strides = array<i32>} : memref<5x16x512xf32, #tpu.memory_space<vmem>>, vector<1x1x16xf32>,
        %swap3A_2193 = vector.shape_cast %swap3A_2192 : vector<1x1x16xf32> to vector<16xf32>
        %swap3A_2194 = vector.shape_cast %broadcast_in_dim3A_2110 : vector<16xf32> to vector<1x1x16xf32>
        tpu.vector_store %arg5[%swap3A_2189, %swap3A_2190, %swap3A_2191], %swap3A_2194 {strides = array<i32>} : memref<5x16x512xf32, #tpu.memory_space<vmem>>, vector<1x1x16xf32>,
        %swap3A_2195 = arith.constant 9 : i32
        %swap3A_2196 = arith.index_cast %scan3A_62 : i32 to index
        %swap3A_2197 = arith.index_cast %swap3A_2195 : i32 to index
        %swap3A_2198 = arith.constant 192 : index
        %swap3A_2199 = tpu.vector_load %arg5[%swap3A_2196, %swap3A_2197, %swap3A_2198] {strides = array<i32>} : memref<5x16x512xf32, #tpu.memory_space<vmem>>, vector<1x1x16xf32>,
        %swap3A_2200 = vector.shape_cast %swap3A_2199 : vector<1x1x16xf32> to vector<16xf32>
        %swap3A_2201 = vector.shape_cast %broadcast_in_dim3A_2110 : vector<16xf32> to vector<1x1x16xf32>
        tpu.vector_store %arg5[%swap3A_2196, %swap3A_2197, %swap3A_2198], %swap3A_2201 {strides = array<i32>} : memref<5x16x512xf32, #tpu.memory_space<vmem>>, vector<1x1x16xf32>,
        %swap3A_2202 = arith.constant 9 : i32
        %swap3A_2203 = arith.index_cast %scan3A_62 : i32 to index
        %swap3A_2204 = arith.index_cast %swap3A_2202 : i32 to index
        %swap3A_2205 = arith.constant 208 : index
        %swap3A_2206 = tpu.vector_load %arg5[%swap3A_2203, %swap3A_2204, %swap3A_2205] {strides = array<i32>} : memref<5x16x512xf32, #tpu.memory_space<vmem>>, vector<1x1x16xf32>,
        %swap3A_2207 = vector.shape_cast %swap3A_2206 : vector<1x1x16xf32> to vector<16xf32>
        %swap3A_2208 = vector.shape_cast %broadcast_in_dim3A_2110 : vector<16xf32> to vector<1x1x16xf32>
        tpu.vector_store %arg5[%swap3A_2203, %swap3A_2204, %swap3A_2205], %swap3A_2208 {strides = array<i32>} : memref<5x16x512xf32, #tpu.memory_space<vmem>>, vector<1x1x16xf32>,
        %swap3A_2209 = arith.constant 9 : i32
        %swap3A_2210 = arith.index_cast %scan3A_62 : i32 to index
        %swap3A_2211 = arith.index_cast %swap3A_2209 : i32 to index
        %swap3A_2212 = arith.constant 224 : index
        %swap3A_2213 = tpu.vector_load %arg5[%swap3A_2210, %swap3A_2211, %swap3A_2212] {strides = array<i32>} : memref<5x16x512xf32, #tpu.memory_space<vmem>>, vector<1x1x16xf32>,
        %swap3A_2214 = vector.shape_cast %swap3A_2213 : vector<1x1x16xf32> to vector<16xf32>
        %swap3A_2215 = vector.shape_cast %broadcast_in_dim3A_2110 : vector<16xf32> to vector<1x1x16xf32>
        tpu.vector_store %arg5[%swap3A_2210, %swap3A_2211, %swap3A_2212], %swap3A_2215 {strides = array<i32>} : memref<5x16x512xf32, #tpu.memory_space<vmem>>, vector<1x1x16xf32>,
        %swap3A_2216 = arith.constant 9 : i32
        %swap3A_2217 = arith.index_cast %scan3A_62 : i32 to index
        %swap3A_2218 = arith.index_cast %swap3A_2216 : i32 to index
        %swap3A_2219 = arith.constant 240 : index
        %swap3A_2220 = tpu.vector_load %arg5[%swap3A_2217, %swap3A_2218, %swap3A_2219] {strides = array<i32>} : memref<5x16x512xf32, #tpu.memory_space<vmem>>, vector<1x1x16xf32>,
        %swap3A_2221 = vector.shape_cast %swap3A_2220 : vector<1x1x16xf32> to vector<16xf32>
        %swap3A_2222 = vector.shape_cast %broadcast_in_dim3A_2110 : vector<16xf32> to vector<1x1x16xf32>
        tpu.vector_store %arg5[%swap3A_2217, %swap3A_2218, %swap3A_2219], %swap3A_2222 {strides = array<i32>} : memref<5x16x512xf32, #tpu.memory_space<vmem>>, vector<1x1x16xf32>,
        %swap3A_2223 = arith.constant 9 : i32
        %swap3A_2224 = arith.index_cast %scan3A_62 : i32 to index
        %swap3A_2225 = arith.index_cast %swap3A_2223 : i32 to index
        %swap3A_2226 = arith.constant 256 : index
        %swap3A_2227 = tpu.vector_load %arg5[%swap3A_2224, %swap3A_2225, %swap3A_2226] {strides = array<i32>} : memref<5x16x512xf32, #tpu.memory_space<vmem>>, vector<1x1x16xf32>,
        %swap3A_2228 = vector.shape_cast %swap3A_2227 : vector<1x1x16xf32> to vector<16xf32>
        %swap3A_2229 = vector.shape_cast %broadcast_in_dim3A_2110 : vector<16xf32> to vector<1x1x16xf32>
        tpu.vector_store %arg5[%swap3A_2224, %swap3A_2225, %swap3A_2226], %swap3A_2229 {strides = array<i32>} : memref<5x16x512xf32, #tpu.memory_space<vmem>>, vector<1x1x16xf32>,
        %swap3A_2230 = arith.constant 9 : i32
        %swap3A_2231 = arith.index_cast %scan3A_62 : i32 to index
        %swap3A_2232 = arith.index_cast %swap3A_2230 : i32 to index
        %swap3A_2233 = arith.constant 272 : index
        %swap3A_2234 = tpu.vector_load %arg5[%swap3A_2231, %swap3A_2232, %swap3A_2233] {strides = array<i32>} : memref<5x16x512xf32, #tpu.memory_space<vmem>>, vector<1x1x16xf32>,
        %swap3A_2235 = vector.shape_cast %swap3A_2234 : vector<1x1x16xf32> to vector<16xf32>
        %swap3A_2236 = vector.shape_cast %broadcast_in_dim3A_2110 : vector<16xf32> to vector<1x1x16xf32>
        tpu.vector_store %arg5[%swap3A_2231, %swap3A_2232, %swap3A_2233], %swap3A_2236 {strides = array<i32>} : memref<5x16x512xf32, #tpu.memory_space<vmem>>, vector<1x1x16xf32>,
        %swap3A_2237 = arith.constant 9 : i32
        %swap3A_2238 = arith.index_cast %scan3A_62 : i32 to index
        %swap3A_2239 = arith.index_cast %swap3A_2237 : i32 to index
        %swap3A_2240 = arith.constant 288 : index
        %swap3A_2241 = tpu.vector_load %arg5[%swap3A_2238, %swap3A_2239, %swap3A_2240] {strides = array<i32>} : memref<5x16x512xf32, #tpu.memory_space<vmem>>, vector<1x1x16xf32>,
        %swap3A_2242 = vector.shape_cast %swap3A_2241 : vector<1x1x16xf32> to vector<16xf32>
        %swap3A_2243 = vector.shape_cast %broadcast_in_dim3A_2110 : vector<16xf32> to vector<1x1x16xf32>
        tpu.vector_store %arg5[%swap3A_2238, %swap3A_2239, %swap3A_2240], %swap3A_2243 {strides = array<i32>} : memref<5x16x512xf32, #tpu.memory_space<vmem>>, vector<1x1x16xf32>,
        %swap3A_2244 = arith.constant 9 : i32
        %swap3A_2245 = arith.index_cast %scan3A_62 : i32 to index
        %swap3A_2246 = arith.index_cast %swap3A_2244 : i32 to index
        %swap3A_2247 = arith.constant 304 : index
        %swap3A_2248 = tpu.vector_load %arg5[%swap3A_2245, %swap3A_2246, %swap3A_2247] {strides = array<i32>} : memref<5x16x512xf32, #tpu.memory_space<vmem>>, vector<1x1x16xf32>,
        %swap3A_2249 = vector.shape_cast %swap3A_2248 : vector<1x1x16xf32> to vector<16xf32>
        %swap3A_2250 = vector.shape_cast %broadcast_in_dim3A_2110 : vector<16xf32> to vector<1x1x16xf32>
        tpu.vector_store %arg5[%swap3A_2245, %swap3A_2246, %swap3A_2247], %swap3A_2250 {strides = array<i32>} : memref<5x16x512xf32, #tpu.memory_space<vmem>>, vector<1x1x16xf32>,
        %swap3A_2251 = arith.constant 9 : i32
        %swap3A_2252 = arith.index_cast %scan3A_62 : i32 to index
        %swap3A_2253 = arith.index_cast %swap3A_2251 : i32 to index
        %swap3A_2254 = arith.constant 320 : index
        %swap3A_2255 = tpu.vector_load %arg5[%swap3A_2252, %swap3A_2253, %swap3A_2254] {strides = array<i32>} : memref<5x16x512xf32, #tpu.memory_space<vmem>>, vector<1x1x16xf32>,
        %swap3A_2256 = vector.shape_cast %swap3A_2255 : vector<1x1x16xf32> to vector<16xf32>
        %swap3A_2257 = vector.shape_cast %broadcast_in_dim3A_2110 : vector<16xf32> to vector<1x1x16xf32>
        tpu.vector_store %arg5[%swap3A_2252, %swap3A_2253, %swap3A_2254], %swap3A_2257 {strides = array<i32>} : memref<5x16x512xf32, #tpu.memory_space<vmem>>, vector<1x1x16xf32>,
        %swap3A_2258 = arith.constant 9 : i32
        %swap3A_2259 = arith.index_cast %scan3A_62 : i32 to index
        %swap3A_2260 = arith.index_cast %swap3A_2258 : i32 to index
        %swap3A_2261 = arith.constant 336 : index
        %swap3A_2262 = tpu.vector_load %arg5[%swap3A_2259, %swap3A_2260, %swap3A_2261] {strides = array<i32>} : memref<5x16x512xf32, #tpu.memory_space<vmem>>, vector<1x1x16xf32>,
        %swap3A_2263 = vector.shape_cast %swap3A_2262 : vector<1x1x16xf32> to vector<16xf32>
        %swap3A_2264 = vector.shape_cast %broadcast_in_dim3A_2110 : vector<16xf32> to vector<1x1x16xf32>
        tpu.vector_store %arg5[%swap3A_2259, %swap3A_2260, %swap3A_2261], %swap3A_2264 {strides = array<i32>} : memref<5x16x512xf32, #tpu.memory_space<vmem>>, vector<1x1x16xf32>,
        %swap3A_2265 = arith.constant 9 : i32
        %swap3A_2266 = arith.index_cast %scan3A_62 : i32 to index
        %swap3A_2267 = arith.index_cast %swap3A_2265 : i32 to index
        %swap3A_2268 = arith.constant 352 : index
        %swap3A_2269 = tpu.vector_load %arg5[%swap3A_2266, %swap3A_2267, %swap3A_2268] {strides = array<i32>} : memref<5x16x512xf32, #tpu.memory_space<vmem>>, vector<1x1x16xf32>,
        %swap3A_2270 = vector.shape_cast %swap3A_2269 : vector<1x1x16xf32> to vector<16xf32>
        %swap3A_2271 = vector.shape_cast %broadcast_in_dim3A_2110 : vector<16xf32> to vector<1x1x16xf32>
        tpu.vector_store %arg5[%swap3A_2266, %swap3A_2267, %swap3A_2268], %swap3A_2271 {strides = array<i32>} : memref<5x16x512xf32, #tpu.memory_space<vmem>>, vector<1x1x16xf32>,
        %swap3A_2272 = arith.constant 9 : i32
        %swap3A_2273 = arith.index_cast %scan3A_62 : i32 to index
        %swap3A_2274 = arith.index_cast %swap3A_2272 : i32 to index
        %swap3A_2275 = arith.constant 368 : index
        %swap3A_2276 = tpu.vector_load %arg5[%swap3A_2273, %swap3A_2274, %swap3A_2275] {strides = array<i32>} : memref<5x16x512xf32, #tpu.memory_space<vmem>>, vector<1x1x16xf32>,
        %swap3A_2277 = vector.shape_cast %swap3A_2276 : vector<1x1x16xf32> to vector<16xf32>
        %swap3A_2278 = vector.shape_cast %broadcast_in_dim3A_2110 : vector<16xf32> to vector<1x1x16xf32>
        tpu.vector_store %arg5[%swap3A_2273, %swap3A_2274, %swap3A_2275], %swap3A_2278 {strides = array<i32>} : memref<5x16x512xf32, #tpu.memory_space<vmem>>, vector<1x1x16xf32>,
        %swap3A_2279 = arith.constant 9 : i32
        %swap3A_2280 = arith.index_cast %scan3A_62 : i32 to index
        %swap3A_2281 = arith.index_cast %swap3A_2279 : i32 to index
        %swap3A_2282 = arith.constant 384 : index
        %swap3A_2283 = tpu.vector_load %arg5[%swap3A_2280, %swap3A_2281, %swap3A_2282] {strides = array<i32>} : memref<5x16x512xf32, #tpu.memory_space<vmem>>, vector<1x1x16xf32>,
        %swap3A_2284 = vector.shape_cast %swap3A_2283 : vector<1x1x16xf32> to vector<16xf32>
        %swap3A_2285 = vector.shape_cast %broadcast_in_dim3A_2110 : vector<16xf32> to vector<1x1x16xf32>
        tpu.vector_store %arg5[%swap3A_2280, %swap3A_2281, %swap3A_2282], %swap3A_2285 {strides = array<i32>} : memref<5x16x512xf32, #tpu.memory_space<vmem>>, vector<1x1x16xf32>,
        %swap3A_2286 = arith.constant 9 : i32
        %swap3A_2287 = arith.index_cast %scan3A_62 : i32 to index
        %swap3A_2288 = arith.index_cast %swap3A_2286 : i32 to index
        %swap3A_2289 = arith.constant 400 : index
        %swap3A_2290 = tpu.vector_load %arg5[%swap3A_2287, %swap3A_2288, %swap3A_2289] {strides = array<i32>} : memref<5x16x512xf32, #tpu.memory_space<vmem>>, vector<1x1x16xf32>,
        %swap3A_2291 = vector.shape_cast %swap3A_2290 : vector<1x1x16xf32> to vector<16xf32>
        %swap3A_2292 = vector.shape_cast %broadcast_in_dim3A_2110 : vector<16xf32> to vector<1x1x16xf32>
        tpu.vector_store %arg5[%swap3A_2287, %swap3A_2288, %swap3A_2289], %swap3A_2292 {strides = array<i32>} : memref<5x16x512xf32, #tpu.memory_space<vmem>>, vector<1x1x16xf32>,
        %swap3A_2293 = arith.constant 9 : i32
        %swap3A_2294 = arith.index_cast %scan3A_62 : i32 to index
        %swap3A_2295 = arith.index_cast %swap3A_2293 : i32 to index
        %swap3A_2296 = arith.constant 416 : index
        %swap3A_2297 = tpu.vector_load %arg5[%swap3A_2294, %swap3A_2295, %swap3A_2296] {strides = array<i32>} : memref<5x16x512xf32, #tpu.memory_space<vmem>>, vector<1x1x16xf32>,
        %swap3A_2298 = vector.shape_cast %swap3A_2297 : vector<1x1x16xf32> to vector<16xf32>
        %swap3A_2299 = vector.shape_cast %broadcast_in_dim3A_2110 : vector<16xf32> to vector<1x1x16xf32>
        tpu.vector_store %arg5[%swap3A_2294, %swap3A_2295, %swap3A_2296], %swap3A_2299 {strides = array<i32>} : memref<5x16x512xf32, #tpu.memory_space<vmem>>, vector<1x1x16xf32>,
        %swap3A_2300 = arith.constant 9 : i32
        %swap3A_2301 = arith.index_cast %scan3A_62 : i32 to index
        %swap3A_2302 = arith.index_cast %swap3A_2300 : i32 to index
        %swap3A_2303 = arith.constant 432 : index
        %swap3A_2304 = tpu.vector_load %arg5[%swap3A_2301, %swap3A_2302, %swap3A_2303] {strides = array<i32>} : memref<5x16x512xf32, #tpu.memory_space<vmem>>, vector<1x1x16xf32>,
        %swap3A_2305 = vector.shape_cast %swap3A_2304 : vector<1x1x16xf32> to vector<16xf32>
        %swap3A_2306 = vector.shape_cast %broadcast_in_dim3A_2110 : vector<16xf32> to vector<1x1x16xf32>
        tpu.vector_store %arg5[%swap3A_2301, %swap3A_2302, %swap3A_2303], %swap3A_2306 {strides = array<i32>} : memref<5x16x512xf32, #tpu.memory_space<vmem>>, vector<1x1x16xf32>,
        %swap3A_2307 = arith.constant 9 : i32
        %swap3A_2308 = arith.index_cast %scan3A_62 : i32 to index
        %swap3A_2309 = arith.index_cast %swap3A_2307 : i32 to index
        %swap3A_2310 = arith.constant 448 : index
        %swap3A_2311 = tpu.vector_load %arg5[%swap3A_2308, %swap3A_2309, %swap3A_2310] {strides = array<i32>} : memref<5x16x512xf32, #tpu.memory_space<vmem>>, vector<1x1x16xf32>,
        %swap3A_2312 = vector.shape_cast %swap3A_2311 : vector<1x1x16xf32> to vector<16xf32>
        %swap3A_2313 = vector.shape_cast %broadcast_in_dim3A_2110 : vector<16xf32> to vector<1x1x16xf32>
        tpu.vector_store %arg5[%swap3A_2308, %swap3A_2309, %swap3A_2310], %swap3A_2313 {strides = array<i32>} : memref<5x16x512xf32, #tpu.memory_space<vmem>>, vector<1x1x16xf32>,
        %swap3A_2314 = arith.constant 9 : i32
        %swap3A_2315 = arith.index_cast %scan3A_62 : i32 to index
        %swap3A_2316 = arith.index_cast %swap3A_2314 : i32 to index
        %swap3A_2317 = arith.constant 464 : index
        %swap3A_2318 = tpu.vector_load %arg5[%swap3A_2315, %swap3A_2316, %swap3A_2317] {strides = array<i32>} : memref<5x16x512xf32, #tpu.memory_space<vmem>>, vector<1x1x16xf32>,
        %swap3A_2319 = vector.shape_cast %swap3A_2318 : vector<1x1x16xf32> to vector<16xf32>
        %swap3A_2320 = vector.shape_cast %broadcast_in_dim3A_2110 : vector<16xf32> to vector<1x1x16xf32>
        tpu.vector_store %arg5[%swap3A_2315, %swap3A_2316, %swap3A_2317], %swap3A_2320 {strides = array<i32>} : memref<5x16x512xf32, #tpu.memory_space<vmem>>, vector<1x1x16xf32>,
        %swap3A_2321 = arith.constant 9 : i32
        %swap3A_2322 = arith.index_cast %scan3A_62 : i32 to index
        %swap3A_2323 = arith.index_cast %swap3A_2321 : i32 to index
        %swap3A_2324 = arith.constant 480 : index
        %swap3A_2325 = tpu.vector_load %arg5[%swap3A_2322, %swap3A_2323, %swap3A_2324] {strides = array<i32>} : memref<5x16x512xf32, #tpu.memory_space<vmem>>, vector<1x1x16xf32>,
        %swap3A_2326 = vector.shape_cast %swap3A_2325 : vector<1x1x16xf32> to vector<16xf32>
        %swap3A_2327 = vector.shape_cast %broadcast_in_dim3A_2110 : vector<16xf32> to vector<1x1x16xf32>
        tpu.vector_store %arg5[%swap3A_2322, %swap3A_2323, %swap3A_2324], %swap3A_2327 {strides = array<i32>} : memref<5x16x512xf32, #tpu.memory_space<vmem>>, vector<1x1x16xf32>,
        %swap3A_2328 = arith.constant 9 : i32
        %swap3A_2329 = arith.index_cast %scan3A_62 : i32 to index
        %swap3A_2330 = arith.index_cast %swap3A_2328 : i32 to index
        %swap3A_2331 = arith.constant 496 : index
        %swap3A_2332 = tpu.vector_load %arg5[%swap3A_2329, %swap3A_2330, %swap3A_2331] {strides = array<i32>} : memref<5x16x512xf32, #tpu.memory_space<vmem>>, vector<1x1x16xf32>,
        %swap3A_2333 = vector.shape_cast %swap3A_2332 : vector<1x1x16xf32> to vector<16xf32>
        %swap3A_2334 = vector.shape_cast %broadcast_in_dim3A_2110 : vector<16xf32> to vector<1x1x16xf32>
        tpu.vector_store %arg5[%swap3A_2329, %swap3A_2330, %swap3A_2331], %swap3A_2334 {strides = array<i32>} : memref<5x16x512xf32, #tpu.memory_space<vmem>>, vector<1x1x16xf32>,
        %slice3A_2335 = vector.extract_strided_slice %max3A_68 {offsets = [10], sizes = [1], strides = [1]} : vector<16xf32> to vector<1xf32>
        %squeeze3A_2336 = vector.extract %slice3A_2335[0] : f32 from vector<1xf32>
        %broadcast_in_dim3A_2337 = vector.broadcast %squeeze3A_2336 : f32 to vector<16xf32>
        %swap3A_2338 = arith.constant 10 : i32
        %swap3A_2339 = arith.index_cast %scan3A_62 : i32 to index
        %swap3A_2340 = arith.index_cast %swap3A_2338 : i32 to index
        %swap3A_2341 = arith.constant 0 : index
        %swap3A_2342 = tpu.vector_load %arg5[%swap3A_2339, %swap3A_2340, %swap3A_2341] {strides = array<i32>} : memref<5x16x512xf32, #tpu.memory_space<vmem>>, vector<1x1x16xf32>,
        %swap3A_2343 = vector.shape_cast %swap3A_2342 : vector<1x1x16xf32> to vector<16xf32>
        %swap3A_2344 = vector.shape_cast %broadcast_in_dim3A_2337 : vector<16xf32> to vector<1x1x16xf32>
        tpu.vector_store %arg5[%swap3A_2339, %swap3A_2340, %swap3A_2341], %swap3A_2344 {strides = array<i32>} : memref<5x16x512xf32, #tpu.memory_space<vmem>>, vector<1x1x16xf32>,
        %swap3A_2345 = arith.constant 10 : i32
        %swap3A_2346 = arith.index_cast %scan3A_62 : i32 to index
        %swap3A_2347 = arith.index_cast %swap3A_2345 : i32 to index
        %swap3A_2348 = arith.constant 16 : index
        %swap3A_2349 = tpu.vector_load %arg5[%swap3A_2346, %swap3A_2347, %swap3A_2348] {strides = array<i32>} : memref<5x16x512xf32, #tpu.memory_space<vmem>>, vector<1x1x16xf32>,
        %swap3A_2350 = vector.shape_cast %swap3A_2349 : vector<1x1x16xf32> to vector<16xf32>
        %swap3A_2351 = vector.shape_cast %broadcast_in_dim3A_2337 : vector<16xf32> to vector<1x1x16xf32>
        tpu.vector_store %arg5[%swap3A_2346, %swap3A_2347, %swap3A_2348], %swap3A_2351 {strides = array<i32>} : memref<5x16x512xf32, #tpu.memory_space<vmem>>, vector<1x1x16xf32>,
        %swap3A_2352 = arith.constant 10 : i32
        %swap3A_2353 = arith.index_cast %scan3A_62 : i32 to index
        %swap3A_2354 = arith.index_cast %swap3A_2352 : i32 to index
        %swap3A_2355 = arith.constant 32 : index
        %swap3A_2356 = tpu.vector_load %arg5[%swap3A_2353, %swap3A_2354, %swap3A_2355] {strides = array<i32>} : memref<5x16x512xf32, #tpu.memory_space<vmem>>, vector<1x1x16xf32>,
        %swap3A_2357 = vector.shape_cast %swap3A_2356 : vector<1x1x16xf32> to vector<16xf32>
        %swap3A_2358 = vector.shape_cast %broadcast_in_dim3A_2337 : vector<16xf32> to vector<1x1x16xf32>
        tpu.vector_store %arg5[%swap3A_2353, %swap3A_2354, %swap3A_2355], %swap3A_2358 {strides = array<i32>} : memref<5x16x512xf32, #tpu.memory_space<vmem>>, vector<1x1x16xf32>,
        %swap3A_2359 = arith.constant 10 : i32
        %swap3A_2360 = arith.index_cast %scan3A_62 : i32 to index
        %swap3A_2361 = arith.index_cast %swap3A_2359 : i32 to index
        %swap3A_2362 = arith.constant 48 : index
        %swap3A_2363 = tpu.vector_load %arg5[%swap3A_2360, %swap3A_2361, %swap3A_2362] {strides = array<i32>} : memref<5x16x512xf32, #tpu.memory_space<vmem>>, vector<1x1x16xf32>,
        %swap3A_2364 = vector.shape_cast %swap3A_2363 : vector<1x1x16xf32> to vector<16xf32>
        %swap3A_2365 = vector.shape_cast %broadcast_in_dim3A_2337 : vector<16xf32> to vector<1x1x16xf32>
        tpu.vector_store %arg5[%swap3A_2360, %swap3A_2361, %swap3A_2362], %swap3A_2365 {strides = array<i32>} : memref<5x16x512xf32, #tpu.memory_space<vmem>>, vector<1x1x16xf32>,
        %swap3A_2366 = arith.constant 10 : i32
        %swap3A_2367 = arith.index_cast %scan3A_62 : i32 to index
        %swap3A_2368 = arith.index_cast %swap3A_2366 : i32 to index
        %swap3A_2369 = arith.constant 64 : index
        %swap3A_2370 = tpu.vector_load %arg5[%swap3A_2367, %swap3A_2368, %swap3A_2369] {strides = array<i32>} : memref<5x16x512xf32, #tpu.memory_space<vmem>>, vector<1x1x16xf32>,
        %swap3A_2371 = vector.shape_cast %swap3A_2370 : vector<1x1x16xf32> to vector<16xf32>
        %swap3A_2372 = vector.shape_cast %broadcast_in_dim3A_2337 : vector<16xf32> to vector<1x1x16xf32>
        tpu.vector_store %arg5[%swap3A_2367, %swap3A_2368, %swap3A_2369], %swap3A_2372 {strides = array<i32>} : memref<5x16x512xf32, #tpu.memory_space<vmem>>, vector<1x1x16xf32>,
        %swap3A_2373 = arith.constant 10 : i32
        %swap3A_2374 = arith.index_cast %scan3A_62 : i32 to index
        %swap3A_2375 = arith.index_cast %swap3A_2373 : i32 to index
        %swap3A_2376 = arith.constant 80 : index
        %swap3A_2377 = tpu.vector_load %arg5[%swap3A_2374, %swap3A_2375, %swap3A_2376] {strides = array<i32>} : memref<5x16x512xf32, #tpu.memory_space<vmem>>, vector<1x1x16xf32>,
        %swap3A_2378 = vector.shape_cast %swap3A_2377 : vector<1x1x16xf32> to vector<16xf32>
        %swap3A_2379 = vector.shape_cast %broadcast_in_dim3A_2337 : vector<16xf32> to vector<1x1x16xf32>
        tpu.vector_store %arg5[%swap3A_2374, %swap3A_2375, %swap3A_2376], %swap3A_2379 {strides = array<i32>} : memref<5x16x512xf32, #tpu.memory_space<vmem>>, vector<1x1x16xf32>,
        %swap3A_2380 = arith.constant 10 : i32
        %swap3A_2381 = arith.index_cast %scan3A_62 : i32 to index
        %swap3A_2382 = arith.index_cast %swap3A_2380 : i32 to index
        %swap3A_2383 = arith.constant 96 : index
        %swap3A_2384 = tpu.vector_load %arg5[%swap3A_2381, %swap3A_2382, %swap3A_2383] {strides = array<i32>} : memref<5x16x512xf32, #tpu.memory_space<vmem>>, vector<1x1x16xf32>,
        %swap3A_2385 = vector.shape_cast %swap3A_2384 : vector<1x1x16xf32> to vector<16xf32>
        %swap3A_2386 = vector.shape_cast %broadcast_in_dim3A_2337 : vector<16xf32> to vector<1x1x16xf32>
        tpu.vector_store %arg5[%swap3A_2381, %swap3A_2382, %swap3A_2383], %swap3A_2386 {strides = array<i32>} : memref<5x16x512xf32, #tpu.memory_space<vmem>>, vector<1x1x16xf32>,
        %swap3A_2387 = arith.constant 10 : i32
        %swap3A_2388 = arith.index_cast %scan3A_62 : i32 to index
        %swap3A_2389 = arith.index_cast %swap3A_2387 : i32 to index
        %swap3A_2390 = arith.constant 112 : index
        %swap3A_2391 = tpu.vector_load %arg5[%swap3A_2388, %swap3A_2389, %swap3A_2390] {strides = array<i32>} : memref<5x16x512xf32, #tpu.memory_space<vmem>>, vector<1x1x16xf32>,
        %swap3A_2392 = vector.shape_cast %swap3A_2391 : vector<1x1x16xf32> to vector<16xf32>
        %swap3A_2393 = vector.shape_cast %broadcast_in_dim3A_2337 : vector<16xf32> to vector<1x1x16xf32>
        tpu.vector_store %arg5[%swap3A_2388, %swap3A_2389, %swap3A_2390], %swap3A_2393 {strides = array<i32>} : memref<5x16x512xf32, #tpu.memory_space<vmem>>, vector<1x1x16xf32>,
        %swap3A_2394 = arith.constant 10 : i32
        %swap3A_2395 = arith.index_cast %scan3A_62 : i32 to index
        %swap3A_2396 = arith.index_cast %swap3A_2394 : i32 to index
        %swap3A_2397 = arith.constant 128 : index
        %swap3A_2398 = tpu.vector_load %arg5[%swap3A_2395, %swap3A_2396, %swap3A_2397] {strides = array<i32>} : memref<5x16x512xf32, #tpu.memory_space<vmem>>, vector<1x1x16xf32>,
        %swap3A_2399 = vector.shape_cast %swap3A_2398 : vector<1x1x16xf32> to vector<16xf32>
        %swap3A_2400 = vector.shape_cast %broadcast_in_dim3A_2337 : vector<16xf32> to vector<1x1x16xf32>
        tpu.vector_store %arg5[%swap3A_2395, %swap3A_2396, %swap3A_2397], %swap3A_2400 {strides = array<i32>} : memref<5x16x512xf32, #tpu.memory_space<vmem>>, vector<1x1x16xf32>,
        %swap3A_2401 = arith.constant 10 : i32
        %swap3A_2402 = arith.index_cast %scan3A_62 : i32 to index
        %swap3A_2403 = arith.index_cast %swap3A_2401 : i32 to index
        %swap3A_2404 = arith.constant 144 : index
        %swap3A_2405 = tpu.vector_load %arg5[%swap3A_2402, %swap3A_2403, %swap3A_2404] {strides = array<i32>} : memref<5x16x512xf32, #tpu.memory_space<vmem>>, vector<1x1x16xf32>,
        %swap3A_2406 = vector.shape_cast %swap3A_2405 : vector<1x1x16xf32> to vector<16xf32>
        %swap3A_2407 = vector.shape_cast %broadcast_in_dim3A_2337 : vector<16xf32> to vector<1x1x16xf32>
        tpu.vector_store %arg5[%swap3A_2402, %swap3A_2403, %swap3A_2404], %swap3A_2407 {strides = array<i32>} : memref<5x16x512xf32, #tpu.memory_space<vmem>>, vector<1x1x16xf32>,
        %swap3A_2408 = arith.constant 10 : i32
        %swap3A_2409 = arith.index_cast %scan3A_62 : i32 to index
        %swap3A_2410 = arith.index_cast %swap3A_2408 : i32 to index
        %swap3A_2411 = arith.constant 160 : index
        %swap3A_2412 = tpu.vector_load %arg5[%swap3A_2409, %swap3A_2410, %swap3A_2411] {strides = array<i32>} : memref<5x16x512xf32, #tpu.memory_space<vmem>>, vector<1x1x16xf32>,
        %swap3A_2413 = vector.shape_cast %swap3A_2412 : vector<1x1x16xf32> to vector<16xf32>
        %swap3A_2414 = vector.shape_cast %broadcast_in_dim3A_2337 : vector<16xf32> to vector<1x1x16xf32>
        tpu.vector_store %arg5[%swap3A_2409, %swap3A_2410, %swap3A_2411], %swap3A_2414 {strides = array<i32>} : memref<5x16x512xf32, #tpu.memory_space<vmem>>, vector<1x1x16xf32>,
        %swap3A_2415 = arith.constant 10 : i32
        %swap3A_2416 = arith.index_cast %scan3A_62 : i32 to index
        %swap3A_2417 = arith.index_cast %swap3A_2415 : i32 to index
        %swap3A_2418 = arith.constant 176 : index
        %swap3A_2419 = tpu.vector_load %arg5[%swap3A_2416, %swap3A_2417, %swap3A_2418] {strides = array<i32>} : memref<5x16x512xf32, #tpu.memory_space<vmem>>, vector<1x1x16xf32>,
        %swap3A_2420 = vector.shape_cast %swap3A_2419 : vector<1x1x16xf32> to vector<16xf32>
        %swap3A_2421 = vector.shape_cast %broadcast_in_dim3A_2337 : vector<16xf32> to vector<1x1x16xf32>
        tpu.vector_store %arg5[%swap3A_2416, %swap3A_2417, %swap3A_2418], %swap3A_2421 {strides = array<i32>} : memref<5x16x512xf32, #tpu.memory_space<vmem>>, vector<1x1x16xf32>,
        %swap3A_2422 = arith.constant 10 : i32
        %swap3A_2423 = arith.index_cast %scan3A_62 : i32 to index
        %swap3A_2424 = arith.index_cast %swap3A_2422 : i32 to index
        %swap3A_2425 = arith.constant 192 : index
        %swap3A_2426 = tpu.vector_load %arg5[%swap3A_2423, %swap3A_2424, %swap3A_2425] {strides = array<i32>} : memref<5x16x512xf32, #tpu.memory_space<vmem>>, vector<1x1x16xf32>,
        %swap3A_2427 = vector.shape_cast %swap3A_2426 : vector<1x1x16xf32> to vector<16xf32>
        %swap3A_2428 = vector.shape_cast %broadcast_in_dim3A_2337 : vector<16xf32> to vector<1x1x16xf32>
        tpu.vector_store %arg5[%swap3A_2423, %swap3A_2424, %swap3A_2425], %swap3A_2428 {strides = array<i32>} : memref<5x16x512xf32, #tpu.memory_space<vmem>>, vector<1x1x16xf32>,
        %swap3A_2429 = arith.constant 10 : i32
        %swap3A_2430 = arith.index_cast %scan3A_62 : i32 to index
        %swap3A_2431 = arith.index_cast %swap3A_2429 : i32 to index
        %swap3A_2432 = arith.constant 208 : index
        %swap3A_2433 = tpu.vector_load %arg5[%swap3A_2430, %swap3A_2431, %swap3A_2432] {strides = array<i32>} : memref<5x16x512xf32, #tpu.memory_space<vmem>>, vector<1x1x16xf32>,
        %swap3A_2434 = vector.shape_cast %swap3A_2433 : vector<1x1x16xf32> to vector<16xf32>
        %swap3A_2435 = vector.shape_cast %broadcast_in_dim3A_2337 : vector<16xf32> to vector<1x1x16xf32>
        tpu.vector_store %arg5[%swap3A_2430, %swap3A_2431, %swap3A_2432], %swap3A_2435 {strides = array<i32>} : memref<5x16x512xf32, #tpu.memory_space<vmem>>, vector<1x1x16xf32>,
        %swap3A_2436 = arith.constant 10 : i32
        %swap3A_2437 = arith.index_cast %scan3A_62 : i32 to index
        %swap3A_2438 = arith.index_cast %swap3A_2436 : i32 to index
        %swap3A_2439 = arith.constant 224 : index
        %swap3A_2440 = tpu.vector_load %arg5[%swap3A_2437, %swap3A_2438, %swap3A_2439] {strides = array<i32>} : memref<5x16x512xf32, #tpu.memory_space<vmem>>, vector<1x1x16xf32>,
        %swap3A_2441 = vector.shape_cast %swap3A_2440 : vector<1x1x16xf32> to vector<16xf32>
        %swap3A_2442 = vector.shape_cast %broadcast_in_dim3A_2337 : vector<16xf32> to vector<1x1x16xf32>
        tpu.vector_store %arg5[%swap3A_2437, %swap3A_2438, %swap3A_2439], %swap3A_2442 {strides = array<i32>} : memref<5x16x512xf32, #tpu.memory_space<vmem>>, vector<1x1x16xf32>,
        %swap3A_2443 = arith.constant 10 : i32
        %swap3A_2444 = arith.index_cast %scan3A_62 : i32 to index
        %swap3A_2445 = arith.index_cast %swap3A_2443 : i32 to index
        %swap3A_2446 = arith.constant 240 : index
        %swap3A_2447 = tpu.vector_load %arg5[%swap3A_2444, %swap3A_2445, %swap3A_2446] {strides = array<i32>} : memref<5x16x512xf32, #tpu.memory_space<vmem>>, vector<1x1x16xf32>,
        %swap3A_2448 = vector.shape_cast %swap3A_2447 : vector<1x1x16xf32> to vector<16xf32>
        %swap3A_2449 = vector.shape_cast %broadcast_in_dim3A_2337 : vector<16xf32> to vector<1x1x16xf32>
        tpu.vector_store %arg5[%swap3A_2444, %swap3A_2445, %swap3A_2446], %swap3A_2449 {strides = array<i32>} : memref<5x16x512xf32, #tpu.memory_space<vmem>>, vector<1x1x16xf32>,
        %swap3A_2450 = arith.constant 10 : i32
        %swap3A_2451 = arith.index_cast %scan3A_62 : i32 to index
        %swap3A_2452 = arith.index_cast %swap3A_2450 : i32 to index
        %swap3A_2453 = arith.constant 256 : index
        %swap3A_2454 = tpu.vector_load %arg5[%swap3A_2451, %swap3A_2452, %swap3A_2453] {strides = array<i32>} : memref<5x16x512xf32, #tpu.memory_space<vmem>>, vector<1x1x16xf32>,
        %swap3A_2455 = vector.shape_cast %swap3A_2454 : vector<1x1x16xf32> to vector<16xf32>
        %swap3A_2456 = vector.shape_cast %broadcast_in_dim3A_2337 : vector<16xf32> to vector<1x1x16xf32>
        tpu.vector_store %arg5[%swap3A_2451, %swap3A_2452, %swap3A_2453], %swap3A_2456 {strides = array<i32>} : memref<5x16x512xf32, #tpu.memory_space<vmem>>, vector<1x1x16xf32>,
        %swap3A_2457 = arith.constant 10 : i32
        %swap3A_2458 = arith.index_cast %scan3A_62 : i32 to index
        %swap3A_2459 = arith.index_cast %swap3A_2457 : i32 to index
        %swap3A_2460 = arith.constant 272 : index
        %swap3A_2461 = tpu.vector_load %arg5[%swap3A_2458, %swap3A_2459, %swap3A_2460] {strides = array<i32>} : memref<5x16x512xf32, #tpu.memory_space<vmem>>, vector<1x1x16xf32>,
        %swap3A_2462 = vector.shape_cast %swap3A_2461 : vector<1x1x16xf32> to vector<16xf32>
        %swap3A_2463 = vector.shape_cast %broadcast_in_dim3A_2337 : vector<16xf32> to vector<1x1x16xf32>
        tpu.vector_store %arg5[%swap3A_2458, %swap3A_2459, %swap3A_2460], %swap3A_2463 {strides = array<i32>} : memref<5x16x512xf32, #tpu.memory_space<vmem>>, vector<1x1x16xf32>,
        %swap3A_2464 = arith.constant 10 : i32
        %swap3A_2465 = arith.index_cast %scan3A_62 : i32 to index
        %swap3A_2466 = arith.index_cast %swap3A_2464 : i32 to index
        %swap3A_2467 = arith.constant 288 : index
        %swap3A_2468 = tpu.vector_load %arg5[%swap3A_2465, %swap3A_2466, %swap3A_2467] {strides = array<i32>} : memref<5x16x512xf32, #tpu.memory_space<vmem>>, vector<1x1x16xf32>,
        %swap3A_2469 = vector.shape_cast %swap3A_2468 : vector<1x1x16xf32> to vector<16xf32>
        %swap3A_2470 = vector.shape_cast %broadcast_in_dim3A_2337 : vector<16xf32> to vector<1x1x16xf32>
        tpu.vector_store %arg5[%swap3A_2465, %swap3A_2466, %swap3A_2467], %swap3A_2470 {strides = array<i32>} : memref<5x16x512xf32, #tpu.memory_space<vmem>>, vector<1x1x16xf32>,
        %swap3A_2471 = arith.constant 10 : i32
        %swap3A_2472 = arith.index_cast %scan3A_62 : i32 to index
        %swap3A_2473 = arith.index_cast %swap3A_2471 : i32 to index
        %swap3A_2474 = arith.constant 304 : index
        %swap3A_2475 = tpu.vector_load %arg5[%swap3A_2472, %swap3A_2473, %swap3A_2474] {strides = array<i32>} : memref<5x16x512xf32, #tpu.memory_space<vmem>>, vector<1x1x16xf32>,
        %swap3A_2476 = vector.shape_cast %swap3A_2475 : vector<1x1x16xf32> to vector<16xf32>
        %swap3A_2477 = vector.shape_cast %broadcast_in_dim3A_2337 : vector<16xf32> to vector<1x1x16xf32>
        tpu.vector_store %arg5[%swap3A_2472, %swap3A_2473, %swap3A_2474], %swap3A_2477 {strides = array<i32>} : memref<5x16x512xf32, #tpu.memory_space<vmem>>, vector<1x1x16xf32>,
        %swap3A_2478 = arith.constant 10 : i32
        %swap3A_2479 = arith.index_cast %scan3A_62 : i32 to index
        %swap3A_2480 = arith.index_cast %swap3A_2478 : i32 to index
        %swap3A_2481 = arith.constant 320 : index
        %swap3A_2482 = tpu.vector_load %arg5[%swap3A_2479, %swap3A_2480, %swap3A_2481] {strides = array<i32>} : memref<5x16x512xf32, #tpu.memory_space<vmem>>, vector<1x1x16xf32>,
        %swap3A_2483 = vector.shape_cast %swap3A_2482 : vector<1x1x16xf32> to vector<16xf32>
        %swap3A_2484 = vector.shape_cast %broadcast_in_dim3A_2337 : vector<16xf32> to vector<1x1x16xf32>
        tpu.vector_store %arg5[%swap3A_2479, %swap3A_2480, %swap3A_2481], %swap3A_2484 {strides = array<i32>} : memref<5x16x512xf32, #tpu.memory_space<vmem>>, vector<1x1x16xf32>,
        %swap3A_2485 = arith.constant 10 : i32
        %swap3A_2486 = arith.index_cast %scan3A_62 : i32 to index
        %swap3A_2487 = arith.index_cast %swap3A_2485 : i32 to index
        %swap3A_2488 = arith.constant 336 : index
        %swap3A_2489 = tpu.vector_load %arg5[%swap3A_2486, %swap3A_2487, %swap3A_2488] {strides = array<i32>} : memref<5x16x512xf32, #tpu.memory_space<vmem>>, vector<1x1x16xf32>,
        %swap3A_2490 = vector.shape_cast %swap3A_2489 : vector<1x1x16xf32> to vector<16xf32>
        %swap3A_2491 = vector.shape_cast %broadcast_in_dim3A_2337 : vector<16xf32> to vector<1x1x16xf32>
        tpu.vector_store %arg5[%swap3A_2486, %swap3A_2487, %swap3A_2488], %swap3A_2491 {strides = array<i32>} : memref<5x16x512xf32, #tpu.memory_space<vmem>>, vector<1x1x16xf32>,
        %swap3A_2492 = arith.constant 10 : i32
        %swap3A_2493 = arith.index_cast %scan3A_62 : i32 to index
        %swap3A_2494 = arith.index_cast %swap3A_2492 : i32 to index
        %swap3A_2495 = arith.constant 352 : index
        %swap3A_2496 = tpu.vector_load %arg5[%swap3A_2493, %swap3A_2494, %swap3A_2495] {strides = array<i32>} : memref<5x16x512xf32, #tpu.memory_space<vmem>>, vector<1x1x16xf32>,
        %swap3A_2497 = vector.shape_cast %swap3A_2496 : vector<1x1x16xf32> to vector<16xf32>
        %swap3A_2498 = vector.shape_cast %broadcast_in_dim3A_2337 : vector<16xf32> to vector<1x1x16xf32>
        tpu.vector_store %arg5[%swap3A_2493, %swap3A_2494, %swap3A_2495], %swap3A_2498 {strides = array<i32>} : memref<5x16x512xf32, #tpu.memory_space<vmem>>, vector<1x1x16xf32>,
        %swap3A_2499 = arith.constant 10 : i32
        %swap3A_2500 = arith.index_cast %scan3A_62 : i32 to index
        %swap3A_2501 = arith.index_cast %swap3A_2499 : i32 to index
        %swap3A_2502 = arith.constant 368 : index
        %swap3A_2503 = tpu.vector_load %arg5[%swap3A_2500, %swap3A_2501, %swap3A_2502] {strides = array<i32>} : memref<5x16x512xf32, #tpu.memory_space<vmem>>, vector<1x1x16xf32>,
        %swap3A_2504 = vector.shape_cast %swap3A_2503 : vector<1x1x16xf32> to vector<16xf32>
        %swap3A_2505 = vector.shape_cast %broadcast_in_dim3A_2337 : vector<16xf32> to vector<1x1x16xf32>
        tpu.vector_store %arg5[%swap3A_2500, %swap3A_2501, %swap3A_2502], %swap3A_2505 {strides = array<i32>} : memref<5x16x512xf32, #tpu.memory_space<vmem>>, vector<1x1x16xf32>,
        %swap3A_2506 = arith.constant 10 : i32
        %swap3A_2507 = arith.index_cast %scan3A_62 : i32 to index
        %swap3A_2508 = arith.index_cast %swap3A_2506 : i32 to index
        %swap3A_2509 = arith.constant 384 : index
        %swap3A_2510 = tpu.vector_load %arg5[%swap3A_2507, %swap3A_2508, %swap3A_2509] {strides = array<i32>} : memref<5x16x512xf32, #tpu.memory_space<vmem>>, vector<1x1x16xf32>,
        %swap3A_2511 = vector.shape_cast %swap3A_2510 : vector<1x1x16xf32> to vector<16xf32>
        %swap3A_2512 = vector.shape_cast %broadcast_in_dim3A_2337 : vector<16xf32> to vector<1x1x16xf32>
        tpu.vector_store %arg5[%swap3A_2507, %swap3A_2508, %swap3A_2509], %swap3A_2512 {strides = array<i32>} : memref<5x16x512xf32, #tpu.memory_space<vmem>>, vector<1x1x16xf32>,
        %swap3A_2513 = arith.constant 10 : i32
        %swap3A_2514 = arith.index_cast %scan3A_62 : i32 to index
        %swap3A_2515 = arith.index_cast %swap3A_2513 : i32 to index
        %swap3A_2516 = arith.constant 400 : index
        %swap3A_2517 = tpu.vector_load %arg5[%swap3A_2514, %swap3A_2515, %swap3A_2516] {strides = array<i32>} : memref<5x16x512xf32, #tpu.memory_space<vmem>>, vector<1x1x16xf32>,
        %swap3A_2518 = vector.shape_cast %swap3A_2517 : vector<1x1x16xf32> to vector<16xf32>
        %swap3A_2519 = vector.shape_cast %broadcast_in_dim3A_2337 : vector<16xf32> to vector<1x1x16xf32>
        tpu.vector_store %arg5[%swap3A_2514, %swap3A_2515, %swap3A_2516], %swap3A_2519 {strides = array<i32>} : memref<5x16x512xf32, #tpu.memory_space<vmem>>, vector<1x1x16xf32>,
        %swap3A_2520 = arith.constant 10 : i32
        %swap3A_2521 = arith.index_cast %scan3A_62 : i32 to index
        %swap3A_2522 = arith.index_cast %swap3A_2520 : i32 to index
        %swap3A_2523 = arith.constant 416 : index
        %swap3A_2524 = tpu.vector_load %arg5[%swap3A_2521, %swap3A_2522, %swap3A_2523] {strides = array<i32>} : memref<5x16x512xf32, #tpu.memory_space<vmem>>, vector<1x1x16xf32>,
        %swap3A_2525 = vector.shape_cast %swap3A_2524 : vector<1x1x16xf32> to vector<16xf32>
        %swap3A_2526 = vector.shape_cast %broadcast_in_dim3A_2337 : vector<16xf32> to vector<1x1x16xf32>
        tpu.vector_store %arg5[%swap3A_2521, %swap3A_2522, %swap3A_2523], %swap3A_2526 {strides = array<i32>} : memref<5x16x512xf32, #tpu.memory_space<vmem>>, vector<1x1x16xf32>,
        %swap3A_2527 = arith.constant 10 : i32
        %swap3A_2528 = arith.index_cast %scan3A_62 : i32 to index
        %swap3A_2529 = arith.index_cast %swap3A_2527 : i32 to index
        %swap3A_2530 = arith.constant 432 : index
        %swap3A_2531 = tpu.vector_load %arg5[%swap3A_2528, %swap3A_2529, %swap3A_2530] {strides = array<i32>} : memref<5x16x512xf32, #tpu.memory_space<vmem>>, vector<1x1x16xf32>,
        %swap3A_2532 = vector.shape_cast %swap3A_2531 : vector<1x1x16xf32> to vector<16xf32>
        %swap3A_2533 = vector.shape_cast %broadcast_in_dim3A_2337 : vector<16xf32> to vector<1x1x16xf32>
        tpu.vector_store %arg5[%swap3A_2528, %swap3A_2529, %swap3A_2530], %swap3A_2533 {strides = array<i32>} : memref<5x16x512xf32, #tpu.memory_space<vmem>>, vector<1x1x16xf32>,
        %swap3A_2534 = arith.constant 10 : i32
        %swap3A_2535 = arith.index_cast %scan3A_62 : i32 to index
        %swap3A_2536 = arith.index_cast %swap3A_2534 : i32 to index
        %swap3A_2537 = arith.constant 448 : index
        %swap3A_2538 = tpu.vector_load %arg5[%swap3A_2535, %swap3A_2536, %swap3A_2537] {strides = array<i32>} : memref<5x16x512xf32, #tpu.memory_space<vmem>>, vector<1x1x16xf32>,
        %swap3A_2539 = vector.shape_cast %swap3A_2538 : vector<1x1x16xf32> to vector<16xf32>
        %swap3A_2540 = vector.shape_cast %broadcast_in_dim3A_2337 : vector<16xf32> to vector<1x1x16xf32>
        tpu.vector_store %arg5[%swap3A_2535, %swap3A_2536, %swap3A_2537], %swap3A_2540 {strides = array<i32>} : memref<5x16x512xf32, #tpu.memory_space<vmem>>, vector<1x1x16xf32>,
        %swap3A_2541 = arith.constant 10 : i32
        %swap3A_2542 = arith.index_cast %scan3A_62 : i32 to index
        %swap3A_2543 = arith.index_cast %swap3A_2541 : i32 to index
        %swap3A_2544 = arith.constant 464 : index
        %swap3A_2545 = tpu.vector_load %arg5[%swap3A_2542, %swap3A_2543, %swap3A_2544] {strides = array<i32>} : memref<5x16x512xf32, #tpu.memory_space<vmem>>, vector<1x1x16xf32>,
        %swap3A_2546 = vector.shape_cast %swap3A_2545 : vector<1x1x16xf32> to vector<16xf32>
        %swap3A_2547 = vector.shape_cast %broadcast_in_dim3A_2337 : vector<16xf32> to vector<1x1x16xf32>
        tpu.vector_store %arg5[%swap3A_2542, %swap3A_2543, %swap3A_2544], %swap3A_2547 {strides = array<i32>} : memref<5x16x512xf32, #tpu.memory_space<vmem>>, vector<1x1x16xf32>,
        %swap3A_2548 = arith.constant 10 : i32
        %swap3A_2549 = arith.index_cast %scan3A_62 : i32 to index
        %swap3A_2550 = arith.index_cast %swap3A_2548 : i32 to index
        %swap3A_2551 = arith.constant 480 : index
        %swap3A_2552 = tpu.vector_load %arg5[%swap3A_2549, %swap3A_2550, %swap3A_2551] {strides = array<i32>} : memref<5x16x512xf32, #tpu.memory_space<vmem>>, vector<1x1x16xf32>,
        %swap3A_2553 = vector.shape_cast %swap3A_2552 : vector<1x1x16xf32> to vector<16xf32>
        %swap3A_2554 = vector.shape_cast %broadcast_in_dim3A_2337 : vector<16xf32> to vector<1x1x16xf32>
        tpu.vector_store %arg5[%swap3A_2549, %swap3A_2550, %swap3A_2551], %swap3A_2554 {strides = array<i32>} : memref<5x16x512xf32, #tpu.memory_space<vmem>>, vector<1x1x16xf32>,
        %swap3A_2555 = arith.constant 10 : i32
        %swap3A_2556 = arith.index_cast %scan3A_62 : i32 to index
        %swap3A_2557 = arith.index_cast %swap3A_2555 : i32 to index
        %swap3A_2558 = arith.constant 496 : index
        %swap3A_2559 = tpu.vector_load %arg5[%swap3A_2556, %swap3A_2557, %swap3A_2558] {strides = array<i32>} : memref<5x16x512xf32, #tpu.memory_space<vmem>>, vector<1x1x16xf32>,
        %swap3A_2560 = vector.shape_cast %swap3A_2559 : vector<1x1x16xf32> to vector<16xf32>
        %swap3A_2561 = vector.shape_cast %broadcast_in_dim3A_2337 : vector<16xf32> to vector<1x1x16xf32>
        tpu.vector_store %arg5[%swap3A_2556, %swap3A_2557, %swap3A_2558], %swap3A_2561 {strides = array<i32>} : memref<5x16x512xf32, #tpu.memory_space<vmem>>, vector<1x1x16xf32>,
        %slice3A_2562 = vector.extract_strided_slice %max3A_68 {offsets = [11], sizes = [1], strides = [1]} : vector<16xf32> to vector<1xf32>
        %squeeze3A_2563 = vector.extract %slice3A_2562[0] : f32 from vector<1xf32>
        %broadcast_in_dim3A_2564 = vector.broadcast %squeeze3A_2563 : f32 to vector<16xf32>
        %swap3A_2565 = arith.constant 11 : i32
        %swap3A_2566 = arith.index_cast %scan3A_62 : i32 to index
        %swap3A_2567 = arith.index_cast %swap3A_2565 : i32 to index
        %swap3A_2568 = arith.constant 0 : index
        %swap3A_2569 = tpu.vector_load %arg5[%swap3A_2566, %swap3A_2567, %swap3A_2568] {strides = array<i32>} : memref<5x16x512xf32, #tpu.memory_space<vmem>>, vector<1x1x16xf32>,
        %swap3A_2570 = vector.shape_cast %swap3A_2569 : vector<1x1x16xf32> to vector<16xf32>
        %swap3A_2571 = vector.shape_cast %broadcast_in_dim3A_2564 : vector<16xf32> to vector<1x1x16xf32>
        tpu.vector_store %arg5[%swap3A_2566, %swap3A_2567, %swap3A_2568], %swap3A_2571 {strides = array<i32>} : memref<5x16x512xf32, #tpu.memory_space<vmem>>, vector<1x1x16xf32>,
        %swap3A_2572 = arith.constant 11 : i32
        %swap3A_2573 = arith.index_cast %scan3A_62 : i32 to index
        %swap3A_2574 = arith.index_cast %swap3A_2572 : i32 to index
        %swap3A_2575 = arith.constant 16 : index
        %swap3A_2576 = tpu.vector_load %arg5[%swap3A_2573, %swap3A_2574, %swap3A_2575] {strides = array<i32>} : memref<5x16x512xf32, #tpu.memory_space<vmem>>, vector<1x1x16xf32>,
        %swap3A_2577 = vector.shape_cast %swap3A_2576 : vector<1x1x16xf32> to vector<16xf32>
        %swap3A_2578 = vector.shape_cast %broadcast_in_dim3A_2564 : vector<16xf32> to vector<1x1x16xf32>
        tpu.vector_store %arg5[%swap3A_2573, %swap3A_2574, %swap3A_2575], %swap3A_2578 {strides = array<i32>} : memref<5x16x512xf32, #tpu.memory_space<vmem>>, vector<1x1x16xf32>,
        %swap3A_2579 = arith.constant 11 : i32
        %swap3A_2580 = arith.index_cast %scan3A_62 : i32 to index
        %swap3A_2581 = arith.index_cast %swap3A_2579 : i32 to index
        %swap3A_2582 = arith.constant 32 : index
        %swap3A_2583 = tpu.vector_load %arg5[%swap3A_2580, %swap3A_2581, %swap3A_2582] {strides = array<i32>} : memref<5x16x512xf32, #tpu.memory_space<vmem>>, vector<1x1x16xf32>,
        %swap3A_2584 = vector.shape_cast %swap3A_2583 : vector<1x1x16xf32> to vector<16xf32>
        %swap3A_2585 = vector.shape_cast %broadcast_in_dim3A_2564 : vector<16xf32> to vector<1x1x16xf32>
        tpu.vector_store %arg5[%swap3A_2580, %swap3A_2581, %swap3A_2582], %swap3A_2585 {strides = array<i32>} : memref<5x16x512xf32, #tpu.memory_space<vmem>>, vector<1x1x16xf32>,
        %swap3A_2586 = arith.constant 11 : i32
        %swap3A_2587 = arith.index_cast %scan3A_62 : i32 to index
        %swap3A_2588 = arith.index_cast %swap3A_2586 : i32 to index
        %swap3A_2589 = arith.constant 48 : index
        %swap3A_2590 = tpu.vector_load %arg5[%swap3A_2587, %swap3A_2588, %swap3A_2589] {strides = array<i32>} : memref<5x16x512xf32, #tpu.memory_space<vmem>>, vector<1x1x16xf32>,
        %swap3A_2591 = vector.shape_cast %swap3A_2590 : vector<1x1x16xf32> to vector<16xf32>
        %swap3A_2592 = vector.shape_cast %broadcast_in_dim3A_2564 : vector<16xf32> to vector<1x1x16xf32>
        tpu.vector_store %arg5[%swap3A_2587, %swap3A_2588, %swap3A_2589], %swap3A_2592 {strides = array<i32>} : memref<5x16x512xf32, #tpu.memory_space<vmem>>, vector<1x1x16xf32>,
        %swap3A_2593 = arith.constant 11 : i32
        %swap3A_2594 = arith.index_cast %scan3A_62 : i32 to index
        %swap3A_2595 = arith.index_cast %swap3A_2593 : i32 to index
        %swap3A_2596 = arith.constant 64 : index
        %swap3A_2597 = tpu.vector_load %arg5[%swap3A_2594, %swap3A_2595, %swap3A_2596] {strides = array<i32>} : memref<5x16x512xf32, #tpu.memory_space<vmem>>, vector<1x1x16xf32>,
        %swap3A_2598 = vector.shape_cast %swap3A_2597 : vector<1x1x16xf32> to vector<16xf32>
        %swap3A_2599 = vector.shape_cast %broadcast_in_dim3A_2564 : vector<16xf32> to vector<1x1x16xf32>
        tpu.vector_store %arg5[%swap3A_2594, %swap3A_2595, %swap3A_2596], %swap3A_2599 {strides = array<i32>} : memref<5x16x512xf32, #tpu.memory_space<vmem>>, vector<1x1x16xf32>,
        %swap3A_2600 = arith.constant 11 : i32
        %swap3A_2601 = arith.index_cast %scan3A_62 : i32 to index
        %swap3A_2602 = arith.index_cast %swap3A_2600 : i32 to index
        %swap3A_2603 = arith.constant 80 : index
        %swap3A_2604 = tpu.vector_load %arg5[%swap3A_2601, %swap3A_2602, %swap3A_2603] {strides = array<i32>} : memref<5x16x512xf32, #tpu.memory_space<vmem>>, vector<1x1x16xf32>,
        %swap3A_2605 = vector.shape_cast %swap3A_2604 : vector<1x1x16xf32> to vector<16xf32>
        %swap3A_2606 = vector.shape_cast %broadcast_in_dim3A_2564 : vector<16xf32> to vector<1x1x16xf32>
        tpu.vector_store %arg5[%swap3A_2601, %swap3A_2602, %swap3A_2603], %swap3A_2606 {strides = array<i32>} : memref<5x16x512xf32, #tpu.memory_space<vmem>>, vector<1x1x16xf32>,
        %swap3A_2607 = arith.constant 11 : i32
        %swap3A_2608 = arith.index_cast %scan3A_62 : i32 to index
        %swap3A_2609 = arith.index_cast %swap3A_2607 : i32 to index
        %swap3A_2610 = arith.constant 96 : index
        %swap3A_2611 = tpu.vector_load %arg5[%swap3A_2608, %swap3A_2609, %swap3A_2610] {strides = array<i32>} : memref<5x16x512xf32, #tpu.memory_space<vmem>>, vector<1x1x16xf32>,
        %swap3A_2612 = vector.shape_cast %swap3A_2611 : vector<1x1x16xf32> to vector<16xf32>
        %swap3A_2613 = vector.shape_cast %broadcast_in_dim3A_2564 : vector<16xf32> to vector<1x1x16xf32>
        tpu.vector_store %arg5[%swap3A_2608, %swap3A_2609, %swap3A_2610], %swap3A_2613 {strides = array<i32>} : memref<5x16x512xf32, #tpu.memory_space<vmem>>, vector<1x1x16xf32>,
        %swap3A_2614 = arith.constant 11 : i32
        %swap3A_2615 = arith.index_cast %scan3A_62 : i32 to index
        %swap3A_2616 = arith.index_cast %swap3A_2614 : i32 to index
        %swap3A_2617 = arith.constant 112 : index
        %swap3A_2618 = tpu.vector_load %arg5[%swap3A_2615, %swap3A_2616, %swap3A_2617] {strides = array<i32>} : memref<5x16x512xf32, #tpu.memory_space<vmem>>, vector<1x1x16xf32>,
        %swap3A_2619 = vector.shape_cast %swap3A_2618 : vector<1x1x16xf32> to vector<16xf32>
        %swap3A_2620 = vector.shape_cast %broadcast_in_dim3A_2564 : vector<16xf32> to vector<1x1x16xf32>
        tpu.vector_store %arg5[%swap3A_2615, %swap3A_2616, %swap3A_2617], %swap3A_2620 {strides = array<i32>} : memref<5x16x512xf32, #tpu.memory_space<vmem>>, vector<1x1x16xf32>,
        %swap3A_2621 = arith.constant 11 : i32
        %swap3A_2622 = arith.index_cast %scan3A_62 : i32 to index
        %swap3A_2623 = arith.index_cast %swap3A_2621 : i32 to index
        %swap3A_2624 = arith.constant 128 : index
        %swap3A_2625 = tpu.vector_load %arg5[%swap3A_2622, %swap3A_2623, %swap3A_2624] {strides = array<i32>} : memref<5x16x512xf32, #tpu.memory_space<vmem>>, vector<1x1x16xf32>,
        %swap3A_2626 = vector.shape_cast %swap3A_2625 : vector<1x1x16xf32> to vector<16xf32>
        %swap3A_2627 = vector.shape_cast %broadcast_in_dim3A_2564 : vector<16xf32> to vector<1x1x16xf32>
        tpu.vector_store %arg5[%swap3A_2622, %swap3A_2623, %swap3A_2624], %swap3A_2627 {strides = array<i32>} : memref<5x16x512xf32, #tpu.memory_space<vmem>>, vector<1x1x16xf32>,
        %swap3A_2628 = arith.constant 11 : i32
        %swap3A_2629 = arith.index_cast %scan3A_62 : i32 to index
        %swap3A_2630 = arith.index_cast %swap3A_2628 : i32 to index
        %swap3A_2631 = arith.constant 144 : index
        %swap3A_2632 = tpu.vector_load %arg5[%swap3A_2629, %swap3A_2630, %swap3A_2631] {strides = array<i32>} : memref<5x16x512xf32, #tpu.memory_space<vmem>>, vector<1x1x16xf32>,
        %swap3A_2633 = vector.shape_cast %swap3A_2632 : vector<1x1x16xf32> to vector<16xf32>
        %swap3A_2634 = vector.shape_cast %broadcast_in_dim3A_2564 : vector<16xf32> to vector<1x1x16xf32>
        tpu.vector_store %arg5[%swap3A_2629, %swap3A_2630, %swap3A_2631], %swap3A_2634 {strides = array<i32>} : memref<5x16x512xf32, #tpu.memory_space<vmem>>, vector<1x1x16xf32>,
        %swap3A_2635 = arith.constant 11 : i32
        %swap3A_2636 = arith.index_cast %scan3A_62 : i32 to index
        %swap3A_2637 = arith.index_cast %swap3A_2635 : i32 to index
        %swap3A_2638 = arith.constant 160 : index
        %swap3A_2639 = tpu.vector_load %arg5[%swap3A_2636, %swap3A_2637, %swap3A_2638] {strides = array<i32>} : memref<5x16x512xf32, #tpu.memory_space<vmem>>, vector<1x1x16xf32>,
        %swap3A_2640 = vector.shape_cast %swap3A_2639 : vector<1x1x16xf32> to vector<16xf32>
        %swap3A_2641 = vector.shape_cast %broadcast_in_dim3A_2564 : vector<16xf32> to vector<1x1x16xf32>
        tpu.vector_store %arg5[%swap3A_2636, %swap3A_2637, %swap3A_2638], %swap3A_2641 {strides = array<i32>} : memref<5x16x512xf32, #tpu.memory_space<vmem>>, vector<1x1x16xf32>,
        %swap3A_2642 = arith.constant 11 : i32
        %swap3A_2643 = arith.index_cast %scan3A_62 : i32 to index
        %swap3A_2644 = arith.index_cast %swap3A_2642 : i32 to index
        %swap3A_2645 = arith.constant 176 : index
        %swap3A_2646 = tpu.vector_load %arg5[%swap3A_2643, %swap3A_2644, %swap3A_2645] {strides = array<i32>} : memref<5x16x512xf32, #tpu.memory_space<vmem>>, vector<1x1x16xf32>,
        %swap3A_2647 = vector.shape_cast %swap3A_2646 : vector<1x1x16xf32> to vector<16xf32>
        %swap3A_2648 = vector.shape_cast %broadcast_in_dim3A_2564 : vector<16xf32> to vector<1x1x16xf32>
        tpu.vector_store %arg5[%swap3A_2643, %swap3A_2644, %swap3A_2645], %swap3A_2648 {strides = array<i32>} : memref<5x16x512xf32, #tpu.memory_space<vmem>>, vector<1x1x16xf32>,
        %swap3A_2649 = arith.constant 11 : i32
        %swap3A_2650 = arith.index_cast %scan3A_62 : i32 to index
        %swap3A_2651 = arith.index_cast %swap3A_2649 : i32 to index
        %swap3A_2652 = arith.constant 192 : index
        %swap3A_2653 = tpu.vector_load %arg5[%swap3A_2650, %swap3A_2651, %swap3A_2652] {strides = array<i32>} : memref<5x16x512xf32, #tpu.memory_space<vmem>>, vector<1x1x16xf32>,
        %swap3A_2654 = vector.shape_cast %swap3A_2653 : vector<1x1x16xf32> to vector<16xf32>
        %swap3A_2655 = vector.shape_cast %broadcast_in_dim3A_2564 : vector<16xf32> to vector<1x1x16xf32>
        tpu.vector_store %arg5[%swap3A_2650, %swap3A_2651, %swap3A_2652], %swap3A_2655 {strides = array<i32>} : memref<5x16x512xf32, #tpu.memory_space<vmem>>, vector<1x1x16xf32>,
        %swap3A_2656 = arith.constant 11 : i32
        %swap3A_2657 = arith.index_cast %scan3A_62 : i32 to index
        %swap3A_2658 = arith.index_cast %swap3A_2656 : i32 to index
        %swap3A_2659 = arith.constant 208 : index
        %swap3A_2660 = tpu.vector_load %arg5[%swap3A_2657, %swap3A_2658, %swap3A_2659] {strides = array<i32>} : memref<5x16x512xf32, #tpu.memory_space<vmem>>, vector<1x1x16xf32>,
        %swap3A_2661 = vector.shape_cast %swap3A_2660 : vector<1x1x16xf32> to vector<16xf32>
        %swap3A_2662 = vector.shape_cast %broadcast_in_dim3A_2564 : vector<16xf32> to vector<1x1x16xf32>
        tpu.vector_store %arg5[%swap3A_2657, %swap3A_2658, %swap3A_2659], %swap3A_2662 {strides = array<i32>} : memref<5x16x512xf32, #tpu.memory_space<vmem>>, vector<1x1x16xf32>,
        %swap3A_2663 = arith.constant 11 : i32
        %swap3A_2664 = arith.index_cast %scan3A_62 : i32 to index
        %swap3A_2665 = arith.index_cast %swap3A_2663 : i32 to index
        %swap3A_2666 = arith.constant 224 : index
        %swap3A_2667 = tpu.vector_load %arg5[%swap3A_2664, %swap3A_2665, %swap3A_2666] {strides = array<i32>} : memref<5x16x512xf32, #tpu.memory_space<vmem>>, vector<1x1x16xf32>,
        %swap3A_2668 = vector.shape_cast %swap3A_2667 : vector<1x1x16xf32> to vector<16xf32>
        %swap3A_2669 = vector.shape_cast %broadcast_in_dim3A_2564 : vector<16xf32> to vector<1x1x16xf32>
        tpu.vector_store %arg5[%swap3A_2664, %swap3A_2665, %swap3A_2666], %swap3A_2669 {strides = array<i32>} : memref<5x16x512xf32, #tpu.memory_space<vmem>>, vector<1x1x16xf32>,
        %swap3A_2670 = arith.constant 11 : i32
        %swap3A_2671 = arith.index_cast %scan3A_62 : i32 to index
        %swap3A_2672 = arith.index_cast %swap3A_2670 : i32 to index
        %swap3A_2673 = arith.constant 240 : index
        %swap3A_2674 = tpu.vector_load %arg5[%swap3A_2671, %swap3A_2672, %swap3A_2673] {strides = array<i32>} : memref<5x16x512xf32, #tpu.memory_space<vmem>>, vector<1x1x16xf32>,
        %swap3A_2675 = vector.shape_cast %swap3A_2674 : vector<1x1x16xf32> to vector<16xf32>
        %swap3A_2676 = vector.shape_cast %broadcast_in_dim3A_2564 : vector<16xf32> to vector<1x1x16xf32>
        tpu.vector_store %arg5[%swap3A_2671, %swap3A_2672, %swap3A_2673], %swap3A_2676 {strides = array<i32>} : memref<5x16x512xf32, #tpu.memory_space<vmem>>, vector<1x1x16xf32>,
        %swap3A_2677 = arith.constant 11 : i32
        %swap3A_2678 = arith.index_cast %scan3A_62 : i32 to index
        %swap3A_2679 = arith.index_cast %swap3A_2677 : i32 to index
        %swap3A_2680 = arith.constant 256 : index
        %swap3A_2681 = tpu.vector_load %arg5[%swap3A_2678, %swap3A_2679, %swap3A_2680] {strides = array<i32>} : memref<5x16x512xf32, #tpu.memory_space<vmem>>, vector<1x1x16xf32>,
        %swap3A_2682 = vector.shape_cast %swap3A_2681 : vector<1x1x16xf32> to vector<16xf32>
        %swap3A_2683 = vector.shape_cast %broadcast_in_dim3A_2564 : vector<16xf32> to vector<1x1x16xf32>
        tpu.vector_store %arg5[%swap3A_2678, %swap3A_2679, %swap3A_2680], %swap3A_2683 {strides = array<i32>} : memref<5x16x512xf32, #tpu.memory_space<vmem>>, vector<1x1x16xf32>,
        %swap3A_2684 = arith.constant 11 : i32
        %swap3A_2685 = arith.index_cast %scan3A_62 : i32 to index
        %swap3A_2686 = arith.index_cast %swap3A_2684 : i32 to index
        %swap3A_2687 = arith.constant 272 : index
        %swap3A_2688 = tpu.vector_load %arg5[%swap3A_2685, %swap3A_2686, %swap3A_2687] {strides = array<i32>} : memref<5x16x512xf32, #tpu.memory_space<vmem>>, vector<1x1x16xf32>,
        %swap3A_2689 = vector.shape_cast %swap3A_2688 : vector<1x1x16xf32> to vector<16xf32>
        %swap3A_2690 = vector.shape_cast %broadcast_in_dim3A_2564 : vector<16xf32> to vector<1x1x16xf32>
        tpu.vector_store %arg5[%swap3A_2685, %swap3A_2686, %swap3A_2687], %swap3A_2690 {strides = array<i32>} : memref<5x16x512xf32, #tpu.memory_space<vmem>>, vector<1x1x16xf32>,
        %swap3A_2691 = arith.constant 11 : i32
        %swap3A_2692 = arith.index_cast %scan3A_62 : i32 to index
        %swap3A_2693 = arith.index_cast %swap3A_2691 : i32 to index
        %swap3A_2694 = arith.constant 288 : index
        %swap3A_2695 = tpu.vector_load %arg5[%swap3A_2692, %swap3A_2693, %swap3A_2694] {strides = array<i32>} : memref<5x16x512xf32, #tpu.memory_space<vmem>>, vector<1x1x16xf32>,
        %swap3A_2696 = vector.shape_cast %swap3A_2695 : vector<1x1x16xf32> to vector<16xf32>
        %swap3A_2697 = vector.shape_cast %broadcast_in_dim3A_2564 : vector<16xf32> to vector<1x1x16xf32>
        tpu.vector_store %arg5[%swap3A_2692, %swap3A_2693, %swap3A_2694], %swap3A_2697 {strides = array<i32>} : memref<5x16x512xf32, #tpu.memory_space<vmem>>, vector<1x1x16xf32>,
        %swap3A_2698 = arith.constant 11 : i32
        %swap3A_2699 = arith.index_cast %scan3A_62 : i32 to index
        %swap3A_2700 = arith.index_cast %swap3A_2698 : i32 to index
        %swap3A_2701 = arith.constant 304 : index
        %swap3A_2702 = tpu.vector_load %arg5[%swap3A_2699, %swap3A_2700, %swap3A_2701] {strides = array<i32>} : memref<5x16x512xf32, #tpu.memory_space<vmem>>, vector<1x1x16xf32>,
        %swap3A_2703 = vector.shape_cast %swap3A_2702 : vector<1x1x16xf32> to vector<16xf32>
        %swap3A_2704 = vector.shape_cast %broadcast_in_dim3A_2564 : vector<16xf32> to vector<1x1x16xf32>
        tpu.vector_store %arg5[%swap3A_2699, %swap3A_2700, %swap3A_2701], %swap3A_2704 {strides = array<i32>} : memref<5x16x512xf32, #tpu.memory_space<vmem>>, vector<1x1x16xf32>,
        %swap3A_2705 = arith.constant 11 : i32
        %swap3A_2706 = arith.index_cast %scan3A_62 : i32 to index
        %swap3A_2707 = arith.index_cast %swap3A_2705 : i32 to index
        %swap3A_2708 = arith.constant 320 : index
        %swap3A_2709 = tpu.vector_load %arg5[%swap3A_2706, %swap3A_2707, %swap3A_2708] {strides = array<i32>} : memref<5x16x512xf32, #tpu.memory_space<vmem>>, vector<1x1x16xf32>,
        %swap3A_2710 = vector.shape_cast %swap3A_2709 : vector<1x1x16xf32> to vector<16xf32>
        %swap3A_2711 = vector.shape_cast %broadcast_in_dim3A_2564 : vector<16xf32> to vector<1x1x16xf32>
        tpu.vector_store %arg5[%swap3A_2706, %swap3A_2707, %swap3A_2708], %swap3A_2711 {strides = array<i32>} : memref<5x16x512xf32, #tpu.memory_space<vmem>>, vector<1x1x16xf32>,
        %swap3A_2712 = arith.constant 11 : i32
        %swap3A_2713 = arith.index_cast %scan3A_62 : i32 to index
        %swap3A_2714 = arith.index_cast %swap3A_2712 : i32 to index
        %swap3A_2715 = arith.constant 336 : index
        %swap3A_2716 = tpu.vector_load %arg5[%swap3A_2713, %swap3A_2714, %swap3A_2715] {strides = array<i32>} : memref<5x16x512xf32, #tpu.memory_space<vmem>>, vector<1x1x16xf32>,
        %swap3A_2717 = vector.shape_cast %swap3A_2716 : vector<1x1x16xf32> to vector<16xf32>
        %swap3A_2718 = vector.shape_cast %broadcast_in_dim3A_2564 : vector<16xf32> to vector<1x1x16xf32>
        tpu.vector_store %arg5[%swap3A_2713, %swap3A_2714, %swap3A_2715], %swap3A_2718 {strides = array<i32>} : memref<5x16x512xf32, #tpu.memory_space<vmem>>, vector<1x1x16xf32>,
        %swap3A_2719 = arith.constant 11 : i32
        %swap3A_2720 = arith.index_cast %scan3A_62 : i32 to index
        %swap3A_2721 = arith.index_cast %swap3A_2719 : i32 to index
        %swap3A_2722 = arith.constant 352 : index
        %swap3A_2723 = tpu.vector_load %arg5[%swap3A_2720, %swap3A_2721, %swap3A_2722] {strides = array<i32>} : memref<5x16x512xf32, #tpu.memory_space<vmem>>, vector<1x1x16xf32>,
        %swap3A_2724 = vector.shape_cast %swap3A_2723 : vector<1x1x16xf32> to vector<16xf32>
        %swap3A_2725 = vector.shape_cast %broadcast_in_dim3A_2564 : vector<16xf32> to vector<1x1x16xf32>
        tpu.vector_store %arg5[%swap3A_2720, %swap3A_2721, %swap3A_2722], %swap3A_2725 {strides = array<i32>} : memref<5x16x512xf32, #tpu.memory_space<vmem>>, vector<1x1x16xf32>,
        %swap3A_2726 = arith.constant 11 : i32
        %swap3A_2727 = arith.index_cast %scan3A_62 : i32 to index
        %swap3A_2728 = arith.index_cast %swap3A_2726 : i32 to index
        %swap3A_2729 = arith.constant 368 : index
        %swap3A_2730 = tpu.vector_load %arg5[%swap3A_2727, %swap3A_2728, %swap3A_2729] {strides = array<i32>} : memref<5x16x512xf32, #tpu.memory_space<vmem>>, vector<1x1x16xf32>,
        %swap3A_2731 = vector.shape_cast %swap3A_2730 : vector<1x1x16xf32> to vector<16xf32>
        %swap3A_2732 = vector.shape_cast %broadcast_in_dim3A_2564 : vector<16xf32> to vector<1x1x16xf32>
        tpu.vector_store %arg5[%swap3A_2727, %swap3A_2728, %swap3A_2729], %swap3A_2732 {strides = array<i32>} : memref<5x16x512xf32, #tpu.memory_space<vmem>>, vector<1x1x16xf32>,
        %swap3A_2733 = arith.constant 11 : i32
        %swap3A_2734 = arith.index_cast %scan3A_62 : i32 to index
        %swap3A_2735 = arith.index_cast %swap3A_2733 : i32 to index
        %swap3A_2736 = arith.constant 384 : index
        %swap3A_2737 = tpu.vector_load %arg5[%swap3A_2734, %swap3A_2735, %swap3A_2736] {strides = array<i32>} : memref<5x16x512xf32, #tpu.memory_space<vmem>>, vector<1x1x16xf32>,
        %swap3A_2738 = vector.shape_cast %swap3A_2737 : vector<1x1x16xf32> to vector<16xf32>
        %swap3A_2739 = vector.shape_cast %broadcast_in_dim3A_2564 : vector<16xf32> to vector<1x1x16xf32>
        tpu.vector_store %arg5[%swap3A_2734, %swap3A_2735, %swap3A_2736], %swap3A_2739 {strides = array<i32>} : memref<5x16x512xf32, #tpu.memory_space<vmem>>, vector<1x1x16xf32>,
        %swap3A_2740 = arith.constant 11 : i32
        %swap3A_2741 = arith.index_cast %scan3A_62 : i32 to index
        %swap3A_2742 = arith.index_cast %swap3A_2740 : i32 to index
        %swap3A_2743 = arith.constant 400 : index
        %swap3A_2744 = tpu.vector_load %arg5[%swap3A_2741, %swap3A_2742, %swap3A_2743] {strides = array<i32>} : memref<5x16x512xf32, #tpu.memory_space<vmem>>, vector<1x1x16xf32>,
        %swap3A_2745 = vector.shape_cast %swap3A_2744 : vector<1x1x16xf32> to vector<16xf32>
        %swap3A_2746 = vector.shape_cast %broadcast_in_dim3A_2564 : vector<16xf32> to vector<1x1x16xf32>
        tpu.vector_store %arg5[%swap3A_2741, %swap3A_2742, %swap3A_2743], %swap3A_2746 {strides = array<i32>} : memref<5x16x512xf32, #tpu.memory_space<vmem>>, vector<1x1x16xf32>,
        %swap3A_2747 = arith.constant 11 : i32
        %swap3A_2748 = arith.index_cast %scan3A_62 : i32 to index
        %swap3A_2749 = arith.index_cast %swap3A_2747 : i32 to index
        %swap3A_2750 = arith.constant 416 : index
        %swap3A_2751 = tpu.vector_load %arg5[%swap3A_2748, %swap3A_2749, %swap3A_2750] {strides = array<i32>} : memref<5x16x512xf32, #tpu.memory_space<vmem>>, vector<1x1x16xf32>,
        %swap3A_2752 = vector.shape_cast %swap3A_2751 : vector<1x1x16xf32> to vector<16xf32>
        %swap3A_2753 = vector.shape_cast %broadcast_in_dim3A_2564 : vector<16xf32> to vector<1x1x16xf32>
        tpu.vector_store %arg5[%swap3A_2748, %swap3A_2749, %swap3A_2750], %swap3A_2753 {strides = array<i32>} : memref<5x16x512xf32, #tpu.memory_space<vmem>>, vector<1x1x16xf32>,
        %swap3A_2754 = arith.constant 11 : i32
        %swap3A_2755 = arith.index_cast %scan3A_62 : i32 to index
        %swap3A_2756 = arith.index_cast %swap3A_2754 : i32 to index
        %swap3A_2757 = arith.constant 432 : index
        %swap3A_2758 = tpu.vector_load %arg5[%swap3A_2755, %swap3A_2756, %swap3A_2757] {strides = array<i32>} : memref<5x16x512xf32, #tpu.memory_space<vmem>>, vector<1x1x16xf32>,
        %swap3A_2759 = vector.shape_cast %swap3A_2758 : vector<1x1x16xf32> to vector<16xf32>
        %swap3A_2760 = vector.shape_cast %broadcast_in_dim3A_2564 : vector<16xf32> to vector<1x1x16xf32>
        tpu.vector_store %arg5[%swap3A_2755, %swap3A_2756, %swap3A_2757], %swap3A_2760 {strides = array<i32>} : memref<5x16x512xf32, #tpu.memory_space<vmem>>, vector<1x1x16xf32>,
        %swap3A_2761 = arith.constant 11 : i32
        %swap3A_2762 = arith.index_cast %scan3A_62 : i32 to index
        %swap3A_2763 = arith.index_cast %swap3A_2761 : i32 to index
        %swap3A_2764 = arith.constant 448 : index
        %swap3A_2765 = tpu.vector_load %arg5[%swap3A_2762, %swap3A_2763, %swap3A_2764] {strides = array<i32>} : memref<5x16x512xf32, #tpu.memory_space<vmem>>, vector<1x1x16xf32>,
        %swap3A_2766 = vector.shape_cast %swap3A_2765 : vector<1x1x16xf32> to vector<16xf32>
        %swap3A_2767 = vector.shape_cast %broadcast_in_dim3A_2564 : vector<16xf32> to vector<1x1x16xf32>
        tpu.vector_store %arg5[%swap3A_2762, %swap3A_2763, %swap3A_2764], %swap3A_2767 {strides = array<i32>} : memref<5x16x512xf32, #tpu.memory_space<vmem>>, vector<1x1x16xf32>,
        %swap3A_2768 = arith.constant 11 : i32
        %swap3A_2769 = arith.index_cast %scan3A_62 : i32 to index
        %swap3A_2770 = arith.index_cast %swap3A_2768 : i32 to index
        %swap3A_2771 = arith.constant 464 : index
        %swap3A_2772 = tpu.vector_load %arg5[%swap3A_2769, %swap3A_2770, %swap3A_2771] {strides = array<i32>} : memref<5x16x512xf32, #tpu.memory_space<vmem>>, vector<1x1x16xf32>,
        %swap3A_2773 = vector.shape_cast %swap3A_2772 : vector<1x1x16xf32> to vector<16xf32>
        %swap3A_2774 = vector.shape_cast %broadcast_in_dim3A_2564 : vector<16xf32> to vector<1x1x16xf32>
        tpu.vector_store %arg5[%swap3A_2769, %swap3A_2770, %swap3A_2771], %swap3A_2774 {strides = array<i32>} : memref<5x16x512xf32, #tpu.memory_space<vmem>>, vector<1x1x16xf32>,
        %swap3A_2775 = arith.constant 11 : i32
        %swap3A_2776 = arith.index_cast %scan3A_62 : i32 to index
        %swap3A_2777 = arith.index_cast %swap3A_2775 : i32 to index
        %swap3A_2778 = arith.constant 480 : index
        %swap3A_2779 = tpu.vector_load %arg5[%swap3A_2776, %swap3A_2777, %swap3A_2778] {strides = array<i32>} : memref<5x16x512xf32, #tpu.memory_space<vmem>>, vector<1x1x16xf32>,
        %swap3A_2780 = vector.shape_cast %swap3A_2779 : vector<1x1x16xf32> to vector<16xf32>
        %swap3A_2781 = vector.shape_cast %broadcast_in_dim3A_2564 : vector<16xf32> to vector<1x1x16xf32>
        tpu.vector_store %arg5[%swap3A_2776, %swap3A_2777, %swap3A_2778], %swap3A_2781 {strides = array<i32>} : memref<5x16x512xf32, #tpu.memory_space<vmem>>, vector<1x1x16xf32>,
        %swap3A_2782 = arith.constant 11 : i32
        %swap3A_2783 = arith.index_cast %scan3A_62 : i32 to index
        %swap3A_2784 = arith.index_cast %swap3A_2782 : i32 to index
        %swap3A_2785 = arith.constant 496 : index
        %swap3A_2786 = tpu.vector_load %arg5[%swap3A_2783, %swap3A_2784, %swap3A_2785] {strides = array<i32>} : memref<5x16x512xf32, #tpu.memory_space<vmem>>, vector<1x1x16xf32>,
        %swap3A_2787 = vector.shape_cast %swap3A_2786 : vector<1x1x16xf32> to vector<16xf32>
        %swap3A_2788 = vector.shape_cast %broadcast_in_dim3A_2564 : vector<16xf32> to vector<1x1x16xf32>
        tpu.vector_store %arg5[%swap3A_2783, %swap3A_2784, %swap3A_2785], %swap3A_2788 {strides = array<i32>} : memref<5x16x512xf32, #tpu.memory_space<vmem>>, vector<1x1x16xf32>,
        %slice3A_2789 = vector.extract_strided_slice %max3A_68 {offsets = [12], sizes = [1], strides = [1]} : vector<16xf32> to vector<1xf32>
        %squeeze3A_2790 = vector.extract %slice3A_2789[0] : f32 from vector<1xf32>
        %broadcast_in_dim3A_2791 = vector.broadcast %squeeze3A_2790 : f32 to vector<16xf32>
        %swap3A_2792 = arith.constant 12 : i32
        %swap3A_2793 = arith.index_cast %scan3A_62 : i32 to index
        %swap3A_2794 = arith.index_cast %swap3A_2792 : i32 to index
        %swap3A_2795 = arith.constant 0 : index
        %swap3A_2796 = tpu.vector_load %arg5[%swap3A_2793, %swap3A_2794, %swap3A_2795] {strides = array<i32>} : memref<5x16x512xf32, #tpu.memory_space<vmem>>, vector<1x1x16xf32>,
        %swap3A_2797 = vector.shape_cast %swap3A_2796 : vector<1x1x16xf32> to vector<16xf32>
        %swap3A_2798 = vector.shape_cast %broadcast_in_dim3A_2791 : vector<16xf32> to vector<1x1x16xf32>
        tpu.vector_store %arg5[%swap3A_2793, %swap3A_2794, %swap3A_2795], %swap3A_2798 {strides = array<i32>} : memref<5x16x512xf32, #tpu.memory_space<vmem>>, vector<1x1x16xf32>,
        %swap3A_2799 = arith.constant 12 : i32
        %swap3A_2800 = arith.index_cast %scan3A_62 : i32 to index
        %swap3A_2801 = arith.index_cast %swap3A_2799 : i32 to index
        %swap3A_2802 = arith.constant 16 : index
        %swap3A_2803 = tpu.vector_load %arg5[%swap3A_2800, %swap3A_2801, %swap3A_2802] {strides = array<i32>} : memref<5x16x512xf32, #tpu.memory_space<vmem>>, vector<1x1x16xf32>,
        %swap3A_2804 = vector.shape_cast %swap3A_2803 : vector<1x1x16xf32> to vector<16xf32>
        %swap3A_2805 = vector.shape_cast %broadcast_in_dim3A_2791 : vector<16xf32> to vector<1x1x16xf32>
        tpu.vector_store %arg5[%swap3A_2800, %swap3A_2801, %swap3A_2802], %swap3A_2805 {strides = array<i32>} : memref<5x16x512xf32, #tpu.memory_space<vmem>>, vector<1x1x16xf32>,
        %swap3A_2806 = arith.constant 12 : i32
        %swap3A_2807 = arith.index_cast %scan3A_62 : i32 to index
        %swap3A_2808 = arith.index_cast %swap3A_2806 : i32 to index
        %swap3A_2809 = arith.constant 32 : index
        %swap3A_2810 = tpu.vector_load %arg5[%swap3A_2807, %swap3A_2808, %swap3A_2809] {strides = array<i32>} : memref<5x16x512xf32, #tpu.memory_space<vmem>>, vector<1x1x16xf32>,
        %swap3A_2811 = vector.shape_cast %swap3A_2810 : vector<1x1x16xf32> to vector<16xf32>
        %swap3A_2812 = vector.shape_cast %broadcast_in_dim3A_2791 : vector<16xf32> to vector<1x1x16xf32>
        tpu.vector_store %arg5[%swap3A_2807, %swap3A_2808, %swap3A_2809], %swap3A_2812 {strides = array<i32>} : memref<5x16x512xf32, #tpu.memory_space<vmem>>, vector<1x1x16xf32>,
        %swap3A_2813 = arith.constant 12 : i32
        %swap3A_2814 = arith.index_cast %scan3A_62 : i32 to index
        %swap3A_2815 = arith.index_cast %swap3A_2813 : i32 to index
        %swap3A_2816 = arith.constant 48 : index
        %swap3A_2817 = tpu.vector_load %arg5[%swap3A_2814, %swap3A_2815, %swap3A_2816] {strides = array<i32>} : memref<5x16x512xf32, #tpu.memory_space<vmem>>, vector<1x1x16xf32>,
        %swap3A_2818 = vector.shape_cast %swap3A_2817 : vector<1x1x16xf32> to vector<16xf32>
        %swap3A_2819 = vector.shape_cast %broadcast_in_dim3A_2791 : vector<16xf32> to vector<1x1x16xf32>
        tpu.vector_store %arg5[%swap3A_2814, %swap3A_2815, %swap3A_2816], %swap3A_2819 {strides = array<i32>} : memref<5x16x512xf32, #tpu.memory_space<vmem>>, vector<1x1x16xf32>,
        %swap3A_2820 = arith.constant 12 : i32
        %swap3A_2821 = arith.index_cast %scan3A_62 : i32 to index
        %swap3A_2822 = arith.index_cast %swap3A_2820 : i32 to index
        %swap3A_2823 = arith.constant 64 : index
        %swap3A_2824 = tpu.vector_load %arg5[%swap3A_2821, %swap3A_2822, %swap3A_2823] {strides = array<i32>} : memref<5x16x512xf32, #tpu.memory_space<vmem>>, vector<1x1x16xf32>,
        %swap3A_2825 = vector.shape_cast %swap3A_2824 : vector<1x1x16xf32> to vector<16xf32>
        %swap3A_2826 = vector.shape_cast %broadcast_in_dim3A_2791 : vector<16xf32> to vector<1x1x16xf32>
        tpu.vector_store %arg5[%swap3A_2821, %swap3A_2822, %swap3A_2823], %swap3A_2826 {strides = array<i32>} : memref<5x16x512xf32, #tpu.memory_space<vmem>>, vector<1x1x16xf32>,
        %swap3A_2827 = arith.constant 12 : i32
        %swap3A_2828 = arith.index_cast %scan3A_62 : i32 to index
        %swap3A_2829 = arith.index_cast %swap3A_2827 : i32 to index
        %swap3A_2830 = arith.constant 80 : index
        %swap3A_2831 = tpu.vector_load %arg5[%swap3A_2828, %swap3A_2829, %swap3A_2830] {strides = array<i32>} : memref<5x16x512xf32, #tpu.memory_space<vmem>>, vector<1x1x16xf32>,
        %swap3A_2832 = vector.shape_cast %swap3A_2831 : vector<1x1x16xf32> to vector<16xf32>
        %swap3A_2833 = vector.shape_cast %broadcast_in_dim3A_2791 : vector<16xf32> to vector<1x1x16xf32>
        tpu.vector_store %arg5[%swap3A_2828, %swap3A_2829, %swap3A_2830], %swap3A_2833 {strides = array<i32>} : memref<5x16x512xf32, #tpu.memory_space<vmem>>, vector<1x1x16xf32>,
        %swap3A_2834 = arith.constant 12 : i32
        %swap3A_2835 = arith.index_cast %scan3A_62 : i32 to index
        %swap3A_2836 = arith.index_cast %swap3A_2834 : i32 to index
        %swap3A_2837 = arith.constant 96 : index
        %swap3A_2838 = tpu.vector_load %arg5[%swap3A_2835, %swap3A_2836, %swap3A_2837] {strides = array<i32>} : memref<5x16x512xf32, #tpu.memory_space<vmem>>, vector<1x1x16xf32>,
        %swap3A_2839 = vector.shape_cast %swap3A_2838 : vector<1x1x16xf32> to vector<16xf32>
        %swap3A_2840 = vector.shape_cast %broadcast_in_dim3A_2791 : vector<16xf32> to vector<1x1x16xf32>
        tpu.vector_store %arg5[%swap3A_2835, %swap3A_2836, %swap3A_2837], %swap3A_2840 {strides = array<i32>} : memref<5x16x512xf32, #tpu.memory_space<vmem>>, vector<1x1x16xf32>,
        %swap3A_2841 = arith.constant 12 : i32
        %swap3A_2842 = arith.index_cast %scan3A_62 : i32 to index
        %swap3A_2843 = arith.index_cast %swap3A_2841 : i32 to index
        %swap3A_2844 = arith.constant 112 : index
        %swap3A_2845 = tpu.vector_load %arg5[%swap3A_2842, %swap3A_2843, %swap3A_2844] {strides = array<i32>} : memref<5x16x512xf32, #tpu.memory_space<vmem>>, vector<1x1x16xf32>,
        %swap3A_2846 = vector.shape_cast %swap3A_2845 : vector<1x1x16xf32> to vector<16xf32>
        %swap3A_2847 = vector.shape_cast %broadcast_in_dim3A_2791 : vector<16xf32> to vector<1x1x16xf32>
        tpu.vector_store %arg5[%swap3A_2842, %swap3A_2843, %swap3A_2844], %swap3A_2847 {strides = array<i32>} : memref<5x16x512xf32, #tpu.memory_space<vmem>>, vector<1x1x16xf32>,
        %swap3A_2848 = arith.constant 12 : i32
        %swap3A_2849 = arith.index_cast %scan3A_62 : i32 to index
        %swap3A_2850 = arith.index_cast %swap3A_2848 : i32 to index
        %swap3A_2851 = arith.constant 128 : index
        %swap3A_2852 = tpu.vector_load %arg5[%swap3A_2849, %swap3A_2850, %swap3A_2851] {strides = array<i32>} : memref<5x16x512xf32, #tpu.memory_space<vmem>>, vector<1x1x16xf32>,
        %swap3A_2853 = vector.shape_cast %swap3A_2852 : vector<1x1x16xf32> to vector<16xf32>
        %swap3A_2854 = vector.shape_cast %broadcast_in_dim3A_2791 : vector<16xf32> to vector<1x1x16xf32>
        tpu.vector_store %arg5[%swap3A_2849, %swap3A_2850, %swap3A_2851], %swap3A_2854 {strides = array<i32>} : memref<5x16x512xf32, #tpu.memory_space<vmem>>, vector<1x1x16xf32>,
        %swap3A_2855 = arith.constant 12 : i32
        %swap3A_2856 = arith.index_cast %scan3A_62 : i32 to index
        %swap3A_2857 = arith.index_cast %swap3A_2855 : i32 to index
        %swap3A_2858 = arith.constant 144 : index
        %swap3A_2859 = tpu.vector_load %arg5[%swap3A_2856, %swap3A_2857, %swap3A_2858] {strides = array<i32>} : memref<5x16x512xf32, #tpu.memory_space<vmem>>, vector<1x1x16xf32>,
        %swap3A_2860 = vector.shape_cast %swap3A_2859 : vector<1x1x16xf32> to vector<16xf32>
        %swap3A_2861 = vector.shape_cast %broadcast_in_dim3A_2791 : vector<16xf32> to vector<1x1x16xf32>
        tpu.vector_store %arg5[%swap3A_2856, %swap3A_2857, %swap3A_2858], %swap3A_2861 {strides = array<i32>} : memref<5x16x512xf32, #tpu.memory_space<vmem>>, vector<1x1x16xf32>,
        %swap3A_2862 = arith.constant 12 : i32
        %swap3A_2863 = arith.index_cast %scan3A_62 : i32 to index
        %swap3A_2864 = arith.index_cast %swap3A_2862 : i32 to index
        %swap3A_2865 = arith.constant 160 : index
        %swap3A_2866 = tpu.vector_load %arg5[%swap3A_2863, %swap3A_2864, %swap3A_2865] {strides = array<i32>} : memref<5x16x512xf32, #tpu.memory_space<vmem>>, vector<1x1x16xf32>,
        %swap3A_2867 = vector.shape_cast %swap3A_2866 : vector<1x1x16xf32> to vector<16xf32>
        %swap3A_2868 = vector.shape_cast %broadcast_in_dim3A_2791 : vector<16xf32> to vector<1x1x16xf32>
        tpu.vector_store %arg5[%swap3A_2863, %swap3A_2864, %swap3A_2865], %swap3A_2868 {strides = array<i32>} : memref<5x16x512xf32, #tpu.memory_space<vmem>>, vector<1x1x16xf32>,
        %swap3A_2869 = arith.constant 12 : i32
        %swap3A_2870 = arith.index_cast %scan3A_62 : i32 to index
        %swap3A_2871 = arith.index_cast %swap3A_2869 : i32 to index
        %swap3A_2872 = arith.constant 176 : index
        %swap3A_2873 = tpu.vector_load %arg5[%swap3A_2870, %swap3A_2871, %swap3A_2872] {strides = array<i32>} : memref<5x16x512xf32, #tpu.memory_space<vmem>>, vector<1x1x16xf32>,
        %swap3A_2874 = vector.shape_cast %swap3A_2873 : vector<1x1x16xf32> to vector<16xf32>
        %swap3A_2875 = vector.shape_cast %broadcast_in_dim3A_2791 : vector<16xf32> to vector<1x1x16xf32>
        tpu.vector_store %arg5[%swap3A_2870, %swap3A_2871, %swap3A_2872], %swap3A_2875 {strides = array<i32>} : memref<5x16x512xf32, #tpu.memory_space<vmem>>, vector<1x1x16xf32>,
        %swap3A_2876 = arith.constant 12 : i32
        %swap3A_2877 = arith.index_cast %scan3A_62 : i32 to index
        %swap3A_2878 = arith.index_cast %swap3A_2876 : i32 to index
        %swap3A_2879 = arith.constant 192 : index
        %swap3A_2880 = tpu.vector_load %arg5[%swap3A_2877, %swap3A_2878, %swap3A_2879] {strides = array<i32>} : memref<5x16x512xf32, #tpu.memory_space<vmem>>, vector<1x1x16xf32>,
        %swap3A_2881 = vector.shape_cast %swap3A_2880 : vector<1x1x16xf32> to vector<16xf32>
        %swap3A_2882 = vector.shape_cast %broadcast_in_dim3A_2791 : vector<16xf32> to vector<1x1x16xf32>
        tpu.vector_store %arg5[%swap3A_2877, %swap3A_2878, %swap3A_2879], %swap3A_2882 {strides = array<i32>} : memref<5x16x512xf32, #tpu.memory_space<vmem>>, vector<1x1x16xf32>,
        %swap3A_2883 = arith.constant 12 : i32
        %swap3A_2884 = arith.index_cast %scan3A_62 : i32 to index
        %swap3A_2885 = arith.index_cast %swap3A_2883 : i32 to index
        %swap3A_2886 = arith.constant 208 : index
        %swap3A_2887 = tpu.vector_load %arg5[%swap3A_2884, %swap3A_2885, %swap3A_2886] {strides = array<i32>} : memref<5x16x512xf32, #tpu.memory_space<vmem>>, vector<1x1x16xf32>,
        %swap3A_2888 = vector.shape_cast %swap3A_2887 : vector<1x1x16xf32> to vector<16xf32>
        %swap3A_2889 = vector.shape_cast %broadcast_in_dim3A_2791 : vector<16xf32> to vector<1x1x16xf32>
        tpu.vector_store %arg5[%swap3A_2884, %swap3A_2885, %swap3A_2886], %swap3A_2889 {strides = array<i32>} : memref<5x16x512xf32, #tpu.memory_space<vmem>>, vector<1x1x16xf32>,
        %swap3A_2890 = arith.constant 12 : i32
        %swap3A_2891 = arith.index_cast %scan3A_62 : i32 to index
        %swap3A_2892 = arith.index_cast %swap3A_2890 : i32 to index
        %swap3A_2893 = arith.constant 224 : index
        %swap3A_2894 = tpu.vector_load %arg5[%swap3A_2891, %swap3A_2892, %swap3A_2893] {strides = array<i32>} : memref<5x16x512xf32, #tpu.memory_space<vmem>>, vector<1x1x16xf32>,
        %swap3A_2895 = vector.shape_cast %swap3A_2894 : vector<1x1x16xf32> to vector<16xf32>
        %swap3A_2896 = vector.shape_cast %broadcast_in_dim3A_2791 : vector<16xf32> to vector<1x1x16xf32>
        tpu.vector_store %arg5[%swap3A_2891, %swap3A_2892, %swap3A_2893], %swap3A_2896 {strides = array<i32>} : memref<5x16x512xf32, #tpu.memory_space<vmem>>, vector<1x1x16xf32>,
        %swap3A_2897 = arith.constant 12 : i32
        %swap3A_2898 = arith.index_cast %scan3A_62 : i32 to index
        %swap3A_2899 = arith.index_cast %swap3A_2897 : i32 to index
        %swap3A_2900 = arith.constant 240 : index
        %swap3A_2901 = tpu.vector_load %arg5[%swap3A_2898, %swap3A_2899, %swap3A_2900] {strides = array<i32>} : memref<5x16x512xf32, #tpu.memory_space<vmem>>, vector<1x1x16xf32>,
        %swap3A_2902 = vector.shape_cast %swap3A_2901 : vector<1x1x16xf32> to vector<16xf32>
        %swap3A_2903 = vector.shape_cast %broadcast_in_dim3A_2791 : vector<16xf32> to vector<1x1x16xf32>
        tpu.vector_store %arg5[%swap3A_2898, %swap3A_2899, %swap3A_2900], %swap3A_2903 {strides = array<i32>} : memref<5x16x512xf32, #tpu.memory_space<vmem>>, vector<1x1x16xf32>,
        %swap3A_2904 = arith.constant 12 : i32
        %swap3A_2905 = arith.index_cast %scan3A_62 : i32 to index
        %swap3A_2906 = arith.index_cast %swap3A_2904 : i32 to index
        %swap3A_2907 = arith.constant 256 : index
        %swap3A_2908 = tpu.vector_load %arg5[%swap3A_2905, %swap3A_2906, %swap3A_2907] {strides = array<i32>} : memref<5x16x512xf32, #tpu.memory_space<vmem>>, vector<1x1x16xf32>,
        %swap3A_2909 = vector.shape_cast %swap3A_2908 : vector<1x1x16xf32> to vector<16xf32>
        %swap3A_2910 = vector.shape_cast %broadcast_in_dim3A_2791 : vector<16xf32> to vector<1x1x16xf32>
        tpu.vector_store %arg5[%swap3A_2905, %swap3A_2906, %swap3A_2907], %swap3A_2910 {strides = array<i32>} : memref<5x16x512xf32, #tpu.memory_space<vmem>>, vector<1x1x16xf32>,
        %swap3A_2911 = arith.constant 12 : i32
        %swap3A_2912 = arith.index_cast %scan3A_62 : i32 to index
        %swap3A_2913 = arith.index_cast %swap3A_2911 : i32 to index
        %swap3A_2914 = arith.constant 272 : index
        %swap3A_2915 = tpu.vector_load %arg5[%swap3A_2912, %swap3A_2913, %swap3A_2914] {strides = array<i32>} : memref<5x16x512xf32, #tpu.memory_space<vmem>>, vector<1x1x16xf32>,
        %swap3A_2916 = vector.shape_cast %swap3A_2915 : vector<1x1x16xf32> to vector<16xf32>
        %swap3A_2917 = vector.shape_cast %broadcast_in_dim3A_2791 : vector<16xf32> to vector<1x1x16xf32>
        tpu.vector_store %arg5[%swap3A_2912, %swap3A_2913, %swap3A_2914], %swap3A_2917 {strides = array<i32>} : memref<5x16x512xf32, #tpu.memory_space<vmem>>, vector<1x1x16xf32>,
        %swap3A_2918 = arith.constant 12 : i32
        %swap3A_2919 = arith.index_cast %scan3A_62 : i32 to index
        %swap3A_2920 = arith.index_cast %swap3A_2918 : i32 to index
        %swap3A_2921 = arith.constant 288 : index
        %swap3A_2922 = tpu.vector_load %arg5[%swap3A_2919, %swap3A_2920, %swap3A_2921] {strides = array<i32>} : memref<5x16x512xf32, #tpu.memory_space<vmem>>, vector<1x1x16xf32>,
        %swap3A_2923 = vector.shape_cast %swap3A_2922 : vector<1x1x16xf32> to vector<16xf32>
        %swap3A_2924 = vector.shape_cast %broadcast_in_dim3A_2791 : vector<16xf32> to vector<1x1x16xf32>
        tpu.vector_store %arg5[%swap3A_2919, %swap3A_2920, %swap3A_2921], %swap3A_2924 {strides = array<i32>} : memref<5x16x512xf32, #tpu.memory_space<vmem>>, vector<1x1x16xf32>,
        %swap3A_2925 = arith.constant 12 : i32
        %swap3A_2926 = arith.index_cast %scan3A_62 : i32 to index
        %swap3A_2927 = arith.index_cast %swap3A_2925 : i32 to index
        %swap3A_2928 = arith.constant 304 : index
        %swap3A_2929 = tpu.vector_load %arg5[%swap3A_2926, %swap3A_2927, %swap3A_2928] {strides = array<i32>} : memref<5x16x512xf32, #tpu.memory_space<vmem>>, vector<1x1x16xf32>,
        %swap3A_2930 = vector.shape_cast %swap3A_2929 : vector<1x1x16xf32> to vector<16xf32>
        %swap3A_2931 = vector.shape_cast %broadcast_in_dim3A_2791 : vector<16xf32> to vector<1x1x16xf32>
        tpu.vector_store %arg5[%swap3A_2926, %swap3A_2927, %swap3A_2928], %swap3A_2931 {strides = array<i32>} : memref<5x16x512xf32, #tpu.memory_space<vmem>>, vector<1x1x16xf32>,
        %swap3A_2932 = arith.constant 12 : i32
        %swap3A_2933 = arith.index_cast %scan3A_62 : i32 to index
        %swap3A_2934 = arith.index_cast %swap3A_2932 : i32 to index
        %swap3A_2935 = arith.constant 320 : index
        %swap3A_2936 = tpu.vector_load %arg5[%swap3A_2933, %swap3A_2934, %swap3A_2935] {strides = array<i32>} : memref<5x16x512xf32, #tpu.memory_space<vmem>>, vector<1x1x16xf32>,
        %swap3A_2937 = vector.shape_cast %swap3A_2936 : vector<1x1x16xf32> to vector<16xf32>
        %swap3A_2938 = vector.shape_cast %broadcast_in_dim3A_2791 : vector<16xf32> to vector<1x1x16xf32>
        tpu.vector_store %arg5[%swap3A_2933, %swap3A_2934, %swap3A_2935], %swap3A_2938 {strides = array<i32>} : memref<5x16x512xf32, #tpu.memory_space<vmem>>, vector<1x1x16xf32>,
        %swap3A_2939 = arith.constant 12 : i32
        %swap3A_2940 = arith.index_cast %scan3A_62 : i32 to index
        %swap3A_2941 = arith.index_cast %swap3A_2939 : i32 to index
        %swap3A_2942 = arith.constant 336 : index
        %swap3A_2943 = tpu.vector_load %arg5[%swap3A_2940, %swap3A_2941, %swap3A_2942] {strides = array<i32>} : memref<5x16x512xf32, #tpu.memory_space<vmem>>, vector<1x1x16xf32>,
        %swap3A_2944 = vector.shape_cast %swap3A_2943 : vector<1x1x16xf32> to vector<16xf32>
        %swap3A_2945 = vector.shape_cast %broadcast_in_dim3A_2791 : vector<16xf32> to vector<1x1x16xf32>
        tpu.vector_store %arg5[%swap3A_2940, %swap3A_2941, %swap3A_2942], %swap3A_2945 {strides = array<i32>} : memref<5x16x512xf32, #tpu.memory_space<vmem>>, vector<1x1x16xf32>,
        %swap3A_2946 = arith.constant 12 : i32
        %swap3A_2947 = arith.index_cast %scan3A_62 : i32 to index
        %swap3A_2948 = arith.index_cast %swap3A_2946 : i32 to index
        %swap3A_2949 = arith.constant 352 : index
        %swap3A_2950 = tpu.vector_load %arg5[%swap3A_2947, %swap3A_2948, %swap3A_2949] {strides = array<i32>} : memref<5x16x512xf32, #tpu.memory_space<vmem>>, vector<1x1x16xf32>,
        %swap3A_2951 = vector.shape_cast %swap3A_2950 : vector<1x1x16xf32> to vector<16xf32>
        %swap3A_2952 = vector.shape_cast %broadcast_in_dim3A_2791 : vector<16xf32> to vector<1x1x16xf32>
        tpu.vector_store %arg5[%swap3A_2947, %swap3A_2948, %swap3A_2949], %swap3A_2952 {strides = array<i32>} : memref<5x16x512xf32, #tpu.memory_space<vmem>>, vector<1x1x16xf32>,
        %swap3A_2953 = arith.constant 12 : i32
        %swap3A_2954 = arith.index_cast %scan3A_62 : i32 to index
        %swap3A_2955 = arith.index_cast %swap3A_2953 : i32 to index
        %swap3A_2956 = arith.constant 368 : index
        %swap3A_2957 = tpu.vector_load %arg5[%swap3A_2954, %swap3A_2955, %swap3A_2956] {strides = array<i32>} : memref<5x16x512xf32, #tpu.memory_space<vmem>>, vector<1x1x16xf32>,
        %swap3A_2958 = vector.shape_cast %swap3A_2957 : vector<1x1x16xf32> to vector<16xf32>
        %swap3A_2959 = vector.shape_cast %broadcast_in_dim3A_2791 : vector<16xf32> to vector<1x1x16xf32>
        tpu.vector_store %arg5[%swap3A_2954, %swap3A_2955, %swap3A_2956], %swap3A_2959 {strides = array<i32>} : memref<5x16x512xf32, #tpu.memory_space<vmem>>, vector<1x1x16xf32>,
        %swap3A_2960 = arith.constant 12 : i32
        %swap3A_2961 = arith.index_cast %scan3A_62 : i32 to index
        %swap3A_2962 = arith.index_cast %swap3A_2960 : i32 to index
        %swap3A_2963 = arith.constant 384 : index
        %swap3A_2964 = tpu.vector_load %arg5[%swap3A_2961, %swap3A_2962, %swap3A_2963] {strides = array<i32>} : memref<5x16x512xf32, #tpu.memory_space<vmem>>, vector<1x1x16xf32>,
        %swap3A_2965 = vector.shape_cast %swap3A_2964 : vector<1x1x16xf32> to vector<16xf32>
        %swap3A_2966 = vector.shape_cast %broadcast_in_dim3A_2791 : vector<16xf32> to vector<1x1x16xf32>
        tpu.vector_store %arg5[%swap3A_2961, %swap3A_2962, %swap3A_2963], %swap3A_2966 {strides = array<i32>} : memref<5x16x512xf32, #tpu.memory_space<vmem>>, vector<1x1x16xf32>,
        %swap3A_2967 = arith.constant 12 : i32
        %swap3A_2968 = arith.index_cast %scan3A_62 : i32 to index
        %swap3A_2969 = arith.index_cast %swap3A_2967 : i32 to index
        %swap3A_2970 = arith.constant 400 : index
        %swap3A_2971 = tpu.vector_load %arg5[%swap3A_2968, %swap3A_2969, %swap3A_2970] {strides = array<i32>} : memref<5x16x512xf32, #tpu.memory_space<vmem>>, vector<1x1x16xf32>,
        %swap3A_2972 = vector.shape_cast %swap3A_2971 : vector<1x1x16xf32> to vector<16xf32>
        %swap3A_2973 = vector.shape_cast %broadcast_in_dim3A_2791 : vector<16xf32> to vector<1x1x16xf32>
        tpu.vector_store %arg5[%swap3A_2968, %swap3A_2969, %swap3A_2970], %swap3A_2973 {strides = array<i32>} : memref<5x16x512xf32, #tpu.memory_space<vmem>>, vector<1x1x16xf32>,
        %swap3A_2974 = arith.constant 12 : i32
        %swap3A_2975 = arith.index_cast %scan3A_62 : i32 to index
        %swap3A_2976 = arith.index_cast %swap3A_2974 : i32 to index
        %swap3A_2977 = arith.constant 416 : index
        %swap3A_2978 = tpu.vector_load %arg5[%swap3A_2975, %swap3A_2976, %swap3A_2977] {strides = array<i32>} : memref<5x16x512xf32, #tpu.memory_space<vmem>>, vector<1x1x16xf32>,
        %swap3A_2979 = vector.shape_cast %swap3A_2978 : vector<1x1x16xf32> to vector<16xf32>
        %swap3A_2980 = vector.shape_cast %broadcast_in_dim3A_2791 : vector<16xf32> to vector<1x1x16xf32>
        tpu.vector_store %arg5[%swap3A_2975, %swap3A_2976, %swap3A_2977], %swap3A_2980 {strides = array<i32>} : memref<5x16x512xf32, #tpu.memory_space<vmem>>, vector<1x1x16xf32>,
        %swap3A_2981 = arith.constant 12 : i32
        %swap3A_2982 = arith.index_cast %scan3A_62 : i32 to index
        %swap3A_2983 = arith.index_cast %swap3A_2981 : i32 to index
        %swap3A_2984 = arith.constant 432 : index
        %swap3A_2985 = tpu.vector_load %arg5[%swap3A_2982, %swap3A_2983, %swap3A_2984] {strides = array<i32>} : memref<5x16x512xf32, #tpu.memory_space<vmem>>, vector<1x1x16xf32>,
        %swap3A_2986 = vector.shape_cast %swap3A_2985 : vector<1x1x16xf32> to vector<16xf32>
        %swap3A_2987 = vector.shape_cast %broadcast_in_dim3A_2791 : vector<16xf32> to vector<1x1x16xf32>
        tpu.vector_store %arg5[%swap3A_2982, %swap3A_2983, %swap3A_2984], %swap3A_2987 {strides = array<i32>} : memref<5x16x512xf32, #tpu.memory_space<vmem>>, vector<1x1x16xf32>,
        %swap3A_2988 = arith.constant 12 : i32
        %swap3A_2989 = arith.index_cast %scan3A_62 : i32 to index
        %swap3A_2990 = arith.index_cast %swap3A_2988 : i32 to index
        %swap3A_2991 = arith.constant 448 : index
        %swap3A_2992 = tpu.vector_load %arg5[%swap3A_2989, %swap3A_2990, %swap3A_2991] {strides = array<i32>} : memref<5x16x512xf32, #tpu.memory_space<vmem>>, vector<1x1x16xf32>,
        %swap3A_2993 = vector.shape_cast %swap3A_2992 : vector<1x1x16xf32> to vector<16xf32>
        %swap3A_2994 = vector.shape_cast %broadcast_in_dim3A_2791 : vector<16xf32> to vector<1x1x16xf32>
        tpu.vector_store %arg5[%swap3A_2989, %swap3A_2990, %swap3A_2991], %swap3A_2994 {strides = array<i32>} : memref<5x16x512xf32, #tpu.memory_space<vmem>>, vector<1x1x16xf32>,
        %swap3A_2995 = arith.constant 12 : i32
        %swap3A_2996 = arith.index_cast %scan3A_62 : i32 to index
        %swap3A_2997 = arith.index_cast %swap3A_2995 : i32 to index
        %swap3A_2998 = arith.constant 464 : index
        %swap3A_2999 = tpu.vector_load %arg5[%swap3A_2996, %swap3A_2997, %swap3A_2998] {strides = array<i32>} : memref<5x16x512xf32, #tpu.memory_space<vmem>>, vector<1x1x16xf32>,
        %swap3A_3000 = vector.shape_cast %swap3A_2999 : vector<1x1x16xf32> to vector<16xf32>
        %swap3A_3001 = vector.shape_cast %broadcast_in_dim3A_2791 : vector<16xf32> to vector<1x1x16xf32>
        tpu.vector_store %arg5[%swap3A_2996, %swap3A_2997, %swap3A_2998], %swap3A_3001 {strides = array<i32>} : memref<5x16x512xf32, #tpu.memory_space<vmem>>, vector<1x1x16xf32>,
        %swap3A_3002 = arith.constant 12 : i32
        %swap3A_3003 = arith.index_cast %scan3A_62 : i32 to index
        %swap3A_3004 = arith.index_cast %swap3A_3002 : i32 to index
        %swap3A_3005 = arith.constant 480 : index
        %swap3A_3006 = tpu.vector_load %arg5[%swap3A_3003, %swap3A_3004, %swap3A_3005] {strides = array<i32>} : memref<5x16x512xf32, #tpu.memory_space<vmem>>, vector<1x1x16xf32>,
        %swap3A_3007 = vector.shape_cast %swap3A_3006 : vector<1x1x16xf32> to vector<16xf32>
        %swap3A_3008 = vector.shape_cast %broadcast_in_dim3A_2791 : vector<16xf32> to vector<1x1x16xf32>
        tpu.vector_store %arg5[%swap3A_3003, %swap3A_3004, %swap3A_3005], %swap3A_3008 {strides = array<i32>} : memref<5x16x512xf32, #tpu.memory_space<vmem>>, vector<1x1x16xf32>,
        %swap3A_3009 = arith.constant 12 : i32
        %swap3A_3010 = arith.index_cast %scan3A_62 : i32 to index
        %swap3A_3011 = arith.index_cast %swap3A_3009 : i32 to index
        %swap3A_3012 = arith.constant 496 : index
        %swap3A_3013 = tpu.vector_load %arg5[%swap3A_3010, %swap3A_3011, %swap3A_3012] {strides = array<i32>} : memref<5x16x512xf32, #tpu.memory_space<vmem>>, vector<1x1x16xf32>,
        %swap3A_3014 = vector.shape_cast %swap3A_3013 : vector<1x1x16xf32> to vector<16xf32>
        %swap3A_3015 = vector.shape_cast %broadcast_in_dim3A_2791 : vector<16xf32> to vector<1x1x16xf32>
        tpu.vector_store %arg5[%swap3A_3010, %swap3A_3011, %swap3A_3012], %swap3A_3015 {strides = array<i32>} : memref<5x16x512xf32, #tpu.memory_space<vmem>>, vector<1x1x16xf32>,
        %slice3A_3016 = vector.extract_strided_slice %max3A_68 {offsets = [13], sizes = [1], strides = [1]} : vector<16xf32> to vector<1xf32>
        %squeeze3A_3017 = vector.extract %slice3A_3016[0] : f32 from vector<1xf32>
        %broadcast_in_dim3A_3018 = vector.broadcast %squeeze3A_3017 : f32 to vector<16xf32>
        %swap3A_3019 = arith.constant 13 : i32
        %swap3A_3020 = arith.index_cast %scan3A_62 : i32 to index
        %swap3A_3021 = arith.index_cast %swap3A_3019 : i32 to index
        %swap3A_3022 = arith.constant 0 : index
        %swap3A_3023 = tpu.vector_load %arg5[%swap3A_3020, %swap3A_3021, %swap3A_3022] {strides = array<i32>} : memref<5x16x512xf32, #tpu.memory_space<vmem>>, vector<1x1x16xf32>,
        %swap3A_3024 = vector.shape_cast %swap3A_3023 : vector<1x1x16xf32> to vector<16xf32>
        %swap3A_3025 = vector.shape_cast %broadcast_in_dim3A_3018 : vector<16xf32> to vector<1x1x16xf32>
        tpu.vector_store %arg5[%swap3A_3020, %swap3A_3021, %swap3A_3022], %swap3A_3025 {strides = array<i32>} : memref<5x16x512xf32, #tpu.memory_space<vmem>>, vector<1x1x16xf32>,
        %swap3A_3026 = arith.constant 13 : i32
        %swap3A_3027 = arith.index_cast %scan3A_62 : i32 to index
        %swap3A_3028 = arith.index_cast %swap3A_3026 : i32 to index
        %swap3A_3029 = arith.constant 16 : index
        %swap3A_3030 = tpu.vector_load %arg5[%swap3A_3027, %swap3A_3028, %swap3A_3029] {strides = array<i32>} : memref<5x16x512xf32, #tpu.memory_space<vmem>>, vector<1x1x16xf32>,
        %swap3A_3031 = vector.shape_cast %swap3A_3030 : vector<1x1x16xf32> to vector<16xf32>
        %swap3A_3032 = vector.shape_cast %broadcast_in_dim3A_3018 : vector<16xf32> to vector<1x1x16xf32>
        tpu.vector_store %arg5[%swap3A_3027, %swap3A_3028, %swap3A_3029], %swap3A_3032 {strides = array<i32>} : memref<5x16x512xf32, #tpu.memory_space<vmem>>, vector<1x1x16xf32>,
        %swap3A_3033 = arith.constant 13 : i32
        %swap3A_3034 = arith.index_cast %scan3A_62 : i32 to index
        %swap3A_3035 = arith.index_cast %swap3A_3033 : i32 to index
        %swap3A_3036 = arith.constant 32 : index
        %swap3A_3037 = tpu.vector_load %arg5[%swap3A_3034, %swap3A_3035, %swap3A_3036] {strides = array<i32>} : memref<5x16x512xf32, #tpu.memory_space<vmem>>, vector<1x1x16xf32>,
        %swap3A_3038 = vector.shape_cast %swap3A_3037 : vector<1x1x16xf32> to vector<16xf32>
        %swap3A_3039 = vector.shape_cast %broadcast_in_dim3A_3018 : vector<16xf32> to vector<1x1x16xf32>
        tpu.vector_store %arg5[%swap3A_3034, %swap3A_3035, %swap3A_3036], %swap3A_3039 {strides = array<i32>} : memref<5x16x512xf32, #tpu.memory_space<vmem>>, vector<1x1x16xf32>,
        %swap3A_3040 = arith.constant 13 : i32
        %swap3A_3041 = arith.index_cast %scan3A_62 : i32 to index
        %swap3A_3042 = arith.index_cast %swap3A_3040 : i32 to index
        %swap3A_3043 = arith.constant 48 : index
        %swap3A_3044 = tpu.vector_load %arg5[%swap3A_3041, %swap3A_3042, %swap3A_3043] {strides = array<i32>} : memref<5x16x512xf32, #tpu.memory_space<vmem>>, vector<1x1x16xf32>,
        %swap3A_3045 = vector.shape_cast %swap3A_3044 : vector<1x1x16xf32> to vector<16xf32>
        %swap3A_3046 = vector.shape_cast %broadcast_in_dim3A_3018 : vector<16xf32> to vector<1x1x16xf32>
        tpu.vector_store %arg5[%swap3A_3041, %swap3A_3042, %swap3A_3043], %swap3A_3046 {strides = array<i32>} : memref<5x16x512xf32, #tpu.memory_space<vmem>>, vector<1x1x16xf32>,
        %swap3A_3047 = arith.constant 13 : i32
        %swap3A_3048 = arith.index_cast %scan3A_62 : i32 to index
        %swap3A_3049 = arith.index_cast %swap3A_3047 : i32 to index
        %swap3A_3050 = arith.constant 64 : index
        %swap3A_3051 = tpu.vector_load %arg5[%swap3A_3048, %swap3A_3049, %swap3A_3050] {strides = array<i32>} : memref<5x16x512xf32, #tpu.memory_space<vmem>>, vector<1x1x16xf32>,
        %swap3A_3052 = vector.shape_cast %swap3A_3051 : vector<1x1x16xf32> to vector<16xf32>
        %swap3A_3053 = vector.shape_cast %broadcast_in_dim3A_3018 : vector<16xf32> to vector<1x1x16xf32>
        tpu.vector_store %arg5[%swap3A_3048, %swap3A_3049, %swap3A_3050], %swap3A_3053 {strides = array<i32>} : memref<5x16x512xf32, #tpu.memory_space<vmem>>, vector<1x1x16xf32>,
        %swap3A_3054 = arith.constant 13 : i32
        %swap3A_3055 = arith.index_cast %scan3A_62 : i32 to index
        %swap3A_3056 = arith.index_cast %swap3A_3054 : i32 to index
        %swap3A_3057 = arith.constant 80 : index
        %swap3A_3058 = tpu.vector_load %arg5[%swap3A_3055, %swap3A_3056, %swap3A_3057] {strides = array<i32>} : memref<5x16x512xf32, #tpu.memory_space<vmem>>, vector<1x1x16xf32>,
        %swap3A_3059 = vector.shape_cast %swap3A_3058 : vector<1x1x16xf32> to vector<16xf32>
        %swap3A_3060 = vector.shape_cast %broadcast_in_dim3A_3018 : vector<16xf32> to vector<1x1x16xf32>
        tpu.vector_store %arg5[%swap3A_3055, %swap3A_3056, %swap3A_3057], %swap3A_3060 {strides = array<i32>} : memref<5x16x512xf32, #tpu.memory_space<vmem>>, vector<1x1x16xf32>,
        %swap3A_3061 = arith.constant 13 : i32
        %swap3A_3062 = arith.index_cast %scan3A_62 : i32 to index
        %swap3A_3063 = arith.index_cast %swap3A_3061 : i32 to index
        %swap3A_3064 = arith.constant 96 : index
        %swap3A_3065 = tpu.vector_load %arg5[%swap3A_3062, %swap3A_3063, %swap3A_3064] {strides = array<i32>} : memref<5x16x512xf32, #tpu.memory_space<vmem>>, vector<1x1x16xf32>,
        %swap3A_3066 = vector.shape_cast %swap3A_3065 : vector<1x1x16xf32> to vector<16xf32>
        %swap3A_3067 = vector.shape_cast %broadcast_in_dim3A_3018 : vector<16xf32> to vector<1x1x16xf32>
        tpu.vector_store %arg5[%swap3A_3062, %swap3A_3063, %swap3A_3064], %swap3A_3067 {strides = array<i32>} : memref<5x16x512xf32, #tpu.memory_space<vmem>>, vector<1x1x16xf32>,
        %swap3A_3068 = arith.constant 13 : i32
        %swap3A_3069 = arith.index_cast %scan3A_62 : i32 to index
        %swap3A_3070 = arith.index_cast %swap3A_3068 : i32 to index
        %swap3A_3071 = arith.constant 112 : index
        %swap3A_3072 = tpu.vector_load %arg5[%swap3A_3069, %swap3A_3070, %swap3A_3071] {strides = array<i32>} : memref<5x16x512xf32, #tpu.memory_space<vmem>>, vector<1x1x16xf32>,
        %swap3A_3073 = vector.shape_cast %swap3A_3072 : vector<1x1x16xf32> to vector<16xf32>
        %swap3A_3074 = vector.shape_cast %broadcast_in_dim3A_3018 : vector<16xf32> to vector<1x1x16xf32>
        tpu.vector_store %arg5[%swap3A_3069, %swap3A_3070, %swap3A_3071], %swap3A_3074 {strides = array<i32>} : memref<5x16x512xf32, #tpu.memory_space<vmem>>, vector<1x1x16xf32>,
        %swap3A_3075 = arith.constant 13 : i32
        %swap3A_3076 = arith.index_cast %scan3A_62 : i32 to index
        %swap3A_3077 = arith.index_cast %swap3A_3075 : i32 to index
        %swap3A_3078 = arith.constant 128 : index
        %swap3A_3079 = tpu.vector_load %arg5[%swap3A_3076, %swap3A_3077, %swap3A_3078] {strides = array<i32>} : memref<5x16x512xf32, #tpu.memory_space<vmem>>, vector<1x1x16xf32>,
        %swap3A_3080 = vector.shape_cast %swap3A_3079 : vector<1x1x16xf32> to vector<16xf32>
        %swap3A_3081 = vector.shape_cast %broadcast_in_dim3A_3018 : vector<16xf32> to vector<1x1x16xf32>
        tpu.vector_store %arg5[%swap3A_3076, %swap3A_3077, %swap3A_3078], %swap3A_3081 {strides = array<i32>} : memref<5x16x512xf32, #tpu.memory_space<vmem>>, vector<1x1x16xf32>,
        %swap3A_3082 = arith.constant 13 : i32
        %swap3A_3083 = arith.index_cast %scan3A_62 : i32 to index
        %swap3A_3084 = arith.index_cast %swap3A_3082 : i32 to index
        %swap3A_3085 = arith.constant 144 : index
        %swap3A_3086 = tpu.vector_load %arg5[%swap3A_3083, %swap3A_3084, %swap3A_3085] {strides = array<i32>} : memref<5x16x512xf32, #tpu.memory_space<vmem>>, vector<1x1x16xf32>,
        %swap3A_3087 = vector.shape_cast %swap3A_3086 : vector<1x1x16xf32> to vector<16xf32>
        %swap3A_3088 = vector.shape_cast %broadcast_in_dim3A_3018 : vector<16xf32> to vector<1x1x16xf32>
        tpu.vector_store %arg5[%swap3A_3083, %swap3A_3084, %swap3A_3085], %swap3A_3088 {strides = array<i32>} : memref<5x16x512xf32, #tpu.memory_space<vmem>>, vector<1x1x16xf32>,
        %swap3A_3089 = arith.constant 13 : i32
        %swap3A_3090 = arith.index_cast %scan3A_62 : i32 to index
        %swap3A_3091 = arith.index_cast %swap3A_3089 : i32 to index
        %swap3A_3092 = arith.constant 160 : index
        %swap3A_3093 = tpu.vector_load %arg5[%swap3A_3090, %swap3A_3091, %swap3A_3092] {strides = array<i32>} : memref<5x16x512xf32, #tpu.memory_space<vmem>>, vector<1x1x16xf32>,
        %swap3A_3094 = vector.shape_cast %swap3A_3093 : vector<1x1x16xf32> to vector<16xf32>
        %swap3A_3095 = vector.shape_cast %broadcast_in_dim3A_3018 : vector<16xf32> to vector<1x1x16xf32>
        tpu.vector_store %arg5[%swap3A_3090, %swap3A_3091, %swap3A_3092], %swap3A_3095 {strides = array<i32>} : memref<5x16x512xf32, #tpu.memory_space<vmem>>, vector<1x1x16xf32>,
        %swap3A_3096 = arith.constant 13 : i32
        %swap3A_3097 = arith.index_cast %scan3A_62 : i32 to index
        %swap3A_3098 = arith.index_cast %swap3A_3096 : i32 to index
        %swap3A_3099 = arith.constant 176 : index
        %swap3A_3100 = tpu.vector_load %arg5[%swap3A_3097, %swap3A_3098, %swap3A_3099] {strides = array<i32>} : memref<5x16x512xf32, #tpu.memory_space<vmem>>, vector<1x1x16xf32>,
        %swap3A_3101 = vector.shape_cast %swap3A_3100 : vector<1x1x16xf32> to vector<16xf32>
        %swap3A_3102 = vector.shape_cast %broadcast_in_dim3A_3018 : vector<16xf32> to vector<1x1x16xf32>
        tpu.vector_store %arg5[%swap3A_3097, %swap3A_3098, %swap3A_3099], %swap3A_3102 {strides = array<i32>} : memref<5x16x512xf32, #tpu.memory_space<vmem>>, vector<1x1x16xf32>,
        %swap3A_3103 = arith.constant 13 : i32
        %swap3A_3104 = arith.index_cast %scan3A_62 : i32 to index
        %swap3A_3105 = arith.index_cast %swap3A_3103 : i32 to index
        %swap3A_3106 = arith.constant 192 : index
        %swap3A_3107 = tpu.vector_load %arg5[%swap3A_3104, %swap3A_3105, %swap3A_3106] {strides = array<i32>} : memref<5x16x512xf32, #tpu.memory_space<vmem>>, vector<1x1x16xf32>,
        %swap3A_3108 = vector.shape_cast %swap3A_3107 : vector<1x1x16xf32> to vector<16xf32>
        %swap3A_3109 = vector.shape_cast %broadcast_in_dim3A_3018 : vector<16xf32> to vector<1x1x16xf32>
        tpu.vector_store %arg5[%swap3A_3104, %swap3A_3105, %swap3A_3106], %swap3A_3109 {strides = array<i32>} : memref<5x16x512xf32, #tpu.memory_space<vmem>>, vector<1x1x16xf32>,
        %swap3A_3110 = arith.constant 13 : i32
        %swap3A_3111 = arith.index_cast %scan3A_62 : i32 to index
        %swap3A_3112 = arith.index_cast %swap3A_3110 : i32 to index
        %swap3A_3113 = arith.constant 208 : index
        %swap3A_3114 = tpu.vector_load %arg5[%swap3A_3111, %swap3A_3112, %swap3A_3113] {strides = array<i32>} : memref<5x16x512xf32, #tpu.memory_space<vmem>>, vector<1x1x16xf32>,
        %swap3A_3115 = vector.shape_cast %swap3A_3114 : vector<1x1x16xf32> to vector<16xf32>
        %swap3A_3116 = vector.shape_cast %broadcast_in_dim3A_3018 : vector<16xf32> to vector<1x1x16xf32>
        tpu.vector_store %arg5[%swap3A_3111, %swap3A_3112, %swap3A_3113], %swap3A_3116 {strides = array<i32>} : memref<5x16x512xf32, #tpu.memory_space<vmem>>, vector<1x1x16xf32>,
        %swap3A_3117 = arith.constant 13 : i32
        %swap3A_3118 = arith.index_cast %scan3A_62 : i32 to index
        %swap3A_3119 = arith.index_cast %swap3A_3117 : i32 to index
        %swap3A_3120 = arith.constant 224 : index
        %swap3A_3121 = tpu.vector_load %arg5[%swap3A_3118, %swap3A_3119, %swap3A_3120] {strides = array<i32>} : memref<5x16x512xf32, #tpu.memory_space<vmem>>, vector<1x1x16xf32>,
        %swap3A_3122 = vector.shape_cast %swap3A_3121 : vector<1x1x16xf32> to vector<16xf32>
        %swap3A_3123 = vector.shape_cast %broadcast_in_dim3A_3018 : vector<16xf32> to vector<1x1x16xf32>
        tpu.vector_store %arg5[%swap3A_3118, %swap3A_3119, %swap3A_3120], %swap3A_3123 {strides = array<i32>} : memref<5x16x512xf32, #tpu.memory_space<vmem>>, vector<1x1x16xf32>,
        %swap3A_3124 = arith.constant 13 : i32
        %swap3A_3125 = arith.index_cast %scan3A_62 : i32 to index
        %swap3A_3126 = arith.index_cast %swap3A_3124 : i32 to index
        %swap3A_3127 = arith.constant 240 : index
        %swap3A_3128 = tpu.vector_load %arg5[%swap3A_3125, %swap3A_3126, %swap3A_3127] {strides = array<i32>} : memref<5x16x512xf32, #tpu.memory_space<vmem>>, vector<1x1x16xf32>,
        %swap3A_3129 = vector.shape_cast %swap3A_3128 : vector<1x1x16xf32> to vector<16xf32>
        %swap3A_3130 = vector.shape_cast %broadcast_in_dim3A_3018 : vector<16xf32> to vector<1x1x16xf32>
        tpu.vector_store %arg5[%swap3A_3125, %swap3A_3126, %swap3A_3127], %swap3A_3130 {strides = array<i32>} : memref<5x16x512xf32, #tpu.memory_space<vmem>>, vector<1x1x16xf32>,
        %swap3A_3131 = arith.constant 13 : i32
        %swap3A_3132 = arith.index_cast %scan3A_62 : i32 to index
        %swap3A_3133 = arith.index_cast %swap3A_3131 : i32 to index
        %swap3A_3134 = arith.constant 256 : index
        %swap3A_3135 = tpu.vector_load %arg5[%swap3A_3132, %swap3A_3133, %swap3A_3134] {strides = array<i32>} : memref<5x16x512xf32, #tpu.memory_space<vmem>>, vector<1x1x16xf32>,
        %swap3A_3136 = vector.shape_cast %swap3A_3135 : vector<1x1x16xf32> to vector<16xf32>
        %swap3A_3137 = vector.shape_cast %broadcast_in_dim3A_3018 : vector<16xf32> to vector<1x1x16xf32>
        tpu.vector_store %arg5[%swap3A_3132, %swap3A_3133, %swap3A_3134], %swap3A_3137 {strides = array<i32>} : memref<5x16x512xf32, #tpu.memory_space<vmem>>, vector<1x1x16xf32>,
        %swap3A_3138 = arith.constant 13 : i32
        %swap3A_3139 = arith.index_cast %scan3A_62 : i32 to index
        %swap3A_3140 = arith.index_cast %swap3A_3138 : i32 to index
        %swap3A_3141 = arith.constant 272 : index
        %swap3A_3142 = tpu.vector_load %arg5[%swap3A_3139, %swap3A_3140, %swap3A_3141] {strides = array<i32>} : memref<5x16x512xf32, #tpu.memory_space<vmem>>, vector<1x1x16xf32>,
        %swap3A_3143 = vector.shape_cast %swap3A_3142 : vector<1x1x16xf32> to vector<16xf32>
        %swap3A_3144 = vector.shape_cast %broadcast_in_dim3A_3018 : vector<16xf32> to vector<1x1x16xf32>
        tpu.vector_store %arg5[%swap3A_3139, %swap3A_3140, %swap3A_3141], %swap3A_3144 {strides = array<i32>} : memref<5x16x512xf32, #tpu.memory_space<vmem>>, vector<1x1x16xf32>,
        %swap3A_3145 = arith.constant 13 : i32
        %swap3A_3146 = arith.index_cast %scan3A_62 : i32 to index
        %swap3A_3147 = arith.index_cast %swap3A_3145 : i32 to index
        %swap3A_3148 = arith.constant 288 : index
        %swap3A_3149 = tpu.vector_load %arg5[%swap3A_3146, %swap3A_3147, %swap3A_3148] {strides = array<i32>} : memref<5x16x512xf32, #tpu.memory_space<vmem>>, vector<1x1x16xf32>,
        %swap3A_3150 = vector.shape_cast %swap3A_3149 : vector<1x1x16xf32> to vector<16xf32>
        %swap3A_3151 = vector.shape_cast %broadcast_in_dim3A_3018 : vector<16xf32> to vector<1x1x16xf32>
        tpu.vector_store %arg5[%swap3A_3146, %swap3A_3147, %swap3A_3148], %swap3A_3151 {strides = array<i32>} : memref<5x16x512xf32, #tpu.memory_space<vmem>>, vector<1x1x16xf32>,
        %swap3A_3152 = arith.constant 13 : i32
        %swap3A_3153 = arith.index_cast %scan3A_62 : i32 to index
        %swap3A_3154 = arith.index_cast %swap3A_3152 : i32 to index
        %swap3A_3155 = arith.constant 304 : index
        %swap3A_3156 = tpu.vector_load %arg5[%swap3A_3153, %swap3A_3154, %swap3A_3155] {strides = array<i32>} : memref<5x16x512xf32, #tpu.memory_space<vmem>>, vector<1x1x16xf32>,
        %swap3A_3157 = vector.shape_cast %swap3A_3156 : vector<1x1x16xf32> to vector<16xf32>
        %swap3A_3158 = vector.shape_cast %broadcast_in_dim3A_3018 : vector<16xf32> to vector<1x1x16xf32>
        tpu.vector_store %arg5[%swap3A_3153, %swap3A_3154, %swap3A_3155], %swap3A_3158 {strides = array<i32>} : memref<5x16x512xf32, #tpu.memory_space<vmem>>, vector<1x1x16xf32>,
        %swap3A_3159 = arith.constant 13 : i32
        %swap3A_3160 = arith.index_cast %scan3A_62 : i32 to index
        %swap3A_3161 = arith.index_cast %swap3A_3159 : i32 to index
        %swap3A_3162 = arith.constant 320 : index
        %swap3A_3163 = tpu.vector_load %arg5[%swap3A_3160, %swap3A_3161, %swap3A_3162] {strides = array<i32>} : memref<5x16x512xf32, #tpu.memory_space<vmem>>, vector<1x1x16xf32>,
        %swap3A_3164 = vector.shape_cast %swap3A_3163 : vector<1x1x16xf32> to vector<16xf32>
        %swap3A_3165 = vector.shape_cast %broadcast_in_dim3A_3018 : vector<16xf32> to vector<1x1x16xf32>
        tpu.vector_store %arg5[%swap3A_3160, %swap3A_3161, %swap3A_3162], %swap3A_3165 {strides = array<i32>} : memref<5x16x512xf32, #tpu.memory_space<vmem>>, vector<1x1x16xf32>,
        %swap3A_3166 = arith.constant 13 : i32
        %swap3A_3167 = arith.index_cast %scan3A_62 : i32 to index
        %swap3A_3168 = arith.index_cast %swap3A_3166 : i32 to index
        %swap3A_3169 = arith.constant 336 : index
        %swap3A_3170 = tpu.vector_load %arg5[%swap3A_3167, %swap3A_3168, %swap3A_3169] {strides = array<i32>} : memref<5x16x512xf32, #tpu.memory_space<vmem>>, vector<1x1x16xf32>,
        %swap3A_3171 = vector.shape_cast %swap3A_3170 : vector<1x1x16xf32> to vector<16xf32>
        %swap3A_3172 = vector.shape_cast %broadcast_in_dim3A_3018 : vector<16xf32> to vector<1x1x16xf32>
        tpu.vector_store %arg5[%swap3A_3167, %swap3A_3168, %swap3A_3169], %swap3A_3172 {strides = array<i32>} : memref<5x16x512xf32, #tpu.memory_space<vmem>>, vector<1x1x16xf32>,
        %swap3A_3173 = arith.constant 13 : i32
        %swap3A_3174 = arith.index_cast %scan3A_62 : i32 to index
        %swap3A_3175 = arith.index_cast %swap3A_3173 : i32 to index
        %swap3A_3176 = arith.constant 352 : index
        %swap3A_3177 = tpu.vector_load %arg5[%swap3A_3174, %swap3A_3175, %swap3A_3176] {strides = array<i32>} : memref<5x16x512xf32, #tpu.memory_space<vmem>>, vector<1x1x16xf32>,
        %swap3A_3178 = vector.shape_cast %swap3A_3177 : vector<1x1x16xf32> to vector<16xf32>
        %swap3A_3179 = vector.shape_cast %broadcast_in_dim3A_3018 : vector<16xf32> to vector<1x1x16xf32>
        tpu.vector_store %arg5[%swap3A_3174, %swap3A_3175, %swap3A_3176], %swap3A_3179 {strides = array<i32>} : memref<5x16x512xf32, #tpu.memory_space<vmem>>, vector<1x1x16xf32>,
        %swap3A_3180 = arith.constant 13 : i32
        %swap3A_3181 = arith.index_cast %scan3A_62 : i32 to index
        %swap3A_3182 = arith.index_cast %swap3A_3180 : i32 to index
        %swap3A_3183 = arith.constant 368 : index
        %swap3A_3184 = tpu.vector_load %arg5[%swap3A_3181, %swap3A_3182, %swap3A_3183] {strides = array<i32>} : memref<5x16x512xf32, #tpu.memory_space<vmem>>, vector<1x1x16xf32>,
        %swap3A_3185 = vector.shape_cast %swap3A_3184 : vector<1x1x16xf32> to vector<16xf32>
        %swap3A_3186 = vector.shape_cast %broadcast_in_dim3A_3018 : vector<16xf32> to vector<1x1x16xf32>
        tpu.vector_store %arg5[%swap3A_3181, %swap3A_3182, %swap3A_3183], %swap3A_3186 {strides = array<i32>} : memref<5x16x512xf32, #tpu.memory_space<vmem>>, vector<1x1x16xf32>,
        %swap3A_3187 = arith.constant 13 : i32
        %swap3A_3188 = arith.index_cast %scan3A_62 : i32 to index
        %swap3A_3189 = arith.index_cast %swap3A_3187 : i32 to index
        %swap3A_3190 = arith.constant 384 : index
        %swap3A_3191 = tpu.vector_load %arg5[%swap3A_3188, %swap3A_3189, %swap3A_3190] {strides = array<i32>} : memref<5x16x512xf32, #tpu.memory_space<vmem>>, vector<1x1x16xf32>,
        %swap3A_3192 = vector.shape_cast %swap3A_3191 : vector<1x1x16xf32> to vector<16xf32>
        %swap3A_3193 = vector.shape_cast %broadcast_in_dim3A_3018 : vector<16xf32> to vector<1x1x16xf32>
        tpu.vector_store %arg5[%swap3A_3188, %swap3A_3189, %swap3A_3190], %swap3A_3193 {strides = array<i32>} : memref<5x16x512xf32, #tpu.memory_space<vmem>>, vector<1x1x16xf32>,
        %swap3A_3194 = arith.constant 13 : i32
        %swap3A_3195 = arith.index_cast %scan3A_62 : i32 to index
        %swap3A_3196 = arith.index_cast %swap3A_3194 : i32 to index
        %swap3A_3197 = arith.constant 400 : index
        %swap3A_3198 = tpu.vector_load %arg5[%swap3A_3195, %swap3A_3196, %swap3A_3197] {strides = array<i32>} : memref<5x16x512xf32, #tpu.memory_space<vmem>>, vector<1x1x16xf32>,
        %swap3A_3199 = vector.shape_cast %swap3A_3198 : vector<1x1x16xf32> to vector<16xf32>
        %swap3A_3200 = vector.shape_cast %broadcast_in_dim3A_3018 : vector<16xf32> to vector<1x1x16xf32>
        tpu.vector_store %arg5[%swap3A_3195, %swap3A_3196, %swap3A_3197], %swap3A_3200 {strides = array<i32>} : memref<5x16x512xf32, #tpu.memory_space<vmem>>, vector<1x1x16xf32>,
        %swap3A_3201 = arith.constant 13 : i32
        %swap3A_3202 = arith.index_cast %scan3A_62 : i32 to index
        %swap3A_3203 = arith.index_cast %swap3A_3201 : i32 to index
        %swap3A_3204 = arith.constant 416 : index
        %swap3A_3205 = tpu.vector_load %arg5[%swap3A_3202, %swap3A_3203, %swap3A_3204] {strides = array<i32>} : memref<5x16x512xf32, #tpu.memory_space<vmem>>, vector<1x1x16xf32>,
        %swap3A_3206 = vector.shape_cast %swap3A_3205 : vector<1x1x16xf32> to vector<16xf32>
        %swap3A_3207 = vector.shape_cast %broadcast_in_dim3A_3018 : vector<16xf32> to vector<1x1x16xf32>
        tpu.vector_store %arg5[%swap3A_3202, %swap3A_3203, %swap3A_3204], %swap3A_3207 {strides = array<i32>} : memref<5x16x512xf32, #tpu.memory_space<vmem>>, vector<1x1x16xf32>,
        %swap3A_3208 = arith.constant 13 : i32
        %swap3A_3209 = arith.index_cast %scan3A_62 : i32 to index
        %swap3A_3210 = arith.index_cast %swap3A_3208 : i32 to index
        %swap3A_3211 = arith.constant 432 : index
        %swap3A_3212 = tpu.vector_load %arg5[%swap3A_3209, %swap3A_3210, %swap3A_3211] {strides = array<i32>} : memref<5x16x512xf32, #tpu.memory_space<vmem>>, vector<1x1x16xf32>,
        %swap3A_3213 = vector.shape_cast %swap3A_3212 : vector<1x1x16xf32> to vector<16xf32>
        %swap3A_3214 = vector.shape_cast %broadcast_in_dim3A_3018 : vector<16xf32> to vector<1x1x16xf32>
        tpu.vector_store %arg5[%swap3A_3209, %swap3A_3210, %swap3A_3211], %swap3A_3214 {strides = array<i32>} : memref<5x16x512xf32, #tpu.memory_space<vmem>>, vector<1x1x16xf32>,
        %swap3A_3215 = arith.constant 13 : i32
        %swap3A_3216 = arith.index_cast %scan3A_62 : i32 to index
        %swap3A_3217 = arith.index_cast %swap3A_3215 : i32 to index
        %swap3A_3218 = arith.constant 448 : index
        %swap3A_3219 = tpu.vector_load %arg5[%swap3A_3216, %swap3A_3217, %swap3A_3218] {strides = array<i32>} : memref<5x16x512xf32, #tpu.memory_space<vmem>>, vector<1x1x16xf32>,
        %swap3A_3220 = vector.shape_cast %swap3A_3219 : vector<1x1x16xf32> to vector<16xf32>
        %swap3A_3221 = vector.shape_cast %broadcast_in_dim3A_3018 : vector<16xf32> to vector<1x1x16xf32>
        tpu.vector_store %arg5[%swap3A_3216, %swap3A_3217, %swap3A_3218], %swap3A_3221 {strides = array<i32>} : memref<5x16x512xf32, #tpu.memory_space<vmem>>, vector<1x1x16xf32>,
        %swap3A_3222 = arith.constant 13 : i32
        %swap3A_3223 = arith.index_cast %scan3A_62 : i32 to index
        %swap3A_3224 = arith.index_cast %swap3A_3222 : i32 to index
        %swap3A_3225 = arith.constant 464 : index
        %swap3A_3226 = tpu.vector_load %arg5[%swap3A_3223, %swap3A_3224, %swap3A_3225] {strides = array<i32>} : memref<5x16x512xf32, #tpu.memory_space<vmem>>, vector<1x1x16xf32>,
        %swap3A_3227 = vector.shape_cast %swap3A_3226 : vector<1x1x16xf32> to vector<16xf32>
        %swap3A_3228 = vector.shape_cast %broadcast_in_dim3A_3018 : vector<16xf32> to vector<1x1x16xf32>
        tpu.vector_store %arg5[%swap3A_3223, %swap3A_3224, %swap3A_3225], %swap3A_3228 {strides = array<i32>} : memref<5x16x512xf32, #tpu.memory_space<vmem>>, vector<1x1x16xf32>,
        %swap3A_3229 = arith.constant 13 : i32
        %swap3A_3230 = arith.index_cast %scan3A_62 : i32 to index
        %swap3A_3231 = arith.index_cast %swap3A_3229 : i32 to index
        %swap3A_3232 = arith.constant 480 : index
        %swap3A_3233 = tpu.vector_load %arg5[%swap3A_3230, %swap3A_3231, %swap3A_3232] {strides = array<i32>} : memref<5x16x512xf32, #tpu.memory_space<vmem>>, vector<1x1x16xf32>,
        %swap3A_3234 = vector.shape_cast %swap3A_3233 : vector<1x1x16xf32> to vector<16xf32>
        %swap3A_3235 = vector.shape_cast %broadcast_in_dim3A_3018 : vector<16xf32> to vector<1x1x16xf32>
        tpu.vector_store %arg5[%swap3A_3230, %swap3A_3231, %swap3A_3232], %swap3A_3235 {strides = array<i32>} : memref<5x16x512xf32, #tpu.memory_space<vmem>>, vector<1x1x16xf32>,
        %swap3A_3236 = arith.constant 13 : i32
        %swap3A_3237 = arith.index_cast %scan3A_62 : i32 to index
        %swap3A_3238 = arith.index_cast %swap3A_3236 : i32 to index
        %swap3A_3239 = arith.constant 496 : index
        %swap3A_3240 = tpu.vector_load %arg5[%swap3A_3237, %swap3A_3238, %swap3A_3239] {strides = array<i32>} : memref<5x16x512xf32, #tpu.memory_space<vmem>>, vector<1x1x16xf32>,
        %swap3A_3241 = vector.shape_cast %swap3A_3240 : vector<1x1x16xf32> to vector<16xf32>
        %swap3A_3242 = vector.shape_cast %broadcast_in_dim3A_3018 : vector<16xf32> to vector<1x1x16xf32>
        tpu.vector_store %arg5[%swap3A_3237, %swap3A_3238, %swap3A_3239], %swap3A_3242 {strides = array<i32>} : memref<5x16x512xf32, #tpu.memory_space<vmem>>, vector<1x1x16xf32>,
        %slice3A_3243 = vector.extract_strided_slice %max3A_68 {offsets = [14], sizes = [1], strides = [1]} : vector<16xf32> to vector<1xf32>
        %squeeze3A_3244 = vector.extract %slice3A_3243[0] : f32 from vector<1xf32>
        %broadcast_in_dim3A_3245 = vector.broadcast %squeeze3A_3244 : f32 to vector<16xf32>
        %swap3A_3246 = arith.constant 14 : i32
        %swap3A_3247 = arith.index_cast %scan3A_62 : i32 to index
        %swap3A_3248 = arith.index_cast %swap3A_3246 : i32 to index
        %swap3A_3249 = arith.constant 0 : index
        %swap3A_3250 = tpu.vector_load %arg5[%swap3A_3247, %swap3A_3248, %swap3A_3249] {strides = array<i32>} : memref<5x16x512xf32, #tpu.memory_space<vmem>>, vector<1x1x16xf32>,
        %swap3A_3251 = vector.shape_cast %swap3A_3250 : vector<1x1x16xf32> to vector<16xf32>
        %swap3A_3252 = vector.shape_cast %broadcast_in_dim3A_3245 : vector<16xf32> to vector<1x1x16xf32>
        tpu.vector_store %arg5[%swap3A_3247, %swap3A_3248, %swap3A_3249], %swap3A_3252 {strides = array<i32>} : memref<5x16x512xf32, #tpu.memory_space<vmem>>, vector<1x1x16xf32>,
        %swap3A_3253 = arith.constant 14 : i32
        %swap3A_3254 = arith.index_cast %scan3A_62 : i32 to index
        %swap3A_3255 = arith.index_cast %swap3A_3253 : i32 to index
        %swap3A_3256 = arith.constant 16 : index
        %swap3A_3257 = tpu.vector_load %arg5[%swap3A_3254, %swap3A_3255, %swap3A_3256] {strides = array<i32>} : memref<5x16x512xf32, #tpu.memory_space<vmem>>, vector<1x1x16xf32>,
        %swap3A_3258 = vector.shape_cast %swap3A_3257 : vector<1x1x16xf32> to vector<16xf32>
        %swap3A_3259 = vector.shape_cast %broadcast_in_dim3A_3245 : vector<16xf32> to vector<1x1x16xf32>
        tpu.vector_store %arg5[%swap3A_3254, %swap3A_3255, %swap3A_3256], %swap3A_3259 {strides = array<i32>} : memref<5x16x512xf32, #tpu.memory_space<vmem>>, vector<1x1x16xf32>,
        %swap3A_3260 = arith.constant 14 : i32
        %swap3A_3261 = arith.index_cast %scan3A_62 : i32 to index
        %swap3A_3262 = arith.index_cast %swap3A_3260 : i32 to index
        %swap3A_3263 = arith.constant 32 : index
        %swap3A_3264 = tpu.vector_load %arg5[%swap3A_3261, %swap3A_3262, %swap3A_3263] {strides = array<i32>} : memref<5x16x512xf32, #tpu.memory_space<vmem>>, vector<1x1x16xf32>,
        %swap3A_3265 = vector.shape_cast %swap3A_3264 : vector<1x1x16xf32> to vector<16xf32>
        %swap3A_3266 = vector.shape_cast %broadcast_in_dim3A_3245 : vector<16xf32> to vector<1x1x16xf32>
        tpu.vector_store %arg5[%swap3A_3261, %swap3A_3262, %swap3A_3263], %swap3A_3266 {strides = array<i32>} : memref<5x16x512xf32, #tpu.memory_space<vmem>>, vector<1x1x16xf32>,
        %swap3A_3267 = arith.constant 14 : i32
        %swap3A_3268 = arith.index_cast %scan3A_62 : i32 to index
        %swap3A_3269 = arith.index_cast %swap3A_3267 : i32 to index
        %swap3A_3270 = arith.constant 48 : index
        %swap3A_3271 = tpu.vector_load %arg5[%swap3A_3268, %swap3A_3269, %swap3A_3270] {strides = array<i32>} : memref<5x16x512xf32, #tpu.memory_space<vmem>>, vector<1x1x16xf32>,
        %swap3A_3272 = vector.shape_cast %swap3A_3271 : vector<1x1x16xf32> to vector<16xf32>
        %swap3A_3273 = vector.shape_cast %broadcast_in_dim3A_3245 : vector<16xf32> to vector<1x1x16xf32>
        tpu.vector_store %arg5[%swap3A_3268, %swap3A_3269, %swap3A_3270], %swap3A_3273 {strides = array<i32>} : memref<5x16x512xf32, #tpu.memory_space<vmem>>, vector<1x1x16xf32>,
        %swap3A_3274 = arith.constant 14 : i32
        %swap3A_3275 = arith.index_cast %scan3A_62 : i32 to index
        %swap3A_3276 = arith.index_cast %swap3A_3274 : i32 to index
        %swap3A_3277 = arith.constant 64 : index
        %swap3A_3278 = tpu.vector_load %arg5[%swap3A_3275, %swap3A_3276, %swap3A_3277] {strides = array<i32>} : memref<5x16x512xf32, #tpu.memory_space<vmem>>, vector<1x1x16xf32>,
        %swap3A_3279 = vector.shape_cast %swap3A_3278 : vector<1x1x16xf32> to vector<16xf32>
        %swap3A_3280 = vector.shape_cast %broadcast_in_dim3A_3245 : vector<16xf32> to vector<1x1x16xf32>
        tpu.vector_store %arg5[%swap3A_3275, %swap3A_3276, %swap3A_3277], %swap3A_3280 {strides = array<i32>} : memref<5x16x512xf32, #tpu.memory_space<vmem>>, vector<1x1x16xf32>,
        %swap3A_3281 = arith.constant 14 : i32
        %swap3A_3282 = arith.index_cast %scan3A_62 : i32 to index
        %swap3A_3283 = arith.index_cast %swap3A_3281 : i32 to index
        %swap3A_3284 = arith.constant 80 : index
        %swap3A_3285 = tpu.vector_load %arg5[%swap3A_3282, %swap3A_3283, %swap3A_3284] {strides = array<i32>} : memref<5x16x512xf32, #tpu.memory_space<vmem>>, vector<1x1x16xf32>,
        %swap3A_3286 = vector.shape_cast %swap3A_3285 : vector<1x1x16xf32> to vector<16xf32>
        %swap3A_3287 = vector.shape_cast %broadcast_in_dim3A_3245 : vector<16xf32> to vector<1x1x16xf32>
        tpu.vector_store %arg5[%swap3A_3282, %swap3A_3283, %swap3A_3284], %swap3A_3287 {strides = array<i32>} : memref<5x16x512xf32, #tpu.memory_space<vmem>>, vector<1x1x16xf32>,
        %swap3A_3288 = arith.constant 14 : i32
        %swap3A_3289 = arith.index_cast %scan3A_62 : i32 to index
        %swap3A_3290 = arith.index_cast %swap3A_3288 : i32 to index
        %swap3A_3291 = arith.constant 96 : index
        %swap3A_3292 = tpu.vector_load %arg5[%swap3A_3289, %swap3A_3290, %swap3A_3291] {strides = array<i32>} : memref<5x16x512xf32, #tpu.memory_space<vmem>>, vector<1x1x16xf32>,
        %swap3A_3293 = vector.shape_cast %swap3A_3292 : vector<1x1x16xf32> to vector<16xf32>
        %swap3A_3294 = vector.shape_cast %broadcast_in_dim3A_3245 : vector<16xf32> to vector<1x1x16xf32>
        tpu.vector_store %arg5[%swap3A_3289, %swap3A_3290, %swap3A_3291], %swap3A_3294 {strides = array<i32>} : memref<5x16x512xf32, #tpu.memory_space<vmem>>, vector<1x1x16xf32>,
        %swap3A_3295 = arith.constant 14 : i32
        %swap3A_3296 = arith.index_cast %scan3A_62 : i32 to index
        %swap3A_3297 = arith.index_cast %swap3A_3295 : i32 to index
        %swap3A_3298 = arith.constant 112 : index
        %swap3A_3299 = tpu.vector_load %arg5[%swap3A_3296, %swap3A_3297, %swap3A_3298] {strides = array<i32>} : memref<5x16x512xf32, #tpu.memory_space<vmem>>, vector<1x1x16xf32>,
        %swap3A_3300 = vector.shape_cast %swap3A_3299 : vector<1x1x16xf32> to vector<16xf32>
        %swap3A_3301 = vector.shape_cast %broadcast_in_dim3A_3245 : vector<16xf32> to vector<1x1x16xf32>
        tpu.vector_store %arg5[%swap3A_3296, %swap3A_3297, %swap3A_3298], %swap3A_3301 {strides = array<i32>} : memref<5x16x512xf32, #tpu.memory_space<vmem>>, vector<1x1x16xf32>,
        %swap3A_3302 = arith.constant 14 : i32
        %swap3A_3303 = arith.index_cast %scan3A_62 : i32 to index
        %swap3A_3304 = arith.index_cast %swap3A_3302 : i32 to index
        %swap3A_3305 = arith.constant 128 : index
        %swap3A_3306 = tpu.vector_load %arg5[%swap3A_3303, %swap3A_3304, %swap3A_3305] {strides = array<i32>} : memref<5x16x512xf32, #tpu.memory_space<vmem>>, vector<1x1x16xf32>,
        %swap3A_3307 = vector.shape_cast %swap3A_3306 : vector<1x1x16xf32> to vector<16xf32>
        %swap3A_3308 = vector.shape_cast %broadcast_in_dim3A_3245 : vector<16xf32> to vector<1x1x16xf32>
        tpu.vector_store %arg5[%swap3A_3303, %swap3A_3304, %swap3A_3305], %swap3A_3308 {strides = array<i32>} : memref<5x16x512xf32, #tpu.memory_space<vmem>>, vector<1x1x16xf32>,
        %swap3A_3309 = arith.constant 14 : i32
        %swap3A_3310 = arith.index_cast %scan3A_62 : i32 to index
        %swap3A_3311 = arith.index_cast %swap3A_3309 : i32 to index
        %swap3A_3312 = arith.constant 144 : index
        %swap3A_3313 = tpu.vector_load %arg5[%swap3A_3310, %swap3A_3311, %swap3A_3312] {strides = array<i32>} : memref<5x16x512xf32, #tpu.memory_space<vmem>>, vector<1x1x16xf32>,
        %swap3A_3314 = vector.shape_cast %swap3A_3313 : vector<1x1x16xf32> to vector<16xf32>
        %swap3A_3315 = vector.shape_cast %broadcast_in_dim3A_3245 : vector<16xf32> to vector<1x1x16xf32>
        tpu.vector_store %arg5[%swap3A_3310, %swap3A_3311, %swap3A_3312], %swap3A_3315 {strides = array<i32>} : memref<5x16x512xf32, #tpu.memory_space<vmem>>, vector<1x1x16xf32>,
        %swap3A_3316 = arith.constant 14 : i32
        %swap3A_3317 = arith.index_cast %scan3A_62 : i32 to index
        %swap3A_3318 = arith.index_cast %swap3A_3316 : i32 to index
        %swap3A_3319 = arith.constant 160 : index
        %swap3A_3320 = tpu.vector_load %arg5[%swap3A_3317, %swap3A_3318, %swap3A_3319] {strides = array<i32>} : memref<5x16x512xf32, #tpu.memory_space<vmem>>, vector<1x1x16xf32>,
        %swap3A_3321 = vector.shape_cast %swap3A_3320 : vector<1x1x16xf32> to vector<16xf32>
        %swap3A_3322 = vector.shape_cast %broadcast_in_dim3A_3245 : vector<16xf32> to vector<1x1x16xf32>
        tpu.vector_store %arg5[%swap3A_3317, %swap3A_3318, %swap3A_3319], %swap3A_3322 {strides = array<i32>} : memref<5x16x512xf32, #tpu.memory_space<vmem>>, vector<1x1x16xf32>,
        %swap3A_3323 = arith.constant 14 : i32
        %swap3A_3324 = arith.index_cast %scan3A_62 : i32 to index
        %swap3A_3325 = arith.index_cast %swap3A_3323 : i32 to index
        %swap3A_3326 = arith.constant 176 : index
        %swap3A_3327 = tpu.vector_load %arg5[%swap3A_3324, %swap3A_3325, %swap3A_3326] {strides = array<i32>} : memref<5x16x512xf32, #tpu.memory_space<vmem>>, vector<1x1x16xf32>,
        %swap3A_3328 = vector.shape_cast %swap3A_3327 : vector<1x1x16xf32> to vector<16xf32>
        %swap3A_3329 = vector.shape_cast %broadcast_in_dim3A_3245 : vector<16xf32> to vector<1x1x16xf32>
        tpu.vector_store %arg5[%swap3A_3324, %swap3A_3325, %swap3A_3326], %swap3A_3329 {strides = array<i32>} : memref<5x16x512xf32, #tpu.memory_space<vmem>>, vector<1x1x16xf32>,
        %swap3A_3330 = arith.constant 14 : i32
        %swap3A_3331 = arith.index_cast %scan3A_62 : i32 to index
        %swap3A_3332 = arith.index_cast %swap3A_3330 : i32 to index
        %swap3A_3333 = arith.constant 192 : index
        %swap3A_3334 = tpu.vector_load %arg5[%swap3A_3331, %swap3A_3332, %swap3A_3333] {strides = array<i32>} : memref<5x16x512xf32, #tpu.memory_space<vmem>>, vector<1x1x16xf32>,
        %swap3A_3335 = vector.shape_cast %swap3A_3334 : vector<1x1x16xf32> to vector<16xf32>
        %swap3A_3336 = vector.shape_cast %broadcast_in_dim3A_3245 : vector<16xf32> to vector<1x1x16xf32>
        tpu.vector_store %arg5[%swap3A_3331, %swap3A_3332, %swap3A_3333], %swap3A_3336 {strides = array<i32>} : memref<5x16x512xf32, #tpu.memory_space<vmem>>, vector<1x1x16xf32>,
        %swap3A_3337 = arith.constant 14 : i32
        %swap3A_3338 = arith.index_cast %scan3A_62 : i32 to index
        %swap3A_3339 = arith.index_cast %swap3A_3337 : i32 to index
        %swap3A_3340 = arith.constant 208 : index
        %swap3A_3341 = tpu.vector_load %arg5[%swap3A_3338, %swap3A_3339, %swap3A_3340] {strides = array<i32>} : memref<5x16x512xf32, #tpu.memory_space<vmem>>, vector<1x1x16xf32>,
        %swap3A_3342 = vector.shape_cast %swap3A_3341 : vector<1x1x16xf32> to vector<16xf32>
        %swap3A_3343 = vector.shape_cast %broadcast_in_dim3A_3245 : vector<16xf32> to vector<1x1x16xf32>
        tpu.vector_store %arg5[%swap3A_3338, %swap3A_3339, %swap3A_3340], %swap3A_3343 {strides = array<i32>} : memref<5x16x512xf32, #tpu.memory_space<vmem>>, vector<1x1x16xf32>,
        %swap3A_3344 = arith.constant 14 : i32
        %swap3A_3345 = arith.index_cast %scan3A_62 : i32 to index
        %swap3A_3346 = arith.index_cast %swap3A_3344 : i32 to index
        %swap3A_3347 = arith.constant 224 : index
        %swap3A_3348 = tpu.vector_load %arg5[%swap3A_3345, %swap3A_3346, %swap3A_3347] {strides = array<i32>} : memref<5x16x512xf32, #tpu.memory_space<vmem>>, vector<1x1x16xf32>,
        %swap3A_3349 = vector.shape_cast %swap3A_3348 : vector<1x1x16xf32> to vector<16xf32>
        %swap3A_3350 = vector.shape_cast %broadcast_in_dim3A_3245 : vector<16xf32> to vector<1x1x16xf32>
        tpu.vector_store %arg5[%swap3A_3345, %swap3A_3346, %swap3A_3347], %swap3A_3350 {strides = array<i32>} : memref<5x16x512xf32, #tpu.memory_space<vmem>>, vector<1x1x16xf32>,
        %swap3A_3351 = arith.constant 14 : i32
        %swap3A_3352 = arith.index_cast %scan3A_62 : i32 to index
        %swap3A_3353 = arith.index_cast %swap3A_3351 : i32 to index
        %swap3A_3354 = arith.constant 240 : index
        %swap3A_3355 = tpu.vector_load %arg5[%swap3A_3352, %swap3A_3353, %swap3A_3354] {strides = array<i32>} : memref<5x16x512xf32, #tpu.memory_space<vmem>>, vector<1x1x16xf32>,
        %swap3A_3356 = vector.shape_cast %swap3A_3355 : vector<1x1x16xf32> to vector<16xf32>
        %swap3A_3357 = vector.shape_cast %broadcast_in_dim3A_3245 : vector<16xf32> to vector<1x1x16xf32>
        tpu.vector_store %arg5[%swap3A_3352, %swap3A_3353, %swap3A_3354], %swap3A_3357 {strides = array<i32>} : memref<5x16x512xf32, #tpu.memory_space<vmem>>, vector<1x1x16xf32>,
        %swap3A_3358 = arith.constant 14 : i32
        %swap3A_3359 = arith.index_cast %scan3A_62 : i32 to index
        %swap3A_3360 = arith.index_cast %swap3A_3358 : i32 to index
        %swap3A_3361 = arith.constant 256 : index
        %swap3A_3362 = tpu.vector_load %arg5[%swap3A_3359, %swap3A_3360, %swap3A_3361] {strides = array<i32>} : memref<5x16x512xf32, #tpu.memory_space<vmem>>, vector<1x1x16xf32>,
        %swap3A_3363 = vector.shape_cast %swap3A_3362 : vector<1x1x16xf32> to vector<16xf32>
        %swap3A_3364 = vector.shape_cast %broadcast_in_dim3A_3245 : vector<16xf32> to vector<1x1x16xf32>
        tpu.vector_store %arg5[%swap3A_3359, %swap3A_3360, %swap3A_3361], %swap3A_3364 {strides = array<i32>} : memref<5x16x512xf32, #tpu.memory_space<vmem>>, vector<1x1x16xf32>,
        %swap3A_3365 = arith.constant 14 : i32
        %swap3A_3366 = arith.index_cast %scan3A_62 : i32 to index
        %swap3A_3367 = arith.index_cast %swap3A_3365 : i32 to index
        %swap3A_3368 = arith.constant 272 : index
        %swap3A_3369 = tpu.vector_load %arg5[%swap3A_3366, %swap3A_3367, %swap3A_3368] {strides = array<i32>} : memref<5x16x512xf32, #tpu.memory_space<vmem>>, vector<1x1x16xf32>,
        %swap3A_3370 = vector.shape_cast %swap3A_3369 : vector<1x1x16xf32> to vector<16xf32>
        %swap3A_3371 = vector.shape_cast %broadcast_in_dim3A_3245 : vector<16xf32> to vector<1x1x16xf32>
        tpu.vector_store %arg5[%swap3A_3366, %swap3A_3367, %swap3A_3368], %swap3A_3371 {strides = array<i32>} : memref<5x16x512xf32, #tpu.memory_space<vmem>>, vector<1x1x16xf32>,
        %swap3A_3372 = arith.constant 14 : i32
        %swap3A_3373 = arith.index_cast %scan3A_62 : i32 to index
        %swap3A_3374 = arith.index_cast %swap3A_3372 : i32 to index
        %swap3A_3375 = arith.constant 288 : index
        %swap3A_3376 = tpu.vector_load %arg5[%swap3A_3373, %swap3A_3374, %swap3A_3375] {strides = array<i32>} : memref<5x16x512xf32, #tpu.memory_space<vmem>>, vector<1x1x16xf32>,
        %swap3A_3377 = vector.shape_cast %swap3A_3376 : vector<1x1x16xf32> to vector<16xf32>
        %swap3A_3378 = vector.shape_cast %broadcast_in_dim3A_3245 : vector<16xf32> to vector<1x1x16xf32>
        tpu.vector_store %arg5[%swap3A_3373, %swap3A_3374, %swap3A_3375], %swap3A_3378 {strides = array<i32>} : memref<5x16x512xf32, #tpu.memory_space<vmem>>, vector<1x1x16xf32>,
        %swap3A_3379 = arith.constant 14 : i32
        %swap3A_3380 = arith.index_cast %scan3A_62 : i32 to index
        %swap3A_3381 = arith.index_cast %swap3A_3379 : i32 to index
        %swap3A_3382 = arith.constant 304 : index
        %swap3A_3383 = tpu.vector_load %arg5[%swap3A_3380, %swap3A_3381, %swap3A_3382] {strides = array<i32>} : memref<5x16x512xf32, #tpu.memory_space<vmem>>, vector<1x1x16xf32>,
        %swap3A_3384 = vector.shape_cast %swap3A_3383 : vector<1x1x16xf32> to vector<16xf32>
        %swap3A_3385 = vector.shape_cast %broadcast_in_dim3A_3245 : vector<16xf32> to vector<1x1x16xf32>
        tpu.vector_store %arg5[%swap3A_3380, %swap3A_3381, %swap3A_3382], %swap3A_3385 {strides = array<i32>} : memref<5x16x512xf32, #tpu.memory_space<vmem>>, vector<1x1x16xf32>,
        %swap3A_3386 = arith.constant 14 : i32
        %swap3A_3387 = arith.index_cast %scan3A_62 : i32 to index
        %swap3A_3388 = arith.index_cast %swap3A_3386 : i32 to index
        %swap3A_3389 = arith.constant 320 : index
        %swap3A_3390 = tpu.vector_load %arg5[%swap3A_3387, %swap3A_3388, %swap3A_3389] {strides = array<i32>} : memref<5x16x512xf32, #tpu.memory_space<vmem>>, vector<1x1x16xf32>,
        %swap3A_3391 = vector.shape_cast %swap3A_3390 : vector<1x1x16xf32> to vector<16xf32>
        %swap3A_3392 = vector.shape_cast %broadcast_in_dim3A_3245 : vector<16xf32> to vector<1x1x16xf32>
        tpu.vector_store %arg5[%swap3A_3387, %swap3A_3388, %swap3A_3389], %swap3A_3392 {strides = array<i32>} : memref<5x16x512xf32, #tpu.memory_space<vmem>>, vector<1x1x16xf32>,
        %swap3A_3393 = arith.constant 14 : i32
        %swap3A_3394 = arith.index_cast %scan3A_62 : i32 to index
        %swap3A_3395 = arith.index_cast %swap3A_3393 : i32 to index
        %swap3A_3396 = arith.constant 336 : index
        %swap3A_3397 = tpu.vector_load %arg5[%swap3A_3394, %swap3A_3395, %swap3A_3396] {strides = array<i32>} : memref<5x16x512xf32, #tpu.memory_space<vmem>>, vector<1x1x16xf32>,
        %swap3A_3398 = vector.shape_cast %swap3A_3397 : vector<1x1x16xf32> to vector<16xf32>
        %swap3A_3399 = vector.shape_cast %broadcast_in_dim3A_3245 : vector<16xf32> to vector<1x1x16xf32>
        tpu.vector_store %arg5[%swap3A_3394, %swap3A_3395, %swap3A_3396], %swap3A_3399 {strides = array<i32>} : memref<5x16x512xf32, #tpu.memory_space<vmem>>, vector<1x1x16xf32>,
        %swap3A_3400 = arith.constant 14 : i32
        %swap3A_3401 = arith.index_cast %scan3A_62 : i32 to index
        %swap3A_3402 = arith.index_cast %swap3A_3400 : i32 to index
        %swap3A_3403 = arith.constant 352 : index
        %swap3A_3404 = tpu.vector_load %arg5[%swap3A_3401, %swap3A_3402, %swap3A_3403] {strides = array<i32>} : memref<5x16x512xf32, #tpu.memory_space<vmem>>, vector<1x1x16xf32>,
        %swap3A_3405 = vector.shape_cast %swap3A_3404 : vector<1x1x16xf32> to vector<16xf32>
        %swap3A_3406 = vector.shape_cast %broadcast_in_dim3A_3245 : vector<16xf32> to vector<1x1x16xf32>
        tpu.vector_store %arg5[%swap3A_3401, %swap3A_3402, %swap3A_3403], %swap3A_3406 {strides = array<i32>} : memref<5x16x512xf32, #tpu.memory_space<vmem>>, vector<1x1x16xf32>,
        %swap3A_3407 = arith.constant 14 : i32
        %swap3A_3408 = arith.index_cast %scan3A_62 : i32 to index
        %swap3A_3409 = arith.index_cast %swap3A_3407 : i32 to index
        %swap3A_3410 = arith.constant 368 : index
        %swap3A_3411 = tpu.vector_load %arg5[%swap3A_3408, %swap3A_3409, %swap3A_3410] {strides = array<i32>} : memref<5x16x512xf32, #tpu.memory_space<vmem>>, vector<1x1x16xf32>,
        %swap3A_3412 = vector.shape_cast %swap3A_3411 : vector<1x1x16xf32> to vector<16xf32>
        %swap3A_3413 = vector.shape_cast %broadcast_in_dim3A_3245 : vector<16xf32> to vector<1x1x16xf32>
        tpu.vector_store %arg5[%swap3A_3408, %swap3A_3409, %swap3A_3410], %swap3A_3413 {strides = array<i32>} : memref<5x16x512xf32, #tpu.memory_space<vmem>>, vector<1x1x16xf32>,
        %swap3A_3414 = arith.constant 14 : i32
        %swap3A_3415 = arith.index_cast %scan3A_62 : i32 to index
        %swap3A_3416 = arith.index_cast %swap3A_3414 : i32 to index
        %swap3A_3417 = arith.constant 384 : index
        %swap3A_3418 = tpu.vector_load %arg5[%swap3A_3415, %swap3A_3416, %swap3A_3417] {strides = array<i32>} : memref<5x16x512xf32, #tpu.memory_space<vmem>>, vector<1x1x16xf32>,
        %swap3A_3419 = vector.shape_cast %swap3A_3418 : vector<1x1x16xf32> to vector<16xf32>
        %swap3A_3420 = vector.shape_cast %broadcast_in_dim3A_3245 : vector<16xf32> to vector<1x1x16xf32>
        tpu.vector_store %arg5[%swap3A_3415, %swap3A_3416, %swap3A_3417], %swap3A_3420 {strides = array<i32>} : memref<5x16x512xf32, #tpu.memory_space<vmem>>, vector<1x1x16xf32>,
        %swap3A_3421 = arith.constant 14 : i32
        %swap3A_3422 = arith.index_cast %scan3A_62 : i32 to index
        %swap3A_3423 = arith.index_cast %swap3A_3421 : i32 to index
        %swap3A_3424 = arith.constant 400 : index
        %swap3A_3425 = tpu.vector_load %arg5[%swap3A_3422, %swap3A_3423, %swap3A_3424] {strides = array<i32>} : memref<5x16x512xf32, #tpu.memory_space<vmem>>, vector<1x1x16xf32>,
        %swap3A_3426 = vector.shape_cast %swap3A_3425 : vector<1x1x16xf32> to vector<16xf32>
        %swap3A_3427 = vector.shape_cast %broadcast_in_dim3A_3245 : vector<16xf32> to vector<1x1x16xf32>
        tpu.vector_store %arg5[%swap3A_3422, %swap3A_3423, %swap3A_3424], %swap3A_3427 {strides = array<i32>} : memref<5x16x512xf32, #tpu.memory_space<vmem>>, vector<1x1x16xf32>,
        %swap3A_3428 = arith.constant 14 : i32
        %swap3A_3429 = arith.index_cast %scan3A_62 : i32 to index
        %swap3A_3430 = arith.index_cast %swap3A_3428 : i32 to index
        %swap3A_3431 = arith.constant 416 : index
        %swap3A_3432 = tpu.vector_load %arg5[%swap3A_3429, %swap3A_3430, %swap3A_3431] {strides = array<i32>} : memref<5x16x512xf32, #tpu.memory_space<vmem>>, vector<1x1x16xf32>,
        %swap3A_3433 = vector.shape_cast %swap3A_3432 : vector<1x1x16xf32> to vector<16xf32>
        %swap3A_3434 = vector.shape_cast %broadcast_in_dim3A_3245 : vector<16xf32> to vector<1x1x16xf32>
        tpu.vector_store %arg5[%swap3A_3429, %swap3A_3430, %swap3A_3431], %swap3A_3434 {strides = array<i32>} : memref<5x16x512xf32, #tpu.memory_space<vmem>>, vector<1x1x16xf32>,
        %swap3A_3435 = arith.constant 14 : i32
        %swap3A_3436 = arith.index_cast %scan3A_62 : i32 to index
        %swap3A_3437 = arith.index_cast %swap3A_3435 : i32 to index
        %swap3A_3438 = arith.constant 432 : index
        %swap3A_3439 = tpu.vector_load %arg5[%swap3A_3436, %swap3A_3437, %swap3A_3438] {strides = array<i32>} : memref<5x16x512xf32, #tpu.memory_space<vmem>>, vector<1x1x16xf32>,
        %swap3A_3440 = vector.shape_cast %swap3A_3439 : vector<1x1x16xf32> to vector<16xf32>
        %swap3A_3441 = vector.shape_cast %broadcast_in_dim3A_3245 : vector<16xf32> to vector<1x1x16xf32>
        tpu.vector_store %arg5[%swap3A_3436, %swap3A_3437, %swap3A_3438], %swap3A_3441 {strides = array<i32>} : memref<5x16x512xf32, #tpu.memory_space<vmem>>, vector<1x1x16xf32>,
        %swap3A_3442 = arith.constant 14 : i32
        %swap3A_3443 = arith.index_cast %scan3A_62 : i32 to index
        %swap3A_3444 = arith.index_cast %swap3A_3442 : i32 to index
        %swap3A_3445 = arith.constant 448 : index
        %swap3A_3446 = tpu.vector_load %arg5[%swap3A_3443, %swap3A_3444, %swap3A_3445] {strides = array<i32>} : memref<5x16x512xf32, #tpu.memory_space<vmem>>, vector<1x1x16xf32>,
        %swap3A_3447 = vector.shape_cast %swap3A_3446 : vector<1x1x16xf32> to vector<16xf32>
        %swap3A_3448 = vector.shape_cast %broadcast_in_dim3A_3245 : vector<16xf32> to vector<1x1x16xf32>
        tpu.vector_store %arg5[%swap3A_3443, %swap3A_3444, %swap3A_3445], %swap3A_3448 {strides = array<i32>} : memref<5x16x512xf32, #tpu.memory_space<vmem>>, vector<1x1x16xf32>,
        %swap3A_3449 = arith.constant 14 : i32
        %swap3A_3450 = arith.index_cast %scan3A_62 : i32 to index
        %swap3A_3451 = arith.index_cast %swap3A_3449 : i32 to index
        %swap3A_3452 = arith.constant 464 : index
        %swap3A_3453 = tpu.vector_load %arg5[%swap3A_3450, %swap3A_3451, %swap3A_3452] {strides = array<i32>} : memref<5x16x512xf32, #tpu.memory_space<vmem>>, vector<1x1x16xf32>,
        %swap3A_3454 = vector.shape_cast %swap3A_3453 : vector<1x1x16xf32> to vector<16xf32>
        %swap3A_3455 = vector.shape_cast %broadcast_in_dim3A_3245 : vector<16xf32> to vector<1x1x16xf32>
        tpu.vector_store %arg5[%swap3A_3450, %swap3A_3451, %swap3A_3452], %swap3A_3455 {strides = array<i32>} : memref<5x16x512xf32, #tpu.memory_space<vmem>>, vector<1x1x16xf32>,
        %swap3A_3456 = arith.constant 14 : i32
        %swap3A_3457 = arith.index_cast %scan3A_62 : i32 to index
        %swap3A_3458 = arith.index_cast %swap3A_3456 : i32 to index
        %swap3A_3459 = arith.constant 480 : index
        %swap3A_3460 = tpu.vector_load %arg5[%swap3A_3457, %swap3A_3458, %swap3A_3459] {strides = array<i32>} : memref<5x16x512xf32, #tpu.memory_space<vmem>>, vector<1x1x16xf32>,
        %swap3A_3461 = vector.shape_cast %swap3A_3460 : vector<1x1x16xf32> to vector<16xf32>
        %swap3A_3462 = vector.shape_cast %broadcast_in_dim3A_3245 : vector<16xf32> to vector<1x1x16xf32>
        tpu.vector_store %arg5[%swap3A_3457, %swap3A_3458, %swap3A_3459], %swap3A_3462 {strides = array<i32>} : memref<5x16x512xf32, #tpu.memory_space<vmem>>, vector<1x1x16xf32>,
        %swap3A_3463 = arith.constant 14 : i32
        %swap3A_3464 = arith.index_cast %scan3A_62 : i32 to index
        %swap3A_3465 = arith.index_cast %swap3A_3463 : i32 to index
        %swap3A_3466 = arith.constant 496 : index
        %swap3A_3467 = tpu.vector_load %arg5[%swap3A_3464, %swap3A_3465, %swap3A_3466] {strides = array<i32>} : memref<5x16x512xf32, #tpu.memory_space<vmem>>, vector<1x1x16xf32>,
        %swap3A_3468 = vector.shape_cast %swap3A_3467 : vector<1x1x16xf32> to vector<16xf32>
        %swap3A_3469 = vector.shape_cast %broadcast_in_dim3A_3245 : vector<16xf32> to vector<1x1x16xf32>
        tpu.vector_store %arg5[%swap3A_3464, %swap3A_3465, %swap3A_3466], %swap3A_3469 {strides = array<i32>} : memref<5x16x512xf32, #tpu.memory_space<vmem>>, vector<1x1x16xf32>,
        %slice3A_3470 = vector.extract_strided_slice %max3A_68 {offsets = [15], sizes = [1], strides = [1]} : vector<16xf32> to vector<1xf32>
        %squeeze3A_3471 = vector.extract %slice3A_3470[0] : f32 from vector<1xf32>
        %broadcast_in_dim3A_3472 = vector.broadcast %squeeze3A_3471 : f32 to vector<16xf32>
        %swap3A_3473 = arith.constant 15 : i32
        %swap3A_3474 = arith.index_cast %scan3A_62 : i32 to index
        %swap3A_3475 = arith.index_cast %swap3A_3473 : i32 to index
        %swap3A_3476 = arith.constant 0 : index
        %swap3A_3477 = tpu.vector_load %arg5[%swap3A_3474, %swap3A_3475, %swap3A_3476] {strides = array<i32>} : memref<5x16x512xf32, #tpu.memory_space<vmem>>, vector<1x1x16xf32>,
        %swap3A_3478 = vector.shape_cast %swap3A_3477 : vector<1x1x16xf32> to vector<16xf32>
        %swap3A_3479 = vector.shape_cast %broadcast_in_dim3A_3472 : vector<16xf32> to vector<1x1x16xf32>
        tpu.vector_store %arg5[%swap3A_3474, %swap3A_3475, %swap3A_3476], %swap3A_3479 {strides = array<i32>} : memref<5x16x512xf32, #tpu.memory_space<vmem>>, vector<1x1x16xf32>,
        %swap3A_3480 = arith.constant 15 : i32
        %swap3A_3481 = arith.index_cast %scan3A_62 : i32 to index
        %swap3A_3482 = arith.index_cast %swap3A_3480 : i32 to index
        %swap3A_3483 = arith.constant 16 : index
        %swap3A_3484 = tpu.vector_load %arg5[%swap3A_3481, %swap3A_3482, %swap3A_3483] {strides = array<i32>} : memref<5x16x512xf32, #tpu.memory_space<vmem>>, vector<1x1x16xf32>,
        %swap3A_3485 = vector.shape_cast %swap3A_3484 : vector<1x1x16xf32> to vector<16xf32>
        %swap3A_3486 = vector.shape_cast %broadcast_in_dim3A_3472 : vector<16xf32> to vector<1x1x16xf32>
        tpu.vector_store %arg5[%swap3A_3481, %swap3A_3482, %swap3A_3483], %swap3A_3486 {strides = array<i32>} : memref<5x16x512xf32, #tpu.memory_space<vmem>>, vector<1x1x16xf32>,
        %swap3A_3487 = arith.constant 15 : i32
        %swap3A_3488 = arith.index_cast %scan3A_62 : i32 to index
        %swap3A_3489 = arith.index_cast %swap3A_3487 : i32 to index
        %swap3A_3490 = arith.constant 32 : index
        %swap3A_3491 = tpu.vector_load %arg5[%swap3A_3488, %swap3A_3489, %swap3A_3490] {strides = array<i32>} : memref<5x16x512xf32, #tpu.memory_space<vmem>>, vector<1x1x16xf32>,
        %swap3A_3492 = vector.shape_cast %swap3A_3491 : vector<1x1x16xf32> to vector<16xf32>
        %swap3A_3493 = vector.shape_cast %broadcast_in_dim3A_3472 : vector<16xf32> to vector<1x1x16xf32>
        tpu.vector_store %arg5[%swap3A_3488, %swap3A_3489, %swap3A_3490], %swap3A_3493 {strides = array<i32>} : memref<5x16x512xf32, #tpu.memory_space<vmem>>, vector<1x1x16xf32>,
        %swap3A_3494 = arith.constant 15 : i32
        %swap3A_3495 = arith.index_cast %scan3A_62 : i32 to index
        %swap3A_3496 = arith.index_cast %swap3A_3494 : i32 to index
        %swap3A_3497 = arith.constant 48 : index
        %swap3A_3498 = tpu.vector_load %arg5[%swap3A_3495, %swap3A_3496, %swap3A_3497] {strides = array<i32>} : memref<5x16x512xf32, #tpu.memory_space<vmem>>, vector<1x1x16xf32>,
        %swap3A_3499 = vector.shape_cast %swap3A_3498 : vector<1x1x16xf32> to vector<16xf32>
        %swap3A_3500 = vector.shape_cast %broadcast_in_dim3A_3472 : vector<16xf32> to vector<1x1x16xf32>
        tpu.vector_store %arg5[%swap3A_3495, %swap3A_3496, %swap3A_3497], %swap3A_3500 {strides = array<i32>} : memref<5x16x512xf32, #tpu.memory_space<vmem>>, vector<1x1x16xf32>,
        %swap3A_3501 = arith.constant 15 : i32
        %swap3A_3502 = arith.index_cast %scan3A_62 : i32 to index
        %swap3A_3503 = arith.index_cast %swap3A_3501 : i32 to index
        %swap3A_3504 = arith.constant 64 : index
        %swap3A_3505 = tpu.vector_load %arg5[%swap3A_3502, %swap3A_3503, %swap3A_3504] {strides = array<i32>} : memref<5x16x512xf32, #tpu.memory_space<vmem>>, vector<1x1x16xf32>,
        %swap3A_3506 = vector.shape_cast %swap3A_3505 : vector<1x1x16xf32> to vector<16xf32>
        %swap3A_3507 = vector.shape_cast %broadcast_in_dim3A_3472 : vector<16xf32> to vector<1x1x16xf32>
        tpu.vector_store %arg5[%swap3A_3502, %swap3A_3503, %swap3A_3504], %swap3A_3507 {strides = array<i32>} : memref<5x16x512xf32, #tpu.memory_space<vmem>>, vector<1x1x16xf32>,
        %swap3A_3508 = arith.constant 15 : i32
        %swap3A_3509 = arith.index_cast %scan3A_62 : i32 to index
        %swap3A_3510 = arith.index_cast %swap3A_3508 : i32 to index
        %swap3A_3511 = arith.constant 80 : index
        %swap3A_3512 = tpu.vector_load %arg5[%swap3A_3509, %swap3A_3510, %swap3A_3511] {strides = array<i32>} : memref<5x16x512xf32, #tpu.memory_space<vmem>>, vector<1x1x16xf32>,
        %swap3A_3513 = vector.shape_cast %swap3A_3512 : vector<1x1x16xf32> to vector<16xf32>
        %swap3A_3514 = vector.shape_cast %broadcast_in_dim3A_3472 : vector<16xf32> to vector<1x1x16xf32>
        tpu.vector_store %arg5[%swap3A_3509, %swap3A_3510, %swap3A_3511], %swap3A_3514 {strides = array<i32>} : memref<5x16x512xf32, #tpu.memory_space<vmem>>, vector<1x1x16xf32>,
        %swap3A_3515 = arith.constant 15 : i32
        %swap3A_3516 = arith.index_cast %scan3A_62 : i32 to index
        %swap3A_3517 = arith.index_cast %swap3A_3515 : i32 to index
        %swap3A_3518 = arith.constant 96 : index
        %swap3A_3519 = tpu.vector_load %arg5[%swap3A_3516, %swap3A_3517, %swap3A_3518] {strides = array<i32>} : memref<5x16x512xf32, #tpu.memory_space<vmem>>, vector<1x1x16xf32>,
        %swap3A_3520 = vector.shape_cast %swap3A_3519 : vector<1x1x16xf32> to vector<16xf32>
        %swap3A_3521 = vector.shape_cast %broadcast_in_dim3A_3472 : vector<16xf32> to vector<1x1x16xf32>
        tpu.vector_store %arg5[%swap3A_3516, %swap3A_3517, %swap3A_3518], %swap3A_3521 {strides = array<i32>} : memref<5x16x512xf32, #tpu.memory_space<vmem>>, vector<1x1x16xf32>,
        %swap3A_3522 = arith.constant 15 : i32
        %swap3A_3523 = arith.index_cast %scan3A_62 : i32 to index
        %swap3A_3524 = arith.index_cast %swap3A_3522 : i32 to index
        %swap3A_3525 = arith.constant 112 : index
        %swap3A_3526 = tpu.vector_load %arg5[%swap3A_3523, %swap3A_3524, %swap3A_3525] {strides = array<i32>} : memref<5x16x512xf32, #tpu.memory_space<vmem>>, vector<1x1x16xf32>,
        %swap3A_3527 = vector.shape_cast %swap3A_3526 : vector<1x1x16xf32> to vector<16xf32>
        %swap3A_3528 = vector.shape_cast %broadcast_in_dim3A_3472 : vector<16xf32> to vector<1x1x16xf32>
        tpu.vector_store %arg5[%swap3A_3523, %swap3A_3524, %swap3A_3525], %swap3A_3528 {strides = array<i32>} : memref<5x16x512xf32, #tpu.memory_space<vmem>>, vector<1x1x16xf32>,
        %swap3A_3529 = arith.constant 15 : i32
        %swap3A_3530 = arith.index_cast %scan3A_62 : i32 to index
        %swap3A_3531 = arith.index_cast %swap3A_3529 : i32 to index
        %swap3A_3532 = arith.constant 128 : index
        %swap3A_3533 = tpu.vector_load %arg5[%swap3A_3530, %swap3A_3531, %swap3A_3532] {strides = array<i32>} : memref<5x16x512xf32, #tpu.memory_space<vmem>>, vector<1x1x16xf32>,
        %swap3A_3534 = vector.shape_cast %swap3A_3533 : vector<1x1x16xf32> to vector<16xf32>
        %swap3A_3535 = vector.shape_cast %broadcast_in_dim3A_3472 : vector<16xf32> to vector<1x1x16xf32>
        tpu.vector_store %arg5[%swap3A_3530, %swap3A_3531, %swap3A_3532], %swap3A_3535 {strides = array<i32>} : memref<5x16x512xf32, #tpu.memory_space<vmem>>, vector<1x1x16xf32>,
        %swap3A_3536 = arith.constant 15 : i32
        %swap3A_3537 = arith.index_cast %scan3A_62 : i32 to index
        %swap3A_3538 = arith.index_cast %swap3A_3536 : i32 to index
        %swap3A_3539 = arith.constant 144 : index
        %swap3A_3540 = tpu.vector_load %arg5[%swap3A_3537, %swap3A_3538, %swap3A_3539] {strides = array<i32>} : memref<5x16x512xf32, #tpu.memory_space<vmem>>, vector<1x1x16xf32>,
        %swap3A_3541 = vector.shape_cast %swap3A_3540 : vector<1x1x16xf32> to vector<16xf32>
        %swap3A_3542 = vector.shape_cast %broadcast_in_dim3A_3472 : vector<16xf32> to vector<1x1x16xf32>
        tpu.vector_store %arg5[%swap3A_3537, %swap3A_3538, %swap3A_3539], %swap3A_3542 {strides = array<i32>} : memref<5x16x512xf32, #tpu.memory_space<vmem>>, vector<1x1x16xf32>,
        %swap3A_3543 = arith.constant 15 : i32
        %swap3A_3544 = arith.index_cast %scan3A_62 : i32 to index
        %swap3A_3545 = arith.index_cast %swap3A_3543 : i32 to index
        %swap3A_3546 = arith.constant 160 : index
        %swap3A_3547 = tpu.vector_load %arg5[%swap3A_3544, %swap3A_3545, %swap3A_3546] {strides = array<i32>} : memref<5x16x512xf32, #tpu.memory_space<vmem>>, vector<1x1x16xf32>,
        %swap3A_3548 = vector.shape_cast %swap3A_3547 : vector<1x1x16xf32> to vector<16xf32>
        %swap3A_3549 = vector.shape_cast %broadcast_in_dim3A_3472 : vector<16xf32> to vector<1x1x16xf32>
        tpu.vector_store %arg5[%swap3A_3544, %swap3A_3545, %swap3A_3546], %swap3A_3549 {strides = array<i32>} : memref<5x16x512xf32, #tpu.memory_space<vmem>>, vector<1x1x16xf32>,
        %swap3A_3550 = arith.constant 15 : i32
        %swap3A_3551 = arith.index_cast %scan3A_62 : i32 to index
        %swap3A_3552 = arith.index_cast %swap3A_3550 : i32 to index
        %swap3A_3553 = arith.constant 176 : index
        %swap3A_3554 = tpu.vector_load %arg5[%swap3A_3551, %swap3A_3552, %swap3A_3553] {strides = array<i32>} : memref<5x16x512xf32, #tpu.memory_space<vmem>>, vector<1x1x16xf32>,
        %swap3A_3555 = vector.shape_cast %swap3A_3554 : vector<1x1x16xf32> to vector<16xf32>
        %swap3A_3556 = vector.shape_cast %broadcast_in_dim3A_3472 : vector<16xf32> to vector<1x1x16xf32>
        tpu.vector_store %arg5[%swap3A_3551, %swap3A_3552, %swap3A_3553], %swap3A_3556 {strides = array<i32>} : memref<5x16x512xf32, #tpu.memory_space<vmem>>, vector<1x1x16xf32>,
        %swap3A_3557 = arith.constant 15 : i32
        %swap3A_3558 = arith.index_cast %scan3A_62 : i32 to index
        %swap3A_3559 = arith.index_cast %swap3A_3557 : i32 to index
        %swap3A_3560 = arith.constant 192 : index
        %swap3A_3561 = tpu.vector_load %arg5[%swap3A_3558, %swap3A_3559, %swap3A_3560] {strides = array<i32>} : memref<5x16x512xf32, #tpu.memory_space<vmem>>, vector<1x1x16xf32>,
        %swap3A_3562 = vector.shape_cast %swap3A_3561 : vector<1x1x16xf32> to vector<16xf32>
        %swap3A_3563 = vector.shape_cast %broadcast_in_dim3A_3472 : vector<16xf32> to vector<1x1x16xf32>
        tpu.vector_store %arg5[%swap3A_3558, %swap3A_3559, %swap3A_3560], %swap3A_3563 {strides = array<i32>} : memref<5x16x512xf32, #tpu.memory_space<vmem>>, vector<1x1x16xf32>,
        %swap3A_3564 = arith.constant 15 : i32
        %swap3A_3565 = arith.index_cast %scan3A_62 : i32 to index
        %swap3A_3566 = arith.index_cast %swap3A_3564 : i32 to index
        %swap3A_3567 = arith.constant 208 : index
        %swap3A_3568 = tpu.vector_load %arg5[%swap3A_3565, %swap3A_3566, %swap3A_3567] {strides = array<i32>} : memref<5x16x512xf32, #tpu.memory_space<vmem>>, vector<1x1x16xf32>,
        %swap3A_3569 = vector.shape_cast %swap3A_3568 : vector<1x1x16xf32> to vector<16xf32>
        %swap3A_3570 = vector.shape_cast %broadcast_in_dim3A_3472 : vector<16xf32> to vector<1x1x16xf32>
        tpu.vector_store %arg5[%swap3A_3565, %swap3A_3566, %swap3A_3567], %swap3A_3570 {strides = array<i32>} : memref<5x16x512xf32, #tpu.memory_space<vmem>>, vector<1x1x16xf32>,
        %swap3A_3571 = arith.constant 15 : i32
        %swap3A_3572 = arith.index_cast %scan3A_62 : i32 to index
        %swap3A_3573 = arith.index_cast %swap3A_3571 : i32 to index
        %swap3A_3574 = arith.constant 224 : index
        %swap3A_3575 = tpu.vector_load %arg5[%swap3A_3572, %swap3A_3573, %swap3A_3574] {strides = array<i32>} : memref<5x16x512xf32, #tpu.memory_space<vmem>>, vector<1x1x16xf32>,
        %swap3A_3576 = vector.shape_cast %swap3A_3575 : vector<1x1x16xf32> to vector<16xf32>
        %swap3A_3577 = vector.shape_cast %broadcast_in_dim3A_3472 : vector<16xf32> to vector<1x1x16xf32>
        tpu.vector_store %arg5[%swap3A_3572, %swap3A_3573, %swap3A_3574], %swap3A_3577 {strides = array<i32>} : memref<5x16x512xf32, #tpu.memory_space<vmem>>, vector<1x1x16xf32>,
        %swap3A_3578 = arith.constant 15 : i32
        %swap3A_3579 = arith.index_cast %scan3A_62 : i32 to index
        %swap3A_3580 = arith.index_cast %swap3A_3578 : i32 to index
        %swap3A_3581 = arith.constant 240 : index
        %swap3A_3582 = tpu.vector_load %arg5[%swap3A_3579, %swap3A_3580, %swap3A_3581] {strides = array<i32>} : memref<5x16x512xf32, #tpu.memory_space<vmem>>, vector<1x1x16xf32>,
        %swap3A_3583 = vector.shape_cast %swap3A_3582 : vector<1x1x16xf32> to vector<16xf32>
        %swap3A_3584 = vector.shape_cast %broadcast_in_dim3A_3472 : vector<16xf32> to vector<1x1x16xf32>
        tpu.vector_store %arg5[%swap3A_3579, %swap3A_3580, %swap3A_3581], %swap3A_3584 {strides = array<i32>} : memref<5x16x512xf32, #tpu.memory_space<vmem>>, vector<1x1x16xf32>,
        %swap3A_3585 = arith.constant 15 : i32
        %swap3A_3586 = arith.index_cast %scan3A_62 : i32 to index
        %swap3A_3587 = arith.index_cast %swap3A_3585 : i32 to index
        %swap3A_3588 = arith.constant 256 : index
        %swap3A_3589 = tpu.vector_load %arg5[%swap3A_3586, %swap3A_3587, %swap3A_3588] {strides = array<i32>} : memref<5x16x512xf32, #tpu.memory_space<vmem>>, vector<1x1x16xf32>,
        %swap3A_3590 = vector.shape_cast %swap3A_3589 : vector<1x1x16xf32> to vector<16xf32>
        %swap3A_3591 = vector.shape_cast %broadcast_in_dim3A_3472 : vector<16xf32> to vector<1x1x16xf32>
        tpu.vector_store %arg5[%swap3A_3586, %swap3A_3587, %swap3A_3588], %swap3A_3591 {strides = array<i32>} : memref<5x16x512xf32, #tpu.memory_space<vmem>>, vector<1x1x16xf32>,
        %swap3A_3592 = arith.constant 15 : i32
        %swap3A_3593 = arith.index_cast %scan3A_62 : i32 to index
        %swap3A_3594 = arith.index_cast %swap3A_3592 : i32 to index
        %swap3A_3595 = arith.constant 272 : index
        %swap3A_3596 = tpu.vector_load %arg5[%swap3A_3593, %swap3A_3594, %swap3A_3595] {strides = array<i32>} : memref<5x16x512xf32, #tpu.memory_space<vmem>>, vector<1x1x16xf32>,
        %swap3A_3597 = vector.shape_cast %swap3A_3596 : vector<1x1x16xf32> to vector<16xf32>
        %swap3A_3598 = vector.shape_cast %broadcast_in_dim3A_3472 : vector<16xf32> to vector<1x1x16xf32>
        tpu.vector_store %arg5[%swap3A_3593, %swap3A_3594, %swap3A_3595], %swap3A_3598 {strides = array<i32>} : memref<5x16x512xf32, #tpu.memory_space<vmem>>, vector<1x1x16xf32>,
        %swap3A_3599 = arith.constant 15 : i32
        %swap3A_3600 = arith.index_cast %scan3A_62 : i32 to index
        %swap3A_3601 = arith.index_cast %swap3A_3599 : i32 to index
        %swap3A_3602 = arith.constant 288 : index
        %swap3A_3603 = tpu.vector_load %arg5[%swap3A_3600, %swap3A_3601, %swap3A_3602] {strides = array<i32>} : memref<5x16x512xf32, #tpu.memory_space<vmem>>, vector<1x1x16xf32>,
        %swap3A_3604 = vector.shape_cast %swap3A_3603 : vector<1x1x16xf32> to vector<16xf32>
        %swap3A_3605 = vector.shape_cast %broadcast_in_dim3A_3472 : vector<16xf32> to vector<1x1x16xf32>
        tpu.vector_store %arg5[%swap3A_3600, %swap3A_3601, %swap3A_3602], %swap3A_3605 {strides = array<i32>} : memref<5x16x512xf32, #tpu.memory_space<vmem>>, vector<1x1x16xf32>,
        %swap3A_3606 = arith.constant 15 : i32
        %swap3A_3607 = arith.index_cast %scan3A_62 : i32 to index
        %swap3A_3608 = arith.index_cast %swap3A_3606 : i32 to index
        %swap3A_3609 = arith.constant 304 : index
        %swap3A_3610 = tpu.vector_load %arg5[%swap3A_3607, %swap3A_3608, %swap3A_3609] {strides = array<i32>} : memref<5x16x512xf32, #tpu.memory_space<vmem>>, vector<1x1x16xf32>,
        %swap3A_3611 = vector.shape_cast %swap3A_3610 : vector<1x1x16xf32> to vector<16xf32>
        %swap3A_3612 = vector.shape_cast %broadcast_in_dim3A_3472 : vector<16xf32> to vector<1x1x16xf32>
        tpu.vector_store %arg5[%swap3A_3607, %swap3A_3608, %swap3A_3609], %swap3A_3612 {strides = array<i32>} : memref<5x16x512xf32, #tpu.memory_space<vmem>>, vector<1x1x16xf32>,
        %swap3A_3613 = arith.constant 15 : i32
        %swap3A_3614 = arith.index_cast %scan3A_62 : i32 to index
        %swap3A_3615 = arith.index_cast %swap3A_3613 : i32 to index
        %swap3A_3616 = arith.constant 320 : index
        %swap3A_3617 = tpu.vector_load %arg5[%swap3A_3614, %swap3A_3615, %swap3A_3616] {strides = array<i32>} : memref<5x16x512xf32, #tpu.memory_space<vmem>>, vector<1x1x16xf32>,
        %swap3A_3618 = vector.shape_cast %swap3A_3617 : vector<1x1x16xf32> to vector<16xf32>
        %swap3A_3619 = vector.shape_cast %broadcast_in_dim3A_3472 : vector<16xf32> to vector<1x1x16xf32>
        tpu.vector_store %arg5[%swap3A_3614, %swap3A_3615, %swap3A_3616], %swap3A_3619 {strides = array<i32>} : memref<5x16x512xf32, #tpu.memory_space<vmem>>, vector<1x1x16xf32>,
        %swap3A_3620 = arith.constant 15 : i32
        %swap3A_3621 = arith.index_cast %scan3A_62 : i32 to index
        %swap3A_3622 = arith.index_cast %swap3A_3620 : i32 to index
        %swap3A_3623 = arith.constant 336 : index
        %swap3A_3624 = tpu.vector_load %arg5[%swap3A_3621, %swap3A_3622, %swap3A_3623] {strides = array<i32>} : memref<5x16x512xf32, #tpu.memory_space<vmem>>, vector<1x1x16xf32>,
        %swap3A_3625 = vector.shape_cast %swap3A_3624 : vector<1x1x16xf32> to vector<16xf32>
        %swap3A_3626 = vector.shape_cast %broadcast_in_dim3A_3472 : vector<16xf32> to vector<1x1x16xf32>
        tpu.vector_store %arg5[%swap3A_3621, %swap3A_3622, %swap3A_3623], %swap3A_3626 {strides = array<i32>} : memref<5x16x512xf32, #tpu.memory_space<vmem>>, vector<1x1x16xf32>,
        %swap3A_3627 = arith.constant 15 : i32
        %swap3A_3628 = arith.index_cast %scan3A_62 : i32 to index
        %swap3A_3629 = arith.index_cast %swap3A_3627 : i32 to index
        %swap3A_3630 = arith.constant 352 : index
        %swap3A_3631 = tpu.vector_load %arg5[%swap3A_3628, %swap3A_3629, %swap3A_3630] {strides = array<i32>} : memref<5x16x512xf32, #tpu.memory_space<vmem>>, vector<1x1x16xf32>,
        %swap3A_3632 = vector.shape_cast %swap3A_3631 : vector<1x1x16xf32> to vector<16xf32>
        %swap3A_3633 = vector.shape_cast %broadcast_in_dim3A_3472 : vector<16xf32> to vector<1x1x16xf32>
        tpu.vector_store %arg5[%swap3A_3628, %swap3A_3629, %swap3A_3630], %swap3A_3633 {strides = array<i32>} : memref<5x16x512xf32, #tpu.memory_space<vmem>>, vector<1x1x16xf32>,
        %swap3A_3634 = arith.constant 15 : i32
        %swap3A_3635 = arith.index_cast %scan3A_62 : i32 to index
        %swap3A_3636 = arith.index_cast %swap3A_3634 : i32 to index
        %swap3A_3637 = arith.constant 368 : index
        %swap3A_3638 = tpu.vector_load %arg5[%swap3A_3635, %swap3A_3636, %swap3A_3637] {strides = array<i32>} : memref<5x16x512xf32, #tpu.memory_space<vmem>>, vector<1x1x16xf32>,
        %swap3A_3639 = vector.shape_cast %swap3A_3638 : vector<1x1x16xf32> to vector<16xf32>
        %swap3A_3640 = vector.shape_cast %broadcast_in_dim3A_3472 : vector<16xf32> to vector<1x1x16xf32>
        tpu.vector_store %arg5[%swap3A_3635, %swap3A_3636, %swap3A_3637], %swap3A_3640 {strides = array<i32>} : memref<5x16x512xf32, #tpu.memory_space<vmem>>, vector<1x1x16xf32>,
        %swap3A_3641 = arith.constant 15 : i32
        %swap3A_3642 = arith.index_cast %scan3A_62 : i32 to index
        %swap3A_3643 = arith.index_cast %swap3A_3641 : i32 to index
        %swap3A_3644 = arith.constant 384 : index
        %swap3A_3645 = tpu.vector_load %arg5[%swap3A_3642, %swap3A_3643, %swap3A_3644] {strides = array<i32>} : memref<5x16x512xf32, #tpu.memory_space<vmem>>, vector<1x1x16xf32>,
        %swap3A_3646 = vector.shape_cast %swap3A_3645 : vector<1x1x16xf32> to vector<16xf32>
        %swap3A_3647 = vector.shape_cast %broadcast_in_dim3A_3472 : vector<16xf32> to vector<1x1x16xf32>
        tpu.vector_store %arg5[%swap3A_3642, %swap3A_3643, %swap3A_3644], %swap3A_3647 {strides = array<i32>} : memref<5x16x512xf32, #tpu.memory_space<vmem>>, vector<1x1x16xf32>,
        %swap3A_3648 = arith.constant 15 : i32
        %swap3A_3649 = arith.index_cast %scan3A_62 : i32 to index
        %swap3A_3650 = arith.index_cast %swap3A_3648 : i32 to index
        %swap3A_3651 = arith.constant 400 : index
        %swap3A_3652 = tpu.vector_load %arg5[%swap3A_3649, %swap3A_3650, %swap3A_3651] {strides = array<i32>} : memref<5x16x512xf32, #tpu.memory_space<vmem>>, vector<1x1x16xf32>,
        %swap3A_3653 = vector.shape_cast %swap3A_3652 : vector<1x1x16xf32> to vector<16xf32>
        %swap3A_3654 = vector.shape_cast %broadcast_in_dim3A_3472 : vector<16xf32> to vector<1x1x16xf32>
        tpu.vector_store %arg5[%swap3A_3649, %swap3A_3650, %swap3A_3651], %swap3A_3654 {strides = array<i32>} : memref<5x16x512xf32, #tpu.memory_space<vmem>>, vector<1x1x16xf32>,
        %swap3A_3655 = arith.constant 15 : i32
        %swap3A_3656 = arith.index_cast %scan3A_62 : i32 to index
        %swap3A_3657 = arith.index_cast %swap3A_3655 : i32 to index
        %swap3A_3658 = arith.constant 416 : index
        %swap3A_3659 = tpu.vector_load %arg5[%swap3A_3656, %swap3A_3657, %swap3A_3658] {strides = array<i32>} : memref<5x16x512xf32, #tpu.memory_space<vmem>>, vector<1x1x16xf32>,
        %swap3A_3660 = vector.shape_cast %swap3A_3659 : vector<1x1x16xf32> to vector<16xf32>
        %swap3A_3661 = vector.shape_cast %broadcast_in_dim3A_3472 : vector<16xf32> to vector<1x1x16xf32>
        tpu.vector_store %arg5[%swap3A_3656, %swap3A_3657, %swap3A_3658], %swap3A_3661 {strides = array<i32>} : memref<5x16x512xf32, #tpu.memory_space<vmem>>, vector<1x1x16xf32>,
        %swap3A_3662 = arith.constant 15 : i32
        %swap3A_3663 = arith.index_cast %scan3A_62 : i32 to index
        %swap3A_3664 = arith.index_cast %swap3A_3662 : i32 to index
        %swap3A_3665 = arith.constant 432 : index
        %swap3A_3666 = tpu.vector_load %arg5[%swap3A_3663, %swap3A_3664, %swap3A_3665] {strides = array<i32>} : memref<5x16x512xf32, #tpu.memory_space<vmem>>, vector<1x1x16xf32>,
        %swap3A_3667 = vector.shape_cast %swap3A_3666 : vector<1x1x16xf32> to vector<16xf32>
        %swap3A_3668 = vector.shape_cast %broadcast_in_dim3A_3472 : vector<16xf32> to vector<1x1x16xf32>
        tpu.vector_store %arg5[%swap3A_3663, %swap3A_3664, %swap3A_3665], %swap3A_3668 {strides = array<i32>} : memref<5x16x512xf32, #tpu.memory_space<vmem>>, vector<1x1x16xf32>,
        %swap3A_3669 = arith.constant 15 : i32
        %swap3A_3670 = arith.index_cast %scan3A_62 : i32 to index
        %swap3A_3671 = arith.index_cast %swap3A_3669 : i32 to index
        %swap3A_3672 = arith.constant 448 : index
        %swap3A_3673 = tpu.vector_load %arg5[%swap3A_3670, %swap3A_3671, %swap3A_3672] {strides = array<i32>} : memref<5x16x512xf32, #tpu.memory_space<vmem>>, vector<1x1x16xf32>,
        %swap3A_3674 = vector.shape_cast %swap3A_3673 : vector<1x1x16xf32> to vector<16xf32>
        %swap3A_3675 = vector.shape_cast %broadcast_in_dim3A_3472 : vector<16xf32> to vector<1x1x16xf32>
        tpu.vector_store %arg5[%swap3A_3670, %swap3A_3671, %swap3A_3672], %swap3A_3675 {strides = array<i32>} : memref<5x16x512xf32, #tpu.memory_space<vmem>>, vector<1x1x16xf32>,
        %swap3A_3676 = arith.constant 15 : i32
        %swap3A_3677 = arith.index_cast %scan3A_62 : i32 to index
        %swap3A_3678 = arith.index_cast %swap3A_3676 : i32 to index
        %swap3A_3679 = arith.constant 464 : index
        %swap3A_3680 = tpu.vector_load %arg5[%swap3A_3677, %swap3A_3678, %swap3A_3679] {strides = array<i32>} : memref<5x16x512xf32, #tpu.memory_space<vmem>>, vector<1x1x16xf32>,
        %swap3A_3681 = vector.shape_cast %swap3A_3680 : vector<1x1x16xf32> to vector<16xf32>
        %swap3A_3682 = vector.shape_cast %broadcast_in_dim3A_3472 : vector<16xf32> to vector<1x1x16xf32>
        tpu.vector_store %arg5[%swap3A_3677, %swap3A_3678, %swap3A_3679], %swap3A_3682 {strides = array<i32>} : memref<5x16x512xf32, #tpu.memory_space<vmem>>, vector<1x1x16xf32>,
        %swap3A_3683 = arith.constant 15 : i32
        %swap3A_3684 = arith.index_cast %scan3A_62 : i32 to index
        %swap3A_3685 = arith.index_cast %swap3A_3683 : i32 to index
        %swap3A_3686 = arith.constant 480 : index
        %swap3A_3687 = tpu.vector_load %arg5[%swap3A_3684, %swap3A_3685, %swap3A_3686] {strides = array<i32>} : memref<5x16x512xf32, #tpu.memory_space<vmem>>, vector<1x1x16xf32>,
        %swap3A_3688 = vector.shape_cast %swap3A_3687 : vector<1x1x16xf32> to vector<16xf32>
        %swap3A_3689 = vector.shape_cast %broadcast_in_dim3A_3472 : vector<16xf32> to vector<1x1x16xf32>
        tpu.vector_store %arg5[%swap3A_3684, %swap3A_3685, %swap3A_3686], %swap3A_3689 {strides = array<i32>} : memref<5x16x512xf32, #tpu.memory_space<vmem>>, vector<1x1x16xf32>,
        %swap3A_3690 = arith.constant 15 : i32
        %swap3A_3691 = arith.index_cast %scan3A_62 : i32 to index
        %swap3A_3692 = arith.index_cast %swap3A_3690 : i32 to index
        %swap3A_3693 = arith.constant 496 : index
        %swap3A_3694 = tpu.vector_load %arg5[%swap3A_3691, %swap3A_3692, %swap3A_3693] {strides = array<i32>} : memref<5x16x512xf32, #tpu.memory_space<vmem>>, vector<1x1x16xf32>,
        %swap3A_3695 = vector.shape_cast %swap3A_3694 : vector<1x1x16xf32> to vector<16xf32>
        %swap3A_3696 = vector.shape_cast %broadcast_in_dim3A_3472 : vector<16xf32> to vector<1x1x16xf32>
        tpu.vector_store %arg5[%swap3A_3691, %swap3A_3692, %swap3A_3693], %swap3A_3696 {strides = array<i32>} : memref<5x16x512xf32, #tpu.memory_space<vmem>>, vector<1x1x16xf32>,
      }
      %scan3A_49 = arith.constant 5 : i32
      %scan3A_50 = arith.constant 0 : i32
      %scan3A_51 = arith.constant 0 : i32
      %scan3A_52 = arith.constant 32 : i32
      %scan3A_53 = arith.addi %scan3A_51, %scan3A_52 : i32
      %scan3A_54 = arith.constant 1 : i32
      scf.for %scan3A_62 = %scan3A_51 to %scan3A_53 step %scan3A_54  : i32 {
        %add3A_63 = arith.addi %scan3A_62, %add3A : i32
        %rem3A_64 = arith.constant 32 : i32
        %rem3A_65 = arith.remsi %add3A_63, %rem3A_64 : i32
        %mul3A_66 = arith.constant 512 : i32
        %mul3A_67 = arith.muli %rem3A_65, %mul3A_66 : i32
        %dma_start3A = tpu.memref_slice %arg3[%mul3A_27, %mul3A_43, %mul3A_67] : memref<200x64x16384xf32, #tpu.memory_space<hbm>> -> memref<5x16x512xf32, #tpu.memory_space<hbm>>
        %dma_start3A_68 = tpu.memref_slice %arg3[%mul3A_27, %mul3A_43, %mul3A_67] : memref<200x64x16384xf32, #tpu.memory_space<hbm>> -> memref<5x16x512xf32, #tpu.memory_space<hbm>>
        tpu.enqueue_dma source(%arg5 : memref<5x16x512xf32, #tpu.memory_space<vmem>>) target(%dma_start3A_68 : memref<5x16x512xf32, #tpu.memory_space<hbm>>) target_semaphore(%arg6 : memref<!tpu.dma_semaphore, #tpu.memory_space<semaphore_mem>>)
        %ge3A = arith.constant 16 : i32
        %ge3A_69 = arith.cmpi sge, %scan3A_62, %ge3A : i32
        %convert_element_type3A = arith.extui %ge3A_69 : i1 to i32
        %cond3A = arith.constant 0 : i32
        %cond3A_70 = arith.cmpi ne, %convert_element_type3A, %cond3A : i32
        scf.if %cond3A_70 {
          %dma_wait3A = arith.constant 0 : i32
          %dma_wait3A_71 = tpu.memref_slice %arg3[%mul3A_27, %mul3A_43, %dma_wait3A] : memref<200x64x16384xf32, #tpu.memory_space<hbm>> -> memref<5x16x512xf32, #tpu.memory_space<hbm>>
          %dma_wait3A_72 = arith.constant 0 : i32
          %dma_wait3A_73 = tpu.memref_slice %arg3[%mul3A_27, %mul3A_43, %dma_wait3A_72] : memref<200x64x16384xf32, #tpu.memory_space<hbm>> -> memref<5x16x512xf32, #tpu.memory_space<hbm>>
          tpu.wait_dma2 semaphore(%arg6 : memref<!tpu.dma_semaphore, #tpu.memory_space<semaphore_mem>>) src(%arg5 : memref<5x16x512xf32, #tpu.memory_space<vmem>>) dst(%dma_wait3A_73 : memref<5x16x512xf32, #tpu.memory_space<hbm>>)
        } else {
        }
      }
      %scan3A_55 = arith.constant 32 : i32
      %scan3A_56 = arith.constant 0 : i32
      %scan3A_57 = arith.constant 0 : i32
      %scan3A_58 = arith.constant 16 : i32
      %scan3A_59 = arith.addi %scan3A_57, %scan3A_58 : i32
      %scan3A_60 = arith.constant 1 : i32
      scf.for %scan3A_62 = %scan3A_57 to %scan3A_59 step %scan3A_60  : i32 {
        %dma_wait3A = arith.constant 0 : i32
        %dma_wait3A_63 = tpu.memref_slice %arg3[%mul3A_27, %mul3A_43, %dma_wait3A] : memref<200x64x16384xf32, #tpu.memory_space<hbm>> -> memref<5x16x512xf32, #tpu.memory_space<hbm>>
        %dma_wait3A_64 = arith.constant 0 : i32
        %dma_wait3A_65 = tpu.memref_slice %arg3[%mul3A_27, %mul3A_43, %dma_wait3A_64] : memref<200x64x16384xf32, #tpu.memory_space<hbm>> -> memref<5x16x512xf32, #tpu.memory_space<hbm>>
        tpu.wait_dma2 semaphore(%arg6 : memref<!tpu.dma_semaphore, #tpu.memory_space<semaphore_mem>>) src(%arg5 : memref<5x16x512xf32, #tpu.memory_space<vmem>>) dst(%dma_wait3A_65 : memref<5x16x512xf32, #tpu.memory_space<hbm>>)
      }
      %scan3A_61 = arith.constant 16 : i32
    }
    %scan3A_5 = arith.constant 5 : i32
    return
  }
}

</mosaic_0001>

<sc_bundles>
// kernel: _sc_pos_broadcast.3.cloned.1.call-start
scs
__scs_entry_jumppad:
0x0: {  	(pc) =	sbr.rel $0x88, $3  }
0x1: {  	(tag) =	ssettag $0x0;
	lr =	simm.s32 $0x1  }
0x2: {  	[smem:$0x3FA0] =	sst lr;
	_ =	strace $0xD0000000  }
0x3: {  	_ = 	snop  }
0x4: {  	_ = 	snop  }
0x5: {  	_ = 	snop  }
0x6: {  	_ = 	snop  }
0x7: {  	_ = 	snop  }
__scs_overlays_trampoline_lowered:
0x8: {  	[smem:$0x3FAF] =	sst s0  }
0x9: {  	[smem:$0x3FB0] =	sst s1  }
0xa: {  	[smem:$0x3FB1] =	sst s2  }
0xb: {  	[smem:$0x3FB2] =	sst s3  }
0xc: {  	[smem:$0x3FB3] =	sst s4  }
0xd: {  	[smem:$0x3FB4] =	sst s5  }
0xe: {  	[smem:$0x3FB5] =	sst s6  }
0xf: {  	[smem:$0x3FB6] =	sst s7  }
0x10: {  	[smem:$0x3FB7] =	sst s8  }
0x11: {  	[smem:$0x3FB8] =	sst s9;
	s0 =	simm.s32 @!p0 $0x0  }
0x12: {  	s1 =	sld [smem:$0x3F9E];
	s0 =	simm.s32 @p0 $0x1  }
0x13: {  	[smem:$0x3FB9] =	sst s0;
	s0 =	simm.s32 @!p1 $0x0  }
0x14: {  	s2 =	sld [smem:$0x3F9D];
	s0 =	simm.s32 @p1 $0x1  }
0x15: {  	[smem:$0x3FBA] =	sst s0;
	s0 =	simm.s32 @!p2 $0x0  }
0x16: {  	s3 =	sld [smem:$0x3FDB];
	s0 =	simm.s32 @p2 $0x1  }
0x17: {  	s4 =	simm.s32 $0x1BF5;
	[smem:$0x3FBC] =	sst s0  }
0x18: {  	s0 =	sld [smem:$0x3F9F];
	_ =	swait.ge [sflag:s4], $0x0  }
0x19: {  	s7 =	sld [smem:$0x3FA0]  }
0x1a: {  	s8 =	sadd.s32 $0xFFFFE003, lr  }
0x1b: {  	s9 =	sadd.s32 $0xFFFFFEF7, lr;
	s5 =	simm.s32 $0xFFFFFFFF;
	p2 =	slt.u32 s8, $0xFFFFF086  }
0x1c: {  	p1 =	slt.u32 s9, $0xF7A;
	s5 =	simm.s32 @!p2 $0x0  }
0x1d: {  	s5 =	simm.s32 @p1 $0x1;
	p0 =	seq.s32 s7, s2  }
0x1e: {  	s7 =	smul.u32 @!p0 $0xF7A, s2;
	p2 =	seq.s32 @!p0 s5, $0x0  }
0x1f: {  	s9 =	smul.u32 $0xF7A, s1;
	s8 =	simm.s32 @!p0 $0x1BF5;
	p2 =	por !p2, p0  }
0x20: {  	[sflag:s8] =	ssyncset.s32 @!p0 $0xFFFFF086;
	s6 =	sadd.s32 @!p0 s3, s7;
	s7 =	simm.s32 @!p0 $0x108  }
0x21: {  	s3 =	sadd.s32 s3, s9;
	s6 =	sadd.s32 @!p0 $0x88, s6;
	s7 =	simm.s32 @p2 $0x1082  }
0x22: {  	[simem:s7], [sflag:s8] =	dma.local @!p0 [hbm:s6], $0xF7A  }
0x23: {  	s9 =	sor.u32 $0xD0000000, s2;
	s6 =	simm.s32 $0x108;
	_ =	swait.ge @!p0 [sflag:s8], $0x0  }
0x24: {  	s3 =	sadd.s32 $0x88, s3;
	s6 =	simm.s32 @!p1 $0x1082;
	[sflag:s4] =	ssyncset.s32 $0xFFFFF086  }
0x25: {  	[simem:s6], [sflag:s4] =	dma.local [hbm:s3], $0xF7A  }
0x26: {  	[smem:$0x3FA0] =	sst s1;
	(tag) =	ssettag s2;
	_ =	strace s9  }
0x27: {  	s1 =	sld [smem:$0x3FB0]  }
0x28: {  	s2 =	sld [smem:$0x3FB1]  }
0x29: {  	s4 =	sld [smem:$0x3FB3]  }
0x2a: {  	p0 =	seq.s32 s5, $0x0;
	s5 =	sld [smem:$0x3FB4]  }
0x2b: {  	s6 =	sld [smem:$0x3FB5]  }
0x2c: {  	s7 =	sld [smem:$0x3FB6]  }
0x2d: {  	s3 =	simm.s32 $0x108;
	s8 =	sld [smem:$0x3FB7]  }
0x2e: {  	s3 =	simm.s32 @!p0 $0x1082;
	s9 =	sld [smem:$0x3FB8]  }
0x2f: {  	lr =	sadd.s32 s0, s3;
	s0 =	sld [smem:$0x3FAF]  }
0x30: {  	s3 =	sld [smem:$0x3FB2]  }
0x31: {  	[smem:$0x3FBB] =	sst s10  }
0x32: {  	s10 =	sld [smem:$0x3FB9];
	_ =	sdelay $0x3  }
0x33: {  	p0 =	seq.s32 s10, $0x1;
	s10 =	sld [smem:$0x3FBB];
	_ =	sdelay $0x3  }
0x34: {  	[smem:$0x3FBB] =	sst s10  }
0x35: {  	s10 =	sld [smem:$0x3FBA];
	_ =	sdelay $0x3  }
0x36: {  	p1 =	seq.s32 s10, $0x1;
	s10 =	sld [smem:$0x3FBB];
	_ =	sdelay $0x3  }
0x37: {  	[smem:$0x3FBB] =	sst s10  }
0x38: {  	s10 =	sld [smem:$0x3FBC]  }
0x39: {  	_ = 	snop;
	(pc) =	sbr.ind lr, $3  }
0x3a: {  	_ = 	snop  }
0x3b: {  	_ = 	snop  }
0x3c: {  	p2 =	seq.s32 s10, $0x1;
	s10 =	sld [smem:$0x3FBB]  }
0x3d: {  	_ =	shalt  }
0x3e: {  	_ =	shalt  }
0x3f: {  	_ =	shalt  }
0x40: {  	_ =	shalt  }
0x41: {  	_ =	shalt  }
0x42: {  	_ =	shalt  }
0x43: {  	_ =	shalt  }
0x44: {  	_ =	shalt  }
0x45: {  	_ =	shalt  }
0x46: {  	_ =	shalt  }
0x47: {  	_ =	shalt  }
0x48: {  	_ =	shalt  }
0x49: {  	_ =	shalt  }
0x4a: {  	_ =	shalt  }
0x4b: {  	_ =	shalt  }
0x4c: {  	_ =	shalt  }
0x4d: {  	_ =	shalt  }
0x4e: {  	_ =	shalt  }
0x4f: {  	_ =	shalt  }
0x50: {  	_ =	shalt  }
0x51: {  	_ =	shalt  }
0x52: {  	_ =	shalt  }
0x53: {  	_ =	shalt  }
0x54: {  	_ =	shalt  }
0x55: {  	_ =	shalt  }
0x56: {  	_ =	shalt  }
0x57: {  	_ =	shalt  }
0x58: {  	_ =	shalt  }
0x59: {  	_ =	shalt  }
0x5a: {  	_ =	shalt  }
0x5b: {  	_ =	shalt  }
0x5c: {  	_ =	shalt  }
0x5d: {  	_ =	shalt  }
0x5e: {  	_ =	shalt  }
0x5f: {  	_ =	shalt  }
0x60: {  	_ =	shalt  }
0x61: {  	_ =	shalt  }
0x62: {  	_ =	shalt  }
0x63: {  	_ =	shalt  }
0x64: {  	_ =	shalt  }
0x65: {  	_ =	shalt  }
0x66: {  	_ =	shalt  }
0x67: {  	_ =	shalt  }
0x68: {  	_ =	shalt  }
0x69: {  	_ =	shalt  }
0x6a: {  	_ =	shalt  }
0x6b: {  	_ =	shalt  }
0x6c: {  	_ =	shalt  }
0x6d: {  	_ =	shalt  }
0x6e: {  	_ =	shalt  }
0x6f: {  	_ =	shalt  }
0x70: {  	_ =	shalt  }
0x71: {  	_ =	shalt  }
0x72: {  	_ =	shalt  }
0x73: {  	_ =	shalt  }
0x74: {  	_ =	shalt  }
0x75: {  	_ =	shalt  }
0x76: {  	_ =	shalt  }
0x77: {  	_ =	shalt  }
0x78: {  	_ =	shalt  }
0x79: {  	_ =	shalt  }
0x7a: {  	_ =	shalt  }
0x7b: {  	_ =	shalt  }
0x7c: {  	_ =	shalt  }
0x7d: {  	_ =	shalt  }
0x7e: {  	_ =	shalt  }
0x7f: {  	_ =	shalt  }
0x80: {  	_ =	shalt  }
0x81: {  	_ =	shalt  }
0x82: {  	_ =	shalt  }
0x83: {  	_ =	shalt  }
0x84: {  	_ =	shalt  }
0x85: {  	_ =	shalt  }
0x86: {  	_ =	shalt  }
0x87: {  	_ =	shalt  }
.Lfunc_end0:
.L_simem_size_0:
called_computation_lowered:
.L_overlay_start_0:
0x88: {  	s2 =	sld [smem:$0x3FD9]  }
0x89: {  	s3 =	sld [smem:$0x3FFE];
	_ =	sdelay $0x1  }
0x8a: {  	s1 =	srdreg.scid  }
0x8b: {  	s0 =	sand.u32 $0x1, s1  }
0x8c: {  	s17 =	sshll.u32 s0, $0xA;
	s2 =	sadd.s32 s3, s2  }
0x8d: {  	s2 =	sadd.s32 s2, s17  }
0x8e: {  	[smem:$0x3FC7] =	sst s2  }
0x8f: {  	_ = 	snop  }
0x90: {  	s2 =	sld [smem:$0x3FD0];
	(tm) =	ssettm $0x1  }
0x91: {  	s18 =	sld [smem:$0x3FFB];
	_ =	sdelay $0x3  }
0x92: {  	_ =	strace s18  }
0x93: {  	s3 =	sld [smem:$0x3FFC];
	_ =	sdelay $0x3  }
0x94: {  	_ =	strace s3  }
0x95: {  	s3 =	sld [smem:$0x3FFD];
	_ =	sdelay $0x3  }
0x96: {  	_ =	strace s3  }
0x97: {  	_ =	strace $0x8FFFFFFF  }
0x98: {  	s19 =	sld [smem:$0x3FDB];
	_ =	sdelay $0x1  }
0x99: {  	s4 =	simm.s32 $_scs_section_size  }
0x9a: {  	s5 =	simm.s32 $_size__tile_overlayer_lowered;
	s6 =	simm.s32 $_tile_overlayer_lowered  }
0x9b: {  	s22 =	simm.s32 $0x1BFF;
	s21 =	sshll.u32 s6, $0x1;
	s3 =	sadd.s32 s4, s19  }
0x9c: {  	s7 =	simm.s32 $0x0;
	s20 =	sshll.u32 s5, $0x1;
	s5 =	sadd.s32 s21, s3  }
0x9d: {  	[timem:s7], [sflag:s22] =	dma.local [hbm:s5], s20  }
0x9e: {  	_ =	swait.ge [sflag:s22], s20  }
0x9f: {  	s4 =	ssub.s32 $0x0, s20;
	[sflag:s22] =	ssyncset.done $0x0  }
0xa0: {  	[sflag:s22] =	ssyncadd.s32 s4;
	_ =	sdelay $0x1  }
0xa1: {  	s23 =	simm.s32 $0x1B8B  }
0xa2: {  	_ =	swait.ge [sflag:s23], $0x1  }
0xa3: {  	[sflag:s23] =	ssyncset.done $0x0  }
0xa4: {  	s25 =	simm.s32 $0x1B8E;
	s24 =	sld [smem:$0x3FFE];
	[sflag:s23] =	ssyncadd.s32 $0xFFFFFFFF  }
0xa5: {  	s26 =	simm.s32 $execute0_lowered;
	[smem:$0x3FD2] =	sst s25  }
0xa6: {  	s5 =	sshll.u32 s26, $0x1;
	_ =	strace $0x80000046;
	[dreg:$0x1] =	wrdreg $0xFFFFFFFF  }
0xa7: {  	s28 =	simm.s32 $_size_execute0_lowered;
	s3 =	sadd.s32 s3, s5;
	[dreg:$0x0] =	wrdreg $0x0  }
0xa8: {  	s5 =	sshll.u32 s28, $0x1;
	[dreg:$0x2] =	wrdreg s3  }
0xa9: {  	[dreg:$0x3] =	wrdreg s5  }
0xaa: {  	[dreg:$0x4] =	wrdreg $0xC0  }
0xab: {  	_ =	task [dreg:s7], $0x5FFFF  }
0xac: {  	[dreg:$0x1] =	wrdreg $0xFFFFFFFF  }
0xad: {  	[dreg:$0x0] =	wrdreg $0x60  }
0xae: {  	[dreg:$0x2] =	wrdreg s24  }
0xaf: {  	[dreg:$0x3] =	wrdreg s2  }
0xb0: {  	[dreg:$0x4] =	wrdreg $0x9  }
0xb1: {  	_ =	task.clear_ibuf [dreg:s7], $0x5FFFF;
	_ =	strace $0x90000046  }
0xb2: {  	s29 =	simm.s32 $0x9;
	_ =	strace $0x80000048  }
0xb3: {  	_ =	swait.ge [sflag:s29], $0x1  }
0xb4: {  	[sflag:s29] =	ssyncadd.s32 $0xFFFFFFFF  }
0xb5: {  	_ =	strace $0x90000048  }
0xb6: {  	_ =	sfence  }
0xb7: {  	s30 =	sld [smem:$0x0];
	_ =	sdelay $0x2  }
0xb8: {  	s31 =	sshll.u32 s1, $0xD;
	s1 =	sshrl.u32 s1, $0x2  }
0xb9: {  	s3 =	sand.u32 $0x4000, s31;
	s1 =	sadd.s32 s1, s30  }
0xba: {  	s0 =	sor.u32 s3, s0;
	s1 =	sshll.u32 s1, $0x11  }
0xbb: {  	s0 =	sor.u32 s1, s0  }
0xbc: {  	s0 =	sadd.s32 $0x8F2B, s0  }
0xbd: {  	[sflag:s0] =	ssyncadd.remote.s32 $0x1  }
0xbe: {  	_ =	sfence.sel $0xFFFF  }
0xbf: {  	[dreg:$0x0] =	wrdreg $0xFFFFFFFF;
	(pc) =	sbr.abs _section_cstart, $3  }
0xc0: {  	[dreg:$0x1] =	wrdreg $0xFFFFFFFF  }
0xc1: {  	_ =	task.clear_ibuf [dreg:s7], $0x2FFFF;
	_ =	strace $0x9FFFFFFF  }
0xc2: {  	(tm) =	ssettm $0x7FFFFFFF  }
0xc3: {  	_ =	shalt  }
tec
execute0_lowered:
.L_overlay_start_1:
0x0: {  	(tag) =	ssettag $0x1  }
0x1: {  	s4 =	rddreg [dreg:$0x0]  }
0x2: {  	s1 =	rddreg [dreg:$0x1];
	s2 =	srdreg.scid  }
0x3: {  	s0 =	rddreg [dreg:$0x2];
	s3 =	simm.s32 $0x0;
	s10 =	simm.s32 $0x20000  }
0x4: {  	s11 =	simm.s32 $0x6400;
	s12 =	simm.s32 $0x8400;
	s13 =	simm.s32 $0xA400  }
0x5: {  	s14 =	simm.s32 $0xC400;
	s15 =	simm.s32 $0xE400;
	s16 =	simm.s32 $0x1  }
0x6: {  	s17 =	simm.s32 $0x0;
	s6 =	sand.u32 $0x1, s2;
	[smem:$0x7FF] =	sst s3  }
0x7: {  	s2 =	stileid.u32;
	s4 =	sadd.s32 $0x400, s4;
	s5 =	ssub.s32 $0x2, s6  }
0x8: {  	_ =	strace $0x80000047;
	s8 =	sshll.u32 s2, $0x1;
	s31 =	sshll.u32 s2, $0xD  }
0x9: {  	s9 =	sshll.u32 s6, $0xC;
	s7 =	sshrl.u32 s5, $0x1;
	s30 =	sor.u32 s6, s8  }
0xa: {  	s8 =	simm.s32 $0x2;
	s7 =	ssub.s32 s5, s7;
	s5 =	smul.u32 $0x5, s30  }
0xb: {  	s6 =	smax.u32 s7, $0x1;
	s7 =	sor.u32 s9, s31;
	s9 =	simm.s32 $0x1000  }
.LBB2_1:
0xc: {  	[tilespmem:s3], [sflag:$0x2] =	stream.linear.gather [hbm4b:s4+s3], $0x6400, $0x38;
	[tilespmem:$0x10400] =	vst v63  }
0xd: {  	_ =	swait.ge [sflag:s8], $0x6400  }
0xe: {  	[sflag:s8] =	ssyncset.done $0x0  }
0xf: {  	s18 =	simm.s32 $0x0;
	[sflag:s8] =	ssyncadd.s32 $0xFFFF9C00  }
.LBB2_2:
0x10: {  	s20 =	sadd.s32 s5, s18  }
0x11: {  	s19 =	sshrl.u32 s20, $0x2  }
0x12: {  	s22 =	smul.u32 $0x5, s19;
	_ =	sdelay $0x1  }
0x13: {  	s21 =	sadd.s32 $0x0, s22  }
0x14: {  	s20 =	sshll.u32 s20, $0x4;
	s21 =	sshll.u32 s21, $0x9  }
0x15: {  	s20 =	sand.u32 $0x30, s20;
	s21 =	sshra.s32 s21, $0x2  }
0x16: {  	s21 =	sor.u32 s21, s20  }
0x17: {  	v0 =	vld [tilespmem:s21+$0x0];
	_ =	sdelay $0x4  }
0x18: {  	v0 =	vmax.f32 v0, $0.0e+00  }
0x19: {  	s31 =	simm.s32 $0x0;
	v14 =	vbroadcast v0, $0x0;
	v15 =	vbroadcast v0, $0xF  }
0x1a: {  	s21 =	sand.u32 $0x3FFFE000, s31;
	v13 =	vbroadcast v0, $0x1;
	v12 =	vbroadcast v0, $0x2  }
0x1b: {  	v11 =	vbroadcast v0, $0x3;
	v9 =	vbroadcast v0, $0x4;
	[tilespmem:s21+$0x6400] =	vst v14  }
0x1c: {  	s23 =	simm.s32 $0x1;
	v7 =	vbroadcast v0, $0x5;
	v4 =	vbroadcast v0, $0x6;
	[tilespmem:s21+$0x6410] =	vst v14  }
.LBB2_3:
0x1d: {  	p0 =	seq.s32 s23, $0x4;
	[tilespmem:s21+$0x6420] =	vst v14;
	v10 =	vbroadcast v0, $0x7;
	v8 =	vbroadcast v0, $0x8  }
0x1e: {  	v6 =	vbroadcast v0, $0x9;
	v5 =	vbroadcast v0, $0xA;
	[tilespmem:s21+$0x6430] =	vst v14  }
0x1f: {  	v3 =	vbroadcast v0, $0xB;
	v2 =	vbroadcast v0, $0xC;
	[tilespmem:s21+$0x6440] =	vst v14  }
0x20: {  	v1 =	vbroadcast v0, $0xD;
	[tilespmem:s21+$0x6450] =	vst v14  }
0x21: {  	[tilespmem:s21+$0x6460] =	vst v14  }
0x22: {  	[tilespmem:s21+$0x6470] =	vst v14  }
0x23: {  	[tilespmem:s21+$0x6800] =	vst v14  }
0x24: {  	[tilespmem:s21+$0x6810] =	vst v14  }
0x25: {  	[tilespmem:s21+$0x6820] =	vst v14  }
0x26: {  	v0 =	vbroadcast v0, $0xE;
	[tilespmem:s21+$0x6830] =	vst v14  }
0x27: {  	[tilespmem:s21+$0x6840] =	vst v14  }
0x28: {  	[tilespmem:s21+$0x8310] =	vst v0  }
0x29: {  	[tilespmem:s21+$0x8320] =	vst v0  }
0x2a: {  	[tilespmem:s21+$0x8330] =	vst v0  }
0x2b: {  	[tilespmem:s21+$0x8340] =	vst v0  }
0x2c: {  	[tilespmem:s21+$0x8350] =	vst v0  }
0x2d: {  	[tilespmem:s21+$0x8360] =	vst v0  }
0x2e: {  	[tilespmem:s21+$0x8370] =	vst v0  }
0x2f: {  	[tilespmem:s21+$0x7780] =	vst v15  }
0x30: {  	[tilespmem:s21+$0x7790] =	vst v15  }
0x31: {  	[tilespmem:s21+$0x77A0] =	vst v15  }
0x32: {  	[tilespmem:s21+$0x77B0] =	vst v15  }
0x33: {  	[tilespmem:s21+$0x77C0] =	vst v15  }
0x34: {  	[tilespmem:s21+$0x77D0] =	vst v15  }
0x35: {  	[tilespmem:s21+$0x77E0] =	vst v15  }
0x36: {  	[tilespmem:s21+$0x77F0] =	vst v15  }
0x37: {  	[tilespmem:s21+$0x7B80] =	vst v15  }
0x38: {  	[tilespmem:s21+$0x7B90] =	vst v15  }
0x39: {  	[tilespmem:s21+$0x7BA0] =	vst v15  }
0x3a: {  	[tilespmem:s21+$0x7BB0] =	vst v15  }
0x3b: {  	[tilespmem:s21+$0x7BC0] =	vst v15  }
0x3c: {  	[tilespmem:s21+$0x7BD0] =	vst v15  }
0x3d: {  	[tilespmem:s21+$0x7BE0] =	vst v15  }
0x3e: {  	[tilespmem:s21+$0x7BF0] =	vst v15  }
0x3f: {  	[tilespmem:s21+$0x7F80] =	vst v15  }
0x40: {  	[tilespmem:s21+$0x7F90] =	vst v15  }
0x41: {  	[tilespmem:s21+$0x7FA0] =	vst v15  }
0x42: {  	[tilespmem:s21+$0x7FB0] =	vst v15  }
0x43: {  	[tilespmem:s21+$0x7FC0] =	vst v15  }
0x44: {  	[tilespmem:s21+$0x7FD0] =	vst v15  }
0x45: {  	[tilespmem:s21+$0x7FE0] =	vst v15  }
0x46: {  	[tilespmem:s21+$0x7FF0] =	vst v15  }
0x47: {  	[tilespmem:s21+$0x8380] =	vst v15  }
0x48: {  	[tilespmem:s21+$0x8390] =	vst v15  }
0x49: {  	[tilespmem:s21+$0x83A0] =	vst v15  }
0x4a: {  	[tilespmem:s21+$0x83B0] =	vst v15  }
0x4b: {  	[tilespmem:s21+$0x83C0] =	vst v15  }
0x4c: {  	[tilespmem:s21+$0x83D0] =	vst v15  }
0x4d: {  	[tilespmem:s21+$0x83E0] =	vst v15  }
0x4e: {  	[tilespmem:s21+$0x83F0] =	vst v15  }
0x4f: {  	[tilespmem:s21+$0x8300] =	vst v0  }
0x50: {  	[tilespmem:s21+$0x6850] =	vst v14  }
0x51: {  	[tilespmem:s21+$0x6860] =	vst v14  }
0x52: {  	[tilespmem:s21+$0x6870] =	vst v14  }
0x53: {  	[tilespmem:s21+$0x6C00] =	vst v14  }
0x54: {  	[tilespmem:s21+$0x6C10] =	vst v14  }
0x55: {  	[tilespmem:s21+$0x6C20] =	vst v14  }
0x56: {  	[tilespmem:s21+$0x6C30] =	vst v14  }
0x57: {  	[tilespmem:s21+$0x6C40] =	vst v14  }
0x58: {  	[tilespmem:s21+$0x6C50] =	vst v14  }
0x59: {  	[tilespmem:s21+$0x6C60] =	vst v14  }
0x5a: {  	[tilespmem:s21+$0x6C70] =	vst v14  }
0x5b: {  	[tilespmem:s21+$0x7000] =	vst v14  }
0x5c: {  	[tilespmem:s21+$0x7010] =	vst v14  }
0x5d: {  	[tilespmem:s21+$0x7020] =	vst v14  }
0x5e: {  	[tilespmem:s21+$0x7030] =	vst v14  }
0x5f: {  	[tilespmem:s21+$0x7040] =	vst v14  }
0x60: {  	[tilespmem:s21+$0x7050] =	vst v14  }
0x61: {  	[tilespmem:s21+$0x7060] =	vst v14  }
0x62: {  	[tilespmem:s21+$0x7070] =	vst v14  }
0x63: {  	[tilespmem:s21+$0x6480] =	vst v13  }
0x64: {  	[tilespmem:s21+$0x6490] =	vst v13  }
0x65: {  	[tilespmem:s21+$0x64A0] =	vst v13  }
0x66: {  	[tilespmem:s21+$0x64B0] =	vst v13  }
0x67: {  	[tilespmem:s21+$0x64C0] =	vst v13  }
0x68: {  	[tilespmem:s21+$0x64D0] =	vst v13  }
0x69: {  	[tilespmem:s21+$0x64E0] =	vst v13  }
0x6a: {  	[tilespmem:s21+$0x64F0] =	vst v13  }
0x6b: {  	[tilespmem:s21+$0x6880] =	vst v13  }
0x6c: {  	[tilespmem:s21+$0x6890] =	vst v13  }
0x6d: {  	[tilespmem:s21+$0x68A0] =	vst v13  }
0x6e: {  	[tilespmem:s21+$0x68B0] =	vst v13  }
0x6f: {  	[tilespmem:s21+$0x68C0] =	vst v13  }
0x70: {  	[tilespmem:s21+$0x68D0] =	vst v13  }
0x71: {  	[tilespmem:s21+$0x68E0] =	vst v13  }
0x72: {  	[tilespmem:s21+$0x68F0] =	vst v13  }
0x73: {  	[tilespmem:s21+$0x6C80] =	vst v13  }
0x74: {  	[tilespmem:s21+$0x6C90] =	vst v13  }
0x75: {  	[tilespmem:s21+$0x6CA0] =	vst v13  }
0x76: {  	[tilespmem:s21+$0x6CB0] =	vst v13  }
0x77: {  	[tilespmem:s21+$0x6CC0] =	vst v13  }
0x78: {  	[tilespmem:s21+$0x6CD0] =	vst v13  }
0x79: {  	[tilespmem:s21+$0x6CE0] =	vst v13  }
0x7a: {  	[tilespmem:s21+$0x6CF0] =	vst v13  }
0x7b: {  	[tilespmem:s21+$0x7080] =	vst v13  }
0x7c: {  	[tilespmem:s21+$0x7090] =	vst v13  }
0x7d: {  	[tilespmem:s21+$0x70A0] =	vst v13  }
0x7e: {  	[tilespmem:s21+$0x70B0] =	vst v13  }
0x7f: {  	[tilespmem:s21+$0x70C0] =	vst v13  }
0x80: {  	[tilespmem:s21+$0x70D0] =	vst v13  }
0x81: {  	[tilespmem:s21+$0x70E0] =	vst v13  }
0x82: {  	[tilespmem:s21+$0x70F0] =	vst v13  }
0x83: {  	[tilespmem:s21+$0x6500] =	vst v12  }
0x84: {  	[tilespmem:s21+$0x6510] =	vst v12  }
0x85: {  	[tilespmem:s21+$0x6520] =	vst v12  }
0x86: {  	[tilespmem:s21+$0x6530] =	vst v12  }
0x87: {  	[tilespmem:s21+$0x6540] =	vst v12  }
0x88: {  	[tilespmem:s21+$0x6550] =	vst v12  }
0x89: {  	[tilespmem:s21+$0x6560] =	vst v12  }
0x8a: {  	[tilespmem:s21+$0x6570] =	vst v12  }
0x8b: {  	[tilespmem:s21+$0x6900] =	vst v12  }
0x8c: {  	[tilespmem:s21+$0x6910] =	vst v12  }
0x8d: {  	[tilespmem:s21+$0x6920] =	vst v12  }
0x8e: {  	[tilespmem:s21+$0x6930] =	vst v12  }
0x8f: {  	[tilespmem:s21+$0x6940] =	vst v12  }
0x90: {  	[tilespmem:s21+$0x6950] =	vst v12  }
0x91: {  	[tilespmem:s21+$0x6960] =	vst v12  }
0x92: {  	[tilespmem:s21+$0x6970] =	vst v12  }
0x93: {  	[tilespmem:s21+$0x6D00] =	vst v12  }
0x94: {  	[tilespmem:s21+$0x6D10] =	vst v12  }
0x95: {  	[tilespmem:s21+$0x6D20] =	vst v12  }
0x96: {  	[tilespmem:s21+$0x6D30] =	vst v12  }
0x97: {  	[tilespmem:s21+$0x6D40] =	vst v12  }
0x98: {  	[tilespmem:s21+$0x6D50] =	vst v12  }
0x99: {  	[tilespmem:s21+$0x6D60] =	vst v12  }
0x9a: {  	[tilespmem:s21+$0x6D70] =	vst v12  }
0x9b: {  	[tilespmem:s21+$0x7100] =	vst v12  }
0x9c: {  	[tilespmem:s21+$0x7110] =	vst v12  }
0x9d: {  	[tilespmem:s21+$0x7120] =	vst v12  }
0x9e: {  	[tilespmem:s21+$0x7130] =	vst v12  }
0x9f: {  	[tilespmem:s21+$0x7140] =	vst v12  }
0xa0: {  	[tilespmem:s21+$0x7150] =	vst v12  }
0xa1: {  	[tilespmem:s21+$0x7160] =	vst v12  }
0xa2: {  	[tilespmem:s21+$0x7170] =	vst v12  }
0xa3: {  	[tilespmem:s21+$0x6580] =	vst v11  }
0xa4: {  	[tilespmem:s21+$0x6590] =	vst v11  }
0xa5: {  	[tilespmem:s21+$0x65A0] =	vst v11  }
0xa6: {  	[tilespmem:s21+$0x65B0] =	vst v11  }
0xa7: {  	[tilespmem:s21+$0x65C0] =	vst v11  }
0xa8: {  	[tilespmem:s21+$0x65D0] =	vst v11  }
0xa9: {  	[tilespmem:s21+$0x65E0] =	vst v11  }
0xaa: {  	[tilespmem:s21+$0x65F0] =	vst v11  }
0xab: {  	[tilespmem:s21+$0x6980] =	vst v11  }
0xac: {  	[tilespmem:s21+$0x6990] =	vst v11  }
0xad: {  	[tilespmem:s21+$0x69A0] =	vst v11  }
0xae: {  	[tilespmem:s21+$0x69B0] =	vst v11  }
0xaf: {  	[tilespmem:s21+$0x69C0] =	vst v11  }
0xb0: {  	[tilespmem:s21+$0x69D0] =	vst v11  }
0xb1: {  	[tilespmem:s21+$0x69E0] =	vst v11  }
0xb2: {  	[tilespmem:s21+$0x69F0] =	vst v11  }
0xb3: {  	[tilespmem:s21+$0x6D80] =	vst v11  }
0xb4: {  	[tilespmem:s21+$0x6D90] =	vst v11  }
0xb5: {  	[tilespmem:s21+$0x6DA0] =	vst v11  }
0xb6: {  	[tilespmem:s21+$0x6DB0] =	vst v11  }
0xb7: {  	[tilespmem:s21+$0x6DC0] =	vst v11  }
0xb8: {  	[tilespmem:s21+$0x6DD0] =	vst v11  }
0xb9: {  	[tilespmem:s21+$0x6DE0] =	vst v11  }
0xba: {  	[tilespmem:s21+$0x6DF0] =	vst v11  }
0xbb: {  	[tilespmem:s21+$0x7180] =	vst v11  }
0xbc: {  	[tilespmem:s21+$0x7190] =	vst v11  }
0xbd: {  	[tilespmem:s21+$0x71A0] =	vst v11  }
0xbe: {  	[tilespmem:s21+$0x71B0] =	vst v11  }
0xbf: {  	[tilespmem:s21+$0x71C0] =	vst v11  }
0xc0: {  	[tilespmem:s21+$0x71D0] =	vst v11  }
0xc1: {  	[tilespmem:s21+$0x71E0] =	vst v11  }
0xc2: {  	[tilespmem:s21+$0x71F0] =	vst v11  }
0xc3: {  	[tilespmem:s21+$0x6600] =	vst v9  }
0xc4: {  	[tilespmem:s21+$0x6610] =	vst v9  }
0xc5: {  	[tilespmem:s21+$0x6620] =	vst v9  }
0xc6: {  	[tilespmem:s21+$0x6630] =	vst v9  }
0xc7: {  	[tilespmem:s21+$0x6640] =	vst v9  }
0xc8: {  	[tilespmem:s21+$0x6650] =	vst v9  }
0xc9: {  	[tilespmem:s21+$0x6660] =	vst v9  }
0xca: {  	[tilespmem:s21+$0x6670] =	vst v9  }
0xcb: {  	[tilespmem:s21+$0x6A00] =	vst v9  }
0xcc: {  	[tilespmem:s21+$0x6A10] =	vst v9  }
0xcd: {  	[tilespmem:s21+$0x6A20] =	vst v9  }
0xce: {  	[tilespmem:s21+$0x6A30] =	vst v9  }
0xcf: {  	[tilespmem:s21+$0x6A40] =	vst v9  }
0xd0: {  	[tilespmem:s21+$0x6A50] =	vst v9  }
0xd1: {  	[tilespmem:s21+$0x6A60] =	vst v9  }
0xd2: {  	[tilespmem:s21+$0x6A70] =	vst v9  }
0xd3: {  	[tilespmem:s21+$0x6E00] =	vst v9  }
0xd4: {  	[tilespmem:s21+$0x6E10] =	vst v9  }
0xd5: {  	[tilespmem:s21+$0x6E20] =	vst v9  }
0xd6: {  	[tilespmem:s21+$0x6E30] =	vst v9  }
0xd7: {  	[tilespmem:s21+$0x6E40] =	vst v9  }
0xd8: {  	[tilespmem:s21+$0x6E50] =	vst v9  }
0xd9: {  	[tilespmem:s21+$0x6E60] =	vst v9  }
0xda: {  	[tilespmem:s21+$0x6E70] =	vst v9  }
0xdb: {  	[tilespmem:s21+$0x7200] =	vst v9  }
0xdc: {  	[tilespmem:s21+$0x7210] =	vst v9  }
0xdd: {  	[tilespmem:s21+$0x7220] =	vst v9  }
0xde: {  	[tilespmem:s21+$0x7230] =	vst v9  }
0xdf: {  	[tilespmem:s21+$0x7240] =	vst v9  }
0xe0: {  	[tilespmem:s21+$0x7250] =	vst v9  }
0xe1: {  	[tilespmem:s21+$0x7260] =	vst v9  }
0xe2: {  	[tilespmem:s21+$0x7270] =	vst v9  }
0xe3: {  	[tilespmem:s21+$0x6680] =	vst v7  }
0xe4: {  	[tilespmem:s21+$0x6690] =	vst v7  }
0xe5: {  	[tilespmem:s21+$0x66A0] =	vst v7  }
0xe6: {  	[tilespmem:s21+$0x66B0] =	vst v7  }
0xe7: {  	[tilespmem:s21+$0x66C0] =	vst v7  }
0xe8: {  	[tilespmem:s21+$0x66D0] =	vst v7  }
0xe9: {  	[tilespmem:s21+$0x66E0] =	vst v7  }
0xea: {  	[tilespmem:s21+$0x66F0] =	vst v7  }
0xeb: {  	[tilespmem:s21+$0x6A80] =	vst v7  }
0xec: {  	[tilespmem:s21+$0x6A90] =	vst v7  }
0xed: {  	[tilespmem:s21+$0x6AA0] =	vst v7  }
0xee: {  	[tilespmem:s21+$0x6AB0] =	vst v7  }
0xef: {  	[tilespmem:s21+$0x6AC0] =	vst v7  }
0xf0: {  	[tilespmem:s21+$0x6AD0] =	vst v7  }
0xf1: {  	[tilespmem:s21+$0x6AE0] =	vst v7  }
0xf2: {  	[tilespmem:s21+$0x6AF0] =	vst v7  }
0xf3: {  	[tilespmem:s21+$0x6E80] =	vst v7  }
0xf4: {  	[tilespmem:s21+$0x6E90] =	vst v7  }
0xf5: {  	[tilespmem:s21+$0x6EA0] =	vst v7  }
0xf6: {  	[tilespmem:s21+$0x6EB0] =	vst v7  }
0xf7: {  	[tilespmem:s21+$0x6EC0] =	vst v7  }
0xf8: {  	[tilespmem:s21+$0x6ED0] =	vst v7  }
0xf9: {  	[tilespmem:s21+$0x6EE0] =	vst v7  }
0xfa: {  	[tilespmem:s21+$0x6EF0] =	vst v7  }
0xfb: {  	[tilespmem:s21+$0x7280] =	vst v7  }
0xfc: {  	[tilespmem:s21+$0x7290] =	vst v7  }
0xfd: {  	[tilespmem:s21+$0x72A0] =	vst v7  }
0xfe: {  	[tilespmem:s21+$0x72B0] =	vst v7  }
0xff: {  	[tilespmem:s21+$0x72C0] =	vst v7  }
0x100: {  	[tilespmem:s21+$0x72D0] =	vst v7  }
0x101: {  	[tilespmem:s21+$0x72E0] =	vst v7  }
0x102: {  	[tilespmem:s21+$0x72F0] =	vst v7  }
0x103: {  	[tilespmem:s21+$0x6700] =	vst v4  }
0x104: {  	[tilespmem:s21+$0x6710] =	vst v4  }
0x105: {  	[tilespmem:s21+$0x6720] =	vst v4  }
0x106: {  	[tilespmem:s21+$0x6730] =	vst v4  }
0x107: {  	[tilespmem:s21+$0x6740] =	vst v4  }
0x108: {  	[tilespmem:s21+$0x6750] =	vst v4  }
0x109: {  	[tilespmem:s21+$0x6760] =	vst v4  }
0x10a: {  	[tilespmem:s21+$0x6770] =	vst v4  }
0x10b: {  	[tilespmem:s21+$0x6B00] =	vst v4  }
0x10c: {  	[tilespmem:s21+$0x6B10] =	vst v4  }
0x10d: {  	[tilespmem:s21+$0x6B20] =	vst v4  }
0x10e: {  	[tilespmem:s21+$0x6B30] =	vst v4  }
0x10f: {  	[tilespmem:s21+$0x6B40] =	vst v4  }
0x110: {  	[tilespmem:s21+$0x6B50] =	vst v4  }
0x111: {  	[tilespmem:s21+$0x6B60] =	vst v4  }
0x112: {  	[tilespmem:s21+$0x6B70] =	vst v4  }
0x113: {  	[tilespmem:s21+$0x6F00] =	vst v4  }
0x114: {  	[tilespmem:s21+$0x6F10] =	vst v4  }
0x115: {  	[tilespmem:s21+$0x6F20] =	vst v4  }
0x116: {  	[tilespmem:s21+$0x6F30] =	vst v4  }
0x117: {  	[tilespmem:s21+$0x6F40] =	vst v4  }
0x118: {  	[tilespmem:s21+$0x6F50] =	vst v4  }
0x119: {  	[tilespmem:s21+$0x6F60] =	vst v4  }
0x11a: {  	[tilespmem:s21+$0x6F70] =	vst v4  }
0x11b: {  	[tilespmem:s21+$0x7300] =	vst v4  }
0x11c: {  	[tilespmem:s21+$0x7310] =	vst v4  }
0x11d: {  	[tilespmem:s21+$0x7320] =	vst v4  }
0x11e: {  	[tilespmem:s21+$0x7330] =	vst v4  }
0x11f: {  	[tilespmem:s21+$0x7340] =	vst v4  }
0x120: {  	[tilespmem:s21+$0x7350] =	vst v4  }
0x121: {  	[tilespmem:s21+$0x7360] =	vst v4  }
0x122: {  	[tilespmem:s21+$0x7370] =	vst v4  }
0x123: {  	[tilespmem:s21+$0x6780] =	vst v10  }
0x124: {  	[tilespmem:s21+$0x6790] =	vst v10  }
0x125: {  	[tilespmem:s21+$0x67A0] =	vst v10  }
0x126: {  	[tilespmem:s21+$0x67B0] =	vst v10  }
0x127: {  	[tilespmem:s21+$0x67C0] =	vst v10  }
0x128: {  	[tilespmem:s21+$0x67D0] =	vst v10  }
0x129: {  	[tilespmem:s21+$0x67E0] =	vst v10  }
0x12a: {  	[tilespmem:s21+$0x67F0] =	vst v10  }
0x12b: {  	[tilespmem:s21+$0x6B80] =	vst v10  }
0x12c: {  	[tilespmem:s21+$0x6B90] =	vst v10  }
0x12d: {  	[tilespmem:s21+$0x6BA0] =	vst v10  }
0x12e: {  	[tilespmem:s21+$0x6BB0] =	vst v10  }
0x12f: {  	[tilespmem:s21+$0x6BC0] =	vst v10  }
0x130: {  	[tilespmem:s21+$0x6BD0] =	vst v10  }
0x131: {  	[tilespmem:s21+$0x6BE0] =	vst v10  }
0x132: {  	[tilespmem:s21+$0x6BF0] =	vst v10  }
0x133: {  	[tilespmem:s21+$0x6F80] =	vst v10  }
0x134: {  	[tilespmem:s21+$0x6F90] =	vst v10  }
0x135: {  	[tilespmem:s21+$0x6FA0] =	vst v10  }
0x136: {  	[tilespmem:s21+$0x6FB0] =	vst v10  }
0x137: {  	[tilespmem:s21+$0x6FC0] =	vst v10  }
0x138: {  	[tilespmem:s21+$0x6FD0] =	vst v10  }
0x139: {  	[tilespmem:s21+$0x6FE0] =	vst v10  }
0x13a: {  	[tilespmem:s21+$0x6FF0] =	vst v10  }
0x13b: {  	[tilespmem:s21+$0x7380] =	vst v10  }
0x13c: {  	[tilespmem:s21+$0x7390] =	vst v10  }
0x13d: {  	[tilespmem:s21+$0x73A0] =	vst v10  }
0x13e: {  	[tilespmem:s21+$0x73B0] =	vst v10  }
0x13f: {  	[tilespmem:s21+$0x73C0] =	vst v10  }
0x140: {  	[tilespmem:s21+$0x73D0] =	vst v10  }
0x141: {  	[tilespmem:s21+$0x73E0] =	vst v10  }
0x142: {  	[tilespmem:s21+$0x73F0] =	vst v10  }
0x143: {  	[tilespmem:s21+$0x7400] =	vst v8  }
0x144: {  	[tilespmem:s21+$0x7410] =	vst v8  }
0x145: {  	[tilespmem:s21+$0x7420] =	vst v8  }
0x146: {  	[tilespmem:s21+$0x7430] =	vst v8  }
0x147: {  	[tilespmem:s21+$0x7440] =	vst v8  }
0x148: {  	[tilespmem:s21+$0x7450] =	vst v8  }
0x149: {  	[tilespmem:s21+$0x7460] =	vst v8  }
0x14a: {  	[tilespmem:s21+$0x7470] =	vst v8  }
0x14b: {  	[tilespmem:s21+$0x7800] =	vst v8  }
0x14c: {  	[tilespmem:s21+$0x7810] =	vst v8  }
0x14d: {  	[tilespmem:s21+$0x7820] =	vst v8  }
0x14e: {  	[tilespmem:s21+$0x7830] =	vst v8  }
0x14f: {  	[tilespmem:s21+$0x7840] =	vst v8  }
0x150: {  	[tilespmem:s21+$0x7850] =	vst v8  }
0x151: {  	[tilespmem:s21+$0x7860] =	vst v8  }
0x152: {  	[tilespmem:s21+$0x7870] =	vst v8  }
0x153: {  	[tilespmem:s21+$0x7C00] =	vst v8  }
0x154: {  	[tilespmem:s21+$0x7C10] =	vst v8  }
0x155: {  	[tilespmem:s21+$0x7C20] =	vst v8  }
0x156: {  	[tilespmem:s21+$0x7C30] =	vst v8  }
0x157: {  	[tilespmem:s21+$0x7C40] =	vst v8  }
0x158: {  	[tilespmem:s21+$0x7C50] =	vst v8  }
0x159: {  	[tilespmem:s21+$0x7C60] =	vst v8  }
0x15a: {  	[tilespmem:s21+$0x7C70] =	vst v8  }
0x15b: {  	[tilespmem:s21+$0x8000] =	vst v8  }
0x15c: {  	[tilespmem:s21+$0x8010] =	vst v8  }
0x15d: {  	[tilespmem:s21+$0x8020] =	vst v8  }
0x15e: {  	[tilespmem:s21+$0x8030] =	vst v8  }
0x15f: {  	[tilespmem:s21+$0x8040] =	vst v8  }
0x160: {  	[tilespmem:s21+$0x8050] =	vst v8  }
0x161: {  	[tilespmem:s21+$0x8060] =	vst v8  }
0x162: {  	[tilespmem:s21+$0x8070] =	vst v8  }
0x163: {  	[tilespmem:s21+$0x7480] =	vst v6  }
0x164: {  	[tilespmem:s21+$0x7490] =	vst v6  }
0x165: {  	[tilespmem:s21+$0x74A0] =	vst v6  }
0x166: {  	[tilespmem:s21+$0x74B0] =	vst v6  }
0x167: {  	[tilespmem:s21+$0x74C0] =	vst v6  }
0x168: {  	[tilespmem:s21+$0x74D0] =	vst v6  }
0x169: {  	[tilespmem:s21+$0x74E0] =	vst v6  }
0x16a: {  	[tilespmem:s21+$0x74F0] =	vst v6  }
0x16b: {  	[tilespmem:s21+$0x7880] =	vst v6  }
0x16c: {  	[tilespmem:s21+$0x7890] =	vst v6  }
0x16d: {  	[tilespmem:s21+$0x78A0] =	vst v6  }
0x16e: {  	[tilespmem:s21+$0x78B0] =	vst v6  }
0x16f: {  	[tilespmem:s21+$0x78C0] =	vst v6  }
0x170: {  	[tilespmem:s21+$0x78D0] =	vst v6  }
0x171: {  	[tilespmem:s21+$0x78E0] =	vst v6  }
0x172: {  	[tilespmem:s21+$0x78F0] =	vst v6  }
0x173: {  	[tilespmem:s21+$0x7C80] =	vst v6  }
0x174: {  	[tilespmem:s21+$0x7C90] =	vst v6  }
0x175: {  	[tilespmem:s21+$0x7CA0] =	vst v6  }
0x176: {  	[tilespmem:s21+$0x7CB0] =	vst v6  }
0x177: {  	[tilespmem:s21+$0x7CC0] =	vst v6  }
0x178: {  	[tilespmem:s21+$0x7CD0] =	vst v6  }
0x179: {  	[tilespmem:s21+$0x7CE0] =	vst v6  }
0x17a: {  	[tilespmem:s21+$0x7CF0] =	vst v6  }
0x17b: {  	[tilespmem:s21+$0x8080] =	vst v6  }
0x17c: {  	[tilespmem:s21+$0x8090] =	vst v6  }
0x17d: {  	[tilespmem:s21+$0x80A0] =	vst v6  }
0x17e: {  	[tilespmem:s21+$0x80B0] =	vst v6  }
0x17f: {  	[tilespmem:s21+$0x80C0] =	vst v6  }
0x180: {  	[tilespmem:s21+$0x80D0] =	vst v6  }
0x181: {  	[tilespmem:s21+$0x80E0] =	vst v6  }
0x182: {  	[tilespmem:s21+$0x80F0] =	vst v6  }
0x183: {  	[tilespmem:s21+$0x7500] =	vst v5  }
0x184: {  	[tilespmem:s21+$0x7510] =	vst v5  }
0x185: {  	[tilespmem:s21+$0x7520] =	vst v5  }
0x186: {  	[tilespmem:s21+$0x7530] =	vst v5  }
0x187: {  	[tilespmem:s21+$0x7540] =	vst v5  }
0x188: {  	[tilespmem:s21+$0x7550] =	vst v5  }
0x189: {  	[tilespmem:s21+$0x7560] =	vst v5  }
0x18a: {  	[tilespmem:s21+$0x7570] =	vst v5  }
0x18b: {  	[tilespmem:s21+$0x7900] =	vst v5  }
0x18c: {  	[tilespmem:s21+$0x7910] =	vst v5  }
0x18d: {  	[tilespmem:s21+$0x7920] =	vst v5  }
0x18e: {  	[tilespmem:s21+$0x7930] =	vst v5  }
0x18f: {  	[tilespmem:s21+$0x7940] =	vst v5  }
0x190: {  	[tilespmem:s21+$0x7950] =	vst v5  }
0x191: {  	[tilespmem:s21+$0x7960] =	vst v5  }
0x192: {  	[tilespmem:s21+$0x7970] =	vst v5  }
0x193: {  	[tilespmem:s21+$0x7D00] =	vst v5  }
0x194: {  	[tilespmem:s21+$0x7D10] =	vst v5  }
0x195: {  	[tilespmem:s21+$0x7D20] =	vst v5  }
0x196: {  	[tilespmem:s21+$0x7D30] =	vst v5  }
0x197: {  	[tilespmem:s21+$0x7D40] =	vst v5  }
0x198: {  	[tilespmem:s21+$0x7D50] =	vst v5  }
0x199: {  	[tilespmem:s21+$0x7D60] =	vst v5  }
0x19a: {  	[tilespmem:s21+$0x7D70] =	vst v5  }
0x19b: {  	[tilespmem:s21+$0x8100] =	vst v5  }
0x19c: {  	[tilespmem:s21+$0x8110] =	vst v5  }
0x19d: {  	[tilespmem:s21+$0x8120] =	vst v5  }
0x19e: {  	[tilespmem:s21+$0x8130] =	vst v5  }
0x19f: {  	[tilespmem:s21+$0x8140] =	vst v5  }
0x1a0: {  	[tilespmem:s21+$0x8150] =	vst v5  }
0x1a1: {  	[tilespmem:s21+$0x8160] =	vst v5  }
0x1a2: {  	[tilespmem:s21+$0x8170] =	vst v5  }
0x1a3: {  	[tilespmem:s21+$0x7580] =	vst v3  }
0x1a4: {  	[tilespmem:s21+$0x7590] =	vst v3  }
0x1a5: {  	[tilespmem:s21+$0x75A0] =	vst v3  }
0x1a6: {  	[tilespmem:s21+$0x75B0] =	vst v3  }
0x1a7: {  	[tilespmem:s21+$0x75C0] =	vst v3  }
0x1a8: {  	[tilespmem:s21+$0x75D0] =	vst v3  }
0x1a9: {  	[tilespmem:s21+$0x75E0] =	vst v3  }
0x1aa: {  	[tilespmem:s21+$0x75F0] =	vst v3  }
0x1ab: {  	[tilespmem:s21+$0x7980] =	vst v3  }
0x1ac: {  	[tilespmem:s21+$0x7990] =	vst v3  }
0x1ad: {  	[tilespmem:s21+$0x79A0] =	vst v3  }
0x1ae: {  	[tilespmem:s21+$0x79B0] =	vst v3  }
0x1af: {  	[tilespmem:s21+$0x79C0] =	vst v3  }
0x1b0: {  	[tilespmem:s21+$0x79D0] =	vst v3  }
0x1b1: {  	[tilespmem:s21+$0x79E0] =	vst v3  }
0x1b2: {  	[tilespmem:s21+$0x79F0] =	vst v3  }
0x1b3: {  	[tilespmem:s21+$0x7D80] =	vst v3  }
0x1b4: {  	[tilespmem:s21+$0x7D90] =	vst v3  }
0x1b5: {  	[tilespmem:s21+$0x7DA0] =	vst v3  }
0x1b6: {  	[tilespmem:s21+$0x7DB0] =	vst v3  }
0x1b7: {  	[tilespmem:s21+$0x7DC0] =	vst v3  }
0x1b8: {  	[tilespmem:s21+$0x7DD0] =	vst v3  }
0x1b9: {  	[tilespmem:s21+$0x7DE0] =	vst v3  }
0x1ba: {  	[tilespmem:s21+$0x7DF0] =	vst v3  }
0x1bb: {  	[tilespmem:s21+$0x8180] =	vst v3  }
0x1bc: {  	[tilespmem:s21+$0x8190] =	vst v3  }
0x1bd: {  	[tilespmem:s21+$0x81A0] =	vst v3  }
0x1be: {  	[tilespmem:s21+$0x81B0] =	vst v3  }
0x1bf: {  	[tilespmem:s21+$0x81C0] =	vst v3  }
0x1c0: {  	[tilespmem:s21+$0x81D0] =	vst v3  }
0x1c1: {  	[tilespmem:s21+$0x81E0] =	vst v3  }
0x1c2: {  	[tilespmem:s21+$0x81F0] =	vst v3  }
0x1c3: {  	[tilespmem:s21+$0x7600] =	vst v2  }
0x1c4: {  	[tilespmem:s21+$0x7610] =	vst v2  }
0x1c5: {  	[tilespmem:s21+$0x7620] =	vst v2  }
0x1c6: {  	[tilespmem:s21+$0x7630] =	vst v2  }
0x1c7: {  	[tilespmem:s21+$0x7640] =	vst v2  }
0x1c8: {  	[tilespmem:s21+$0x7650] =	vst v2  }
0x1c9: {  	[tilespmem:s21+$0x7660] =	vst v2  }
0x1ca: {  	[tilespmem:s21+$0x7670] =	vst v2  }
0x1cb: {  	[tilespmem:s21+$0x7A00] =	vst v2  }
0x1cc: {  	[tilespmem:s21+$0x7A10] =	vst v2  }
0x1cd: {  	[tilespmem:s21+$0x7A20] =	vst v2  }
0x1ce: {  	[tilespmem:s21+$0x7A30] =	vst v2  }
0x1cf: {  	[tilespmem:s21+$0x7A40] =	vst v2  }
0x1d0: {  	[tilespmem:s21+$0x7A50] =	vst v2  }
0x1d1: {  	[tilespmem:s21+$0x7A60] =	vst v2  }
0x1d2: {  	[tilespmem:s21+$0x7A70] =	vst v2  }
0x1d3: {  	[tilespmem:s21+$0x7E00] =	vst v2  }
0x1d4: {  	[tilespmem:s21+$0x7E10] =	vst v2  }
0x1d5: {  	[tilespmem:s21+$0x7E20] =	vst v2  }
0x1d6: {  	[tilespmem:s21+$0x7E30] =	vst v2  }
0x1d7: {  	[tilespmem:s21+$0x7E40] =	vst v2  }
0x1d8: {  	[tilespmem:s21+$0x7E50] =	vst v2  }
0x1d9: {  	[tilespmem:s21+$0x7E60] =	vst v2  }
0x1da: {  	[tilespmem:s21+$0x7E70] =	vst v2  }
0x1db: {  	[tilespmem:s21+$0x8200] =	vst v2  }
0x1dc: {  	[tilespmem:s21+$0x8210] =	vst v2  }
0x1dd: {  	[tilespmem:s21+$0x8220] =	vst v2  }
0x1de: {  	[tilespmem:s21+$0x8230] =	vst v2  }
0x1df: {  	[tilespmem:s21+$0x8240] =	vst v2  }
0x1e0: {  	[tilespmem:s21+$0x8250] =	vst v2  }
0x1e1: {  	[tilespmem:s21+$0x8260] =	vst v2  }
0x1e2: {  	[tilespmem:s21+$0x8270] =	vst v2  }
0x1e3: {  	[tilespmem:s21+$0x7680] =	vst v1  }
0x1e4: {  	[tilespmem:s21+$0x7690] =	vst v1  }
0x1e5: {  	[tilespmem:s21+$0x76A0] =	vst v1  }
0x1e6: {  	[tilespmem:s21+$0x76B0] =	vst v1  }
0x1e7: {  	[tilespmem:s21+$0x76C0] =	vst v1  }
0x1e8: {  	[tilespmem:s21+$0x76D0] =	vst v1  }
0x1e9: {  	[tilespmem:s21+$0x76E0] =	vst v1  }
0x1ea: {  	[tilespmem:s21+$0x76F0] =	vst v1  }
0x1eb: {  	[tilespmem:s21+$0x7A80] =	vst v1  }
0x1ec: {  	[tilespmem:s21+$0x7A90] =	vst v1  }
0x1ed: {  	[tilespmem:s21+$0x7AA0] =	vst v1  }
0x1ee: {  	[tilespmem:s21+$0x7AB0] =	vst v1  }
0x1ef: {  	[tilespmem:s21+$0x7AC0] =	vst v1  }
0x1f0: {  	[tilespmem:s21+$0x7AD0] =	vst v1  }
0x1f1: {  	[tilespmem:s21+$0x7AE0] =	vst v1  }
0x1f2: {  	[tilespmem:s21+$0x7AF0] =	vst v1  }
0x1f3: {  	[tilespmem:s21+$0x7E80] =	vst v1  }
0x1f4: {  	[tilespmem:s21+$0x7E90] =	vst v1  }
0x1f5: {  	[tilespmem:s21+$0x7EA0] =	vst v1  }
0x1f6: {  	[tilespmem:s21+$0x7EB0] =	vst v1  }
0x1f7: {  	[tilespmem:s21+$0x7EC0] =	vst v1  }
0x1f8: {  	[tilespmem:s21+$0x7ED0] =	vst v1  }
0x1f9: {  	[tilespmem:s21+$0x7EE0] =	vst v1  }
0x1fa: {  	[tilespmem:s21+$0x7EF0] =	vst v1  }
0x1fb: {  	[tilespmem:s21+$0x8280] =	vst v1  }
0x1fc: {  	[tilespmem:s21+$0x8290] =	vst v1  }
0x1fd: {  	[tilespmem:s21+$0x82A0] =	vst v1  }
0x1fe: {  	[tilespmem:s21+$0x82B0] =	vst v1  }
0x1ff: {  	[tilespmem:s21+$0x82C0] =	vst v1  }
0x200: {  	[tilespmem:s21+$0x82D0] =	vst v1  }
0x201: {  	[tilespmem:s21+$0x82E0] =	vst v1  }
0x202: {  	[tilespmem:s21+$0x82F0] =	vst v1  }
0x203: {  	[tilespmem:s21+$0x7700] =	vst v0  }
0x204: {  	[tilespmem:s21+$0x7710] =	vst v0  }
0x205: {  	[tilespmem:s21+$0x7720] =	vst v0  }
0x206: {  	[tilespmem:s21+$0x7730] =	vst v0  }
0x207: {  	[tilespmem:s21+$0x7740] =	vst v0  }
0x208: {  	[tilespmem:s21+$0x7750] =	vst v0  }
0x209: {  	[tilespmem:s21+$0x7760] =	vst v0  }
0x20a: {  	[tilespmem:s21+$0x7770] =	vst v0  }
0x20b: {  	[tilespmem:s21+$0x7B00] =	vst v0  }
0x20c: {  	[tilespmem:s21+$0x7B10] =	vst v0  }
0x20d: {  	[tilespmem:s21+$0x7B20] =	vst v0  }
0x20e: {  	[tilespmem:s21+$0x7B30] =	vst v0  }
0x20f: {  	[tilespmem:s21+$0x7B40] =	vst v0  }
0x210: {  	[tilespmem:s21+$0x7B50] =	vst v0  }
0x211: {  	[tilespmem:s21+$0x7B60] =	vst v0  }
0x212: {  	[tilespmem:s21+$0x7B70] =	vst v0  }
0x213: {  	[tilespmem:s21+$0x7F00] =	vst v0  }
0x214: {  	[tilespmem:s21+$0x7F10] =	vst v0  }
0x215: {  	[tilespmem:s21+$0x7F20] =	vst v0  }
0x216: {  	[tilespmem:s21+$0x7F30] =	vst v0  }
0x217: {  	s24 =	sadd.s32 s22, s23;
	[tilespmem:s21+$0x7F40] =	vst v0  }
0x218: {  	s24 =	sshll.u32 s24, $0x9;
	[tilespmem:s21+$0x7F50] =	vst v0  }
0x219: {  	s24 =	sshra.s32 s24, $0x2;
	[tilespmem:s21+$0x7F60] =	vst v0  }
0x21a: {  	s24 =	sor.u32 s24, s20;
	[tilespmem:s21+$0x7F70] =	vst v0  }
0x21b: {  	v0 =	vld [tilespmem:s24+$0x0];
	_ =	sdelay $0x4  }
.Ltmp0:
0x21c: {  	v0 =	vmax.f32 v0, $0.0e+00;
	(pc) =	sbr.rel @!p0 .LBB2_3-.Ltmp0, $4  }
0x21d: {  	s21 =	sshll.u32 s23, $0xD;
	v14 =	vbroadcast v0, $0x0;
	v15 =	vbroadcast v0, $0xF  }
0x21e: {  	s21 =	sand.u32 $0x3FFFE000, s21;
	v13 =	vbroadcast v0, $0x1;
	v12 =	vbroadcast v0, $0x2  }
0x21f: {  	v11 =	vbroadcast v0, $0x3;
	v9 =	vbroadcast v0, $0x4;
	[tilespmem:s21+$0x6400] =	vst v14  }
0x220: {  	s23 =	sadd.s32 $0x1, s23;
	v7 =	vbroadcast v0, $0x5;
	v4 =	vbroadcast v0, $0x6;
	[tilespmem:s21+$0x6410] =	vst v14  }
0x221: {  	[tilespmem:s21+$0x6420] =	vst v14  }
0x222: {  	[tilespmem:s21+$0x6430] =	vst v14  }
0x223: {  	[tilespmem:s21+$0x6440] =	vst v14  }
0x224: {  	[tilespmem:s21+$0x6450] =	vst v14  }
0x225: {  	[tilespmem:s21+$0x6460] =	vst v14  }
0x226: {  	[tilespmem:s21+$0x6470] =	vst v14  }
0x227: {  	[tilespmem:s21+$0x6800] =	vst v14  }
0x228: {  	[tilespmem:s21+$0x6810] =	vst v14  }
0x229: {  	[tilespmem:s21+$0x6820] =	vst v14  }
0x22a: {  	[tilespmem:s21+$0x6830] =	vst v14;
	v1 =	vbroadcast v0, $0xE  }
0x22b: {  	[tilespmem:s21+$0x6840] =	vst v14  }
0x22c: {  	[tilespmem:s21+$0x8310] =	vst v1  }
0x22d: {  	[tilespmem:s21+$0x8320] =	vst v1  }
0x22e: {  	[tilespmem:s21+$0x8330] =	vst v1  }
0x22f: {  	[tilespmem:s21+$0x8340] =	vst v1  }
0x230: {  	[tilespmem:s21+$0x8350] =	vst v1  }
0x231: {  	[tilespmem:s21+$0x8360] =	vst v1  }
0x232: {  	[tilespmem:s21+$0x8370] =	vst v1  }
0x233: {  	[tilespmem:s21+$0x7780] =	vst v15  }
0x234: {  	[tilespmem:s21+$0x7790] =	vst v15  }
0x235: {  	[tilespmem:s21+$0x77A0] =	vst v15  }
0x236: {  	[tilespmem:s21+$0x77B0] =	vst v15  }
0x237: {  	[tilespmem:s21+$0x77C0] =	vst v15  }
0x238: {  	[tilespmem:s21+$0x77D0] =	vst v15  }
0x239: {  	[tilespmem:s21+$0x77E0] =	vst v15  }
0x23a: {  	[tilespmem:s21+$0x77F0] =	vst v15  }
0x23b: {  	[tilespmem:s21+$0x7B80] =	vst v15  }
0x23c: {  	[tilespmem:s21+$0x7B90] =	vst v15  }
0x23d: {  	[tilespmem:s21+$0x7BA0] =	vst v15  }
0x23e: {  	[tilespmem:s21+$0x7BB0] =	vst v15  }
0x23f: {  	[tilespmem:s21+$0x7BC0] =	vst v15  }
0x240: {  	[tilespmem:s21+$0x7BD0] =	vst v15  }
0x241: {  	[tilespmem:s21+$0x7BE0] =	vst v15  }
0x242: {  	[tilespmem:s21+$0x7BF0] =	vst v15  }
0x243: {  	[tilespmem:s21+$0x7F80] =	vst v15  }
0x244: {  	[tilespmem:s21+$0x7F90] =	vst v15  }
0x245: {  	[tilespmem:s21+$0x7FA0] =	vst v15  }
0x246: {  	[tilespmem:s21+$0x7FB0] =	vst v15  }
0x247: {  	[tilespmem:s21+$0x7FC0] =	vst v15  }
0x248: {  	[tilespmem:s21+$0x7FD0] =	vst v15  }
0x249: {  	[tilespmem:s21+$0x7FE0] =	vst v15  }
0x24a: {  	[tilespmem:s21+$0x7FF0] =	vst v15  }
0x24b: {  	[tilespmem:s21+$0x8380] =	vst v15  }
0x24c: {  	[tilespmem:s21+$0x8390] =	vst v15  }
0x24d: {  	[tilespmem:s21+$0x83A0] =	vst v15  }
0x24e: {  	[tilespmem:s21+$0x83B0] =	vst v15  }
0x24f: {  	[tilespmem:s21+$0x83C0] =	vst v15  }
0x250: {  	[tilespmem:s21+$0x83D0] =	vst v15  }
0x251: {  	[tilespmem:s21+$0x83E0] =	vst v15  }
0x252: {  	[tilespmem:s21+$0x83F0] =	vst v15  }
0x253: {  	[tilespmem:s21+$0x8300] =	vst v1  }
0x254: {  	[tilespmem:s21+$0x6850] =	vst v14  }
0x255: {  	[tilespmem:s21+$0x6860] =	vst v14  }
0x256: {  	[tilespmem:s21+$0x6870] =	vst v14  }
0x257: {  	[tilespmem:s21+$0x6C00] =	vst v14  }
0x258: {  	[tilespmem:s21+$0x6C10] =	vst v14  }
0x259: {  	[tilespmem:s21+$0x6C20] =	vst v14  }
0x25a: {  	[tilespmem:s21+$0x6C30] =	vst v14  }
0x25b: {  	[tilespmem:s21+$0x6C40] =	vst v14  }
0x25c: {  	[tilespmem:s21+$0x6C50] =	vst v14  }
0x25d: {  	[tilespmem:s21+$0x6C60] =	vst v14  }
0x25e: {  	[tilespmem:s21+$0x6C70] =	vst v14  }
0x25f: {  	[tilespmem:s21+$0x7000] =	vst v14  }
0x260: {  	[tilespmem:s21+$0x7010] =	vst v14  }
0x261: {  	[tilespmem:s21+$0x7020] =	vst v14  }
0x262: {  	[tilespmem:s21+$0x7030] =	vst v14  }
0x263: {  	[tilespmem:s21+$0x7040] =	vst v14  }
0x264: {  	[tilespmem:s21+$0x7050] =	vst v14  }
0x265: {  	[tilespmem:s21+$0x7060] =	vst v14  }
0x266: {  	[tilespmem:s21+$0x7070] =	vst v14  }
0x267: {  	[tilespmem:s21+$0x6480] =	vst v13  }
0x268: {  	[tilespmem:s21+$0x6490] =	vst v13  }
0x269: {  	[tilespmem:s21+$0x64A0] =	vst v13  }
0x26a: {  	[tilespmem:s21+$0x64B0] =	vst v13  }
0x26b: {  	[tilespmem:s21+$0x64C0] =	vst v13  }
0x26c: {  	[tilespmem:s21+$0x64D0] =	vst v13  }
0x26d: {  	[tilespmem:s21+$0x64E0] =	vst v13  }
0x26e: {  	[tilespmem:s21+$0x64F0] =	vst v13  }
0x26f: {  	[tilespmem:s21+$0x6880] =	vst v13  }
0x270: {  	[tilespmem:s21+$0x6890] =	vst v13  }
0x271: {  	[tilespmem:s21+$0x68A0] =	vst v13  }
0x272: {  	[tilespmem:s21+$0x68B0] =	vst v13  }
0x273: {  	[tilespmem:s21+$0x68C0] =	vst v13  }
0x274: {  	[tilespmem:s21+$0x68D0] =	vst v13  }
0x275: {  	[tilespmem:s21+$0x68E0] =	vst v13  }
0x276: {  	[tilespmem:s21+$0x68F0] =	vst v13  }
0x277: {  	[tilespmem:s21+$0x6C80] =	vst v13  }
0x278: {  	[tilespmem:s21+$0x6C90] =	vst v13  }
0x279: {  	[tilespmem:s21+$0x6CA0] =	vst v13  }
0x27a: {  	[tilespmem:s21+$0x6CB0] =	vst v13  }
0x27b: {  	[tilespmem:s21+$0x6CC0] =	vst v13  }
0x27c: {  	[tilespmem:s21+$0x6CD0] =	vst v13  }
0x27d: {  	[tilespmem:s21+$0x6CE0] =	vst v13  }
0x27e: {  	[tilespmem:s21+$0x6CF0] =	vst v13  }
0x27f: {  	[tilespmem:s21+$0x7080] =	vst v13  }
0x280: {  	[tilespmem:s21+$0x7090] =	vst v13  }
0x281: {  	[tilespmem:s21+$0x70A0] =	vst v13  }
0x282: {  	[tilespmem:s21+$0x70B0] =	vst v13  }
0x283: {  	[tilespmem:s21+$0x70C0] =	vst v13  }
0x284: {  	[tilespmem:s21+$0x70D0] =	vst v13  }
0x285: {  	[tilespmem:s21+$0x70E0] =	vst v13  }
0x286: {  	[tilespmem:s21+$0x70F0] =	vst v13  }
0x287: {  	[tilespmem:s21+$0x6500] =	vst v12  }
0x288: {  	[tilespmem:s21+$0x6510] =	vst v12  }
0x289: {  	[tilespmem:s21+$0x6520] =	vst v12  }
0x28a: {  	[tilespmem:s21+$0x6530] =	vst v12  }
0x28b: {  	[tilespmem:s21+$0x6540] =	vst v12  }
0x28c: {  	[tilespmem:s21+$0x6550] =	vst v12  }
0x28d: {  	[tilespmem:s21+$0x6560] =	vst v12  }
0x28e: {  	[tilespmem:s21+$0x6570] =	vst v12  }
0x28f: {  	[tilespmem:s21+$0x6900] =	vst v12  }
0x290: {  	[tilespmem:s21+$0x6910] =	vst v12  }
0x291: {  	[tilespmem:s21+$0x6920] =	vst v12  }
0x292: {  	[tilespmem:s21+$0x6930] =	vst v12  }
0x293: {  	[tilespmem:s21+$0x6940] =	vst v12  }
0x294: {  	[tilespmem:s21+$0x6950] =	vst v12  }
0x295: {  	[tilespmem:s21+$0x6960] =	vst v12  }
0x296: {  	[tilespmem:s21+$0x6970] =	vst v12  }
0x297: {  	[tilespmem:s21+$0x6D00] =	vst v12  }
0x298: {  	[tilespmem:s21+$0x6D10] =	vst v12  }
0x299: {  	[tilespmem:s21+$0x6D20] =	vst v12  }
0x29a: {  	[tilespmem:s21+$0x6D30] =	vst v12  }
0x29b: {  	[tilespmem:s21+$0x6D40] =	vst v12  }
0x29c: {  	[tilespmem:s21+$0x6D50] =	vst v12  }
0x29d: {  	[tilespmem:s21+$0x6D60] =	vst v12  }
0x29e: {  	[tilespmem:s21+$0x6D70] =	vst v12  }
0x29f: {  	[tilespmem:s21+$0x7100] =	vst v12  }
0x2a0: {  	[tilespmem:s21+$0x7110] =	vst v12  }
0x2a1: {  	[tilespmem:s21+$0x7120] =	vst v12  }
0x2a2: {  	[tilespmem:s21+$0x7130] =	vst v12  }
0x2a3: {  	[tilespmem:s21+$0x7140] =	vst v12  }
0x2a4: {  	[tilespmem:s21+$0x7150] =	vst v12  }
0x2a5: {  	[tilespmem:s21+$0x7160] =	vst v12  }
0x2a6: {  	[tilespmem:s21+$0x7170] =	vst v12  }
0x2a7: {  	[tilespmem:s21+$0x6580] =	vst v11  }
0x2a8: {  	[tilespmem:s21+$0x6590] =	vst v11  }
0x2a9: {  	[tilespmem:s21+$0x65A0] =	vst v11  }
0x2aa: {  	[tilespmem:s21+$0x65B0] =	vst v11  }
0x2ab: {  	[tilespmem:s21+$0x65C0] =	vst v11  }
0x2ac: {  	[tilespmem:s21+$0x65D0] =	vst v11  }
0x2ad: {  	[tilespmem:s21+$0x65E0] =	vst v11  }
0x2ae: {  	[tilespmem:s21+$0x65F0] =	vst v11  }
0x2af: {  	[tilespmem:s21+$0x6980] =	vst v11  }
0x2b0: {  	[tilespmem:s21+$0x6990] =	vst v11  }
0x2b1: {  	[tilespmem:s21+$0x69A0] =	vst v11  }
0x2b2: {  	[tilespmem:s21+$0x69B0] =	vst v11  }
0x2b3: {  	[tilespmem:s21+$0x69C0] =	vst v11  }
0x2b4: {  	[tilespmem:s21+$0x69D0] =	vst v11  }
0x2b5: {  	[tilespmem:s21+$0x69E0] =	vst v11  }
0x2b6: {  	[tilespmem:s21+$0x69F0] =	vst v11  }
0x2b7: {  	[tilespmem:s21+$0x6D80] =	vst v11  }
0x2b8: {  	[tilespmem:s21+$0x6D90] =	vst v11  }
0x2b9: {  	[tilespmem:s21+$0x6DA0] =	vst v11  }
0x2ba: {  	[tilespmem:s21+$0x6DB0] =	vst v11  }
0x2bb: {  	[tilespmem:s21+$0x6DC0] =	vst v11  }
0x2bc: {  	[tilespmem:s21+$0x6DD0] =	vst v11  }
0x2bd: {  	[tilespmem:s21+$0x6DE0] =	vst v11  }
0x2be: {  	[tilespmem:s21+$0x6DF0] =	vst v11  }
0x2bf: {  	[tilespmem:s21+$0x7180] =	vst v11  }
0x2c0: {  	[tilespmem:s21+$0x7190] =	vst v11  }
0x2c1: {  	[tilespmem:s21+$0x71A0] =	vst v11  }
0x2c2: {  	[tilespmem:s21+$0x71B0] =	vst v11  }
0x2c3: {  	[tilespmem:s21+$0x71C0] =	vst v11  }
0x2c4: {  	[tilespmem:s21+$0x71D0] =	vst v11  }
0x2c5: {  	[tilespmem:s21+$0x71E0] =	vst v11  }
0x2c6: {  	[tilespmem:s21+$0x71F0] =	vst v11  }
0x2c7: {  	[tilespmem:s21+$0x6600] =	vst v9  }
0x2c8: {  	[tilespmem:s21+$0x6610] =	vst v9  }
0x2c9: {  	[tilespmem:s21+$0x6620] =	vst v9  }
0x2ca: {  	[tilespmem:s21+$0x6630] =	vst v9  }
0x2cb: {  	[tilespmem:s21+$0x6640] =	vst v9  }
0x2cc: {  	[tilespmem:s21+$0x6650] =	vst v9  }
0x2cd: {  	[tilespmem:s21+$0x6660] =	vst v9  }
0x2ce: {  	[tilespmem:s21+$0x6670] =	vst v9  }
0x2cf: {  	[tilespmem:s21+$0x6A00] =	vst v9  }
0x2d0: {  	[tilespmem:s21+$0x6A10] =	vst v9  }
0x2d1: {  	[tilespmem:s21+$0x6A20] =	vst v9  }
0x2d2: {  	[tilespmem:s21+$0x6A30] =	vst v9  }
0x2d3: {  	[tilespmem:s21+$0x6A40] =	vst v9  }
0x2d4: {  	[tilespmem:s21+$0x6A50] =	vst v9  }
0x2d5: {  	[tilespmem:s21+$0x6A60] =	vst v9  }
0x2d6: {  	[tilespmem:s21+$0x6A70] =	vst v9  }
0x2d7: {  	[tilespmem:s21+$0x6E00] =	vst v9  }
0x2d8: {  	[tilespmem:s21+$0x6E10] =	vst v9  }
0x2d9: {  	[tilespmem:s21+$0x6E20] =	vst v9  }
0x2da: {  	[tilespmem:s21+$0x6E30] =	vst v9  }
0x2db: {  	[tilespmem:s21+$0x6E40] =	vst v9  }
0x2dc: {  	[tilespmem:s21+$0x6E50] =	vst v9  }
0x2dd: {  	[tilespmem:s21+$0x6E60] =	vst v9  }
0x2de: {  	[tilespmem:s21+$0x6E70] =	vst v9  }
0x2df: {  	[tilespmem:s21+$0x7200] =	vst v9  }
0x2e0: {  	[tilespmem:s21+$0x7210] =	vst v9  }
0x2e1: {  	[tilespmem:s21+$0x7220] =	vst v9  }
0x2e2: {  	[tilespmem:s21+$0x7230] =	vst v9  }
0x2e3: {  	[tilespmem:s21+$0x7240] =	vst v9  }
0x2e4: {  	[tilespmem:s21+$0x7250] =	vst v9  }
0x2e5: {  	[tilespmem:s21+$0x7260] =	vst v9  }
0x2e6: {  	[tilespmem:s21+$0x7270] =	vst v9  }
0x2e7: {  	[tilespmem:s21+$0x6680] =	vst v7  }
0x2e8: {  	[tilespmem:s21+$0x6690] =	vst v7  }
0x2e9: {  	[tilespmem:s21+$0x66A0] =	vst v7  }
0x2ea: {  	[tilespmem:s21+$0x66B0] =	vst v7  }
0x2eb: {  	[tilespmem:s21+$0x66C0] =	vst v7  }
0x2ec: {  	[tilespmem:s21+$0x66D0] =	vst v7  }
0x2ed: {  	[tilespmem:s21+$0x66E0] =	vst v7  }
0x2ee: {  	[tilespmem:s21+$0x66F0] =	vst v7  }
0x2ef: {  	[tilespmem:s21+$0x6A80] =	vst v7  }
0x2f0: {  	[tilespmem:s21+$0x6A90] =	vst v7  }
0x2f1: {  	[tilespmem:s21+$0x6AA0] =	vst v7  }
0x2f2: {  	[tilespmem:s21+$0x6AB0] =	vst v7  }
0x2f3: {  	[tilespmem:s21+$0x6AC0] =	vst v7  }
0x2f4: {  	[tilespmem:s21+$0x6AD0] =	vst v7  }
0x2f5: {  	[tilespmem:s21+$0x6AE0] =	vst v7  }
0x2f6: {  	[tilespmem:s21+$0x6AF0] =	vst v7  }
0x2f7: {  	[tilespmem:s21+$0x6E80] =	vst v7  }
0x2f8: {  	[tilespmem:s21+$0x6E90] =	vst v7  }
0x2f9: {  	[tilespmem:s21+$0x6EA0] =	vst v7  }
0x2fa: {  	[tilespmem:s21+$0x6EB0] =	vst v7  }
0x2fb: {  	[tilespmem:s21+$0x6EC0] =	vst v7  }
0x2fc: {  	[tilespmem:s21+$0x6ED0] =	vst v7  }
0x2fd: {  	[tilespmem:s21+$0x6EE0] =	vst v7  }
0x2fe: {  	[tilespmem:s21+$0x6EF0] =	vst v7  }
0x2ff: {  	[tilespmem:s21+$0x7280] =	vst v7  }
0x300: {  	[tilespmem:s21+$0x7290] =	vst v7  }
0x301: {  	[tilespmem:s21+$0x72A0] =	vst v7  }
0x302: {  	[tilespmem:s21+$0x72B0] =	vst v7  }
0x303: {  	[tilespmem:s21+$0x72C0] =	vst v7  }
0x304: {  	[tilespmem:s21+$0x72D0] =	vst v7  }
0x305: {  	[tilespmem:s21+$0x72E0] =	vst v7  }
0x306: {  	[tilespmem:s21+$0x72F0] =	vst v7  }
0x307: {  	[tilespmem:s21+$0x6700] =	vst v4  }
0x308: {  	[tilespmem:s21+$0x6710] =	vst v4  }
0x309: {  	[tilespmem:s21+$0x6720] =	vst v4  }
0x30a: {  	[tilespmem:s21+$0x6730] =	vst v4  }
0x30b: {  	[tilespmem:s21+$0x6740] =	vst v4  }
0x30c: {  	[tilespmem:s21+$0x6750] =	vst v4  }
0x30d: {  	[tilespmem:s21+$0x6760] =	vst v4  }
0x30e: {  	[tilespmem:s21+$0x6770] =	vst v4  }
0x30f: {  	[tilespmem:s21+$0x6B00] =	vst v4  }
0x310: {  	[tilespmem:s21+$0x6B10] =	vst v4  }
0x311: {  	[tilespmem:s21+$0x6B20] =	vst v4  }
0x312: {  	[tilespmem:s21+$0x6B30] =	vst v4  }
0x313: {  	[tilespmem:s21+$0x6B40] =	vst v4  }
0x314: {  	[tilespmem:s21+$0x6B50] =	vst v4  }
0x315: {  	[tilespmem:s21+$0x6B60] =	vst v4  }
0x316: {  	[tilespmem:s21+$0x6B70] =	vst v4  }
0x317: {  	[tilespmem:s21+$0x6F00] =	vst v4  }
0x318: {  	[tilespmem:s21+$0x6F10] =	vst v4  }
0x319: {  	[tilespmem:s21+$0x6F20] =	vst v4  }
0x31a: {  	[tilespmem:s21+$0x6F30] =	vst v4  }
0x31b: {  	[tilespmem:s21+$0x6F40] =	vst v4  }
0x31c: {  	[tilespmem:s21+$0x6F50] =	vst v4  }
0x31d: {  	[tilespmem:s21+$0x6F60] =	vst v4  }
0x31e: {  	[tilespmem:s21+$0x6F70] =	vst v4  }
0x31f: {  	[tilespmem:s21+$0x7300] =	vst v4  }
0x320: {  	[tilespmem:s21+$0x7310] =	vst v4  }
0x321: {  	[tilespmem:s21+$0x7320] =	vst v4  }
0x322: {  	[tilespmem:s21+$0x7330] =	vst v4  }
0x323: {  	[tilespmem:s21+$0x7340] =	vst v4  }
0x324: {  	[tilespmem:s21+$0x7350] =	vst v4  }
0x325: {  	v2 =	vbroadcast v0, $0x7;
	[tilespmem:s21+$0x7360] =	vst v4  }
0x326: {  	[tilespmem:s21+$0x7370] =	vst v4  }
0x327: {  	[tilespmem:s21+$0x6780] =	vst v2  }
0x328: {  	[tilespmem:s21+$0x6790] =	vst v2  }
0x329: {  	[tilespmem:s21+$0x67A0] =	vst v2  }
0x32a: {  	[tilespmem:s21+$0x67B0] =	vst v2  }
0x32b: {  	[tilespmem:s21+$0x67C0] =	vst v2  }
0x32c: {  	[tilespmem:s21+$0x67D0] =	vst v2  }
0x32d: {  	[tilespmem:s21+$0x67E0] =	vst v2  }
0x32e: {  	[tilespmem:s21+$0x67F0] =	vst v2  }
0x32f: {  	[tilespmem:s21+$0x6B80] =	vst v2  }
0x330: {  	[tilespmem:s21+$0x6B90] =	vst v2  }
0x331: {  	[tilespmem:s21+$0x6BA0] =	vst v2  }
0x332: {  	[tilespmem:s21+$0x6BB0] =	vst v2  }
0x333: {  	[tilespmem:s21+$0x6BC0] =	vst v2  }
0x334: {  	[tilespmem:s21+$0x6BD0] =	vst v2  }
0x335: {  	[tilespmem:s21+$0x6BE0] =	vst v2  }
0x336: {  	[tilespmem:s21+$0x6BF0] =	vst v2  }
0x337: {  	[tilespmem:s21+$0x6F80] =	vst v2  }
0x338: {  	[tilespmem:s21+$0x6F90] =	vst v2  }
0x339: {  	[tilespmem:s21+$0x6FA0] =	vst v2  }
0x33a: {  	[tilespmem:s21+$0x6FB0] =	vst v2  }
0x33b: {  	[tilespmem:s21+$0x6FC0] =	vst v2  }
0x33c: {  	[tilespmem:s21+$0x6FD0] =	vst v2  }
0x33d: {  	[tilespmem:s21+$0x6FE0] =	vst v2  }
0x33e: {  	[tilespmem:s21+$0x6FF0] =	vst v2  }
0x33f: {  	[tilespmem:s21+$0x7380] =	vst v2  }
0x340: {  	[tilespmem:s21+$0x7390] =	vst v2  }
0x341: {  	[tilespmem:s21+$0x73A0] =	vst v2  }
0x342: {  	[tilespmem:s21+$0x73B0] =	vst v2  }
0x343: {  	[tilespmem:s21+$0x73C0] =	vst v2  }
0x344: {  	[tilespmem:s21+$0x73D0] =	vst v2  }
0x345: {  	v3 =	vbroadcast v0, $0x8;
	[tilespmem:s21+$0x73E0] =	vst v2  }
0x346: {  	[tilespmem:s21+$0x73F0] =	vst v2  }
0x347: {  	[tilespmem:s21+$0x7400] =	vst v3  }
0x348: {  	[tilespmem:s21+$0x7410] =	vst v3  }
0x349: {  	[tilespmem:s21+$0x7420] =	vst v3  }
0x34a: {  	[tilespmem:s21+$0x7430] =	vst v3  }
0x34b: {  	[tilespmem:s21+$0x7440] =	vst v3  }
0x34c: {  	[tilespmem:s21+$0x7450] =	vst v3  }
0x34d: {  	[tilespmem:s21+$0x7460] =	vst v3  }
0x34e: {  	[tilespmem:s21+$0x7470] =	vst v3  }
0x34f: {  	[tilespmem:s21+$0x7800] =	vst v3  }
0x350: {  	[tilespmem:s21+$0x7810] =	vst v3  }
0x351: {  	[tilespmem:s21+$0x7820] =	vst v3  }
0x352: {  	[tilespmem:s21+$0x7830] =	vst v3  }
0x353: {  	[tilespmem:s21+$0x7840] =	vst v3  }
0x354: {  	[tilespmem:s21+$0x7850] =	vst v3  }
0x355: {  	[tilespmem:s21+$0x7860] =	vst v3  }
0x356: {  	[tilespmem:s21+$0x7870] =	vst v3  }
0x357: {  	[tilespmem:s21+$0x7C00] =	vst v3  }
0x358: {  	[tilespmem:s21+$0x7C10] =	vst v3  }
0x359: {  	[tilespmem:s21+$0x7C20] =	vst v3  }
0x35a: {  	[tilespmem:s21+$0x7C30] =	vst v3  }
0x35b: {  	[tilespmem:s21+$0x7C40] =	vst v3  }
0x35c: {  	[tilespmem:s21+$0x7C50] =	vst v3  }
0x35d: {  	[tilespmem:s21+$0x7C60] =	vst v3  }
0x35e: {  	[tilespmem:s21+$0x7C70] =	vst v3  }
0x35f: {  	[tilespmem:s21+$0x8000] =	vst v3  }
0x360: {  	[tilespmem:s21+$0x8010] =	vst v3  }
0x361: {  	[tilespmem:s21+$0x8020] =	vst v3  }
0x362: {  	[tilespmem:s21+$0x8030] =	vst v3  }
0x363: {  	[tilespmem:s21+$0x8040] =	vst v3  }
0x364: {  	[tilespmem:s21+$0x8050] =	vst v3  }
0x365: {  	v59 =	vbroadcast v0, $0x9;
	[tilespmem:s21+$0x8060] =	vst v3  }
0x366: {  	[tilespmem:s21+$0x8070] =	vst v3  }
0x367: {  	[tilespmem:s21+$0x7480] =	vst v59  }
0x368: {  	[tilespmem:s21+$0x7490] =	vst v59  }
0x369: {  	[tilespmem:s21+$0x74A0] =	vst v59  }
0x36a: {  	[tilespmem:s21+$0x74B0] =	vst v59  }
0x36b: {  	[tilespmem:s21+$0x74C0] =	vst v59  }
0x36c: {  	[tilespmem:s21+$0x74D0] =	vst v59  }
0x36d: {  	[tilespmem:s21+$0x74E0] =	vst v59  }
0x36e: {  	[tilespmem:s21+$0x74F0] =	vst v59  }
0x36f: {  	[tilespmem:s21+$0x7880] =	vst v59  }
0x370: {  	[tilespmem:s21+$0x7890] =	vst v59  }
0x371: {  	[tilespmem:s21+$0x78A0] =	vst v59  }
0x372: {  	[tilespmem:s21+$0x78B0] =	vst v59  }
0x373: {  	[tilespmem:s21+$0x78C0] =	vst v59  }
0x374: {  	[tilespmem:s21+$0x78D0] =	vst v59  }
0x375: {  	[tilespmem:s21+$0x78E0] =	vst v59  }
0x376: {  	[tilespmem:s21+$0x78F0] =	vst v59  }
0x377: {  	[tilespmem:s21+$0x7C80] =	vst v59  }
0x378: {  	[tilespmem:s21+$0x7C90] =	vst v59  }
0x379: {  	[tilespmem:s21+$0x7CA0] =	vst v59  }
0x37a: {  	[tilespmem:s21+$0x7CB0] =	vst v59  }
0x37b: {  	[tilespmem:s21+$0x7CC0] =	vst v59  }
0x37c: {  	[tilespmem:s21+$0x7CD0] =	vst v59  }
0x37d: {  	[tilespmem:s21+$0x7CE0] =	vst v59  }
0x37e: {  	[tilespmem:s21+$0x7CF0] =	vst v59  }
0x37f: {  	[tilespmem:s21+$0x8080] =	vst v59  }
0x380: {  	[tilespmem:s21+$0x8090] =	vst v59  }
0x381: {  	[tilespmem:s21+$0x80A0] =	vst v59  }
0x382: {  	[tilespmem:s21+$0x80B0] =	vst v59  }
0x383: {  	[tilespmem:s21+$0x80C0] =	vst v59  }
0x384: {  	[tilespmem:s21+$0x80D0] =	vst v59  }
0x385: {  	v60 =	vbroadcast v0, $0xA;
	[tilespmem:s21+$0x80E0] =	vst v59  }
0x386: {  	[tilespmem:s21+$0x80F0] =	vst v59  }
0x387: {  	[tilespmem:s21+$0x7500] =	vst v60  }
0x388: {  	[tilespmem:s21+$0x7510] =	vst v60  }
0x389: {  	[tilespmem:s21+$0x7520] =	vst v60  }
0x38a: {  	[tilespmem:s21+$0x7530] =	vst v60  }
0x38b: {  	[tilespmem:s21+$0x7540] =	vst v60  }
0x38c: {  	[tilespmem:s21+$0x7550] =	vst v60  }
0x38d: {  	[tilespmem:s21+$0x7560] =	vst v60  }
0x38e: {  	[tilespmem:s21+$0x7570] =	vst v60  }
0x38f: {  	[tilespmem:s21+$0x7900] =	vst v60  }
0x390: {  	[tilespmem:s21+$0x7910] =	vst v60  }
0x391: {  	[tilespmem:s21+$0x7920] =	vst v60  }
0x392: {  	[tilespmem:s21+$0x7930] =	vst v60  }
0x393: {  	[tilespmem:s21+$0x7940] =	vst v60  }
0x394: {  	[tilespmem:s21+$0x7950] =	vst v60  }
0x395: {  	[tilespmem:s21+$0x7960] =	vst v60  }
0x396: {  	[tilespmem:s21+$0x7970] =	vst v60  }
0x397: {  	[tilespmem:s21+$0x7D00] =	vst v60  }
0x398: {  	[tilespmem:s21+$0x7D10] =	vst v60  }
0x399: {  	[tilespmem:s21+$0x7D20] =	vst v60  }
0x39a: {  	[tilespmem:s21+$0x7D30] =	vst v60  }
0x39b: {  	[tilespmem:s21+$0x7D40] =	vst v60  }
0x39c: {  	[tilespmem:s21+$0x7D50] =	vst v60  }
0x39d: {  	[tilespmem:s21+$0x7D60] =	vst v60  }
0x39e: {  	[tilespmem:s21+$0x7D70] =	vst v60  }
0x39f: {  	[tilespmem:s21+$0x8100] =	vst v60  }
0x3a0: {  	[tilespmem:s21+$0x8110] =	vst v60  }
0x3a1: {  	[tilespmem:s21+$0x8120] =	vst v60  }
0x3a2: {  	[tilespmem:s21+$0x8130] =	vst v60  }
0x3a3: {  	[tilespmem:s21+$0x8140] =	vst v60  }
0x3a4: {  	[tilespmem:s21+$0x8150] =	vst v60  }
0x3a5: {  	v61 =	vbroadcast v0, $0xB;
	[tilespmem:s21+$0x8160] =	vst v60  }
0x3a6: {  	[tilespmem:s21+$0x8170] =	vst v60  }
0x3a7: {  	[tilespmem:s21+$0x7580] =	vst v61  }
0x3a8: {  	[tilespmem:s21+$0x7590] =	vst v61  }
0x3a9: {  	[tilespmem:s21+$0x75A0] =	vst v61  }
0x3aa: {  	[tilespmem:s21+$0x75B0] =	vst v61  }
0x3ab: {  	[tilespmem:s21+$0x75C0] =	vst v61  }
0x3ac: {  	[tilespmem:s21+$0x75D0] =	vst v61  }
0x3ad: {  	[tilespmem:s21+$0x75E0] =	vst v61  }
0x3ae: {  	[tilespmem:s21+$0x75F0] =	vst v61  }
0x3af: {  	[tilespmem:s21+$0x7980] =	vst v61  }
0x3b0: {  	[tilespmem:s21+$0x7990] =	vst v61  }
0x3b1: {  	[tilespmem:s21+$0x79A0] =	vst v61  }
0x3b2: {  	[tilespmem:s21+$0x79B0] =	vst v61  }
0x3b3: {  	[tilespmem:s21+$0x79C0] =	vst v61  }
0x3b4: {  	[tilespmem:s21+$0x79D0] =	vst v61  }
0x3b5: {  	[tilespmem:s21+$0x79E0] =	vst v61  }
0x3b6: {  	[tilespmem:s21+$0x79F0] =	vst v61  }
0x3b7: {  	[tilespmem:s21+$0x7D80] =	vst v61  }
0x3b8: {  	[tilespmem:s21+$0x7D90] =	vst v61  }
0x3b9: {  	[tilespmem:s21+$0x7DA0] =	vst v61  }
0x3ba: {  	[tilespmem:s21+$0x7DB0] =	vst v61  }
0x3bb: {  	[tilespmem:s21+$0x7DC0] =	vst v61  }
0x3bc: {  	[tilespmem:s21+$0x7DD0] =	vst v61  }
0x3bd: {  	[tilespmem:s21+$0x7DE0] =	vst v61  }
0x3be: {  	[tilespmem:s21+$0x7DF0] =	vst v61  }
0x3bf: {  	[tilespmem:s21+$0x8180] =	vst v61  }
0x3c0: {  	[tilespmem:s21+$0x8190] =	vst v61  }
0x3c1: {  	[tilespmem:s21+$0x81A0] =	vst v61  }
0x3c2: {  	[tilespmem:s21+$0x81B0] =	vst v61  }
0x3c3: {  	[tilespmem:s21+$0x81C0] =	vst v61  }
0x3c4: {  	[tilespmem:s21+$0x81D0] =	vst v61  }
0x3c5: {  	v62 =	vbroadcast v0, $0xC;
	[tilespmem:s21+$0x81E0] =	vst v61  }
0x3c6: {  	[tilespmem:s21+$0x81F0] =	vst v61  }
0x3c7: {  	[tilespmem:s21+$0x7600] =	vst v62  }
0x3c8: {  	[tilespmem:s21+$0x7610] =	vst v62  }
0x3c9: {  	[tilespmem:s21+$0x7620] =	vst v62  }
0x3ca: {  	[tilespmem:s21+$0x7630] =	vst v62  }
0x3cb: {  	[tilespmem:s21+$0x7640] =	vst v62  }
0x3cc: {  	[tilespmem:s21+$0x7650] =	vst v62  }
0x3cd: {  	[tilespmem:s21+$0x7660] =	vst v62  }
0x3ce: {  	[tilespmem:s21+$0x7670] =	vst v62  }
0x3cf: {  	[tilespmem:s21+$0x7A00] =	vst v62  }
0x3d0: {  	[tilespmem:s21+$0x7A10] =	vst v62  }
0x3d1: {  	[tilespmem:s21+$0x7A20] =	vst v62  }
0x3d2: {  	[tilespmem:s21+$0x7A30] =	vst v62  }
0x3d3: {  	[tilespmem:s21+$0x7A40] =	vst v62  }
0x3d4: {  	[tilespmem:s21+$0x7A50] =	vst v62  }
0x3d5: {  	[tilespmem:s21+$0x7A60] =	vst v62  }
0x3d6: {  	[tilespmem:s21+$0x7A70] =	vst v62  }
0x3d7: {  	[tilespmem:s21+$0x7E00] =	vst v62  }
0x3d8: {  	[tilespmem:s21+$0x7E10] =	vst v62  }
0x3d9: {  	[tilespmem:s21+$0x7E20] =	vst v62  }
0x3da: {  	[tilespmem:s21+$0x7E30] =	vst v62  }
0x3db: {  	[tilespmem:s21+$0x7E40] =	vst v62  }
0x3dc: {  	[tilespmem:s21+$0x7E50] =	vst v62  }
0x3dd: {  	[tilespmem:s21+$0x7E60] =	vst v62  }
0x3de: {  	[tilespmem:s21+$0x7E70] =	vst v62  }
0x3df: {  	[tilespmem:s21+$0x8200] =	vst v62  }
0x3e0: {  	[tilespmem:s21+$0x8210] =	vst v62  }
0x3e1: {  	[tilespmem:s21+$0x8220] =	vst v62  }
0x3e2: {  	[tilespmem:s21+$0x8230] =	vst v62  }
0x3e3: {  	[tilespmem:s21+$0x8240] =	vst v62  }
0x3e4: {  	[tilespmem:s21+$0x8250] =	vst v62  }
0x3e5: {  	v63 =	vbroadcast v0, $0xD;
	[tilespmem:s21+$0x8260] =	vst v62  }
0x3e6: {  	[tilespmem:s21+$0x8270] =	vst v62  }
0x3e7: {  	[tilespmem:s21+$0x7680] =	vst v63  }
0x3e8: {  	[tilespmem:s21+$0x7690] =	vst v63  }
0x3e9: {  	[tilespmem:s21+$0x76A0] =	vst v63  }
0x3ea: {  	[tilespmem:s21+$0x76B0] =	vst v63  }
0x3eb: {  	[tilespmem:s21+$0x76C0] =	vst v63  }
0x3ec: {  	[tilespmem:s21+$0x76D0] =	vst v63  }
0x3ed: {  	[tilespmem:s21+$0x76E0] =	vst v63  }
0x3ee: {  	[tilespmem:s21+$0x76F0] =	vst v63  }
0x3ef: {  	[tilespmem:s21+$0x7A80] =	vst v63  }
0x3f0: {  	[tilespmem:s21+$0x7A90] =	vst v63  }
0x3f1: {  	[tilespmem:s21+$0x7AA0] =	vst v63  }
0x3f2: {  	[tilespmem:s21+$0x7AB0] =	vst v63  }
0x3f3: {  	[tilespmem:s21+$0x7AC0] =	vst v63  }
0x3f4: {  	[tilespmem:s21+$0x7AD0] =	vst v63  }
0x3f5: {  	[tilespmem:s21+$0x7AE0] =	vst v63  }
0x3f6: {  	[tilespmem:s21+$0x7AF0] =	vst v63  }
0x3f7: {  	[tilespmem:s21+$0x7E80] =	vst v63  }
0x3f8: {  	[tilespmem:s21+$0x7E90] =	vst v63  }
0x3f9: {  	[tilespmem:s21+$0x7EA0] =	vst v63  }
0x3fa: {  	[tilespmem:s21+$0x7EB0] =	vst v63  }
0x3fb: {  	[tilespmem:s21+$0x7EC0] =	vst v63  }
0x3fc: {  	[tilespmem:s21+$0x7ED0] =	vst v63  }
0x3fd: {  	[tilespmem:s21+$0x7EE0] =	vst v63  }
0x3fe: {  	[tilespmem:s21+$0x7EF0] =	vst v63  }
0x3ff: {  	[tilespmem:s21+$0x8280] =	vst v63  }
0x400: {  	[tilespmem:s21+$0x8290] =	vst v63  }
0x401: {  	[tilespmem:s21+$0x82A0] =	vst v63  }
0x402: {  	[tilespmem:s21+$0x82B0] =	vst v63  }
0x403: {  	[tilespmem:s21+$0x82C0] =	vst v63  }
0x404: {  	[tilespmem:s21+$0x82D0] =	vst v63  }
0x405: {  	[tilespmem:s21+$0x82E0] =	vst v63  }
0x406: {  	[tilespmem:s21+$0x82F0] =	vst v63  }
0x407: {  	[tilespmem:s21+$0x7700] =	vst v1  }
0x408: {  	[tilespmem:s21+$0x7710] =	vst v1  }
0x409: {  	[tilespmem:s21+$0x7720] =	vst v1  }
0x40a: {  	[tilespmem:s21+$0x7730] =	vst v1  }
0x40b: {  	[tilespmem:s21+$0x7740] =	vst v1  }
0x40c: {  	[tilespmem:s21+$0x7750] =	vst v1  }
0x40d: {  	[tilespmem:s21+$0x7760] =	vst v1  }
0x40e: {  	[tilespmem:s21+$0x7770] =	vst v1  }
0x40f: {  	[tilespmem:s21+$0x7B00] =	vst v1  }
0x410: {  	[tilespmem:s21+$0x7B10] =	vst v1  }
0x411: {  	[tilespmem:s21+$0x7B20] =	vst v1  }
0x412: {  	[tilespmem:s21+$0x7B30] =	vst v1  }
0x413: {  	[tilespmem:s21+$0x7B40] =	vst v1  }
0x414: {  	[tilespmem:s21+$0x7B50] =	vst v1  }
0x415: {  	[tilespmem:s21+$0x7B60] =	vst v1  }
0x416: {  	[tilespmem:s21+$0x7B70] =	vst v1  }
0x417: {  	[tilespmem:s21+$0x7F00] =	vst v1  }
0x418: {  	[tilespmem:s21+$0x7F10] =	vst v1  }
0x419: {  	s19 =	smul.u32 $0x500000, s19;
	[tilespmem:s21+$0x7F20] =	vst v1  }
0x41a: {  	s20 =	sshll.u32 s20, $0xE;
	[tilespmem:s21+$0x7F30] =	vst v1  }
0x41b: {  	s28 =	sand.u32 $0x1F000, s7;
	s19 =	sor.u32 s19, s20;
	[tilespmem:s21+$0x7F40] =	vst v1  }
0x41c: {  	[tilespmem:s21+$0x7F50] =	vst v1;
	s20 =	sor.u32 s19, s28  }
0x41d: {  	[tilespmem:s21+$0x7F60] =	vst v1;
	s20 =	sshrl.u32 s20, $0x3  }
0x41e: {  	[tilespmem:s21+$0x7F70] =	vst v1;
	s20 =	sadd.s32 s1, s20  }
0x41f: {  	[hbm4b:s20+s9] =	stream.strided.scatter [tilespmem:s11], [sflag:$0x1], $0x2000, s10, s9, $0x38;
	[tilespmem:$0x10400] =	vst v63  }
0x420: {  	s29 =	sadd.s32 $0x20000, s20  }
0x421: {  	[hbm4b:s29+s9] =	stream.strided.scatter [tilespmem:s12], [sflag:$0x1], $0x2000, s10, s9, $0x38;
	[tilespmem:$0x10400] =	vst v63  }
0x422: {  	p0 =	por $0x1, $0x1;
	s30 =	sadd.s32 $0x40000, s20  }
0x423: {  	[hbm4b:s30+s9] =	stream.strided.scatter [tilespmem:s13], [sflag:$0x1], $0x2000, s10, s9, $0x38;
	[tilespmem:$0x10400] =	vst v63  }
0x424: {  	s22 =	simm.s32 $0x2;
	s21 =	sadd.s32 $0x1000, s7;
	s31 =	sadd.s32 $0x60000, s20  }
0x425: {  	[hbm4b:s31+s9] =	stream.strided.scatter [tilespmem:s14], [sflag:$0x1], $0x2000, s10, s9, $0x38;
	[tilespmem:$0x10400] =	vst v63  }
0x426: {  	s23 =	simm.s32 @!p0 $0x1;
	s24 =	sand.u32 $0x1F000, s21;
	s20 =	sadd.s32 $0x80000, s20  }
0x427: {  	[hbm4b:s20+s9] =	stream.strided.scatter [tilespmem:s15], [sflag:$0x1], $0x2000, s10, s9, $0x38;
	[tilespmem:$0x10400] =	vst v63  }
0x428: {  	s24 =	sor.u32 s19, s24;
	s20 =	simm.s32 $0x1;
	_ =	swait.ge @!p0 [sflag:s23], $0xA000  }
.LBB2_5:
0x429: {  	s24 =	sshrl.u32 s24, $0x3  }
0x42a: {  	[sflag:s23] =	ssyncset.done @!p0 $0x0;
	s25 =	smov.u32 s22;
	s22 =	sadd.s32 $0x1, s22  }
0x42b: {  	p1 =	sne.s32 s22, $0x20;
	s24 =	sadd.s32 s1, s24;
	[sflag:s23] =	ssyncadd.s32 @!p0 $0xFFFF6000  }
0x42c: {  	[hbm4b:s24+s9] =	stream.strided.scatter [tilespmem:s11], [sflag:$0x1], $0x2000, s10, s9, $0x38;
	[tilespmem:$0x10400] =	vst v63  }
0x42d: {  	s23 =	sadd.s32 $0x20000, s24  }
0x42e: {  	[hbm4b:s23+s9] =	stream.strided.scatter [tilespmem:s12], [sflag:$0x1], $0x2000, s10, s9, $0x38;
	[tilespmem:$0x10400] =	vst v63  }
0x42f: {  	s23 =	sadd.s32 $0x40000, s24  }
0x430: {  	[hbm4b:s23+s9] =	stream.strided.scatter [tilespmem:s13], [sflag:$0x1], $0x2000, s10, s9, $0x38;
	[tilespmem:$0x10400] =	vst v63  }
0x431: {  	s23 =	sadd.s32 $0x60000, s24  }
0x432: {  	[hbm4b:s23+s9] =	stream.strided.scatter [tilespmem:s14], [sflag:$0x1], $0x2000, s10, s9, $0x38;
	[tilespmem:$0x10400] =	vst v63  }
.Ltmp1:
0x433: {  	_ = 	snop;
	(pc) =	sbr.rel @p1 .LBB2_5-.Ltmp1, $4  }
0x434: {  	s21 =	sadd.s32 $0x1000, s21;
	p0 =	slt.u32 s20, $0x10;
	s23 =	sadd.s32 $0x80000, s24  }
0x435: {  	[hbm4b:s23+s9] =	stream.strided.scatter [tilespmem:s15], [sflag:$0x1], $0x2000, s10, s9, $0x38;
	[tilespmem:$0x10400] =	vst v63  }
0x436: {  	s20 =	smov.u32 s25;
	s24 =	sand.u32 $0x1F000, s21;
	s23 =	simm.s32 @!p0 $0x1  }
0x437: {  	s24 =	sor.u32 s19, s24;
	_ =	swait.ge @!p0 [sflag:s23], $0xA000  }
0x438: {  	s19 =	sshrl.u32 s24, $0x3;
	[sflag:s23] =	ssyncset.done @!p0 $0x0  }
0x439: {  	s19 =	sadd.s32 s1, s19;
	[sflag:s23] =	ssyncadd.s32 @!p0 $0xFFFF6000  }
0x43a: {  	[hbm4b:s19+s9] =	stream.strided.scatter [tilespmem:s11], [sflag:$0x1], $0x2000, s10, s9, $0x38;
	[tilespmem:$0x10400] =	vst v63  }
0x43b: {  	s21 =	sadd.s32 $0x20000, s19  }
0x43c: {  	[hbm4b:s21+s9] =	stream.strided.scatter [tilespmem:s12], [sflag:$0x1], $0x2000, s10, s9, $0x38;
	[tilespmem:$0x10400] =	vst v63  }
0x43d: {  	s30 =	sadd.s32 $0x40000, s19  }
0x43e: {  	[hbm4b:s30+s9] =	stream.strided.scatter [tilespmem:s13], [sflag:$0x1], $0x2000, s10, s9, $0x38;
	[tilespmem:$0x10400] =	vst v63  }
0x43f: {  	s31 =	sadd.s32 $0x60000, s19  }
0x440: {  	[hbm4b:s31+s9] =	stream.strided.scatter [tilespmem:s14], [sflag:$0x1], $0x2000, s10, s9, $0x38;
	[tilespmem:$0x10400] =	vst v63  }
0x441: {  	p0 =	slt.u32 s20, $0x10;
	s19 =	sadd.s32 $0x80000, s19  }
0x442: {  	[hbm4b:s19+s9] =	stream.strided.scatter [tilespmem:s15], [sflag:$0x1], $0x2000, s10, s9, $0x38;
	[tilespmem:$0x10400] =	vst v63  }
0x443: {  	s19 =	simm.s32 @!p0 $0x1  }
0x444: {  	_ =	swait.ge @!p0 [sflag:s19], $0xA000  }
0x445: {  	[sflag:s19] =	ssyncset.done @!p0 $0x0  }
0x446: {  	[sflag:s19] =	ssyncadd.s32 @!p0 $0xFFFF6000  }
0x447: {  	_ =	swait.ge [sflag:s16], $0xA000  }
0x448: {  	[sflag:s16] =	ssyncset.done $0x0  }
0x449: {  	[sflag:s16] =	ssyncadd.s32 $0xFFFF6000  }
0x44a: {  	_ =	swait.ge [sflag:s16], $0xA000  }
0x44b: {  	[sflag:s16] =	ssyncset.done $0x0  }
0x44c: {  	[sflag:s16] =	ssyncadd.s32 $0xFFFF6000  }
0x44d: {  	_ =	swait.ge [sflag:s16], $0xA000  }
0x44e: {  	[sflag:s16] =	ssyncset.done $0x0  }
0x44f: {  	[sflag:s16] =	ssyncadd.s32 $0xFFFF6000  }
0x450: {  	_ =	swait.ge [sflag:s16], $0xA000  }
0x451: {  	[sflag:s16] =	ssyncset.done $0x0  }
0x452: {  	[sflag:s16] =	ssyncadd.s32 $0xFFFF6000  }
0x453: {  	_ =	swait.ge [sflag:s16], $0xA000  }
0x454: {  	[sflag:s16] =	ssyncset.done $0x0  }
0x455: {  	[sflag:s16] =	ssyncadd.s32 $0xFFFF6000  }
0x456: {  	_ =	swait.ge [sflag:s16], $0xA000  }
0x457: {  	[sflag:s16] =	ssyncset.done $0x0  }
0x458: {  	[sflag:s16] =	ssyncadd.s32 $0xFFFF6000  }
0x459: {  	_ =	swait.ge [sflag:s16], $0xA000  }
0x45a: {  	[sflag:s16] =	ssyncset.done $0x0  }
0x45b: {  	[sflag:s16] =	ssyncadd.s32 $0xFFFF6000  }
0x45c: {  	_ =	swait.ge [sflag:s16], $0xA000  }
0x45d: {  	[sflag:s16] =	ssyncset.done $0x0  }
0x45e: {  	[sflag:s16] =	ssyncadd.s32 $0xFFFF6000  }
0x45f: {  	_ =	swait.ge [sflag:s16], $0xA000  }
0x460: {  	[sflag:s16] =	ssyncset.done $0x0  }
0x461: {  	[sflag:s16] =	ssyncadd.s32 $0xFFFF6000  }
0x462: {  	_ =	swait.ge [sflag:s16], $0xA000  }
0x463: {  	[sflag:s16] =	ssyncset.done $0x0  }
0x464: {  	[sflag:s16] =	ssyncadd.s32 $0xFFFF6000  }
0x465: {  	_ =	swait.ge [sflag:s16], $0xA000  }
0x466: {  	[sflag:s16] =	ssyncset.done $0x0  }
0x467: {  	[sflag:s16] =	ssyncadd.s32 $0xFFFF6000  }
0x468: {  	_ =	swait.ge [sflag:s16], $0xA000  }
0x469: {  	[sflag:s16] =	ssyncset.done $0x0  }
0x46a: {  	[sflag:s16] =	ssyncadd.s32 $0xFFFF6000  }
0x46b: {  	_ =	swait.ge [sflag:s16], $0xA000  }
0x46c: {  	[sflag:s16] =	ssyncset.done $0x0  }
0x46d: {  	[sflag:s16] =	ssyncadd.s32 $0xFFFF6000  }
0x46e: {  	_ =	swait.ge [sflag:s16], $0xA000  }
0x46f: {  	[sflag:s16] =	ssyncset.done $0x0  }
0x470: {  	s18 =	sadd.s32 $0x1, s18;
	[sflag:s16] =	ssyncadd.s32 $0xFFFF6000  }
0x471: {  	p0 =	sne.s32 s18, $0x5;
	_ =	swait.ge [sflag:s16], $0xA000  }
.Ltmp2:
0x472: {  	[sflag:s16] =	ssyncset.done $0x0;
	(pc) =	sbr.rel @p0 .LBB2_2-.Ltmp2, $4  }
0x473: {  	[sflag:s16] =	ssyncadd.s32 $0xFFFF6000  }
0x474: {  	_ =	swait.ge [sflag:s16], $0xA000  }
0x475: {  	[sflag:s16] =	ssyncset.done $0x0  }
0x476: {  	[sflag:s16] =	ssyncadd.s32 $0xFFFF6000  }
0x477: {  	s17 =	sadd.s32 $0x1, s17  }
0x478: {  	p0 =	sne.s32 s17, s6  }
.Ltmp3:
0x479: {  	_ = 	snop;
	(pc) =	sbr.rel @p0 .LBB2_1-.Ltmp3, $1  }
0x47a: {  	_ =	sdelay $0x3  }
0x47b: {  	_ =	sfence.sel $0x180000  }
0x47c: {  	[bflag:$0x0] =	sbarrier.arrive $0xFFFF  }
0x47d: {  	p0 =	sne.s32 s2, $0x0;
	_ =	strace $0x90000047  }
0x47e: {  	s0 =	sadd.s32 @!p0 $0x100000, s0;
	[bflag:$0x2] =	sbarrier.arrive $0xFFFF  }
0x47f: {  	[sflag:s0] =	ssyncadd.tile.s32 @!p0 $0x1;
	_ =	shalt  }
.Lfunc_end2:
_tile_overlayer_lowered:
.L_overlay_start_2:
0x480: {  	(tag) =	ssettag $0x2  }
0x481: {  	s0 =	rddreg [dreg:$0x0];
	s2 =	stileid.u32  }
0x482: {  	s1 =	rddreg [dreg:$0x1];
	p0 =	sne.s32 s2, $0x0  }
0x483: {  	s3 =	rddreg [dreg:$0x2];
	[bflag:$0x3] =	sbarrier.arrive $0xFFFF;
	s2 =	simm.s32 @!p0 $0x1C02  }
0x484: {  	[timem:s3], [sflag:s2] =	dma.local @!p0 [hbm:s0], s1  }
0x485: {  	s0 =	simm.s32 @!p0 $0x2  }
0x486: {  	_ =	swait.ge @!p0 [sflag:s0], s1  }
0x487: {  	s1 =	ssub.s32 @!p0 $0x0, s1;
	[sflag:s0] =	ssyncset.done @!p0 $0x0  }
0x488: {  	[sflag:s0] =	ssyncadd.s32 @!p0 s1  }
0x489: {  	[bflag:$0x3] =	sbarrier.arrive $0xFFFF  }
0x48a: {  	_ =	shalt  }

</sc_bundles>
